<compile_context>
chip_gen: v7x
topology: tpu7x:2x2x1
jax: 0.10.2.dev20260603
libtpu: 0.0.44.dev20260713+nightly
codegen_flags: <defaults>
</compile_context>

<pallas_src>
import functools

import jax
import jax.numpy as jnp
from jax import lax
from jax.experimental import pallas as pl
from jax.experimental.pallas import tpu as pltpu
from jax.experimental.pallas import tpu_sc as plsc

N = 10000
E = 320000
NPAD = 10112
NC = 2
NS = 16
NW = NC * NS
C = 128
W = 16
CHPW = 80
NCH = NW * CHPW
EPAD = NCH * C
DEG_CH = NCH // NW
DEGW = 128

_mesh = plsc.VectorSubcoreMesh(core_axis_name="c", subcore_axis_name="s")


def _make_deg_kernel():
    @functools.partial(
        pl.kernel,
        out_type=jax.ShapeDtypeStruct((NC, NPAD, DEGW), jnp.float32),
        mesh=_mesh,
        scratch_types=[
            pltpu.VMEM((DEG_CH, C), jnp.int32),
            pltpu.VMEM((C, DEGW), jnp.float32),
            pltpu.MemorySpace.VMEM_SHARED((NPAD, DEGW), jnp.float32),
        ],
    )
    def deg_kernel(dst_hbm, ones_hbm, zeros_hbm, out_hbm, dst_v, ones_v, acc):
        c = lax.axis_index("c")
        s = lax.axis_index("s")
        wid = c * NS + s
        rows = NPAD // NS
        pltpu.sync_copy(zeros_hbm.at[pl.ds(s * rows, rows)],
                        acc.at[pl.ds(s * rows, rows)])
        pltpu.sync_copy(dst_hbm.at[pl.ds(wid * DEG_CH, DEG_CH)], dst_v)
        pltpu.sync_copy(ones_hbm, ones_v)
        plsc.subcore_barrier()

        def body(j, carry):
            pltpu.sync_copy(ones_v, acc.at[dst_v.at[j]], add=True)
            return carry

        lax.fori_loop(0, DEG_CH, body, 0)
        plsc.subcore_barrier()

        @pl.when(s == 0)
        def _():
            pltpu.sync_copy(acc, out_hbm.at[c])

    return deg_kernel


def _make_agg_kernel(D):
    @functools.partial(
        pl.kernel,
        out_type=jax.ShapeDtypeStruct((NC, NPAD, D), jnp.float32),
        mesh=_mesh,
        scratch_types=[
            pltpu.VMEM((2, W, C), jnp.int32),
            pltpu.VMEM((2, W, C), jnp.int32),
            pltpu.VMEM((C, D), jnp.float32),
            pltpu.VMEM((C, D), jnp.float32),
            pltpu.MemorySpace.VMEM_SHARED((NPAD, D), jnp.float32),
            pltpu.SemaphoreType.DMA,
            pltpu.SemaphoreType.DMA,
            pltpu.SemaphoreType.DMA,
        ],
    )
    def agg_kernel(g_hbm, src_hbm, dst_hbm, zeros_hbm, out_hbm,
                   srcw, dstw, rows0, rows1, acc, semi, sem0, sem1):
        c = lax.axis_index("c")
        s = lax.axis_index("s")

        rbuf = (rows0, rows1)
        rsem = (sem0, sem1)

        def gather2(idxp, idxk, rb):
            pltpu.async_copy(g_hbm.at[srcw.at[idxp, idxk, pl.ds(0, 64)]],
                             rbuf[rb].at[pl.ds(0, 64)], rsem[rb])
            pltpu.async_copy(g_hbm.at[srcw.at[idxp, idxk, pl.ds(64, 64)]],
                             rbuf[rb].at[pl.ds(64, 64)], rsem[rb])

        rows = NPAD // NS
        pltpu.sync_copy(zeros_hbm.at[pl.ds(s * rows, rows)],
                        acc.at[pl.ds(s * rows, rows)])
        plsc.subcore_barrier()

        wid = c * NS + s
        start = wid * CHPW
        nw = CHPW // W
        pltpu.async_copy(src_hbm.at[pl.ds(start, W)], srcw.at[0], semi)
        pltpu.async_copy(dst_hbm.at[pl.ds(start, W)], dstw.at[0], semi)
        pltpu.make_async_copy(src_hbm.at[pl.ds(0, W)], srcw.at[0], semi).wait()
        pltpu.make_async_copy(src_hbm.at[pl.ds(0, W)], dstw.at[0], semi).wait()
        pltpu.async_copy(src_hbm.at[pl.ds(start + W, W)], srcw.at[1], semi)
        pltpu.async_copy(dst_hbm.at[pl.ds(start + W, W)], dstw.at[1], semi)
        gather2(0, 0, 0)

        def body(w, carry):
            p = jnp.bitwise_and(w, 1)
            base_next2 = start + (w + 2) * W
            for k in range(W):
                rb = k % 2
                nb = 1 - rb
                pltpu.make_async_copy(
                    g_hbm.at[srcw.at[0, 0]], rbuf[rb], rsem[rb]).wait()
                if k < W - 1:
                    gather2(p, k + 1, nb)
                pltpu.sync_copy(rbuf[rb], acc.at[dstw.at[p, k]], add=True)
                if k == W - 1:
                    @pl.when(w + 1 < nw)
                    def _():
                        pltpu.make_async_copy(
                            src_hbm.at[pl.ds(0, W)], srcw.at[0], semi).wait()
                        pltpu.make_async_copy(
                            src_hbm.at[pl.ds(0, W)], dstw.at[0], semi).wait()

                        @pl.when(w + 2 < nw)
                        def _():
                            pltpu.async_copy(
                                src_hbm.at[pl.ds(base_next2, W)],
                                srcw.at[p], semi)
                            pltpu.async_copy(
                                dst_hbm.at[pl.ds(base_next2, W)],
                                dstw.at[p], semi)

                        gather2(1 - p, 0, 0)
            return carry

        lax.fori_loop(0, nw, body, 0)
        plsc.subcore_barrier()

        @pl.when(s == 0)
        def _():
            pltpu.sync_copy(acc, out_hbm.at[c])

    return agg_kernel


_deg_kernel = _make_deg_kernel()
_agg128 = _make_agg_kernel(128)


def _prep_body(x_ref, w_ref, p_ref, g_ref, dinv_ref):
    deg = 1.0 + p_ref[0, 0:N, 0:1] + p_ref[1, 0:N, 0:1]
    dinv = lax.rsqrt(deg)
    h = jnp.dot(x_ref[...], w_ref[...], preferred_element_type=jnp.float32)
    g_ref[...] = dinv * h
    dinv_ref[...] = dinv


def _prep(x, w1, deg_parts):
    return pl.pallas_call(
        _prep_body,
        out_shape=[
            jax.ShapeDtypeStruct((N, 128), jnp.float32),
            jax.ShapeDtypeStruct((N, 1), jnp.float32),
        ],
    )(x, w1, deg_parts)


def _mid_body(s_ref, g_ref, dinv_ref, b_ref, w_ref, out_ref):
    dinv = dinv_ref[...]
    t = dinv * (s_ref[0, 0:N] + s_ref[1, 0:N] + g_ref[...]) + b_ref[...]
    out_ref[...] = dinv * jnp.dot(t, w_ref[...],
                                  preferred_element_type=jnp.float32)


def _mid(s, g, dinv, b, w_next, d_next):
    return pl.pallas_call(
        _mid_body,
        out_shape=jax.ShapeDtypeStruct((N, d_next), jnp.float32),
    )(s, g, dinv, b, w_next)


def _fin_body(s_ref, g_ref, dinv_ref, b_ref, out_ref):
    t = dinv_ref[...] * (s_ref[0, 0:N] + s_ref[1, 0:N] + g_ref[...]) + b_ref[...]
    out_ref[...] = t[:, 0:64]


def _fin(s, g, dinv, b):
    return pl.pallas_call(
        _fin_body,
        out_shape=jax.ShapeDtypeStruct((N, 64), jnp.float32),
    )(s, g, dinv, b)


def kernel(x, edge_index, W1, b1, W2, b2, W3, b3):
    src = edge_index[0]
    dst = edge_index[1]
    npad_extra = EPAD - E
    pad_src = jnp.arange(npad_extra, dtype=jnp.int32) % N
    pad_dst = N + (jnp.arange(npad_extra, dtype=jnp.int32) % (NPAD - N))
    src_p = jnp.concatenate([src, pad_src]).reshape(NCH, C)
    dst_p = jnp.concatenate([dst, pad_dst]).reshape(NCH, C)

    z128 = jnp.zeros((NPAD, 128), jnp.float32)
    ones_rows = jnp.ones((C, DEGW), jnp.float32)
    w3_pad = jnp.pad(W3, ((0, 0), (0, 64)))
    b3_pad = jnp.pad(b3, (0, 64))

    deg_parts = _deg_kernel(dst_p, ones_rows, z128)
    g1, dinv = _prep(x, W1, deg_parts)

    s1 = _agg128(g1, src_p, dst_p, z128)
    g2 = _mid(s1, g1, dinv, b1.reshape(1, 128), W2, 128)
    s2 = _agg128(g2, src_p, dst_p, z128)
    g3 = _mid(s2, g2, dinv, b2.reshape(1, 128), w3_pad, 128)
    s3 = _agg128(g3, src_p, dst_p, z128)
    return _fin(s3, g3, dinv, b3_pad.reshape(1, 64 + 64))

# --- scband reference (transcript-rebuilt; emitter-appended) ---
"""Pipeline reference for scband-gcn-31774168055916 (READ-ONLY COPY).

The authoritative reference and input builder live on the scoring server;
editing this copy changes nothing except your own understanding.
"""

import jax, jax.numpy as jnp
import numpy as np

N_NODES = 10000
N_EDGES = 320000
IN_FEATS = 128
N_HIDDEN = 128
N_CLASSES = 64


def setup_inputs(seed: int = 0) -> dict:
    key = jax.random.key(seed)
    ks = jax.random.split(key, 10)
    x = jax.random.normal(ks[0], (N_NODES, IN_FEATS), dtype=jnp.float32)
    edge_index = jax.random.randint(ks[1], (2, N_EDGES), 0, N_NODES, dtype=jnp.int64 if jax.config.jax_enable_x64 else jnp.int32).astype(jnp.int32)
    # Glorot-style init for GCNConv weights, zeros for biases (PyG default)
    def glorot(k, shape):
        limit = float(np.sqrt(6.0 / (shape[0] + shape[1])))
        return jax.random.uniform(k, shape, dtype=jnp.float32, minval=-limit, maxval=limit)
    W1 = glorot(ks[2], (IN_FEATS, N_HIDDEN))
    b1 = jnp.zeros((N_HIDDEN,), dtype=jnp.float32)
    W2 = glorot(ks[3], (N_HIDDEN, N_HIDDEN))
    b2 = jnp.zeros((N_HIDDEN,), dtype=jnp.float32)
    W3 = glorot(ks[4], (N_HIDDEN, N_CLASSES))
    b3 = jnp.zeros((N_CLASSES,), dtype=jnp.float32)
    return {"x": x, "edge_index": edge_index, "W1": W1, "b1": b1, "W2": W2, "b2": b2, "W3": W3, "b3": b3}


def _gcn_conv(x, src, dst, W, b, num_nodes):
    # PyG GCNConv: add self-loops, symmetric normalization, linear transform,
    # gather messages from src, scatter-add to dst, add bias.
    loop = jnp.arange(num_nodes, dtype=src.dtype)
    src_f = jnp.concatenate([src, loop])
    dst_f = jnp.concatenate([dst, loop])
    deg = jax.ops.segment_sum(jnp.ones_like(dst_f, dtype=x.dtype), dst_f, num_segments=num_nodes)
    deg_inv_sqrt = jnp.where(deg > 0, deg ** -0.5, 0.0)
    norm = deg_inv_sqrt[src_f] * deg_inv_sqrt[dst_f]
    h = x @ W
    msg = jnp.take(h, src_f, axis=0) * norm[:, None]
    out = jax.ops.segment_sum(msg, dst_f, num_segments=num_nodes)
    return out + b


def reference(x, edge_index, W1, b1, W2, b2, W3, b3):
    num_nodes = x.shape[0]
    src, dst = edge_index[0], edge_index[1]
    # GCN forward: layers[:-1] with dropout(p=0.0) between (identity in eval/determinism),
    # no nonlinearity in the original module, final layer produces class logits.
    h = _gcn_conv(x, src, dst, W1, b1, num_nodes)
    h = _gcn_conv(h, src, dst, W2, b2, num_nodes)
    h = _gcn_conv(h, src, dst, W3, b3, num_nodes)
    return h

if __name__ == "__main__":
    import jax
    _d = setup_inputs()
    print(jax.jit(kernel)(*tuple(_d.values())))

</pallas_src>

<mosaic_0001>
#map = affine_map<(d0, d1) -> (0, 0)>
#map1 = affine_map<(d0, d1) -> (0, 0, 0)>
module attributes {stable_mosaic.version = 14 : i64} {
  func.func @deg_kernel(%arg0: i32, %arg1: i32, %arg2: memref<2560x128xi32, #tpu.memory_space<hbm>>, %arg3: memref<128x128xf32, #tpu.memory_space<hbm>>, %arg4: memref<10112x128xf32, #tpu.memory_space<hbm>>, %arg5: memref<2x10112x128xf32, #tpu.memory_space<hbm>>, %arg6: memref<80x128xi32, #tpu.memory_space<vmem>>, %arg7: memref<128x128xf32, #tpu.memory_space<vmem>>, %arg8: memref<10112x128xf32, #tpu.memory_space<vmem_shared>>) attributes {dimension_semantics = [#tpu.dimension_semantics<core_parallel>, #tpu.dimension_semantics<subcore_parallel>], iteration_bounds = array<i64: 2, 16>, scalar_prefetch = 0 : i64, scratch_operands = 3 : i64, tpu.core_type = #tpu.core_type<sc_vector_subcore>, window_params = [{transform_indices = #map}, {transform_indices = #map}, {transform_indices = #map}, {transform_indices = #map1}]} {
    %mul3A = arith.constant 16 : i32
    %mul3A_0 = arith.muli %arg0, %mul3A : i32
    %add3A = arith.addi %mul3A_0, %arg1 : i32
    %mul3A_1 = arith.constant 632 : i32
    %mul3A_2 = arith.muli %arg1, %mul3A_1 : i32
    %mul3A_3 = arith.constant 632 : i32
    %mul3A_4 = arith.muli %arg1, %mul3A_3 : i32
    "tpu.region"() ({
      %run_scoped3A = tpu.sem_alloc : memref<!tpu.dma_semaphore, #tpu.memory_space<semaphore_mem>>
      %dma_start3A = arith.constant 0 : i32
      %dma_start3A_15 = tpu.memref_slice %arg8[%mul3A_4, %dma_start3A] : memref<10112x128xf32, #tpu.memory_space<vmem_shared>> -> memref<632x128xf32, #tpu.memory_space<vmem_shared>>
      %dma_start3A_16 = arith.constant 0 : i32
      %dma_start3A_17 = tpu.memref_slice %arg4[%mul3A_2, %dma_start3A_16] : memref<10112x128xf32, #tpu.memory_space<hbm>> -> memref<632x128xf32, #tpu.memory_space<hbm>>
      tpu.enqueue_dma source(%dma_start3A_17 : memref<632x128xf32, #tpu.memory_space<hbm>>) target(%dma_start3A_15 : memref<632x128xf32, #tpu.memory_space<vmem_shared>>) target_semaphore(%run_scoped3A : memref<!tpu.dma_semaphore, #tpu.memory_space<semaphore_mem>>)
      %dma_wait3A = arith.constant 0 : i32
      %dma_wait3A_18 = tpu.memref_slice %arg8[%mul3A_4, %dma_wait3A] : memref<10112x128xf32, #tpu.memory_space<vmem_shared>> -> memref<632x128xf32, #tpu.memory_space<vmem_shared>>
      %dma_wait3A_19 = arith.constant 0 : i32
      %dma_wait3A_20 = tpu.memref_slice %arg4[%mul3A_2, %dma_wait3A_19] : memref<10112x128xf32, #tpu.memory_space<hbm>> -> memref<632x128xf32, #tpu.memory_space<hbm>>
      tpu.wait_dma2 semaphore(%run_scoped3A : memref<!tpu.dma_semaphore, #tpu.memory_space<semaphore_mem>>) src(%dma_wait3A_20 : memref<632x128xf32, #tpu.memory_space<hbm>>) dst(%dma_wait3A_18 : memref<632x128xf32, #tpu.memory_space<vmem_shared>>)
      tpu.yield
    }) : () -> ()
    %mul3A_5 = arith.constant 80 : i32
    %mul3A_6 = arith.muli %add3A, %mul3A_5 : i32
    "tpu.region"() ({
      %run_scoped3A = tpu.sem_alloc : memref<!tpu.dma_semaphore, #tpu.memory_space<semaphore_mem>>
      %dma_start3A = arith.constant 0 : i32
      %dma_start3A_15 = tpu.memref_slice %arg2[%mul3A_6, %dma_start3A] : memref<2560x128xi32, #tpu.memory_space<hbm>> -> memref<80x128xi32, #tpu.memory_space<hbm>>
      %dma_start3A_16 = arith.constant 0 : i32
      %dma_start3A_17 = tpu.memref_slice %arg2[%mul3A_6, %dma_start3A_16] : memref<2560x128xi32, #tpu.memory_space<hbm>> -> memref<80x128xi32, #tpu.memory_space<hbm>>
      tpu.enqueue_dma source(%dma_start3A_17 : memref<80x128xi32, #tpu.memory_space<hbm>>) target(%arg6 : memref<80x128xi32, #tpu.memory_space<vmem>>) target_semaphore(%run_scoped3A : memref<!tpu.dma_semaphore, #tpu.memory_space<semaphore_mem>>)
      %dma_wait3A = arith.constant 0 : i32
      %dma_wait3A_18 = tpu.memref_slice %arg2[%mul3A_6, %dma_wait3A] : memref<2560x128xi32, #tpu.memory_space<hbm>> -> memref<80x128xi32, #tpu.memory_space<hbm>>
      %dma_wait3A_19 = arith.constant 0 : i32
      %dma_wait3A_20 = tpu.memref_slice %arg2[%mul3A_6, %dma_wait3A_19] : memref<2560x128xi32, #tpu.memory_space<hbm>> -> memref<80x128xi32, #tpu.memory_space<hbm>>
      tpu.wait_dma2 semaphore(%run_scoped3A : memref<!tpu.dma_semaphore, #tpu.memory_space<semaphore_mem>>) src(%dma_wait3A_20 : memref<80x128xi32, #tpu.memory_space<hbm>>) dst(%arg6 : memref<80x128xi32, #tpu.memory_space<vmem>>)
      tpu.yield
    }) : () -> ()
    "tpu.region"() ({
      %run_scoped3A = tpu.sem_alloc : memref<!tpu.dma_semaphore, #tpu.memory_space<semaphore_mem>>
      tpu.enqueue_dma source(%arg3 : memref<128x128xf32, #tpu.memory_space<hbm>>) target(%arg7 : memref<128x128xf32, #tpu.memory_space<vmem>>) target_semaphore(%run_scoped3A : memref<!tpu.dma_semaphore, #tpu.memory_space<semaphore_mem>>)
      tpu.wait_dma2 semaphore(%run_scoped3A : memref<!tpu.dma_semaphore, #tpu.memory_space<semaphore_mem>>) src(%arg3 : memref<128x128xf32, #tpu.memory_space<hbm>>) dst(%arg7 : memref<128x128xf32, #tpu.memory_space<vmem>>)
      tpu.yield
    }) : () -> ()
    %barrier3A = arith.constant 0 : index
    tpu.barrier barrier_id(%barrier3A)
    %scan3A = arith.constant 0 : i32
    %scan3A_7 = arith.constant 0 : i32
    %scan3A_8 = arith.constant 80 : i32
    %scan3A_9 = arith.addi %scan3A_7, %scan3A_8 : i32
    %scan3A_10 = arith.constant 1 : i32
    scf.for %scan3A_15 = %scan3A_7 to %scan3A_9 step %scan3A_10  : i32 {
      "tpu.region"() ({
        %run_scoped3A = tpu.sem_alloc : memref<!tpu.dma_semaphore, #tpu.memory_space<semaphore_mem>>
        %dma_start3A = arith.constant 0 : i32
        %dma_start3A_16 = tpu.memref_slice %arg6[%scan3A_15, %dma_start3A] : memref<80x128xi32, #tpu.memory_space<vmem>> -> memref<1x128xi32, #tpu.memory_space<vmem>>
        %dma_start3A_17 = tpu.memref_squeeze %dma_start3A_16 : memref<1x128xi32, #tpu.memory_space<vmem>> -> memref<128xi32, #tpu.memory_space<vmem>>
        %dma_start3A_18 = arith.constant 0 : i32
        %dma_start3A_19 = arith.constant 0 : i32
        %dma_start3A_20 = tpu.memref_slice %arg8[%dma_start3A_18, %dma_start3A_19] : memref<10112x128xf32, #tpu.memory_space<vmem_shared>> -> memref<10112x128xf32, #tpu.memory_space<vmem_shared>>
        tpu.enqueue_indirect_dma source(%arg7 : memref<128x128xf32, #tpu.memory_space<vmem>>) target(%dma_start3A_20 : memref<10112x128xf32, #tpu.memory_space<vmem_shared>>) offsets(%dma_start3A_17 : memref<128xi32, #tpu.memory_space<vmem>>) semaphore(%run_scoped3A : memref<!tpu.dma_semaphore, #tpu.memory_space<semaphore_mem>>) {add = true}
        %dma_wait3A = arith.constant 0 : i32
        %dma_wait3A_21 = tpu.memref_slice %arg6[%scan3A_15, %dma_wait3A] : memref<80x128xi32, #tpu.memory_space<vmem>> -> memref<1x128xi32, #tpu.memory_space<vmem>>
        %dma_wait3A_22 = tpu.memref_squeeze %dma_wait3A_21 : memref<1x128xi32, #tpu.memory_space<vmem>> -> memref<128xi32, #tpu.memory_space<vmem>>
        %dma_wait3A_23 = arith.constant 0 : i32
        %dma_wait3A_24 = arith.constant 0 : i32
        %dma_wait3A_25 = tpu.memref_slice %arg8[%dma_wait3A_23, %dma_wait3A_24] : memref<10112x128xf32, #tpu.memory_space<vmem_shared>> -> memref<10112x128xf32, #tpu.memory_space<vmem_shared>>
        tpu.wait_indirect_dma semaphore(%run_scoped3A : memref<!tpu.dma_semaphore, #tpu.memory_space<semaphore_mem>>) src(%arg7 : memref<128x128xf32, #tpu.memory_space<vmem>>) dst(%dma_wait3A_25 : memref<10112x128xf32, #tpu.memory_space<vmem_shared>>)
        tpu.yield
      }) : () -> ()
    }
    %scan3A_11 = arith.constant 80 : i32
    %barrier3A_12 = arith.constant 0 : index
    tpu.barrier barrier_id(%barrier3A_12)
    %eq3A = arith.constant 0 : i32
    %eq3A_13 = arith.cmpi eq, %arg1, %eq3A : i32
    %convert_element_type3A = arith.extui %eq3A_13 : i1 to i32
    %cond3A = arith.constant 0 : i32
    %cond3A_14 = arith.cmpi ne, %convert_element_type3A, %cond3A : i32
    scf.if %cond3A_14 {
      "tpu.region"() ({
        %run_scoped3A = tpu.sem_alloc : memref<!tpu.dma_semaphore, #tpu.memory_space<semaphore_mem>>
        %dma_start3A = arith.constant 0 : i32
        %dma_start3A_15 = arith.constant 0 : i32
        %dma_start3A_16 = tpu.memref_slice %arg5[%arg0, %dma_start3A, %dma_start3A_15] : memref<2x10112x128xf32, #tpu.memory_space<hbm>> -> memref<1x10112x128xf32, #tpu.memory_space<hbm>>
        %dma_start3A_17 = tpu.memref_squeeze %dma_start3A_16 : memref<1x10112x128xf32, #tpu.memory_space<hbm>> -> memref<10112x128xf32, #tpu.memory_space<hbm>>
        tpu.enqueue_dma source(%arg8 : memref<10112x128xf32, #tpu.memory_space<vmem_shared>>) target(%dma_start3A_17 : memref<10112x128xf32, #tpu.memory_space<hbm>>) target_semaphore(%run_scoped3A : memref<!tpu.dma_semaphore, #tpu.memory_space<semaphore_mem>>)
        %dma_wait3A = arith.constant 0 : i32
        %dma_wait3A_18 = arith.constant 0 : i32
        %dma_wait3A_19 = tpu.memref_slice %arg5[%arg0, %dma_wait3A, %dma_wait3A_18] : memref<2x10112x128xf32, #tpu.memory_space<hbm>> -> memref<1x10112x128xf32, #tpu.memory_space<hbm>>
        %dma_wait3A_20 = tpu.memref_squeeze %dma_wait3A_19 : memref<1x10112x128xf32, #tpu.memory_space<hbm>> -> memref<10112x128xf32, #tpu.memory_space<hbm>>
        tpu.wait_dma2 semaphore(%run_scoped3A : memref<!tpu.dma_semaphore, #tpu.memory_space<semaphore_mem>>) src(%arg8 : memref<10112x128xf32, #tpu.memory_space<vmem_shared>>) dst(%dma_wait3A_20 : memref<10112x128xf32, #tpu.memory_space<hbm>>)
        tpu.yield
      }) : () -> ()
    } else {
    }
    return
  }
}

#map = affine_map<(d0, d1) -> (0, 0)>
#map1 = affine_map<(d0, d1) -> (0, 0, 0)>
module attributes {stable_mosaic.version = 14 : i64} {
  func.func @agg_kernel(%arg0: i32, %arg1: i32, %arg2: memref<10000x128xf32, #tpu.memory_space<hbm>>, %arg3: memref<2560x128xi32, #tpu.memory_space<hbm>>, %arg4: memref<2560x128xi32, #tpu.memory_space<hbm>>, %arg5: memref<10112x128xf32, #tpu.memory_space<hbm>>, %arg6: memref<2x10112x128xf32, #tpu.memory_space<hbm>>, %arg7: memref<2x16x128xi32, #tpu.memory_space<vmem>>, %arg8: memref<2x16x128xi32, #tpu.memory_space<vmem>>, %arg9: memref<128x128xf32, #tpu.memory_space<vmem>>, %arg10: memref<128x128xf32, #tpu.memory_space<vmem>>, %arg11: memref<10112x128xf32, #tpu.memory_space<vmem_shared>>, %arg12: memref<!tpu.dma_semaphore, #tpu.memory_space<semaphore_mem>>, %arg13: memref<!tpu.dma_semaphore, #tpu.memory_space<semaphore_mem>>, %arg14: memref<!tpu.dma_semaphore, #tpu.memory_space<semaphore_mem>>) attributes {dimension_semantics = [#tpu.dimension_semantics<core_parallel>, #tpu.dimension_semantics<subcore_parallel>], iteration_bounds = array<i64: 2, 16>, scalar_prefetch = 0 : i64, scratch_operands = 8 : i64, tpu.core_type = #tpu.core_type<sc_vector_subcore>, window_params = [{transform_indices = #map}, {transform_indices = #map}, {transform_indices = #map}, {transform_indices = #map}, {transform_indices = #map1}]} {
    %mul3A = arith.constant 632 : i32
    %mul3A_0 = arith.muli %arg1, %mul3A : i32
    %mul3A_1 = arith.constant 632 : i32
    %mul3A_2 = arith.muli %arg1, %mul3A_1 : i32
    "tpu.region"() ({
      %run_scoped3A = tpu.sem_alloc : memref<!tpu.dma_semaphore, #tpu.memory_space<semaphore_mem>>
      %dma_start3A_121 = arith.constant 0 : i32
      %dma_start3A_122 = tpu.memref_slice %arg11[%mul3A_2, %dma_start3A_121] : memref<10112x128xf32, #tpu.memory_space<vmem_shared>> -> memref<632x128xf32, #tpu.memory_space<vmem_shared>>
      %dma_start3A_123 = arith.constant 0 : i32
      %dma_start3A_124 = tpu.memref_slice %arg5[%mul3A_0, %dma_start3A_123] : memref<10112x128xf32, #tpu.memory_space<hbm>> -> memref<632x128xf32, #tpu.memory_space<hbm>>
      tpu.enqueue_dma source(%dma_start3A_124 : memref<632x128xf32, #tpu.memory_space<hbm>>) target(%dma_start3A_122 : memref<632x128xf32, #tpu.memory_space<vmem_shared>>) target_semaphore(%run_scoped3A : memref<!tpu.dma_semaphore, #tpu.memory_space<semaphore_mem>>)
      %dma_wait3A_125 = arith.constant 0 : i32
      %dma_wait3A_126 = tpu.memref_slice %arg11[%mul3A_2, %dma_wait3A_125] : memref<10112x128xf32, #tpu.memory_space<vmem_shared>> -> memref<632x128xf32, #tpu.memory_space<vmem_shared>>
      %dma_wait3A_127 = arith.constant 0 : i32
      %dma_wait3A_128 = tpu.memref_slice %arg5[%mul3A_0, %dma_wait3A_127] : memref<10112x128xf32, #tpu.memory_space<hbm>> -> memref<632x128xf32, #tpu.memory_space<hbm>>
      tpu.wait_dma2 semaphore(%run_scoped3A : memref<!tpu.dma_semaphore, #tpu.memory_space<semaphore_mem>>) src(%dma_wait3A_128 : memref<632x128xf32, #tpu.memory_space<hbm>>) dst(%dma_wait3A_126 : memref<632x128xf32, #tpu.memory_space<vmem_shared>>)
      tpu.yield
    }) : () -> ()
    %barrier3A = arith.constant 0 : index
    tpu.barrier barrier_id(%barrier3A)
    %mul3A_3 = arith.constant 16 : i32
    %mul3A_4 = arith.muli %arg0, %mul3A_3 : i32
    %add3A = arith.addi %mul3A_4, %arg1 : i32
    %mul3A_5 = arith.constant 80 : i32
    %mul3A_6 = arith.muli %add3A, %mul3A_5 : i32
    %dma_start3A = arith.constant 0 : i32
    %dma_start3A_7 = arith.constant 0 : i32
    %dma_start3A_8 = arith.constant 0 : i32
    %dma_start3A_9 = tpu.memref_slice %arg7[%dma_start3A, %dma_start3A_7, %dma_start3A_8] : memref<2x16x128xi32, #tpu.memory_space<vmem>> -> memref<1x16x128xi32, #tpu.memory_space<vmem>>
    %dma_start3A_10 = tpu.memref_squeeze %dma_start3A_9 : memref<1x16x128xi32, #tpu.memory_space<vmem>> -> memref<16x128xi32, #tpu.memory_space<vmem>>
    %dma_start3A_11 = arith.constant 0 : i32
    %dma_start3A_12 = tpu.memref_slice %arg3[%mul3A_6, %dma_start3A_11] : memref<2560x128xi32, #tpu.memory_space<hbm>> -> memref<16x128xi32, #tpu.memory_space<hbm>>
    %dma_start3A_13 = arith.constant 0 : i32
    %dma_start3A_14 = arith.constant 0 : i32
    %dma_start3A_15 = tpu.memref_slice %arg7[%dma_start3A, %dma_start3A_13, %dma_start3A_14] : memref<2x16x128xi32, #tpu.memory_space<vmem>> -> memref<1x16x128xi32, #tpu.memory_space<vmem>>
    %dma_start3A_16 = tpu.memref_squeeze %dma_start3A_15 : memref<1x16x128xi32, #tpu.memory_space<vmem>> -> memref<16x128xi32, #tpu.memory_space<vmem>>
    %dma_start3A_17 = arith.constant 0 : i32
    %dma_start3A_18 = tpu.memref_slice %arg3[%mul3A_6, %dma_start3A_17] : memref<2560x128xi32, #tpu.memory_space<hbm>> -> memref<16x128xi32, #tpu.memory_space<hbm>>
    tpu.enqueue_dma source(%dma_start3A_18 : memref<16x128xi32, #tpu.memory_space<hbm>>) target(%dma_start3A_16 : memref<16x128xi32, #tpu.memory_space<vmem>>) target_semaphore(%arg12 : memref<!tpu.dma_semaphore, #tpu.memory_space<semaphore_mem>>)
    %dma_start3A_19 = arith.constant 0 : i32
    %dma_start3A_20 = arith.constant 0 : i32
    %dma_start3A_21 = arith.constant 0 : i32
    %dma_start3A_22 = tpu.memref_slice %arg8[%dma_start3A_19, %dma_start3A_20, %dma_start3A_21] : memref<2x16x128xi32, #tpu.memory_space<vmem>> -> memref<1x16x128xi32, #tpu.memory_space<vmem>>
    %dma_start3A_23 = tpu.memref_squeeze %dma_start3A_22 : memref<1x16x128xi32, #tpu.memory_space<vmem>> -> memref<16x128xi32, #tpu.memory_space<vmem>>
    %dma_start3A_24 = arith.constant 0 : i32
    %dma_start3A_25 = tpu.memref_slice %arg4[%mul3A_6, %dma_start3A_24] : memref<2560x128xi32, #tpu.memory_space<hbm>> -> memref<16x128xi32, #tpu.memory_space<hbm>>
    %dma_start3A_26 = arith.constant 0 : i32
    %dma_start3A_27 = arith.constant 0 : i32
    %dma_start3A_28 = tpu.memref_slice %arg8[%dma_start3A_19, %dma_start3A_26, %dma_start3A_27] : memref<2x16x128xi32, #tpu.memory_space<vmem>> -> memref<1x16x128xi32, #tpu.memory_space<vmem>>
    %dma_start3A_29 = tpu.memref_squeeze %dma_start3A_28 : memref<1x16x128xi32, #tpu.memory_space<vmem>> -> memref<16x128xi32, #tpu.memory_space<vmem>>
    %dma_start3A_30 = arith.constant 0 : i32
    %dma_start3A_31 = tpu.memref_slice %arg4[%mul3A_6, %dma_start3A_30] : memref<2560x128xi32, #tpu.memory_space<hbm>> -> memref<16x128xi32, #tpu.memory_space<hbm>>
    tpu.enqueue_dma source(%dma_start3A_31 : memref<16x128xi32, #tpu.memory_space<hbm>>) target(%dma_start3A_29 : memref<16x128xi32, #tpu.memory_space<vmem>>) target_semaphore(%arg12 : memref<!tpu.dma_semaphore, #tpu.memory_space<semaphore_mem>>)
    %dma_wait3A = arith.constant 0 : i32
    %dma_wait3A_32 = arith.constant 0 : i32
    %dma_wait3A_33 = arith.constant 0 : i32
    %dma_wait3A_34 = tpu.memref_slice %arg7[%dma_wait3A, %dma_wait3A_32, %dma_wait3A_33] : memref<2x16x128xi32, #tpu.memory_space<vmem>> -> memref<1x16x128xi32, #tpu.memory_space<vmem>>
    %dma_wait3A_35 = tpu.memref_squeeze %dma_wait3A_34 : memref<1x16x128xi32, #tpu.memory_space<vmem>> -> memref<16x128xi32, #tpu.memory_space<vmem>>
    %dma_wait3A_36 = arith.constant 0 : i32
    %dma_wait3A_37 = arith.constant 0 : i32
    %dma_wait3A_38 = tpu.memref_slice %arg3[%dma_wait3A_36, %dma_wait3A_37] : memref<2560x128xi32, #tpu.memory_space<hbm>> -> memref<16x128xi32, #tpu.memory_space<hbm>>
    %dma_wait3A_39 = arith.constant 0 : i32
    %dma_wait3A_40 = arith.constant 0 : i32
    %dma_wait3A_41 = tpu.memref_slice %arg7[%dma_wait3A, %dma_wait3A_39, %dma_wait3A_40] : memref<2x16x128xi32, #tpu.memory_space<vmem>> -> memref<1x16x128xi32, #tpu.memory_space<vmem>>
    %dma_wait3A_42 = tpu.memref_squeeze %dma_wait3A_41 : memref<1x16x128xi32, #tpu.memory_space<vmem>> -> memref<16x128xi32, #tpu.memory_space<vmem>>
    %dma_wait3A_43 = arith.constant 0 : i32
    %dma_wait3A_44 = arith.constant 0 : i32
    %dma_wait3A_45 = tpu.memref_slice %arg3[%dma_wait3A_43, %dma_wait3A_44] : memref<2560x128xi32, #tpu.memory_space<hbm>> -> memref<16x128xi32, #tpu.memory_space<hbm>>
    tpu.wait_dma2 semaphore(%arg12 : memref<!tpu.dma_semaphore, #tpu.memory_space<semaphore_mem>>) src(%dma_wait3A_45 : memref<16x128xi32, #tpu.memory_space<hbm>>) dst(%dma_wait3A_42 : memref<16x128xi32, #tpu.memory_space<vmem>>)
    %dma_wait3A_46 = arith.constant 0 : i32
    %dma_wait3A_47 = arith.constant 0 : i32
    %dma_wait3A_48 = arith.constant 0 : i32
    %dma_wait3A_49 = tpu.memref_slice %arg8[%dma_wait3A_46, %dma_wait3A_47, %dma_wait3A_48] : memref<2x16x128xi32, #tpu.memory_space<vmem>> -> memref<1x16x128xi32, #tpu.memory_space<vmem>>
    %dma_wait3A_50 = tpu.memref_squeeze %dma_wait3A_49 : memref<1x16x128xi32, #tpu.memory_space<vmem>> -> memref<16x128xi32, #tpu.memory_space<vmem>>
    %dma_wait3A_51 = arith.constant 0 : i32
    %dma_wait3A_52 = arith.constant 0 : i32
    %dma_wait3A_53 = tpu.memref_slice %arg3[%dma_wait3A_51, %dma_wait3A_52] : memref<2560x128xi32, #tpu.memory_space<hbm>> -> memref<16x128xi32, #tpu.memory_space<hbm>>
    %dma_wait3A_54 = arith.constant 0 : i32
    %dma_wait3A_55 = arith.constant 0 : i32
    %dma_wait3A_56 = tpu.memref_slice %arg8[%dma_wait3A_46, %dma_wait3A_54, %dma_wait3A_55] : memref<2x16x128xi32, #tpu.memory_space<vmem>> -> memref<1x16x128xi32, #tpu.memory_space<vmem>>
    %dma_wait3A_57 = tpu.memref_squeeze %dma_wait3A_56 : memref<1x16x128xi32, #tpu.memory_space<vmem>> -> memref<16x128xi32, #tpu.memory_space<vmem>>
    %dma_wait3A_58 = arith.constant 0 : i32
    %dma_wait3A_59 = arith.constant 0 : i32
    %dma_wait3A_60 = tpu.memref_slice %arg3[%dma_wait3A_58, %dma_wait3A_59] : memref<2560x128xi32, #tpu.memory_space<hbm>> -> memref<16x128xi32, #tpu.memory_space<hbm>>
    tpu.wait_dma2 semaphore(%arg12 : memref<!tpu.dma_semaphore, #tpu.memory_space<semaphore_mem>>) src(%dma_wait3A_60 : memref<16x128xi32, #tpu.memory_space<hbm>>) dst(%dma_wait3A_57 : memref<16x128xi32, #tpu.memory_space<vmem>>)
    %add3A_61 = arith.constant 16 : i32
    %add3A_62 = arith.addi %mul3A_6, %add3A_61 : i32
    %dma_start3A_63 = arith.constant 1 : i32
    %dma_start3A_64 = arith.constant 0 : i32
    %dma_start3A_65 = arith.constant 0 : i32
    %dma_start3A_66 = tpu.memref_slice %arg7[%dma_start3A_63, %dma_start3A_64, %dma_start3A_65] : memref<2x16x128xi32, #tpu.memory_space<vmem>> -> memref<1x16x128xi32, #tpu.memory_space<vmem>>
    %dma_start3A_67 = tpu.memref_squeeze %dma_start3A_66 : memref<1x16x128xi32, #tpu.memory_space<vmem>> -> memref<16x128xi32, #tpu.memory_space<vmem>>
    %dma_start3A_68 = arith.constant 0 : i32
    %dma_start3A_69 = tpu.memref_slice %arg3[%add3A_62, %dma_start3A_68] : memref<2560x128xi32, #tpu.memory_space<hbm>> -> memref<16x128xi32, #tpu.memory_space<hbm>>
    %dma_start3A_70 = arith.constant 0 : i32
    %dma_start3A_71 = arith.constant 0 : i32
    %dma_start3A_72 = tpu.memref_slice %arg7[%dma_start3A_63, %dma_start3A_70, %dma_start3A_71] : memref<2x16x128xi32, #tpu.memory_space<vmem>> -> memref<1x16x128xi32, #tpu.memory_space<vmem>>
    %dma_start3A_73 = tpu.memref_squeeze %dma_start3A_72 : memref<1x16x128xi32, #tpu.memory_space<vmem>> -> memref<16x128xi32, #tpu.memory_space<vmem>>
    %dma_start3A_74 = arith.constant 0 : i32
    %dma_start3A_75 = tpu.memref_slice %arg3[%add3A_62, %dma_start3A_74] : memref<2560x128xi32, #tpu.memory_space<hbm>> -> memref<16x128xi32, #tpu.memory_space<hbm>>
    tpu.enqueue_dma source(%dma_start3A_75 : memref<16x128xi32, #tpu.memory_space<hbm>>) target(%dma_start3A_73 : memref<16x128xi32, #tpu.memory_space<vmem>>) target_semaphore(%arg12 : memref<!tpu.dma_semaphore, #tpu.memory_space<semaphore_mem>>)
    %add3A_76 = arith.constant 16 : i32
    %add3A_77 = arith.addi %mul3A_6, %add3A_76 : i32
    %dma_start3A_78 = arith.constant 1 : i32
    %dma_start3A_79 = arith.constant 0 : i32
    %dma_start3A_80 = arith.constant 0 : i32
    %dma_start3A_81 = tpu.memref_slice %arg8[%dma_start3A_78, %dma_start3A_79, %dma_start3A_80] : memref<2x16x128xi32, #tpu.memory_space<vmem>> -> memref<1x16x128xi32, #tpu.memory_space<vmem>>
    %dma_start3A_82 = tpu.memref_squeeze %dma_start3A_81 : memref<1x16x128xi32, #tpu.memory_space<vmem>> -> memref<16x128xi32, #tpu.memory_space<vmem>>
    %dma_start3A_83 = arith.constant 0 : i32
    %dma_start3A_84 = tpu.memref_slice %arg4[%add3A_77, %dma_start3A_83] : memref<2560x128xi32, #tpu.memory_space<hbm>> -> memref<16x128xi32, #tpu.memory_space<hbm>>
    %dma_start3A_85 = arith.constant 0 : i32
    %dma_start3A_86 = arith.constant 0 : i32
    %dma_start3A_87 = tpu.memref_slice %arg8[%dma_start3A_78, %dma_start3A_85, %dma_start3A_86] : memref<2x16x128xi32, #tpu.memory_space<vmem>> -> memref<1x16x128xi32, #tpu.memory_space<vmem>>
    %dma_start3A_88 = tpu.memref_squeeze %dma_start3A_87 : memref<1x16x128xi32, #tpu.memory_space<vmem>> -> memref<16x128xi32, #tpu.memory_space<vmem>>
    %dma_start3A_89 = arith.constant 0 : i32
    %dma_start3A_90 = tpu.memref_slice %arg4[%add3A_77, %dma_start3A_89] : memref<2560x128xi32, #tpu.memory_space<hbm>> -> memref<16x128xi32, #tpu.memory_space<hbm>>
    tpu.enqueue_dma source(%dma_start3A_90 : memref<16x128xi32, #tpu.memory_space<hbm>>) target(%dma_start3A_88 : memref<16x128xi32, #tpu.memory_space<vmem>>) target_semaphore(%arg12 : memref<!tpu.dma_semaphore, #tpu.memory_space<semaphore_mem>>)
    %dma_start3A_91 = arith.constant 0 : i32
    %dma_start3A_92 = arith.constant 0 : i32
    %dma_start3A_93 = arith.constant 0 : i32
    %dma_start3A_94 = arith.constant 0 : i32
    %dma_start3A_95 = tpu.memref_slice %arg9[%dma_start3A_93, %dma_start3A_94] : memref<128x128xf32, #tpu.memory_space<vmem>> -> memref<64x128xf32, #tpu.memory_space<vmem>>
    %dma_start3A_96 = arith.constant 0 : i32
    %dma_start3A_97 = tpu.memref_slice %arg7[%dma_start3A_91, %dma_start3A_92, %dma_start3A_96] : memref<2x16x128xi32, #tpu.memory_space<vmem>> -> memref<1x1x64xi32, #tpu.memory_space<vmem>>
    %dma_start3A_98 = tpu.memref_squeeze %dma_start3A_97 : memref<1x1x64xi32, #tpu.memory_space<vmem>> -> memref<64xi32, #tpu.memory_space<vmem>>
    %dma_start3A_99 = arith.constant 0 : i32
    %dma_start3A_100 = arith.constant 0 : i32
    %dma_start3A_101 = tpu.memref_slice %arg2[%dma_start3A_99, %dma_start3A_100] : memref<10000x128xf32, #tpu.memory_space<hbm>> -> memref<10000x128xf32, #tpu.memory_space<hbm>>
    tpu.enqueue_indirect_dma source(%dma_start3A_101 : memref<10000x128xf32, #tpu.memory_space<hbm>>) target(%dma_start3A_95 : memref<64x128xf32, #tpu.memory_space<vmem>>) offsets(%dma_start3A_98 : memref<64xi32, #tpu.memory_space<vmem>>) semaphore(%arg13 : memref<!tpu.dma_semaphore, #tpu.memory_space<semaphore_mem>>)
    %dma_start3A_102 = arith.constant 0 : i32
    %dma_start3A_103 = arith.constant 0 : i32
    %dma_start3A_104 = arith.constant 64 : i32
    %dma_start3A_105 = arith.constant 0 : i32
    %dma_start3A_106 = tpu.memref_slice %arg9[%dma_start3A_104, %dma_start3A_105] : memref<128x128xf32, #tpu.memory_space<vmem>> -> memref<64x128xf32, #tpu.memory_space<vmem>>
    %dma_start3A_107 = arith.constant 64 : i32
    %dma_start3A_108 = tpu.memref_slice %arg7[%dma_start3A_102, %dma_start3A_103, %dma_start3A_107] : memref<2x16x128xi32, #tpu.memory_space<vmem>> -> memref<1x1x64xi32, #tpu.memory_space<vmem>>
    %dma_start3A_109 = tpu.memref_squeeze %dma_start3A_108 : memref<1x1x64xi32, #tpu.memory_space<vmem>> -> memref<64xi32, #tpu.memory_space<vmem>>
    %dma_start3A_110 = arith.constant 0 : i32
    %dma_start3A_111 = arith.constant 0 : i32
    %dma_start3A_112 = tpu.memref_slice %arg2[%dma_start3A_110, %dma_start3A_111] : memref<10000x128xf32, #tpu.memory_space<hbm>> -> memref<10000x128xf32, #tpu.memory_space<hbm>>
    tpu.enqueue_indirect_dma source(%dma_start3A_112 : memref<10000x128xf32, #tpu.memory_space<hbm>>) target(%dma_start3A_106 : memref<64x128xf32, #tpu.memory_space<vmem>>) offsets(%dma_start3A_109 : memref<64xi32, #tpu.memory_space<vmem>>) semaphore(%arg13 : memref<!tpu.dma_semaphore, #tpu.memory_space<semaphore_mem>>)
    %scan3A = arith.constant 0 : i32
    %scan3A_113 = arith.constant 0 : i32
    %scan3A_114 = arith.constant 5 : i32
    %scan3A_115 = arith.addi %scan3A_113, %scan3A_114 : i32
    %scan3A_116 = arith.constant 1 : i32
    scf.for %scan3A_121 = %scan3A_113 to %scan3A_115 step %scan3A_116  : i32 {
      %and3A = arith.constant 1 : i32
      %and3A_122 = arith.andi %scan3A_121, %and3A : i32
      %add3A_123 = arith.constant 2 : i32
      %add3A_124 = arith.addi %scan3A_121, %add3A_123 : i32
      %mul3A_125 = arith.constant 16 : i32
      %mul3A_126 = arith.muli %add3A_124, %mul3A_125 : i32
      %add3A_127 = arith.addi %mul3A_6, %mul3A_126 : i32
      %dma_wait3A_128 = arith.constant 0 : i32
      %dma_wait3A_129 = arith.constant 0 : i32
      %dma_wait3A_130 = arith.constant 0 : i32
      %dma_wait3A_131 = tpu.memref_slice %arg7[%dma_wait3A_128, %dma_wait3A_129, %dma_wait3A_130] : memref<2x16x128xi32, #tpu.memory_space<vmem>> -> memref<1x1x128xi32, #tpu.memory_space<vmem>>
      %dma_wait3A_132 = tpu.memref_squeeze %dma_wait3A_131 : memref<1x1x128xi32, #tpu.memory_space<vmem>> -> memref<128xi32, #tpu.memory_space<vmem>>
      %dma_wait3A_133 = arith.constant 0 : i32
      %dma_wait3A_134 = arith.constant 0 : i32
      %dma_wait3A_135 = tpu.memref_slice %arg2[%dma_wait3A_133, %dma_wait3A_134] : memref<10000x128xf32, #tpu.memory_space<hbm>> -> memref<10000x128xf32, #tpu.memory_space<hbm>>
      tpu.wait_indirect_dma semaphore(%arg13 : memref<!tpu.dma_semaphore, #tpu.memory_space<semaphore_mem>>) src(%dma_wait3A_135 : memref<10000x128xf32, #tpu.memory_space<hbm>>) dst(%arg9 : memref<128x128xf32, #tpu.memory_space<vmem>>)
      %dma_start3A_136 = arith.constant 1 : i32
      %dma_start3A_137 = arith.constant 0 : i32
      %dma_start3A_138 = arith.constant 0 : i32
      %dma_start3A_139 = tpu.memref_slice %arg10[%dma_start3A_137, %dma_start3A_138] : memref<128x128xf32, #tpu.memory_space<vmem>> -> memref<64x128xf32, #tpu.memory_space<vmem>>
      %dma_start3A_140 = arith.constant 0 : i32
      %dma_start3A_141 = tpu.memref_slice %arg7[%and3A_122, %dma_start3A_136, %dma_start3A_140] : memref<2x16x128xi32, #tpu.memory_space<vmem>> -> memref<1x1x64xi32, #tpu.memory_space<vmem>>
      %dma_start3A_142 = tpu.memref_squeeze %dma_start3A_141 : memref<1x1x64xi32, #tpu.memory_space<vmem>> -> memref<64xi32, #tpu.memory_space<vmem>>
      %dma_start3A_143 = arith.constant 0 : i32
      %dma_start3A_144 = arith.constant 0 : i32
      %dma_start3A_145 = tpu.memref_slice %arg2[%dma_start3A_143, %dma_start3A_144] : memref<10000x128xf32, #tpu.memory_space<hbm>> -> memref<10000x128xf32, #tpu.memory_space<hbm>>
      tpu.enqueue_indirect_dma source(%dma_start3A_145 : memref<10000x128xf32, #tpu.memory_space<hbm>>) target(%dma_start3A_139 : memref<64x128xf32, #tpu.memory_space<vmem>>) offsets(%dma_start3A_142 : memref<64xi32, #tpu.memory_space<vmem>>) semaphore(%arg14 : memref<!tpu.dma_semaphore, #tpu.memory_space<semaphore_mem>>)
      %dma_start3A_146 = arith.constant 1 : i32
      %dma_start3A_147 = arith.constant 64 : i32
      %dma_start3A_148 = arith.constant 0 : i32
      %dma_start3A_149 = tpu.memref_slice %arg10[%dma_start3A_147, %dma_start3A_148] : memref<128x128xf32, #tpu.memory_space<vmem>> -> memref<64x128xf32, #tpu.memory_space<vmem>>
      %dma_start3A_150 = arith.constant 64 : i32
      %dma_start3A_151 = tpu.memref_slice %arg7[%and3A_122, %dma_start3A_146, %dma_start3A_150] : memref<2x16x128xi32, #tpu.memory_space<vmem>> -> memref<1x1x64xi32, #tpu.memory_space<vmem>>
      %dma_start3A_152 = tpu.memref_squeeze %dma_start3A_151 : memref<1x1x64xi32, #tpu.memory_space<vmem>> -> memref<64xi32, #tpu.memory_space<vmem>>
      %dma_start3A_153 = arith.constant 0 : i32
      %dma_start3A_154 = arith.constant 0 : i32
      %dma_start3A_155 = tpu.memref_slice %arg2[%dma_start3A_153, %dma_start3A_154] : memref<10000x128xf32, #tpu.memory_space<hbm>> -> memref<10000x128xf32, #tpu.memory_space<hbm>>
      tpu.enqueue_indirect_dma source(%dma_start3A_155 : memref<10000x128xf32, #tpu.memory_space<hbm>>) target(%dma_start3A_149 : memref<64x128xf32, #tpu.memory_space<vmem>>) offsets(%dma_start3A_152 : memref<64xi32, #tpu.memory_space<vmem>>) semaphore(%arg14 : memref<!tpu.dma_semaphore, #tpu.memory_space<semaphore_mem>>)
      %run_scoped3A = arith.constant 0 : i32
      "tpu.region"() ({
        %run_scoped3A_577 = tpu.sem_alloc : memref<!tpu.dma_semaphore, #tpu.memory_space<semaphore_mem>>
        %dma_start3A_578 = arith.constant 0 : i32
        %dma_start3A_579 = tpu.memref_slice %arg8[%and3A_122, %run_scoped3A, %dma_start3A_578] : memref<2x16x128xi32, #tpu.memory_space<vmem>> -> memref<1x1x128xi32, #tpu.memory_space<vmem>>
        %dma_start3A_580 = tpu.memref_squeeze %dma_start3A_579 : memref<1x1x128xi32, #tpu.memory_space<vmem>> -> memref<128xi32, #tpu.memory_space<vmem>>
        %dma_start3A_581 = arith.constant 0 : i32
        %dma_start3A_582 = arith.constant 0 : i32
        %dma_start3A_583 = tpu.memref_slice %arg11[%dma_start3A_581, %dma_start3A_582] : memref<10112x128xf32, #tpu.memory_space<vmem_shared>> -> memref<10112x128xf32, #tpu.memory_space<vmem_shared>>
        tpu.enqueue_indirect_dma source(%arg9 : memref<128x128xf32, #tpu.memory_space<vmem>>) target(%dma_start3A_583 : memref<10112x128xf32, #tpu.memory_space<vmem_shared>>) offsets(%dma_start3A_580 : memref<128xi32, #tpu.memory_space<vmem>>) semaphore(%run_scoped3A_577 : memref<!tpu.dma_semaphore, #tpu.memory_space<semaphore_mem>>) {add = true}
        %dma_wait3A_584 = arith.constant 0 : i32
        %dma_wait3A_585 = tpu.memref_slice %arg8[%and3A_122, %run_scoped3A, %dma_wait3A_584] : memref<2x16x128xi32, #tpu.memory_space<vmem>> -> memref<1x1x128xi32, #tpu.memory_space<vmem>>
        %dma_wait3A_586 = tpu.memref_squeeze %dma_wait3A_585 : memref<1x1x128xi32, #tpu.memory_space<vmem>> -> memref<128xi32, #tpu.memory_space<vmem>>
        %dma_wait3A_587 = arith.constant 0 : i32
        %dma_wait3A_588 = arith.constant 0 : i32
        %dma_wait3A_589 = tpu.memref_slice %arg11[%dma_wait3A_587, %dma_wait3A_588] : memref<10112x128xf32, #tpu.memory_space<vmem_shared>> -> memref<10112x128xf32, #tpu.memory_space<vmem_shared>>
        tpu.wait_indirect_dma semaphore(%run_scoped3A_577 : memref<!tpu.dma_semaphore, #tpu.memory_space<semaphore_mem>>) src(%arg9 : memref<128x128xf32, #tpu.memory_space<vmem>>) dst(%dma_wait3A_589 : memref<10112x128xf32, #tpu.memory_space<vmem_shared>>)
        tpu.yield
      }) : () -> ()
      %dma_wait3A_156 = arith.constant 0 : i32
      %dma_wait3A_157 = arith.constant 0 : i32
      %dma_wait3A_158 = arith.constant 0 : i32
      %dma_wait3A_159 = tpu.memref_slice %arg7[%dma_wait3A_156, %dma_wait3A_157, %dma_wait3A_158] : memref<2x16x128xi32, #tpu.memory_space<vmem>> -> memref<1x1x128xi32, #tpu.memory_space<vmem>>
      %dma_wait3A_160 = tpu.memref_squeeze %dma_wait3A_159 : memref<1x1x128xi32, #tpu.memory_space<vmem>> -> memref<128xi32, #tpu.memory_space<vmem>>
      %dma_wait3A_161 = arith.constant 0 : i32
      %dma_wait3A_162 = arith.constant 0 : i32
      %dma_wait3A_163 = tpu.memref_slice %arg2[%dma_wait3A_161, %dma_wait3A_162] : memref<10000x128xf32, #tpu.memory_space<hbm>> -> memref<10000x128xf32, #tpu.memory_space<hbm>>
      tpu.wait_indirect_dma semaphore(%arg14 : memref<!tpu.dma_semaphore, #tpu.memory_space<semaphore_mem>>) src(%dma_wait3A_163 : memref<10000x128xf32, #tpu.memory_space<hbm>>) dst(%arg10 : memref<128x128xf32, #tpu.memory_space<vmem>>)
      %dma_start3A_164 = arith.constant 2 : i32
      %dma_start3A_165 = arith.constant 0 : i32
      %dma_start3A_166 = arith.constant 0 : i32
      %dma_start3A_167 = tpu.memref_slice %arg9[%dma_start3A_165, %dma_start3A_166] : memref<128x128xf32, #tpu.memory_space<vmem>> -> memref<64x128xf32, #tpu.memory_space<vmem>>
      %dma_start3A_168 = arith.constant 0 : i32
      %dma_start3A_169 = tpu.memref_slice %arg7[%and3A_122, %dma_start3A_164, %dma_start3A_168] : memref<2x16x128xi32, #tpu.memory_space<vmem>> -> memref<1x1x64xi32, #tpu.memory_space<vmem>>
      %dma_start3A_170 = tpu.memref_squeeze %dma_start3A_169 : memref<1x1x64xi32, #tpu.memory_space<vmem>> -> memref<64xi32, #tpu.memory_space<vmem>>
      %dma_start3A_171 = arith.constant 0 : i32
      %dma_start3A_172 = arith.constant 0 : i32
      %dma_start3A_173 = tpu.memref_slice %arg2[%dma_start3A_171, %dma_start3A_172] : memref<10000x128xf32, #tpu.memory_space<hbm>> -> memref<10000x128xf32, #tpu.memory_space<hbm>>
      tpu.enqueue_indirect_dma source(%dma_start3A_173 : memref<10000x128xf32, #tpu.memory_space<hbm>>) target(%dma_start3A_167 : memref<64x128xf32, #tpu.memory_space<vmem>>) offsets(%dma_start3A_170 : memref<64xi32, #tpu.memory_space<vmem>>) semaphore(%arg13 : memref<!tpu.dma_semaphore, #tpu.memory_space<semaphore_mem>>)
      %dma_start3A_174 = arith.constant 2 : i32
      %dma_start3A_175 = arith.constant 64 : i32
      %dma_start3A_176 = arith.constant 0 : i32
      %dma_start3A_177 = tpu.memref_slice %arg9[%dma_start3A_175, %dma_start3A_176] : memref<128x128xf32, #tpu.memory_space<vmem>> -> memref<64x128xf32, #tpu.memory_space<vmem>>
      %dma_start3A_178 = arith.constant 64 : i32
      %dma_start3A_179 = tpu.memref_slice %arg7[%and3A_122, %dma_start3A_174, %dma_start3A_178] : memref<2x16x128xi32, #tpu.memory_space<vmem>> -> memref<1x1x64xi32, #tpu.memory_space<vmem>>
      %dma_start3A_180 = tpu.memref_squeeze %dma_start3A_179 : memref<1x1x64xi32, #tpu.memory_space<vmem>> -> memref<64xi32, #tpu.memory_space<vmem>>
      %dma_start3A_181 = arith.constant 0 : i32
      %dma_start3A_182 = arith.constant 0 : i32
      %dma_start3A_183 = tpu.memref_slice %arg2[%dma_start3A_181, %dma_start3A_182] : memref<10000x128xf32, #tpu.memory_space<hbm>> -> memref<10000x128xf32, #tpu.memory_space<hbm>>
      tpu.enqueue_indirect_dma source(%dma_start3A_183 : memref<10000x128xf32, #tpu.memory_space<hbm>>) target(%dma_start3A_177 : memref<64x128xf32, #tpu.memory_space<vmem>>) offsets(%dma_start3A_180 : memref<64xi32, #tpu.memory_space<vmem>>) semaphore(%arg13 : memref<!tpu.dma_semaphore, #tpu.memory_space<semaphore_mem>>)
      %run_scoped3A_184 = arith.constant 1 : i32
      "tpu.region"() ({
        %run_scoped3A_577 = tpu.sem_alloc : memref<!tpu.dma_semaphore, #tpu.memory_space<semaphore_mem>>
        %dma_start3A_578 = arith.constant 0 : i32
        %dma_start3A_579 = tpu.memref_slice %arg8[%and3A_122, %run_scoped3A_184, %dma_start3A_578] : memref<2x16x128xi32, #tpu.memory_space<vmem>> -> memref<1x1x128xi32, #tpu.memory_space<vmem>>
        %dma_start3A_580 = tpu.memref_squeeze %dma_start3A_579 : memref<1x1x128xi32, #tpu.memory_space<vmem>> -> memref<128xi32, #tpu.memory_space<vmem>>
        %dma_start3A_581 = arith.constant 0 : i32
        %dma_start3A_582 = arith.constant 0 : i32
        %dma_start3A_583 = tpu.memref_slice %arg11[%dma_start3A_581, %dma_start3A_582] : memref<10112x128xf32, #tpu.memory_space<vmem_shared>> -> memref<10112x128xf32, #tpu.memory_space<vmem_shared>>
        tpu.enqueue_indirect_dma source(%arg10 : memref<128x128xf32, #tpu.memory_space<vmem>>) target(%dma_start3A_583 : memref<10112x128xf32, #tpu.memory_space<vmem_shared>>) offsets(%dma_start3A_580 : memref<128xi32, #tpu.memory_space<vmem>>) semaphore(%run_scoped3A_577 : memref<!tpu.dma_semaphore, #tpu.memory_space<semaphore_mem>>) {add = true}
        %dma_wait3A_584 = arith.constant 0 : i32
        %dma_wait3A_585 = tpu.memref_slice %arg8[%and3A_122, %run_scoped3A_184, %dma_wait3A_584] : memref<2x16x128xi32, #tpu.memory_space<vmem>> -> memref<1x1x128xi32, #tpu.memory_space<vmem>>
        %dma_wait3A_586 = tpu.memref_squeeze %dma_wait3A_585 : memref<1x1x128xi32, #tpu.memory_space<vmem>> -> memref<128xi32, #tpu.memory_space<vmem>>
        %dma_wait3A_587 = arith.constant 0 : i32
        %dma_wait3A_588 = arith.constant 0 : i32
        %dma_wait3A_589 = tpu.memref_slice %arg11[%dma_wait3A_587, %dma_wait3A_588] : memref<10112x128xf32, #tpu.memory_space<vmem_shared>> -> memref<10112x128xf32, #tpu.memory_space<vmem_shared>>
        tpu.wait_indirect_dma semaphore(%run_scoped3A_577 : memref<!tpu.dma_semaphore, #tpu.memory_space<semaphore_mem>>) src(%arg10 : memref<128x128xf32, #tpu.memory_space<vmem>>) dst(%dma_wait3A_589 : memref<10112x128xf32, #tpu.memory_space<vmem_shared>>)
        tpu.yield
      }) : () -> ()
      %dma_wait3A_185 = arith.constant 0 : i32
      %dma_wait3A_186 = arith.constant 0 : i32
      %dma_wait3A_187 = arith.constant 0 : i32
      %dma_wait3A_188 = tpu.memref_slice %arg7[%dma_wait3A_185, %dma_wait3A_186, %dma_wait3A_187] : memref<2x16x128xi32, #tpu.memory_space<vmem>> -> memref<1x1x128xi32, #tpu.memory_space<vmem>>
      %dma_wait3A_189 = tpu.memref_squeeze %dma_wait3A_188 : memref<1x1x128xi32, #tpu.memory_space<vmem>> -> memref<128xi32, #tpu.memory_space<vmem>>
      %dma_wait3A_190 = arith.constant 0 : i32
      %dma_wait3A_191 = arith.constant 0 : i32
      %dma_wait3A_192 = tpu.memref_slice %arg2[%dma_wait3A_190, %dma_wait3A_191] : memref<10000x128xf32, #tpu.memory_space<hbm>> -> memref<10000x128xf32, #tpu.memory_space<hbm>>
      tpu.wait_indirect_dma semaphore(%arg13 : memref<!tpu.dma_semaphore, #tpu.memory_space<semaphore_mem>>) src(%dma_wait3A_192 : memref<10000x128xf32, #tpu.memory_space<hbm>>) dst(%arg9 : memref<128x128xf32, #tpu.memory_space<vmem>>)
      %dma_start3A_193 = arith.constant 3 : i32
      %dma_start3A_194 = arith.constant 0 : i32
      %dma_start3A_195 = arith.constant 0 : i32
      %dma_start3A_196 = tpu.memref_slice %arg10[%dma_start3A_194, %dma_start3A_195] : memref<128x128xf32, #tpu.memory_space<vmem>> -> memref<64x128xf32, #tpu.memory_space<vmem>>
      %dma_start3A_197 = arith.constant 0 : i32
      %dma_start3A_198 = tpu.memref_slice %arg7[%and3A_122, %dma_start3A_193, %dma_start3A_197] : memref<2x16x128xi32, #tpu.memory_space<vmem>> -> memref<1x1x64xi32, #tpu.memory_space<vmem>>
      %dma_start3A_199 = tpu.memref_squeeze %dma_start3A_198 : memref<1x1x64xi32, #tpu.memory_space<vmem>> -> memref<64xi32, #tpu.memory_space<vmem>>
      %dma_start3A_200 = arith.constant 0 : i32
      %dma_start3A_201 = arith.constant 0 : i32
      %dma_start3A_202 = tpu.memref_slice %arg2[%dma_start3A_200, %dma_start3A_201] : memref<10000x128xf32, #tpu.memory_space<hbm>> -> memref<10000x128xf32, #tpu.memory_space<hbm>>
      tpu.enqueue_indirect_dma source(%dma_start3A_202 : memref<10000x128xf32, #tpu.memory_space<hbm>>) target(%dma_start3A_196 : memref<64x128xf32, #tpu.memory_space<vmem>>) offsets(%dma_start3A_199 : memref<64xi32, #tpu.memory_space<vmem>>) semaphore(%arg14 : memref<!tpu.dma_semaphore, #tpu.memory_space<semaphore_mem>>)
      %dma_start3A_203 = arith.constant 3 : i32
      %dma_start3A_204 = arith.constant 64 : i32
      %dma_start3A_205 = arith.constant 0 : i32
      %dma_start3A_206 = tpu.memref_slice %arg10[%dma_start3A_204, %dma_start3A_205] : memref<128x128xf32, #tpu.memory_space<vmem>> -> memref<64x128xf32, #tpu.memory_space<vmem>>
      %dma_start3A_207 = arith.constant 64 : i32
      %dma_start3A_208 = tpu.memref_slice %arg7[%and3A_122, %dma_start3A_203, %dma_start3A_207] : memref<2x16x128xi32, #tpu.memory_space<vmem>> -> memref<1x1x64xi32, #tpu.memory_space<vmem>>
      %dma_start3A_209 = tpu.memref_squeeze %dma_start3A_208 : memref<1x1x64xi32, #tpu.memory_space<vmem>> -> memref<64xi32, #tpu.memory_space<vmem>>
      %dma_start3A_210 = arith.constant 0 : i32
      %dma_start3A_211 = arith.constant 0 : i32
      %dma_start3A_212 = tpu.memref_slice %arg2[%dma_start3A_210, %dma_start3A_211] : memref<10000x128xf32, #tpu.memory_space<hbm>> -> memref<10000x128xf32, #tpu.memory_space<hbm>>
      tpu.enqueue_indirect_dma source(%dma_start3A_212 : memref<10000x128xf32, #tpu.memory_space<hbm>>) target(%dma_start3A_206 : memref<64x128xf32, #tpu.memory_space<vmem>>) offsets(%dma_start3A_209 : memref<64xi32, #tpu.memory_space<vmem>>) semaphore(%arg14 : memref<!tpu.dma_semaphore, #tpu.memory_space<semaphore_mem>>)
      %run_scoped3A_213 = arith.constant 2 : i32
      "tpu.region"() ({
        %run_scoped3A_577 = tpu.sem_alloc : memref<!tpu.dma_semaphore, #tpu.memory_space<semaphore_mem>>
        %dma_start3A_578 = arith.constant 0 : i32
        %dma_start3A_579 = tpu.memref_slice %arg8[%and3A_122, %run_scoped3A_213, %dma_start3A_578] : memref<2x16x128xi32, #tpu.memory_space<vmem>> -> memref<1x1x128xi32, #tpu.memory_space<vmem>>
        %dma_start3A_580 = tpu.memref_squeeze %dma_start3A_579 : memref<1x1x128xi32, #tpu.memory_space<vmem>> -> memref<128xi32, #tpu.memory_space<vmem>>
        %dma_start3A_581 = arith.constant 0 : i32
        %dma_start3A_582 = arith.constant 0 : i32
        %dma_start3A_583 = tpu.memref_slice %arg11[%dma_start3A_581, %dma_start3A_582] : memref<10112x128xf32, #tpu.memory_space<vmem_shared>> -> memref<10112x128xf32, #tpu.memory_space<vmem_shared>>
        tpu.enqueue_indirect_dma source(%arg9 : memref<128x128xf32, #tpu.memory_space<vmem>>) target(%dma_start3A_583 : memref<10112x128xf32, #tpu.memory_space<vmem_shared>>) offsets(%dma_start3A_580 : memref<128xi32, #tpu.memory_space<vmem>>) semaphore(%run_scoped3A_577 : memref<!tpu.dma_semaphore, #tpu.memory_space<semaphore_mem>>) {add = true}
        %dma_wait3A_584 = arith.constant 0 : i32
        %dma_wait3A_585 = tpu.memref_slice %arg8[%and3A_122, %run_scoped3A_213, %dma_wait3A_584] : memref<2x16x128xi32, #tpu.memory_space<vmem>> -> memref<1x1x128xi32, #tpu.memory_space<vmem>>
        %dma_wait3A_586 = tpu.memref_squeeze %dma_wait3A_585 : memref<1x1x128xi32, #tpu.memory_space<vmem>> -> memref<128xi32, #tpu.memory_space<vmem>>
        %dma_wait3A_587 = arith.constant 0 : i32
        %dma_wait3A_588 = arith.constant 0 : i32
        %dma_wait3A_589 = tpu.memref_slice %arg11[%dma_wait3A_587, %dma_wait3A_588] : memref<10112x128xf32, #tpu.memory_space<vmem_shared>> -> memref<10112x128xf32, #tpu.memory_space<vmem_shared>>
        tpu.wait_indirect_dma semaphore(%run_scoped3A_577 : memref<!tpu.dma_semaphore, #tpu.memory_space<semaphore_mem>>) src(%arg9 : memref<128x128xf32, #tpu.memory_space<vmem>>) dst(%dma_wait3A_589 : memref<10112x128xf32, #tpu.memory_space<vmem_shared>>)
        tpu.yield
      }) : () -> ()
      %dma_wait3A_214 = arith.constant 0 : i32
      %dma_wait3A_215 = arith.constant 0 : i32
      %dma_wait3A_216 = arith.constant 0 : i32
      %dma_wait3A_217 = tpu.memref_slice %arg7[%dma_wait3A_214, %dma_wait3A_215, %dma_wait3A_216] : memref<2x16x128xi32, #tpu.memory_space<vmem>> -> memref<1x1x128xi32, #tpu.memory_space<vmem>>
      %dma_wait3A_218 = tpu.memref_squeeze %dma_wait3A_217 : memref<1x1x128xi32, #tpu.memory_space<vmem>> -> memref<128xi32, #tpu.memory_space<vmem>>
      %dma_wait3A_219 = arith.constant 0 : i32
      %dma_wait3A_220 = arith.constant 0 : i32
      %dma_wait3A_221 = tpu.memref_slice %arg2[%dma_wait3A_219, %dma_wait3A_220] : memref<10000x128xf32, #tpu.memory_space<hbm>> -> memref<10000x128xf32, #tpu.memory_space<hbm>>
      tpu.wait_indirect_dma semaphore(%arg14 : memref<!tpu.dma_semaphore, #tpu.memory_space<semaphore_mem>>) src(%dma_wait3A_221 : memref<10000x128xf32, #tpu.memory_space<hbm>>) dst(%arg10 : memref<128x128xf32, #tpu.memory_space<vmem>>)
      %dma_start3A_222 = arith.constant 4 : i32
      %dma_start3A_223 = arith.constant 0 : i32
      %dma_start3A_224 = arith.constant 0 : i32
      %dma_start3A_225 = tpu.memref_slice %arg9[%dma_start3A_223, %dma_start3A_224] : memref<128x128xf32, #tpu.memory_space<vmem>> -> memref<64x128xf32, #tpu.memory_space<vmem>>
      %dma_start3A_226 = arith.constant 0 : i32
      %dma_start3A_227 = tpu.memref_slice %arg7[%and3A_122, %dma_start3A_222, %dma_start3A_226] : memref<2x16x128xi32, #tpu.memory_space<vmem>> -> memref<1x1x64xi32, #tpu.memory_space<vmem>>
      %dma_start3A_228 = tpu.memref_squeeze %dma_start3A_227 : memref<1x1x64xi32, #tpu.memory_space<vmem>> -> memref<64xi32, #tpu.memory_space<vmem>>
      %dma_start3A_229 = arith.constant 0 : i32
      %dma_start3A_230 = arith.constant 0 : i32
      %dma_start3A_231 = tpu.memref_slice %arg2[%dma_start3A_229, %dma_start3A_230] : memref<10000x128xf32, #tpu.memory_space<hbm>> -> memref<10000x128xf32, #tpu.memory_space<hbm>>
      tpu.enqueue_indirect_dma source(%dma_start3A_231 : memref<10000x128xf32, #tpu.memory_space<hbm>>) target(%dma_start3A_225 : memref<64x128xf32, #tpu.memory_space<vmem>>) offsets(%dma_start3A_228 : memref<64xi32, #tpu.memory_space<vmem>>) semaphore(%arg13 : memref<!tpu.dma_semaphore, #tpu.memory_space<semaphore_mem>>)
      %dma_start3A_232 = arith.constant 4 : i32
      %dma_start3A_233 = arith.constant 64 : i32
      %dma_start3A_234 = arith.constant 0 : i32
      %dma_start3A_235 = tpu.memref_slice %arg9[%dma_start3A_233, %dma_start3A_234] : memref<128x128xf32, #tpu.memory_space<vmem>> -> memref<64x128xf32, #tpu.memory_space<vmem>>
      %dma_start3A_236 = arith.constant 64 : i32
      %dma_start3A_237 = tpu.memref_slice %arg7[%and3A_122, %dma_start3A_232, %dma_start3A_236] : memref<2x16x128xi32, #tpu.memory_space<vmem>> -> memref<1x1x64xi32, #tpu.memory_space<vmem>>
      %dma_start3A_238 = tpu.memref_squeeze %dma_start3A_237 : memref<1x1x64xi32, #tpu.memory_space<vmem>> -> memref<64xi32, #tpu.memory_space<vmem>>
      %dma_start3A_239 = arith.constant 0 : i32
      %dma_start3A_240 = arith.constant 0 : i32
      %dma_start3A_241 = tpu.memref_slice %arg2[%dma_start3A_239, %dma_start3A_240] : memref<10000x128xf32, #tpu.memory_space<hbm>> -> memref<10000x128xf32, #tpu.memory_space<hbm>>
      tpu.enqueue_indirect_dma source(%dma_start3A_241 : memref<10000x128xf32, #tpu.memory_space<hbm>>) target(%dma_start3A_235 : memref<64x128xf32, #tpu.memory_space<vmem>>) offsets(%dma_start3A_238 : memref<64xi32, #tpu.memory_space<vmem>>) semaphore(%arg13 : memref<!tpu.dma_semaphore, #tpu.memory_space<semaphore_mem>>)
      %run_scoped3A_242 = arith.constant 3 : i32
      "tpu.region"() ({
        %run_scoped3A_577 = tpu.sem_alloc : memref<!tpu.dma_semaphore, #tpu.memory_space<semaphore_mem>>
        %dma_start3A_578 = arith.constant 0 : i32
        %dma_start3A_579 = tpu.memref_slice %arg8[%and3A_122, %run_scoped3A_242, %dma_start3A_578] : memref<2x16x128xi32, #tpu.memory_space<vmem>> -> memref<1x1x128xi32, #tpu.memory_space<vmem>>
        %dma_start3A_580 = tpu.memref_squeeze %dma_start3A_579 : memref<1x1x128xi32, #tpu.memory_space<vmem>> -> memref<128xi32, #tpu.memory_space<vmem>>
        %dma_start3A_581 = arith.constant 0 : i32
        %dma_start3A_582 = arith.constant 0 : i32
        %dma_start3A_583 = tpu.memref_slice %arg11[%dma_start3A_581, %dma_start3A_582] : memref<10112x128xf32, #tpu.memory_space<vmem_shared>> -> memref<10112x128xf32, #tpu.memory_space<vmem_shared>>
        tpu.enqueue_indirect_dma source(%arg10 : memref<128x128xf32, #tpu.memory_space<vmem>>) target(%dma_start3A_583 : memref<10112x128xf32, #tpu.memory_space<vmem_shared>>) offsets(%dma_start3A_580 : memref<128xi32, #tpu.memory_space<vmem>>) semaphore(%run_scoped3A_577 : memref<!tpu.dma_semaphore, #tpu.memory_space<semaphore_mem>>) {add = true}
        %dma_wait3A_584 = arith.constant 0 : i32
        %dma_wait3A_585 = tpu.memref_slice %arg8[%and3A_122, %run_scoped3A_242, %dma_wait3A_584] : memref<2x16x128xi32, #tpu.memory_space<vmem>> -> memref<1x1x128xi32, #tpu.memory_space<vmem>>
        %dma_wait3A_586 = tpu.memref_squeeze %dma_wait3A_585 : memref<1x1x128xi32, #tpu.memory_space<vmem>> -> memref<128xi32, #tpu.memory_space<vmem>>
        %dma_wait3A_587 = arith.constant 0 : i32
        %dma_wait3A_588 = arith.constant 0 : i32
        %dma_wait3A_589 = tpu.memref_slice %arg11[%dma_wait3A_587, %dma_wait3A_588] : memref<10112x128xf32, #tpu.memory_space<vmem_shared>> -> memref<10112x128xf32, #tpu.memory_space<vmem_shared>>
        tpu.wait_indirect_dma semaphore(%run_scoped3A_577 : memref<!tpu.dma_semaphore, #tpu.memory_space<semaphore_mem>>) src(%arg10 : memref<128x128xf32, #tpu.memory_space<vmem>>) dst(%dma_wait3A_589 : memref<10112x128xf32, #tpu.memory_space<vmem_shared>>)
        tpu.yield
      }) : () -> ()
      %dma_wait3A_243 = arith.constant 0 : i32
      %dma_wait3A_244 = arith.constant 0 : i32
      %dma_wait3A_245 = arith.constant 0 : i32
      %dma_wait3A_246 = tpu.memref_slice %arg7[%dma_wait3A_243, %dma_wait3A_244, %dma_wait3A_245] : memref<2x16x128xi32, #tpu.memory_space<vmem>> -> memref<1x1x128xi32, #tpu.memory_space<vmem>>
      %dma_wait3A_247 = tpu.memref_squeeze %dma_wait3A_246 : memref<1x1x128xi32, #tpu.memory_space<vmem>> -> memref<128xi32, #tpu.memory_space<vmem>>
      %dma_wait3A_248 = arith.constant 0 : i32
      %dma_wait3A_249 = arith.constant 0 : i32
      %dma_wait3A_250 = tpu.memref_slice %arg2[%dma_wait3A_248, %dma_wait3A_249] : memref<10000x128xf32, #tpu.memory_space<hbm>> -> memref<10000x128xf32, #tpu.memory_space<hbm>>
      tpu.wait_indirect_dma semaphore(%arg13 : memref<!tpu.dma_semaphore, #tpu.memory_space<semaphore_mem>>) src(%dma_wait3A_250 : memref<10000x128xf32, #tpu.memory_space<hbm>>) dst(%arg9 : memref<128x128xf32, #tpu.memory_space<vmem>>)
      %dma_start3A_251 = arith.constant 5 : i32
      %dma_start3A_252 = arith.constant 0 : i32
      %dma_start3A_253 = arith.constant 0 : i32
      %dma_start3A_254 = tpu.memref_slice %arg10[%dma_start3A_252, %dma_start3A_253] : memref<128x128xf32, #tpu.memory_space<vmem>> -> memref<64x128xf32, #tpu.memory_space<vmem>>
      %dma_start3A_255 = arith.constant 0 : i32
      %dma_start3A_256 = tpu.memref_slice %arg7[%and3A_122, %dma_start3A_251, %dma_start3A_255] : memref<2x16x128xi32, #tpu.memory_space<vmem>> -> memref<1x1x64xi32, #tpu.memory_space<vmem>>
      %dma_start3A_257 = tpu.memref_squeeze %dma_start3A_256 : memref<1x1x64xi32, #tpu.memory_space<vmem>> -> memref<64xi32, #tpu.memory_space<vmem>>
      %dma_start3A_258 = arith.constant 0 : i32
      %dma_start3A_259 = arith.constant 0 : i32
      %dma_start3A_260 = tpu.memref_slice %arg2[%dma_start3A_258, %dma_start3A_259] : memref<10000x128xf32, #tpu.memory_space<hbm>> -> memref<10000x128xf32, #tpu.memory_space<hbm>>
      tpu.enqueue_indirect_dma source(%dma_start3A_260 : memref<10000x128xf32, #tpu.memory_space<hbm>>) target(%dma_start3A_254 : memref<64x128xf32, #tpu.memory_space<vmem>>) offsets(%dma_start3A_257 : memref<64xi32, #tpu.memory_space<vmem>>) semaphore(%arg14 : memref<!tpu.dma_semaphore, #tpu.memory_space<semaphore_mem>>)
      %dma_start3A_261 = arith.constant 5 : i32
      %dma_start3A_262 = arith.constant 64 : i32
      %dma_start3A_263 = arith.constant 0 : i32
      %dma_start3A_264 = tpu.memref_slice %arg10[%dma_start3A_262, %dma_start3A_263] : memref<128x128xf32, #tpu.memory_space<vmem>> -> memref<64x128xf32, #tpu.memory_space<vmem>>
      %dma_start3A_265 = arith.constant 64 : i32
      %dma_start3A_266 = tpu.memref_slice %arg7[%and3A_122, %dma_start3A_261, %dma_start3A_265] : memref<2x16x128xi32, #tpu.memory_space<vmem>> -> memref<1x1x64xi32, #tpu.memory_space<vmem>>
      %dma_start3A_267 = tpu.memref_squeeze %dma_start3A_266 : memref<1x1x64xi32, #tpu.memory_space<vmem>> -> memref<64xi32, #tpu.memory_space<vmem>>
      %dma_start3A_268 = arith.constant 0 : i32
      %dma_start3A_269 = arith.constant 0 : i32
      %dma_start3A_270 = tpu.memref_slice %arg2[%dma_start3A_268, %dma_start3A_269] : memref<10000x128xf32, #tpu.memory_space<hbm>> -> memref<10000x128xf32, #tpu.memory_space<hbm>>
      tpu.enqueue_indirect_dma source(%dma_start3A_270 : memref<10000x128xf32, #tpu.memory_space<hbm>>) target(%dma_start3A_264 : memref<64x128xf32, #tpu.memory_space<vmem>>) offsets(%dma_start3A_267 : memref<64xi32, #tpu.memory_space<vmem>>) semaphore(%arg14 : memref<!tpu.dma_semaphore, #tpu.memory_space<semaphore_mem>>)
      %run_scoped3A_271 = arith.constant 4 : i32
      "tpu.region"() ({
        %run_scoped3A_577 = tpu.sem_alloc : memref<!tpu.dma_semaphore, #tpu.memory_space<semaphore_mem>>
        %dma_start3A_578 = arith.constant 0 : i32
        %dma_start3A_579 = tpu.memref_slice %arg8[%and3A_122, %run_scoped3A_271, %dma_start3A_578] : memref<2x16x128xi32, #tpu.memory_space<vmem>> -> memref<1x1x128xi32, #tpu.memory_space<vmem>>
        %dma_start3A_580 = tpu.memref_squeeze %dma_start3A_579 : memref<1x1x128xi32, #tpu.memory_space<vmem>> -> memref<128xi32, #tpu.memory_space<vmem>>
        %dma_start3A_581 = arith.constant 0 : i32
        %dma_start3A_582 = arith.constant 0 : i32
        %dma_start3A_583 = tpu.memref_slice %arg11[%dma_start3A_581, %dma_start3A_582] : memref<10112x128xf32, #tpu.memory_space<vmem_shared>> -> memref<10112x128xf32, #tpu.memory_space<vmem_shared>>
        tpu.enqueue_indirect_dma source(%arg9 : memref<128x128xf32, #tpu.memory_space<vmem>>) target(%dma_start3A_583 : memref<10112x128xf32, #tpu.memory_space<vmem_shared>>) offsets(%dma_start3A_580 : memref<128xi32, #tpu.memory_space<vmem>>) semaphore(%run_scoped3A_577 : memref<!tpu.dma_semaphore, #tpu.memory_space<semaphore_mem>>) {add = true}
        %dma_wait3A_584 = arith.constant 0 : i32
        %dma_wait3A_585 = tpu.memref_slice %arg8[%and3A_122, %run_scoped3A_271, %dma_wait3A_584] : memref<2x16x128xi32, #tpu.memory_space<vmem>> -> memref<1x1x128xi32, #tpu.memory_space<vmem>>
        %dma_wait3A_586 = tpu.memref_squeeze %dma_wait3A_585 : memref<1x1x128xi32, #tpu.memory_space<vmem>> -> memref<128xi32, #tpu.memory_space<vmem>>
        %dma_wait3A_587 = arith.constant 0 : i32
        %dma_wait3A_588 = arith.constant 0 : i32
        %dma_wait3A_589 = tpu.memref_slice %arg11[%dma_wait3A_587, %dma_wait3A_588] : memref<10112x128xf32, #tpu.memory_space<vmem_shared>> -> memref<10112x128xf32, #tpu.memory_space<vmem_shared>>
        tpu.wait_indirect_dma semaphore(%run_scoped3A_577 : memref<!tpu.dma_semaphore, #tpu.memory_space<semaphore_mem>>) src(%arg9 : memref<128x128xf32, #tpu.memory_space<vmem>>) dst(%dma_wait3A_589 : memref<10112x128xf32, #tpu.memory_space<vmem_shared>>)
        tpu.yield
      }) : () -> ()
      %dma_wait3A_272 = arith.constant 0 : i32
      %dma_wait3A_273 = arith.constant 0 : i32
      %dma_wait3A_274 = arith.constant 0 : i32
      %dma_wait3A_275 = tpu.memref_slice %arg7[%dma_wait3A_272, %dma_wait3A_273, %dma_wait3A_274] : memref<2x16x128xi32, #tpu.memory_space<vmem>> -> memref<1x1x128xi32, #tpu.memory_space<vmem>>
      %dma_wait3A_276 = tpu.memref_squeeze %dma_wait3A_275 : memref<1x1x128xi32, #tpu.memory_space<vmem>> -> memref<128xi32, #tpu.memory_space<vmem>>
      %dma_wait3A_277 = arith.constant 0 : i32
      %dma_wait3A_278 = arith.constant 0 : i32
      %dma_wait3A_279 = tpu.memref_slice %arg2[%dma_wait3A_277, %dma_wait3A_278] : memref<10000x128xf32, #tpu.memory_space<hbm>> -> memref<10000x128xf32, #tpu.memory_space<hbm>>
      tpu.wait_indirect_dma semaphore(%arg14 : memref<!tpu.dma_semaphore, #tpu.memory_space<semaphore_mem>>) src(%dma_wait3A_279 : memref<10000x128xf32, #tpu.memory_space<hbm>>) dst(%arg10 : memref<128x128xf32, #tpu.memory_space<vmem>>)
      %dma_start3A_280 = arith.constant 6 : i32
      %dma_start3A_281 = arith.constant 0 : i32
      %dma_start3A_282 = arith.constant 0 : i32
      %dma_start3A_283 = tpu.memref_slice %arg9[%dma_start3A_281, %dma_start3A_282] : memref<128x128xf32, #tpu.memory_space<vmem>> -> memref<64x128xf32, #tpu.memory_space<vmem>>
      %dma_start3A_284 = arith.constant 0 : i32
      %dma_start3A_285 = tpu.memref_slice %arg7[%and3A_122, %dma_start3A_280, %dma_start3A_284] : memref<2x16x128xi32, #tpu.memory_space<vmem>> -> memref<1x1x64xi32, #tpu.memory_space<vmem>>
      %dma_start3A_286 = tpu.memref_squeeze %dma_start3A_285 : memref<1x1x64xi32, #tpu.memory_space<vmem>> -> memref<64xi32, #tpu.memory_space<vmem>>
      %dma_start3A_287 = arith.constant 0 : i32
      %dma_start3A_288 = arith.constant 0 : i32
      %dma_start3A_289 = tpu.memref_slice %arg2[%dma_start3A_287, %dma_start3A_288] : memref<10000x128xf32, #tpu.memory_space<hbm>> -> memref<10000x128xf32, #tpu.memory_space<hbm>>
      tpu.enqueue_indirect_dma source(%dma_start3A_289 : memref<10000x128xf32, #tpu.memory_space<hbm>>) target(%dma_start3A_283 : memref<64x128xf32, #tpu.memory_space<vmem>>) offsets(%dma_start3A_286 : memref<64xi32, #tpu.memory_space<vmem>>) semaphore(%arg13 : memref<!tpu.dma_semaphore, #tpu.memory_space<semaphore_mem>>)
      %dma_start3A_290 = arith.constant 6 : i32
      %dma_start3A_291 = arith.constant 64 : i32
      %dma_start3A_292 = arith.constant 0 : i32
      %dma_start3A_293 = tpu.memref_slice %arg9[%dma_start3A_291, %dma_start3A_292] : memref<128x128xf32, #tpu.memory_space<vmem>> -> memref<64x128xf32, #tpu.memory_space<vmem>>
      %dma_start3A_294 = arith.constant 64 : i32
      %dma_start3A_295 = tpu.memref_slice %arg7[%and3A_122, %dma_start3A_290, %dma_start3A_294] : memref<2x16x128xi32, #tpu.memory_space<vmem>> -> memref<1x1x64xi32, #tpu.memory_space<vmem>>
      %dma_start3A_296 = tpu.memref_squeeze %dma_start3A_295 : memref<1x1x64xi32, #tpu.memory_space<vmem>> -> memref<64xi32, #tpu.memory_space<vmem>>
      %dma_start3A_297 = arith.constant 0 : i32
      %dma_start3A_298 = arith.constant 0 : i32
      %dma_start3A_299 = tpu.memref_slice %arg2[%dma_start3A_297, %dma_start3A_298] : memref<10000x128xf32, #tpu.memory_space<hbm>> -> memref<10000x128xf32, #tpu.memory_space<hbm>>
      tpu.enqueue_indirect_dma source(%dma_start3A_299 : memref<10000x128xf32, #tpu.memory_space<hbm>>) target(%dma_start3A_293 : memref<64x128xf32, #tpu.memory_space<vmem>>) offsets(%dma_start3A_296 : memref<64xi32, #tpu.memory_space<vmem>>) semaphore(%arg13 : memref<!tpu.dma_semaphore, #tpu.memory_space<semaphore_mem>>)
      %run_scoped3A_300 = arith.constant 5 : i32
      "tpu.region"() ({
        %run_scoped3A_577 = tpu.sem_alloc : memref<!tpu.dma_semaphore, #tpu.memory_space<semaphore_mem>>
        %dma_start3A_578 = arith.constant 0 : i32
        %dma_start3A_579 = tpu.memref_slice %arg8[%and3A_122, %run_scoped3A_300, %dma_start3A_578] : memref<2x16x128xi32, #tpu.memory_space<vmem>> -> memref<1x1x128xi32, #tpu.memory_space<vmem>>
        %dma_start3A_580 = tpu.memref_squeeze %dma_start3A_579 : memref<1x1x128xi32, #tpu.memory_space<vmem>> -> memref<128xi32, #tpu.memory_space<vmem>>
        %dma_start3A_581 = arith.constant 0 : i32
        %dma_start3A_582 = arith.constant 0 : i32
        %dma_start3A_583 = tpu.memref_slice %arg11[%dma_start3A_581, %dma_start3A_582] : memref<10112x128xf32, #tpu.memory_space<vmem_shared>> -> memref<10112x128xf32, #tpu.memory_space<vmem_shared>>
        tpu.enqueue_indirect_dma source(%arg10 : memref<128x128xf32, #tpu.memory_space<vmem>>) target(%dma_start3A_583 : memref<10112x128xf32, #tpu.memory_space<vmem_shared>>) offsets(%dma_start3A_580 : memref<128xi32, #tpu.memory_space<vmem>>) semaphore(%run_scoped3A_577 : memref<!tpu.dma_semaphore, #tpu.memory_space<semaphore_mem>>) {add = true}
        %dma_wait3A_584 = arith.constant 0 : i32
        %dma_wait3A_585 = tpu.memref_slice %arg8[%and3A_122, %run_scoped3A_300, %dma_wait3A_584] : memref<2x16x128xi32, #tpu.memory_space<vmem>> -> memref<1x1x128xi32, #tpu.memory_space<vmem>>
        %dma_wait3A_586 = tpu.memref_squeeze %dma_wait3A_585 : memref<1x1x128xi32, #tpu.memory_space<vmem>> -> memref<128xi32, #tpu.memory_space<vmem>>
        %dma_wait3A_587 = arith.constant 0 : i32
        %dma_wait3A_588 = arith.constant 0 : i32
        %dma_wait3A_589 = tpu.memref_slice %arg11[%dma_wait3A_587, %dma_wait3A_588] : memref<10112x128xf32, #tpu.memory_space<vmem_shared>> -> memref<10112x128xf32, #tpu.memory_space<vmem_shared>>
        tpu.wait_indirect_dma semaphore(%run_scoped3A_577 : memref<!tpu.dma_semaphore, #tpu.memory_space<semaphore_mem>>) src(%arg10 : memref<128x128xf32, #tpu.memory_space<vmem>>) dst(%dma_wait3A_589 : memref<10112x128xf32, #tpu.memory_space<vmem_shared>>)
        tpu.yield
      }) : () -> ()
      %dma_wait3A_301 = arith.constant 0 : i32
      %dma_wait3A_302 = arith.constant 0 : i32
      %dma_wait3A_303 = arith.constant 0 : i32
      %dma_wait3A_304 = tpu.memref_slice %arg7[%dma_wait3A_301, %dma_wait3A_302, %dma_wait3A_303] : memref<2x16x128xi32, #tpu.memory_space<vmem>> -> memref<1x1x128xi32, #tpu.memory_space<vmem>>
      %dma_wait3A_305 = tpu.memref_squeeze %dma_wait3A_304 : memref<1x1x128xi32, #tpu.memory_space<vmem>> -> memref<128xi32, #tpu.memory_space<vmem>>
      %dma_wait3A_306 = arith.constant 0 : i32
      %dma_wait3A_307 = arith.constant 0 : i32
      %dma_wait3A_308 = tpu.memref_slice %arg2[%dma_wait3A_306, %dma_wait3A_307] : memref<10000x128xf32, #tpu.memory_space<hbm>> -> memref<10000x128xf32, #tpu.memory_space<hbm>>
      tpu.wait_indirect_dma semaphore(%arg13 : memref<!tpu.dma_semaphore, #tpu.memory_space<semaphore_mem>>) src(%dma_wait3A_308 : memref<10000x128xf32, #tpu.memory_space<hbm>>) dst(%arg9 : memref<128x128xf32, #tpu.memory_space<vmem>>)
      %dma_start3A_309 = arith.constant 7 : i32
      %dma_start3A_310 = arith.constant 0 : i32
      %dma_start3A_311 = arith.constant 0 : i32
      %dma_start3A_312 = tpu.memref_slice %arg10[%dma_start3A_310, %dma_start3A_311] : memref<128x128xf32, #tpu.memory_space<vmem>> -> memref<64x128xf32, #tpu.memory_space<vmem>>
      %dma_start3A_313 = arith.constant 0 : i32
      %dma_start3A_314 = tpu.memref_slice %arg7[%and3A_122, %dma_start3A_309, %dma_start3A_313] : memref<2x16x128xi32, #tpu.memory_space<vmem>> -> memref<1x1x64xi32, #tpu.memory_space<vmem>>
      %dma_start3A_315 = tpu.memref_squeeze %dma_start3A_314 : memref<1x1x64xi32, #tpu.memory_space<vmem>> -> memref<64xi32, #tpu.memory_space<vmem>>
      %dma_start3A_316 = arith.constant 0 : i32
      %dma_start3A_317 = arith.constant 0 : i32
      %dma_start3A_318 = tpu.memref_slice %arg2[%dma_start3A_316, %dma_start3A_317] : memref<10000x128xf32, #tpu.memory_space<hbm>> -> memref<10000x128xf32, #tpu.memory_space<hbm>>
      tpu.enqueue_indirect_dma source(%dma_start3A_318 : memref<10000x128xf32, #tpu.memory_space<hbm>>) target(%dma_start3A_312 : memref<64x128xf32, #tpu.memory_space<vmem>>) offsets(%dma_start3A_315 : memref<64xi32, #tpu.memory_space<vmem>>) semaphore(%arg14 : memref<!tpu.dma_semaphore, #tpu.memory_space<semaphore_mem>>)
      %dma_start3A_319 = arith.constant 7 : i32
      %dma_start3A_320 = arith.constant 64 : i32
      %dma_start3A_321 = arith.constant 0 : i32
      %dma_start3A_322 = tpu.memref_slice %arg10[%dma_start3A_320, %dma_start3A_321] : memref<128x128xf32, #tpu.memory_space<vmem>> -> memref<64x128xf32, #tpu.memory_space<vmem>>
      %dma_start3A_323 = arith.constant 64 : i32
      %dma_start3A_324 = tpu.memref_slice %arg7[%and3A_122, %dma_start3A_319, %dma_start3A_323] : memref<2x16x128xi32, #tpu.memory_space<vmem>> -> memref<1x1x64xi32, #tpu.memory_space<vmem>>
      %dma_start3A_325 = tpu.memref_squeeze %dma_start3A_324 : memref<1x1x64xi32, #tpu.memory_space<vmem>> -> memref<64xi32, #tpu.memory_space<vmem>>
      %dma_start3A_326 = arith.constant 0 : i32
      %dma_start3A_327 = arith.constant 0 : i32
      %dma_start3A_328 = tpu.memref_slice %arg2[%dma_start3A_326, %dma_start3A_327] : memref<10000x128xf32, #tpu.memory_space<hbm>> -> memref<10000x128xf32, #tpu.memory_space<hbm>>
      tpu.enqueue_indirect_dma source(%dma_start3A_328 : memref<10000x128xf32, #tpu.memory_space<hbm>>) target(%dma_start3A_322 : memref<64x128xf32, #tpu.memory_space<vmem>>) offsets(%dma_start3A_325 : memref<64xi32, #tpu.memory_space<vmem>>) semaphore(%arg14 : memref<!tpu.dma_semaphore, #tpu.memory_space<semaphore_mem>>)
      %run_scoped3A_329 = arith.constant 6 : i32
      "tpu.region"() ({
        %run_scoped3A_577 = tpu.sem_alloc : memref<!tpu.dma_semaphore, #tpu.memory_space<semaphore_mem>>
        %dma_start3A_578 = arith.constant 0 : i32
        %dma_start3A_579 = tpu.memref_slice %arg8[%and3A_122, %run_scoped3A_329, %dma_start3A_578] : memref<2x16x128xi32, #tpu.memory_space<vmem>> -> memref<1x1x128xi32, #tpu.memory_space<vmem>>
        %dma_start3A_580 = tpu.memref_squeeze %dma_start3A_579 : memref<1x1x128xi32, #tpu.memory_space<vmem>> -> memref<128xi32, #tpu.memory_space<vmem>>
        %dma_start3A_581 = arith.constant 0 : i32
        %dma_start3A_582 = arith.constant 0 : i32
        %dma_start3A_583 = tpu.memref_slice %arg11[%dma_start3A_581, %dma_start3A_582] : memref<10112x128xf32, #tpu.memory_space<vmem_shared>> -> memref<10112x128xf32, #tpu.memory_space<vmem_shared>>
        tpu.enqueue_indirect_dma source(%arg9 : memref<128x128xf32, #tpu.memory_space<vmem>>) target(%dma_start3A_583 : memref<10112x128xf32, #tpu.memory_space<vmem_shared>>) offsets(%dma_start3A_580 : memref<128xi32, #tpu.memory_space<vmem>>) semaphore(%run_scoped3A_577 : memref<!tpu.dma_semaphore, #tpu.memory_space<semaphore_mem>>) {add = true}
        %dma_wait3A_584 = arith.constant 0 : i32
        %dma_wait3A_585 = tpu.memref_slice %arg8[%and3A_122, %run_scoped3A_329, %dma_wait3A_584] : memref<2x16x128xi32, #tpu.memory_space<vmem>> -> memref<1x1x128xi32, #tpu.memory_space<vmem>>
        %dma_wait3A_586 = tpu.memref_squeeze %dma_wait3A_585 : memref<1x1x128xi32, #tpu.memory_space<vmem>> -> memref<128xi32, #tpu.memory_space<vmem>>
        %dma_wait3A_587 = arith.constant 0 : i32
        %dma_wait3A_588 = arith.constant 0 : i32
        %dma_wait3A_589 = tpu.memref_slice %arg11[%dma_wait3A_587, %dma_wait3A_588] : memref<10112x128xf32, #tpu.memory_space<vmem_shared>> -> memref<10112x128xf32, #tpu.memory_space<vmem_shared>>
        tpu.wait_indirect_dma semaphore(%run_scoped3A_577 : memref<!tpu.dma_semaphore, #tpu.memory_space<semaphore_mem>>) src(%arg9 : memref<128x128xf32, #tpu.memory_space<vmem>>) dst(%dma_wait3A_589 : memref<10112x128xf32, #tpu.memory_space<vmem_shared>>)
        tpu.yield
      }) : () -> ()
      %dma_wait3A_330 = arith.constant 0 : i32
      %dma_wait3A_331 = arith.constant 0 : i32
      %dma_wait3A_332 = arith.constant 0 : i32
      %dma_wait3A_333 = tpu.memref_slice %arg7[%dma_wait3A_330, %dma_wait3A_331, %dma_wait3A_332] : memref<2x16x128xi32, #tpu.memory_space<vmem>> -> memref<1x1x128xi32, #tpu.memory_space<vmem>>
      %dma_wait3A_334 = tpu.memref_squeeze %dma_wait3A_333 : memref<1x1x128xi32, #tpu.memory_space<vmem>> -> memref<128xi32, #tpu.memory_space<vmem>>
      %dma_wait3A_335 = arith.constant 0 : i32
      %dma_wait3A_336 = arith.constant 0 : i32
      %dma_wait3A_337 = tpu.memref_slice %arg2[%dma_wait3A_335, %dma_wait3A_336] : memref<10000x128xf32, #tpu.memory_space<hbm>> -> memref<10000x128xf32, #tpu.memory_space<hbm>>
      tpu.wait_indirect_dma semaphore(%arg14 : memref<!tpu.dma_semaphore, #tpu.memory_space<semaphore_mem>>) src(%dma_wait3A_337 : memref<10000x128xf32, #tpu.memory_space<hbm>>) dst(%arg10 : memref<128x128xf32, #tpu.memory_space<vmem>>)
      %dma_start3A_338 = arith.constant 8 : i32
      %dma_start3A_339 = arith.constant 0 : i32
      %dma_start3A_340 = arith.constant 0 : i32
      %dma_start3A_341 = tpu.memref_slice %arg9[%dma_start3A_339, %dma_start3A_340] : memref<128x128xf32, #tpu.memory_space<vmem>> -> memref<64x128xf32, #tpu.memory_space<vmem>>
      %dma_start3A_342 = arith.constant 0 : i32
      %dma_start3A_343 = tpu.memref_slice %arg7[%and3A_122, %dma_start3A_338, %dma_start3A_342] : memref<2x16x128xi32, #tpu.memory_space<vmem>> -> memref<1x1x64xi32, #tpu.memory_space<vmem>>
      %dma_start3A_344 = tpu.memref_squeeze %dma_start3A_343 : memref<1x1x64xi32, #tpu.memory_space<vmem>> -> memref<64xi32, #tpu.memory_space<vmem>>
      %dma_start3A_345 = arith.constant 0 : i32
      %dma_start3A_346 = arith.constant 0 : i32
      %dma_start3A_347 = tpu.memref_slice %arg2[%dma_start3A_345, %dma_start3A_346] : memref<10000x128xf32, #tpu.memory_space<hbm>> -> memref<10000x128xf32, #tpu.memory_space<hbm>>
      tpu.enqueue_indirect_dma source(%dma_start3A_347 : memref<10000x128xf32, #tpu.memory_space<hbm>>) target(%dma_start3A_341 : memref<64x128xf32, #tpu.memory_space<vmem>>) offsets(%dma_start3A_344 : memref<64xi32, #tpu.memory_space<vmem>>) semaphore(%arg13 : memref<!tpu.dma_semaphore, #tpu.memory_space<semaphore_mem>>)
      %dma_start3A_348 = arith.constant 8 : i32
      %dma_start3A_349 = arith.constant 64 : i32
      %dma_start3A_350 = arith.constant 0 : i32
      %dma_start3A_351 = tpu.memref_slice %arg9[%dma_start3A_349, %dma_start3A_350] : memref<128x128xf32, #tpu.memory_space<vmem>> -> memref<64x128xf32, #tpu.memory_space<vmem>>
      %dma_start3A_352 = arith.constant 64 : i32
      %dma_start3A_353 = tpu.memref_slice %arg7[%and3A_122, %dma_start3A_348, %dma_start3A_352] : memref<2x16x128xi32, #tpu.memory_space<vmem>> -> memref<1x1x64xi32, #tpu.memory_space<vmem>>
      %dma_start3A_354 = tpu.memref_squeeze %dma_start3A_353 : memref<1x1x64xi32, #tpu.memory_space<vmem>> -> memref<64xi32, #tpu.memory_space<vmem>>
      %dma_start3A_355 = arith.constant 0 : i32
      %dma_start3A_356 = arith.constant 0 : i32
      %dma_start3A_357 = tpu.memref_slice %arg2[%dma_start3A_355, %dma_start3A_356] : memref<10000x128xf32, #tpu.memory_space<hbm>> -> memref<10000x128xf32, #tpu.memory_space<hbm>>
      tpu.enqueue_indirect_dma source(%dma_start3A_357 : memref<10000x128xf32, #tpu.memory_space<hbm>>) target(%dma_start3A_351 : memref<64x128xf32, #tpu.memory_space<vmem>>) offsets(%dma_start3A_354 : memref<64xi32, #tpu.memory_space<vmem>>) semaphore(%arg13 : memref<!tpu.dma_semaphore, #tpu.memory_space<semaphore_mem>>)
      %run_scoped3A_358 = arith.constant 7 : i32
      "tpu.region"() ({
        %run_scoped3A_577 = tpu.sem_alloc : memref<!tpu.dma_semaphore, #tpu.memory_space<semaphore_mem>>
        %dma_start3A_578 = arith.constant 0 : i32
        %dma_start3A_579 = tpu.memref_slice %arg8[%and3A_122, %run_scoped3A_358, %dma_start3A_578] : memref<2x16x128xi32, #tpu.memory_space<vmem>> -> memref<1x1x128xi32, #tpu.memory_space<vmem>>
        %dma_start3A_580 = tpu.memref_squeeze %dma_start3A_579 : memref<1x1x128xi32, #tpu.memory_space<vmem>> -> memref<128xi32, #tpu.memory_space<vmem>>
        %dma_start3A_581 = arith.constant 0 : i32
        %dma_start3A_582 = arith.constant 0 : i32
        %dma_start3A_583 = tpu.memref_slice %arg11[%dma_start3A_581, %dma_start3A_582] : memref<10112x128xf32, #tpu.memory_space<vmem_shared>> -> memref<10112x128xf32, #tpu.memory_space<vmem_shared>>
        tpu.enqueue_indirect_dma source(%arg10 : memref<128x128xf32, #tpu.memory_space<vmem>>) target(%dma_start3A_583 : memref<10112x128xf32, #tpu.memory_space<vmem_shared>>) offsets(%dma_start3A_580 : memref<128xi32, #tpu.memory_space<vmem>>) semaphore(%run_scoped3A_577 : memref<!tpu.dma_semaphore, #tpu.memory_space<semaphore_mem>>) {add = true}
        %dma_wait3A_584 = arith.constant 0 : i32
        %dma_wait3A_585 = tpu.memref_slice %arg8[%and3A_122, %run_scoped3A_358, %dma_wait3A_584] : memref<2x16x128xi32, #tpu.memory_space<vmem>> -> memref<1x1x128xi32, #tpu.memory_space<vmem>>
        %dma_wait3A_586 = tpu.memref_squeeze %dma_wait3A_585 : memref<1x1x128xi32, #tpu.memory_space<vmem>> -> memref<128xi32, #tpu.memory_space<vmem>>
        %dma_wait3A_587 = arith.constant 0 : i32
        %dma_wait3A_588 = arith.constant 0 : i32
        %dma_wait3A_589 = tpu.memref_slice %arg11[%dma_wait3A_587, %dma_wait3A_588] : memref<10112x128xf32, #tpu.memory_space<vmem_shared>> -> memref<10112x128xf32, #tpu.memory_space<vmem_shared>>
        tpu.wait_indirect_dma semaphore(%run_scoped3A_577 : memref<!tpu.dma_semaphore, #tpu.memory_space<semaphore_mem>>) src(%arg10 : memref<128x128xf32, #tpu.memory_space<vmem>>) dst(%dma_wait3A_589 : memref<10112x128xf32, #tpu.memory_space<vmem_shared>>)
        tpu.yield
      }) : () -> ()
      %dma_wait3A_359 = arith.constant 0 : i32
      %dma_wait3A_360 = arith.constant 0 : i32
      %dma_wait3A_361 = arith.constant 0 : i32
      %dma_wait3A_362 = tpu.memref_slice %arg7[%dma_wait3A_359, %dma_wait3A_360, %dma_wait3A_361] : memref<2x16x128xi32, #tpu.memory_space<vmem>> -> memref<1x1x128xi32, #tpu.memory_space<vmem>>
      %dma_wait3A_363 = tpu.memref_squeeze %dma_wait3A_362 : memref<1x1x128xi32, #tpu.memory_space<vmem>> -> memref<128xi32, #tpu.memory_space<vmem>>
      %dma_wait3A_364 = arith.constant 0 : i32
      %dma_wait3A_365 = arith.constant 0 : i32
      %dma_wait3A_366 = tpu.memref_slice %arg2[%dma_wait3A_364, %dma_wait3A_365] : memref<10000x128xf32, #tpu.memory_space<hbm>> -> memref<10000x128xf32, #tpu.memory_space<hbm>>
      tpu.wait_indirect_dma semaphore(%arg13 : memref<!tpu.dma_semaphore, #tpu.memory_space<semaphore_mem>>) src(%dma_wait3A_366 : memref<10000x128xf32, #tpu.memory_space<hbm>>) dst(%arg9 : memref<128x128xf32, #tpu.memory_space<vmem>>)
      %dma_start3A_367 = arith.constant 9 : i32
      %dma_start3A_368 = arith.constant 0 : i32
      %dma_start3A_369 = arith.constant 0 : i32
      %dma_start3A_370 = tpu.memref_slice %arg10[%dma_start3A_368, %dma_start3A_369] : memref<128x128xf32, #tpu.memory_space<vmem>> -> memref<64x128xf32, #tpu.memory_space<vmem>>
      %dma_start3A_371 = arith.constant 0 : i32
      %dma_start3A_372 = tpu.memref_slice %arg7[%and3A_122, %dma_start3A_367, %dma_start3A_371] : memref<2x16x128xi32, #tpu.memory_space<vmem>> -> memref<1x1x64xi32, #tpu.memory_space<vmem>>
      %dma_start3A_373 = tpu.memref_squeeze %dma_start3A_372 : memref<1x1x64xi32, #tpu.memory_space<vmem>> -> memref<64xi32, #tpu.memory_space<vmem>>
      %dma_start3A_374 = arith.constant 0 : i32
      %dma_start3A_375 = arith.constant 0 : i32
      %dma_start3A_376 = tpu.memref_slice %arg2[%dma_start3A_374, %dma_start3A_375] : memref<10000x128xf32, #tpu.memory_space<hbm>> -> memref<10000x128xf32, #tpu.memory_space<hbm>>
      tpu.enqueue_indirect_dma source(%dma_start3A_376 : memref<10000x128xf32, #tpu.memory_space<hbm>>) target(%dma_start3A_370 : memref<64x128xf32, #tpu.memory_space<vmem>>) offsets(%dma_start3A_373 : memref<64xi32, #tpu.memory_space<vmem>>) semaphore(%arg14 : memref<!tpu.dma_semaphore, #tpu.memory_space<semaphore_mem>>)
      %dma_start3A_377 = arith.constant 9 : i32
      %dma_start3A_378 = arith.constant 64 : i32
      %dma_start3A_379 = arith.constant 0 : i32
      %dma_start3A_380 = tpu.memref_slice %arg10[%dma_start3A_378, %dma_start3A_379] : memref<128x128xf32, #tpu.memory_space<vmem>> -> memref<64x128xf32, #tpu.memory_space<vmem>>
      %dma_start3A_381 = arith.constant 64 : i32
      %dma_start3A_382 = tpu.memref_slice %arg7[%and3A_122, %dma_start3A_377, %dma_start3A_381] : memref<2x16x128xi32, #tpu.memory_space<vmem>> -> memref<1x1x64xi32, #tpu.memory_space<vmem>>
      %dma_start3A_383 = tpu.memref_squeeze %dma_start3A_382 : memref<1x1x64xi32, #tpu.memory_space<vmem>> -> memref<64xi32, #tpu.memory_space<vmem>>
      %dma_start3A_384 = arith.constant 0 : i32
      %dma_start3A_385 = arith.constant 0 : i32
      %dma_start3A_386 = tpu.memref_slice %arg2[%dma_start3A_384, %dma_start3A_385] : memref<10000x128xf32, #tpu.memory_space<hbm>> -> memref<10000x128xf32, #tpu.memory_space<hbm>>
      tpu.enqueue_indirect_dma source(%dma_start3A_386 : memref<10000x128xf32, #tpu.memory_space<hbm>>) target(%dma_start3A_380 : memref<64x128xf32, #tpu.memory_space<vmem>>) offsets(%dma_start3A_383 : memref<64xi32, #tpu.memory_space<vmem>>) semaphore(%arg14 : memref<!tpu.dma_semaphore, #tpu.memory_space<semaphore_mem>>)
      %run_scoped3A_387 = arith.constant 8 : i32
      "tpu.region"() ({
        %run_scoped3A_577 = tpu.sem_alloc : memref<!tpu.dma_semaphore, #tpu.memory_space<semaphore_mem>>
        %dma_start3A_578 = arith.constant 0 : i32
        %dma_start3A_579 = tpu.memref_slice %arg8[%and3A_122, %run_scoped3A_387, %dma_start3A_578] : memref<2x16x128xi32, #tpu.memory_space<vmem>> -> memref<1x1x128xi32, #tpu.memory_space<vmem>>
        %dma_start3A_580 = tpu.memref_squeeze %dma_start3A_579 : memref<1x1x128xi32, #tpu.memory_space<vmem>> -> memref<128xi32, #tpu.memory_space<vmem>>
        %dma_start3A_581 = arith.constant 0 : i32
        %dma_start3A_582 = arith.constant 0 : i32
        %dma_start3A_583 = tpu.memref_slice %arg11[%dma_start3A_581, %dma_start3A_582] : memref<10112x128xf32, #tpu.memory_space<vmem_shared>> -> memref<10112x128xf32, #tpu.memory_space<vmem_shared>>
        tpu.enqueue_indirect_dma source(%arg9 : memref<128x128xf32, #tpu.memory_space<vmem>>) target(%dma_start3A_583 : memref<10112x128xf32, #tpu.memory_space<vmem_shared>>) offsets(%dma_start3A_580 : memref<128xi32, #tpu.memory_space<vmem>>) semaphore(%run_scoped3A_577 : memref<!tpu.dma_semaphore, #tpu.memory_space<semaphore_mem>>) {add = true}
        %dma_wait3A_584 = arith.constant 0 : i32
        %dma_wait3A_585 = tpu.memref_slice %arg8[%and3A_122, %run_scoped3A_387, %dma_wait3A_584] : memref<2x16x128xi32, #tpu.memory_space<vmem>> -> memref<1x1x128xi32, #tpu.memory_space<vmem>>
        %dma_wait3A_586 = tpu.memref_squeeze %dma_wait3A_585 : memref<1x1x128xi32, #tpu.memory_space<vmem>> -> memref<128xi32, #tpu.memory_space<vmem>>
        %dma_wait3A_587 = arith.constant 0 : i32
        %dma_wait3A_588 = arith.constant 0 : i32
        %dma_wait3A_589 = tpu.memref_slice %arg11[%dma_wait3A_587, %dma_wait3A_588] : memref<10112x128xf32, #tpu.memory_space<vmem_shared>> -> memref<10112x128xf32, #tpu.memory_space<vmem_shared>>
        tpu.wait_indirect_dma semaphore(%run_scoped3A_577 : memref<!tpu.dma_semaphore, #tpu.memory_space<semaphore_mem>>) src(%arg9 : memref<128x128xf32, #tpu.memory_space<vmem>>) dst(%dma_wait3A_589 : memref<10112x128xf32, #tpu.memory_space<vmem_shared>>)
        tpu.yield
      }) : () -> ()
      %dma_wait3A_388 = arith.constant 0 : i32
      %dma_wait3A_389 = arith.constant 0 : i32
      %dma_wait3A_390 = arith.constant 0 : i32
      %dma_wait3A_391 = tpu.memref_slice %arg7[%dma_wait3A_388, %dma_wait3A_389, %dma_wait3A_390] : memref<2x16x128xi32, #tpu.memory_space<vmem>> -> memref<1x1x128xi32, #tpu.memory_space<vmem>>
      %dma_wait3A_392 = tpu.memref_squeeze %dma_wait3A_391 : memref<1x1x128xi32, #tpu.memory_space<vmem>> -> memref<128xi32, #tpu.memory_space<vmem>>
      %dma_wait3A_393 = arith.constant 0 : i32
      %dma_wait3A_394 = arith.constant 0 : i32
      %dma_wait3A_395 = tpu.memref_slice %arg2[%dma_wait3A_393, %dma_wait3A_394] : memref<10000x128xf32, #tpu.memory_space<hbm>> -> memref<10000x128xf32, #tpu.memory_space<hbm>>
      tpu.wait_indirect_dma semaphore(%arg14 : memref<!tpu.dma_semaphore, #tpu.memory_space<semaphore_mem>>) src(%dma_wait3A_395 : memref<10000x128xf32, #tpu.memory_space<hbm>>) dst(%arg10 : memref<128x128xf32, #tpu.memory_space<vmem>>)
      %dma_start3A_396 = arith.constant 10 : i32
      %dma_start3A_397 = arith.constant 0 : i32
      %dma_start3A_398 = arith.constant 0 : i32
      %dma_start3A_399 = tpu.memref_slice %arg9[%dma_start3A_397, %dma_start3A_398] : memref<128x128xf32, #tpu.memory_space<vmem>> -> memref<64x128xf32, #tpu.memory_space<vmem>>
      %dma_start3A_400 = arith.constant 0 : i32
      %dma_start3A_401 = tpu.memref_slice %arg7[%and3A_122, %dma_start3A_396, %dma_start3A_400] : memref<2x16x128xi32, #tpu.memory_space<vmem>> -> memref<1x1x64xi32, #tpu.memory_space<vmem>>
      %dma_start3A_402 = tpu.memref_squeeze %dma_start3A_401 : memref<1x1x64xi32, #tpu.memory_space<vmem>> -> memref<64xi32, #tpu.memory_space<vmem>>
      %dma_start3A_403 = arith.constant 0 : i32
      %dma_start3A_404 = arith.constant 0 : i32
      %dma_start3A_405 = tpu.memref_slice %arg2[%dma_start3A_403, %dma_start3A_404] : memref<10000x128xf32, #tpu.memory_space<hbm>> -> memref<10000x128xf32, #tpu.memory_space<hbm>>
      tpu.enqueue_indirect_dma source(%dma_start3A_405 : memref<10000x128xf32, #tpu.memory_space<hbm>>) target(%dma_start3A_399 : memref<64x128xf32, #tpu.memory_space<vmem>>) offsets(%dma_start3A_402 : memref<64xi32, #tpu.memory_space<vmem>>) semaphore(%arg13 : memref<!tpu.dma_semaphore, #tpu.memory_space<semaphore_mem>>)
      %dma_start3A_406 = arith.constant 10 : i32
      %dma_start3A_407 = arith.constant 64 : i32
      %dma_start3A_408 = arith.constant 0 : i32
      %dma_start3A_409 = tpu.memref_slice %arg9[%dma_start3A_407, %dma_start3A_408] : memref<128x128xf32, #tpu.memory_space<vmem>> -> memref<64x128xf32, #tpu.memory_space<vmem>>
      %dma_start3A_410 = arith.constant 64 : i32
      %dma_start3A_411 = tpu.memref_slice %arg7[%and3A_122, %dma_start3A_406, %dma_start3A_410] : memref<2x16x128xi32, #tpu.memory_space<vmem>> -> memref<1x1x64xi32, #tpu.memory_space<vmem>>
      %dma_start3A_412 = tpu.memref_squeeze %dma_start3A_411 : memref<1x1x64xi32, #tpu.memory_space<vmem>> -> memref<64xi32, #tpu.memory_space<vmem>>
      %dma_start3A_413 = arith.constant 0 : i32
      %dma_start3A_414 = arith.constant 0 : i32
      %dma_start3A_415 = tpu.memref_slice %arg2[%dma_start3A_413, %dma_start3A_414] : memref<10000x128xf32, #tpu.memory_space<hbm>> -> memref<10000x128xf32, #tpu.memory_space<hbm>>
      tpu.enqueue_indirect_dma source(%dma_start3A_415 : memref<10000x128xf32, #tpu.memory_space<hbm>>) target(%dma_start3A_409 : memref<64x128xf32, #tpu.memory_space<vmem>>) offsets(%dma_start3A_412 : memref<64xi32, #tpu.memory_space<vmem>>) semaphore(%arg13 : memref<!tpu.dma_semaphore, #tpu.memory_space<semaphore_mem>>)
      %run_scoped3A_416 = arith.constant 9 : i32
      "tpu.region"() ({
        %run_scoped3A_577 = tpu.sem_alloc : memref<!tpu.dma_semaphore, #tpu.memory_space<semaphore_mem>>
        %dma_start3A_578 = arith.constant 0 : i32
        %dma_start3A_579 = tpu.memref_slice %arg8[%and3A_122, %run_scoped3A_416, %dma_start3A_578] : memref<2x16x128xi32, #tpu.memory_space<vmem>> -> memref<1x1x128xi32, #tpu.memory_space<vmem>>
        %dma_start3A_580 = tpu.memref_squeeze %dma_start3A_579 : memref<1x1x128xi32, #tpu.memory_space<vmem>> -> memref<128xi32, #tpu.memory_space<vmem>>
        %dma_start3A_581 = arith.constant 0 : i32
        %dma_start3A_582 = arith.constant 0 : i32
        %dma_start3A_583 = tpu.memref_slice %arg11[%dma_start3A_581, %dma_start3A_582] : memref<10112x128xf32, #tpu.memory_space<vmem_shared>> -> memref<10112x128xf32, #tpu.memory_space<vmem_shared>>
        tpu.enqueue_indirect_dma source(%arg10 : memref<128x128xf32, #tpu.memory_space<vmem>>) target(%dma_start3A_583 : memref<10112x128xf32, #tpu.memory_space<vmem_shared>>) offsets(%dma_start3A_580 : memref<128xi32, #tpu.memory_space<vmem>>) semaphore(%run_scoped3A_577 : memref<!tpu.dma_semaphore, #tpu.memory_space<semaphore_mem>>) {add = true}
        %dma_wait3A_584 = arith.constant 0 : i32
        %dma_wait3A_585 = tpu.memref_slice %arg8[%and3A_122, %run_scoped3A_416, %dma_wait3A_584] : memref<2x16x128xi32, #tpu.memory_space<vmem>> -> memref<1x1x128xi32, #tpu.memory_space<vmem>>
        %dma_wait3A_586 = tpu.memref_squeeze %dma_wait3A_585 : memref<1x1x128xi32, #tpu.memory_space<vmem>> -> memref<128xi32, #tpu.memory_space<vmem>>
        %dma_wait3A_587 = arith.constant 0 : i32
        %dma_wait3A_588 = arith.constant 0 : i32
        %dma_wait3A_589 = tpu.memref_slice %arg11[%dma_wait3A_587, %dma_wait3A_588] : memref<10112x128xf32, #tpu.memory_space<vmem_shared>> -> memref<10112x128xf32, #tpu.memory_space<vmem_shared>>
        tpu.wait_indirect_dma semaphore(%run_scoped3A_577 : memref<!tpu.dma_semaphore, #tpu.memory_space<semaphore_mem>>) src(%arg10 : memref<128x128xf32, #tpu.memory_space<vmem>>) dst(%dma_wait3A_589 : memref<10112x128xf32, #tpu.memory_space<vmem_shared>>)
        tpu.yield
      }) : () -> ()
      %dma_wait3A_417 = arith.constant 0 : i32
      %dma_wait3A_418 = arith.constant 0 : i32
      %dma_wait3A_419 = arith.constant 0 : i32
      %dma_wait3A_420 = tpu.memref_slice %arg7[%dma_wait3A_417, %dma_wait3A_418, %dma_wait3A_419] : memref<2x16x128xi32, #tpu.memory_space<vmem>> -> memref<1x1x128xi32, #tpu.memory_space<vmem>>
      %dma_wait3A_421 = tpu.memref_squeeze %dma_wait3A_420 : memref<1x1x128xi32, #tpu.memory_space<vmem>> -> memref<128xi32, #tpu.memory_space<vmem>>
      %dma_wait3A_422 = arith.constant 0 : i32
      %dma_wait3A_423 = arith.constant 0 : i32
      %dma_wait3A_424 = tpu.memref_slice %arg2[%dma_wait3A_422, %dma_wait3A_423] : memref<10000x128xf32, #tpu.memory_space<hbm>> -> memref<10000x128xf32, #tpu.memory_space<hbm>>
      tpu.wait_indirect_dma semaphore(%arg13 : memref<!tpu.dma_semaphore, #tpu.memory_space<semaphore_mem>>) src(%dma_wait3A_424 : memref<10000x128xf32, #tpu.memory_space<hbm>>) dst(%arg9 : memref<128x128xf32, #tpu.memory_space<vmem>>)
      %dma_start3A_425 = arith.constant 11 : i32
      %dma_start3A_426 = arith.constant 0 : i32
      %dma_start3A_427 = arith.constant 0 : i32
      %dma_start3A_428 = tpu.memref_slice %arg10[%dma_start3A_426, %dma_start3A_427] : memref<128x128xf32, #tpu.memory_space<vmem>> -> memref<64x128xf32, #tpu.memory_space<vmem>>
      %dma_start3A_429 = arith.constant 0 : i32
      %dma_start3A_430 = tpu.memref_slice %arg7[%and3A_122, %dma_start3A_425, %dma_start3A_429] : memref<2x16x128xi32, #tpu.memory_space<vmem>> -> memref<1x1x64xi32, #tpu.memory_space<vmem>>
      %dma_start3A_431 = tpu.memref_squeeze %dma_start3A_430 : memref<1x1x64xi32, #tpu.memory_space<vmem>> -> memref<64xi32, #tpu.memory_space<vmem>>
      %dma_start3A_432 = arith.constant 0 : i32
      %dma_start3A_433 = arith.constant 0 : i32
      %dma_start3A_434 = tpu.memref_slice %arg2[%dma_start3A_432, %dma_start3A_433] : memref<10000x128xf32, #tpu.memory_space<hbm>> -> memref<10000x128xf32, #tpu.memory_space<hbm>>
      tpu.enqueue_indirect_dma source(%dma_start3A_434 : memref<10000x128xf32, #tpu.memory_space<hbm>>) target(%dma_start3A_428 : memref<64x128xf32, #tpu.memory_space<vmem>>) offsets(%dma_start3A_431 : memref<64xi32, #tpu.memory_space<vmem>>) semaphore(%arg14 : memref<!tpu.dma_semaphore, #tpu.memory_space<semaphore_mem>>)
      %dma_start3A_435 = arith.constant 11 : i32
      %dma_start3A_436 = arith.constant 64 : i32
      %dma_start3A_437 = arith.constant 0 : i32
      %dma_start3A_438 = tpu.memref_slice %arg10[%dma_start3A_436, %dma_start3A_437] : memref<128x128xf32, #tpu.memory_space<vmem>> -> memref<64x128xf32, #tpu.memory_space<vmem>>
      %dma_start3A_439 = arith.constant 64 : i32
      %dma_start3A_440 = tpu.memref_slice %arg7[%and3A_122, %dma_start3A_435, %dma_start3A_439] : memref<2x16x128xi32, #tpu.memory_space<vmem>> -> memref<1x1x64xi32, #tpu.memory_space<vmem>>
      %dma_start3A_441 = tpu.memref_squeeze %dma_start3A_440 : memref<1x1x64xi32, #tpu.memory_space<vmem>> -> memref<64xi32, #tpu.memory_space<vmem>>
      %dma_start3A_442 = arith.constant 0 : i32
      %dma_start3A_443 = arith.constant 0 : i32
      %dma_start3A_444 = tpu.memref_slice %arg2[%dma_start3A_442, %dma_start3A_443] : memref<10000x128xf32, #tpu.memory_space<hbm>> -> memref<10000x128xf32, #tpu.memory_space<hbm>>
      tpu.enqueue_indirect_dma source(%dma_start3A_444 : memref<10000x128xf32, #tpu.memory_space<hbm>>) target(%dma_start3A_438 : memref<64x128xf32, #tpu.memory_space<vmem>>) offsets(%dma_start3A_441 : memref<64xi32, #tpu.memory_space<vmem>>) semaphore(%arg14 : memref<!tpu.dma_semaphore, #tpu.memory_space<semaphore_mem>>)
      %run_scoped3A_445 = arith.constant 10 : i32
      "tpu.region"() ({
        %run_scoped3A_577 = tpu.sem_alloc : memref<!tpu.dma_semaphore, #tpu.memory_space<semaphore_mem>>
        %dma_start3A_578 = arith.constant 0 : i32
        %dma_start3A_579 = tpu.memref_slice %arg8[%and3A_122, %run_scoped3A_445, %dma_start3A_578] : memref<2x16x128xi32, #tpu.memory_space<vmem>> -> memref<1x1x128xi32, #tpu.memory_space<vmem>>
        %dma_start3A_580 = tpu.memref_squeeze %dma_start3A_579 : memref<1x1x128xi32, #tpu.memory_space<vmem>> -> memref<128xi32, #tpu.memory_space<vmem>>
        %dma_start3A_581 = arith.constant 0 : i32
        %dma_start3A_582 = arith.constant 0 : i32
        %dma_start3A_583 = tpu.memref_slice %arg11[%dma_start3A_581, %dma_start3A_582] : memref<10112x128xf32, #tpu.memory_space<vmem_shared>> -> memref<10112x128xf32, #tpu.memory_space<vmem_shared>>
        tpu.enqueue_indirect_dma source(%arg9 : memref<128x128xf32, #tpu.memory_space<vmem>>) target(%dma_start3A_583 : memref<10112x128xf32, #tpu.memory_space<vmem_shared>>) offsets(%dma_start3A_580 : memref<128xi32, #tpu.memory_space<vmem>>) semaphore(%run_scoped3A_577 : memref<!tpu.dma_semaphore, #tpu.memory_space<semaphore_mem>>) {add = true}
        %dma_wait3A_584 = arith.constant 0 : i32
        %dma_wait3A_585 = tpu.memref_slice %arg8[%and3A_122, %run_scoped3A_445, %dma_wait3A_584] : memref<2x16x128xi32, #tpu.memory_space<vmem>> -> memref<1x1x128xi32, #tpu.memory_space<vmem>>
        %dma_wait3A_586 = tpu.memref_squeeze %dma_wait3A_585 : memref<1x1x128xi32, #tpu.memory_space<vmem>> -> memref<128xi32, #tpu.memory_space<vmem>>
        %dma_wait3A_587 = arith.constant 0 : i32
        %dma_wait3A_588 = arith.constant 0 : i32
        %dma_wait3A_589 = tpu.memref_slice %arg11[%dma_wait3A_587, %dma_wait3A_588] : memref<10112x128xf32, #tpu.memory_space<vmem_shared>> -> memref<10112x128xf32, #tpu.memory_space<vmem_shared>>
        tpu.wait_indirect_dma semaphore(%run_scoped3A_577 : memref<!tpu.dma_semaphore, #tpu.memory_space<semaphore_mem>>) src(%arg9 : memref<128x128xf32, #tpu.memory_space<vmem>>) dst(%dma_wait3A_589 : memref<10112x128xf32, #tpu.memory_space<vmem_shared>>)
        tpu.yield
      }) : () -> ()
      %dma_wait3A_446 = arith.constant 0 : i32
      %dma_wait3A_447 = arith.constant 0 : i32
      %dma_wait3A_448 = arith.constant 0 : i32
      %dma_wait3A_449 = tpu.memref_slice %arg7[%dma_wait3A_446, %dma_wait3A_447, %dma_wait3A_448] : memref<2x16x128xi32, #tpu.memory_space<vmem>> -> memref<1x1x128xi32, #tpu.memory_space<vmem>>
      %dma_wait3A_450 = tpu.memref_squeeze %dma_wait3A_449 : memref<1x1x128xi32, #tpu.memory_space<vmem>> -> memref<128xi32, #tpu.memory_space<vmem>>
      %dma_wait3A_451 = arith.constant 0 : i32
      %dma_wait3A_452 = arith.constant 0 : i32
      %dma_wait3A_453 = tpu.memref_slice %arg2[%dma_wait3A_451, %dma_wait3A_452] : memref<10000x128xf32, #tpu.memory_space<hbm>> -> memref<10000x128xf32, #tpu.memory_space<hbm>>
      tpu.wait_indirect_dma semaphore(%arg14 : memref<!tpu.dma_semaphore, #tpu.memory_space<semaphore_mem>>) src(%dma_wait3A_453 : memref<10000x128xf32, #tpu.memory_space<hbm>>) dst(%arg10 : memref<128x128xf32, #tpu.memory_space<vmem>>)
      %dma_start3A_454 = arith.constant 12 : i32
      %dma_start3A_455 = arith.constant 0 : i32
      %dma_start3A_456 = arith.constant 0 : i32
      %dma_start3A_457 = tpu.memref_slice %arg9[%dma_start3A_455, %dma_start3A_456] : memref<128x128xf32, #tpu.memory_space<vmem>> -> memref<64x128xf32, #tpu.memory_space<vmem>>
      %dma_start3A_458 = arith.constant 0 : i32
      %dma_start3A_459 = tpu.memref_slice %arg7[%and3A_122, %dma_start3A_454, %dma_start3A_458] : memref<2x16x128xi32, #tpu.memory_space<vmem>> -> memref<1x1x64xi32, #tpu.memory_space<vmem>>
      %dma_start3A_460 = tpu.memref_squeeze %dma_start3A_459 : memref<1x1x64xi32, #tpu.memory_space<vmem>> -> memref<64xi32, #tpu.memory_space<vmem>>
      %dma_start3A_461 = arith.constant 0 : i32
      %dma_start3A_462 = arith.constant 0 : i32
      %dma_start3A_463 = tpu.memref_slice %arg2[%dma_start3A_461, %dma_start3A_462] : memref<10000x128xf32, #tpu.memory_space<hbm>> -> memref<10000x128xf32, #tpu.memory_space<hbm>>
      tpu.enqueue_indirect_dma source(%dma_start3A_463 : memref<10000x128xf32, #tpu.memory_space<hbm>>) target(%dma_start3A_457 : memref<64x128xf32, #tpu.memory_space<vmem>>) offsets(%dma_start3A_460 : memref<64xi32, #tpu.memory_space<vmem>>) semaphore(%arg13 : memref<!tpu.dma_semaphore, #tpu.memory_space<semaphore_mem>>)
      %dma_start3A_464 = arith.constant 12 : i32
      %dma_start3A_465 = arith.constant 64 : i32
      %dma_start3A_466 = arith.constant 0 : i32
      %dma_start3A_467 = tpu.memref_slice %arg9[%dma_start3A_465, %dma_start3A_466] : memref<128x128xf32, #tpu.memory_space<vmem>> -> memref<64x128xf32, #tpu.memory_space<vmem>>
      %dma_start3A_468 = arith.constant 64 : i32
      %dma_start3A_469 = tpu.memref_slice %arg7[%and3A_122, %dma_start3A_464, %dma_start3A_468] : memref<2x16x128xi32, #tpu.memory_space<vmem>> -> memref<1x1x64xi32, #tpu.memory_space<vmem>>
      %dma_start3A_470 = tpu.memref_squeeze %dma_start3A_469 : memref<1x1x64xi32, #tpu.memory_space<vmem>> -> memref<64xi32, #tpu.memory_space<vmem>>
      %dma_start3A_471 = arith.constant 0 : i32
      %dma_start3A_472 = arith.constant 0 : i32
      %dma_start3A_473 = tpu.memref_slice %arg2[%dma_start3A_471, %dma_start3A_472] : memref<10000x128xf32, #tpu.memory_space<hbm>> -> memref<10000x128xf32, #tpu.memory_space<hbm>>
      tpu.enqueue_indirect_dma source(%dma_start3A_473 : memref<10000x128xf32, #tpu.memory_space<hbm>>) target(%dma_start3A_467 : memref<64x128xf32, #tpu.memory_space<vmem>>) offsets(%dma_start3A_470 : memref<64xi32, #tpu.memory_space<vmem>>) semaphore(%arg13 : memref<!tpu.dma_semaphore, #tpu.memory_space<semaphore_mem>>)
      %run_scoped3A_474 = arith.constant 11 : i32
      "tpu.region"() ({
        %run_scoped3A_577 = tpu.sem_alloc : memref<!tpu.dma_semaphore, #tpu.memory_space<semaphore_mem>>
        %dma_start3A_578 = arith.constant 0 : i32
        %dma_start3A_579 = tpu.memref_slice %arg8[%and3A_122, %run_scoped3A_474, %dma_start3A_578] : memref<2x16x128xi32, #tpu.memory_space<vmem>> -> memref<1x1x128xi32, #tpu.memory_space<vmem>>
        %dma_start3A_580 = tpu.memref_squeeze %dma_start3A_579 : memref<1x1x128xi32, #tpu.memory_space<vmem>> -> memref<128xi32, #tpu.memory_space<vmem>>
        %dma_start3A_581 = arith.constant 0 : i32
        %dma_start3A_582 = arith.constant 0 : i32
        %dma_start3A_583 = tpu.memref_slice %arg11[%dma_start3A_581, %dma_start3A_582] : memref<10112x128xf32, #tpu.memory_space<vmem_shared>> -> memref<10112x128xf32, #tpu.memory_space<vmem_shared>>
        tpu.enqueue_indirect_dma source(%arg10 : memref<128x128xf32, #tpu.memory_space<vmem>>) target(%dma_start3A_583 : memref<10112x128xf32, #tpu.memory_space<vmem_shared>>) offsets(%dma_start3A_580 : memref<128xi32, #tpu.memory_space<vmem>>) semaphore(%run_scoped3A_577 : memref<!tpu.dma_semaphore, #tpu.memory_space<semaphore_mem>>) {add = true}
        %dma_wait3A_584 = arith.constant 0 : i32
        %dma_wait3A_585 = tpu.memref_slice %arg8[%and3A_122, %run_scoped3A_474, %dma_wait3A_584] : memref<2x16x128xi32, #tpu.memory_space<vmem>> -> memref<1x1x128xi32, #tpu.memory_space<vmem>>
        %dma_wait3A_586 = tpu.memref_squeeze %dma_wait3A_585 : memref<1x1x128xi32, #tpu.memory_space<vmem>> -> memref<128xi32, #tpu.memory_space<vmem>>
        %dma_wait3A_587 = arith.constant 0 : i32
        %dma_wait3A_588 = arith.constant 0 : i32
        %dma_wait3A_589 = tpu.memref_slice %arg11[%dma_wait3A_587, %dma_wait3A_588] : memref<10112x128xf32, #tpu.memory_space<vmem_shared>> -> memref<10112x128xf32, #tpu.memory_space<vmem_shared>>
        tpu.wait_indirect_dma semaphore(%run_scoped3A_577 : memref<!tpu.dma_semaphore, #tpu.memory_space<semaphore_mem>>) src(%arg10 : memref<128x128xf32, #tpu.memory_space<vmem>>) dst(%dma_wait3A_589 : memref<10112x128xf32, #tpu.memory_space<vmem_shared>>)
        tpu.yield
      }) : () -> ()
      %dma_wait3A_475 = arith.constant 0 : i32
      %dma_wait3A_476 = arith.constant 0 : i32
      %dma_wait3A_477 = arith.constant 0 : i32
      %dma_wait3A_478 = tpu.memref_slice %arg7[%dma_wait3A_475, %dma_wait3A_476, %dma_wait3A_477] : memref<2x16x128xi32, #tpu.memory_space<vmem>> -> memref<1x1x128xi32, #tpu.memory_space<vmem>>
      %dma_wait3A_479 = tpu.memref_squeeze %dma_wait3A_478 : memref<1x1x128xi32, #tpu.memory_space<vmem>> -> memref<128xi32, #tpu.memory_space<vmem>>
      %dma_wait3A_480 = arith.constant 0 : i32
      %dma_wait3A_481 = arith.constant 0 : i32
      %dma_wait3A_482 = tpu.memref_slice %arg2[%dma_wait3A_480, %dma_wait3A_481] : memref<10000x128xf32, #tpu.memory_space<hbm>> -> memref<10000x128xf32, #tpu.memory_space<hbm>>
      tpu.wait_indirect_dma semaphore(%arg13 : memref<!tpu.dma_semaphore, #tpu.memory_space<semaphore_mem>>) src(%dma_wait3A_482 : memref<10000x128xf32, #tpu.memory_space<hbm>>) dst(%arg9 : memref<128x128xf32, #tpu.memory_space<vmem>>)
      %dma_start3A_483 = arith.constant 13 : i32
      %dma_start3A_484 = arith.constant 0 : i32
      %dma_start3A_485 = arith.constant 0 : i32
      %dma_start3A_486 = tpu.memref_slice %arg10[%dma_start3A_484, %dma_start3A_485] : memref<128x128xf32, #tpu.memory_space<vmem>> -> memref<64x128xf32, #tpu.memory_space<vmem>>
      %dma_start3A_487 = arith.constant 0 : i32
      %dma_start3A_488 = tpu.memref_slice %arg7[%and3A_122, %dma_start3A_483, %dma_start3A_487] : memref<2x16x128xi32, #tpu.memory_space<vmem>> -> memref<1x1x64xi32, #tpu.memory_space<vmem>>
      %dma_start3A_489 = tpu.memref_squeeze %dma_start3A_488 : memref<1x1x64xi32, #tpu.memory_space<vmem>> -> memref<64xi32, #tpu.memory_space<vmem>>
      %dma_start3A_490 = arith.constant 0 : i32
      %dma_start3A_491 = arith.constant 0 : i32
      %dma_start3A_492 = tpu.memref_slice %arg2[%dma_start3A_490, %dma_start3A_491] : memref<10000x128xf32, #tpu.memory_space<hbm>> -> memref<10000x128xf32, #tpu.memory_space<hbm>>
      tpu.enqueue_indirect_dma source(%dma_start3A_492 : memref<10000x128xf32, #tpu.memory_space<hbm>>) target(%dma_start3A_486 : memref<64x128xf32, #tpu.memory_space<vmem>>) offsets(%dma_start3A_489 : memref<64xi32, #tpu.memory_space<vmem>>) semaphore(%arg14 : memref<!tpu.dma_semaphore, #tpu.memory_space<semaphore_mem>>)
      %dma_start3A_493 = arith.constant 13 : i32
      %dma_start3A_494 = arith.constant 64 : i32
      %dma_start3A_495 = arith.constant 0 : i32
      %dma_start3A_496 = tpu.memref_slice %arg10[%dma_start3A_494, %dma_start3A_495] : memref<128x128xf32, #tpu.memory_space<vmem>> -> memref<64x128xf32, #tpu.memory_space<vmem>>
      %dma_start3A_497 = arith.constant 64 : i32
      %dma_start3A_498 = tpu.memref_slice %arg7[%and3A_122, %dma_start3A_493, %dma_start3A_497] : memref<2x16x128xi32, #tpu.memory_space<vmem>> -> memref<1x1x64xi32, #tpu.memory_space<vmem>>
      %dma_start3A_499 = tpu.memref_squeeze %dma_start3A_498 : memref<1x1x64xi32, #tpu.memory_space<vmem>> -> memref<64xi32, #tpu.memory_space<vmem>>
      %dma_start3A_500 = arith.constant 0 : i32
      %dma_start3A_501 = arith.constant 0 : i32
      %dma_start3A_502 = tpu.memref_slice %arg2[%dma_start3A_500, %dma_start3A_501] : memref<10000x128xf32, #tpu.memory_space<hbm>> -> memref<10000x128xf32, #tpu.memory_space<hbm>>
      tpu.enqueue_indirect_dma source(%dma_start3A_502 : memref<10000x128xf32, #tpu.memory_space<hbm>>) target(%dma_start3A_496 : memref<64x128xf32, #tpu.memory_space<vmem>>) offsets(%dma_start3A_499 : memref<64xi32, #tpu.memory_space<vmem>>) semaphore(%arg14 : memref<!tpu.dma_semaphore, #tpu.memory_space<semaphore_mem>>)
      %run_scoped3A_503 = arith.constant 12 : i32
      "tpu.region"() ({
        %run_scoped3A_577 = tpu.sem_alloc : memref<!tpu.dma_semaphore, #tpu.memory_space<semaphore_mem>>
        %dma_start3A_578 = arith.constant 0 : i32
        %dma_start3A_579 = tpu.memref_slice %arg8[%and3A_122, %run_scoped3A_503, %dma_start3A_578] : memref<2x16x128xi32, #tpu.memory_space<vmem>> -> memref<1x1x128xi32, #tpu.memory_space<vmem>>
        %dma_start3A_580 = tpu.memref_squeeze %dma_start3A_579 : memref<1x1x128xi32, #tpu.memory_space<vmem>> -> memref<128xi32, #tpu.memory_space<vmem>>
        %dma_start3A_581 = arith.constant 0 : i32
        %dma_start3A_582 = arith.constant 0 : i32
        %dma_start3A_583 = tpu.memref_slice %arg11[%dma_start3A_581, %dma_start3A_582] : memref<10112x128xf32, #tpu.memory_space<vmem_shared>> -> memref<10112x128xf32, #tpu.memory_space<vmem_shared>>
        tpu.enqueue_indirect_dma source(%arg9 : memref<128x128xf32, #tpu.memory_space<vmem>>) target(%dma_start3A_583 : memref<10112x128xf32, #tpu.memory_space<vmem_shared>>) offsets(%dma_start3A_580 : memref<128xi32, #tpu.memory_space<vmem>>) semaphore(%run_scoped3A_577 : memref<!tpu.dma_semaphore, #tpu.memory_space<semaphore_mem>>) {add = true}
        %dma_wait3A_584 = arith.constant 0 : i32
        %dma_wait3A_585 = tpu.memref_slice %arg8[%and3A_122, %run_scoped3A_503, %dma_wait3A_584] : memref<2x16x128xi32, #tpu.memory_space<vmem>> -> memref<1x1x128xi32, #tpu.memory_space<vmem>>
        %dma_wait3A_586 = tpu.memref_squeeze %dma_wait3A_585 : memref<1x1x128xi32, #tpu.memory_space<vmem>> -> memref<128xi32, #tpu.memory_space<vmem>>
        %dma_wait3A_587 = arith.constant 0 : i32
        %dma_wait3A_588 = arith.constant 0 : i32
        %dma_wait3A_589 = tpu.memref_slice %arg11[%dma_wait3A_587, %dma_wait3A_588] : memref<10112x128xf32, #tpu.memory_space<vmem_shared>> -> memref<10112x128xf32, #tpu.memory_space<vmem_shared>>
        tpu.wait_indirect_dma semaphore(%run_scoped3A_577 : memref<!tpu.dma_semaphore, #tpu.memory_space<semaphore_mem>>) src(%arg9 : memref<128x128xf32, #tpu.memory_space<vmem>>) dst(%dma_wait3A_589 : memref<10112x128xf32, #tpu.memory_space<vmem_shared>>)
        tpu.yield
      }) : () -> ()
      %dma_wait3A_504 = arith.constant 0 : i32
      %dma_wait3A_505 = arith.constant 0 : i32
      %dma_wait3A_506 = arith.constant 0 : i32
      %dma_wait3A_507 = tpu.memref_slice %arg7[%dma_wait3A_504, %dma_wait3A_505, %dma_wait3A_506] : memref<2x16x128xi32, #tpu.memory_space<vmem>> -> memref<1x1x128xi32, #tpu.memory_space<vmem>>
      %dma_wait3A_508 = tpu.memref_squeeze %dma_wait3A_507 : memref<1x1x128xi32, #tpu.memory_space<vmem>> -> memref<128xi32, #tpu.memory_space<vmem>>
      %dma_wait3A_509 = arith.constant 0 : i32
      %dma_wait3A_510 = arith.constant 0 : i32
      %dma_wait3A_511 = tpu.memref_slice %arg2[%dma_wait3A_509, %dma_wait3A_510] : memref<10000x128xf32, #tpu.memory_space<hbm>> -> memref<10000x128xf32, #tpu.memory_space<hbm>>
      tpu.wait_indirect_dma semaphore(%arg14 : memref<!tpu.dma_semaphore, #tpu.memory_space<semaphore_mem>>) src(%dma_wait3A_511 : memref<10000x128xf32, #tpu.memory_space<hbm>>) dst(%arg10 : memref<128x128xf32, #tpu.memory_space<vmem>>)
      %dma_start3A_512 = arith.constant 14 : i32
      %dma_start3A_513 = arith.constant 0 : i32
      %dma_start3A_514 = arith.constant 0 : i32
      %dma_start3A_515 = tpu.memref_slice %arg9[%dma_start3A_513, %dma_start3A_514] : memref<128x128xf32, #tpu.memory_space<vmem>> -> memref<64x128xf32, #tpu.memory_space<vmem>>
      %dma_start3A_516 = arith.constant 0 : i32
      %dma_start3A_517 = tpu.memref_slice %arg7[%and3A_122, %dma_start3A_512, %dma_start3A_516] : memref<2x16x128xi32, #tpu.memory_space<vmem>> -> memref<1x1x64xi32, #tpu.memory_space<vmem>>
      %dma_start3A_518 = tpu.memref_squeeze %dma_start3A_517 : memref<1x1x64xi32, #tpu.memory_space<vmem>> -> memref<64xi32, #tpu.memory_space<vmem>>
      %dma_start3A_519 = arith.constant 0 : i32
      %dma_start3A_520 = arith.constant 0 : i32
      %dma_start3A_521 = tpu.memref_slice %arg2[%dma_start3A_519, %dma_start3A_520] : memref<10000x128xf32, #tpu.memory_space<hbm>> -> memref<10000x128xf32, #tpu.memory_space<hbm>>
      tpu.enqueue_indirect_dma source(%dma_start3A_521 : memref<10000x128xf32, #tpu.memory_space<hbm>>) target(%dma_start3A_515 : memref<64x128xf32, #tpu.memory_space<vmem>>) offsets(%dma_start3A_518 : memref<64xi32, #tpu.memory_space<vmem>>) semaphore(%arg13 : memref<!tpu.dma_semaphore, #tpu.memory_space<semaphore_mem>>)
      %dma_start3A_522 = arith.constant 14 : i32
      %dma_start3A_523 = arith.constant 64 : i32
      %dma_start3A_524 = arith.constant 0 : i32
      %dma_start3A_525 = tpu.memref_slice %arg9[%dma_start3A_523, %dma_start3A_524] : memref<128x128xf32, #tpu.memory_space<vmem>> -> memref<64x128xf32, #tpu.memory_space<vmem>>
      %dma_start3A_526 = arith.constant 64 : i32
      %dma_start3A_527 = tpu.memref_slice %arg7[%and3A_122, %dma_start3A_522, %dma_start3A_526] : memref<2x16x128xi32, #tpu.memory_space<vmem>> -> memref<1x1x64xi32, #tpu.memory_space<vmem>>
      %dma_start3A_528 = tpu.memref_squeeze %dma_start3A_527 : memref<1x1x64xi32, #tpu.memory_space<vmem>> -> memref<64xi32, #tpu.memory_space<vmem>>
      %dma_start3A_529 = arith.constant 0 : i32
      %dma_start3A_530 = arith.constant 0 : i32
      %dma_start3A_531 = tpu.memref_slice %arg2[%dma_start3A_529, %dma_start3A_530] : memref<10000x128xf32, #tpu.memory_space<hbm>> -> memref<10000x128xf32, #tpu.memory_space<hbm>>
      tpu.enqueue_indirect_dma source(%dma_start3A_531 : memref<10000x128xf32, #tpu.memory_space<hbm>>) target(%dma_start3A_525 : memref<64x128xf32, #tpu.memory_space<vmem>>) offsets(%dma_start3A_528 : memref<64xi32, #tpu.memory_space<vmem>>) semaphore(%arg13 : memref<!tpu.dma_semaphore, #tpu.memory_space<semaphore_mem>>)
      %run_scoped3A_532 = arith.constant 13 : i32
      "tpu.region"() ({
        %run_scoped3A_577 = tpu.sem_alloc : memref<!tpu.dma_semaphore, #tpu.memory_space<semaphore_mem>>
        %dma_start3A_578 = arith.constant 0 : i32
        %dma_start3A_579 = tpu.memref_slice %arg8[%and3A_122, %run_scoped3A_532, %dma_start3A_578] : memref<2x16x128xi32, #tpu.memory_space<vmem>> -> memref<1x1x128xi32, #tpu.memory_space<vmem>>
        %dma_start3A_580 = tpu.memref_squeeze %dma_start3A_579 : memref<1x1x128xi32, #tpu.memory_space<vmem>> -> memref<128xi32, #tpu.memory_space<vmem>>
        %dma_start3A_581 = arith.constant 0 : i32
        %dma_start3A_582 = arith.constant 0 : i32
        %dma_start3A_583 = tpu.memref_slice %arg11[%dma_start3A_581, %dma_start3A_582] : memref<10112x128xf32, #tpu.memory_space<vmem_shared>> -> memref<10112x128xf32, #tpu.memory_space<vmem_shared>>
        tpu.enqueue_indirect_dma source(%arg10 : memref<128x128xf32, #tpu.memory_space<vmem>>) target(%dma_start3A_583 : memref<10112x128xf32, #tpu.memory_space<vmem_shared>>) offsets(%dma_start3A_580 : memref<128xi32, #tpu.memory_space<vmem>>) semaphore(%run_scoped3A_577 : memref<!tpu.dma_semaphore, #tpu.memory_space<semaphore_mem>>) {add = true}
        %dma_wait3A_584 = arith.constant 0 : i32
        %dma_wait3A_585 = tpu.memref_slice %arg8[%and3A_122, %run_scoped3A_532, %dma_wait3A_584] : memref<2x16x128xi32, #tpu.memory_space<vmem>> -> memref<1x1x128xi32, #tpu.memory_space<vmem>>
        %dma_wait3A_586 = tpu.memref_squeeze %dma_wait3A_585 : memref<1x1x128xi32, #tpu.memory_space<vmem>> -> memref<128xi32, #tpu.memory_space<vmem>>
        %dma_wait3A_587 = arith.constant 0 : i32
        %dma_wait3A_588 = arith.constant 0 : i32
        %dma_wait3A_589 = tpu.memref_slice %arg11[%dma_wait3A_587, %dma_wait3A_588] : memref<10112x128xf32, #tpu.memory_space<vmem_shared>> -> memref<10112x128xf32, #tpu.memory_space<vmem_shared>>
        tpu.wait_indirect_dma semaphore(%run_scoped3A_577 : memref<!tpu.dma_semaphore, #tpu.memory_space<semaphore_mem>>) src(%arg10 : memref<128x128xf32, #tpu.memory_space<vmem>>) dst(%dma_wait3A_589 : memref<10112x128xf32, #tpu.memory_space<vmem_shared>>)
        tpu.yield
      }) : () -> ()
      %dma_wait3A_533 = arith.constant 0 : i32
      %dma_wait3A_534 = arith.constant 0 : i32
      %dma_wait3A_535 = arith.constant 0 : i32
      %dma_wait3A_536 = tpu.memref_slice %arg7[%dma_wait3A_533, %dma_wait3A_534, %dma_wait3A_535] : memref<2x16x128xi32, #tpu.memory_space<vmem>> -> memref<1x1x128xi32, #tpu.memory_space<vmem>>
      %dma_wait3A_537 = tpu.memref_squeeze %dma_wait3A_536 : memref<1x1x128xi32, #tpu.memory_space<vmem>> -> memref<128xi32, #tpu.memory_space<vmem>>
      %dma_wait3A_538 = arith.constant 0 : i32
      %dma_wait3A_539 = arith.constant 0 : i32
      %dma_wait3A_540 = tpu.memref_slice %arg2[%dma_wait3A_538, %dma_wait3A_539] : memref<10000x128xf32, #tpu.memory_space<hbm>> -> memref<10000x128xf32, #tpu.memory_space<hbm>>
      tpu.wait_indirect_dma semaphore(%arg13 : memref<!tpu.dma_semaphore, #tpu.memory_space<semaphore_mem>>) src(%dma_wait3A_540 : memref<10000x128xf32, #tpu.memory_space<hbm>>) dst(%arg9 : memref<128x128xf32, #tpu.memory_space<vmem>>)
      %dma_start3A_541 = arith.constant 15 : i32
      %dma_start3A_542 = arith.constant 0 : i32
      %dma_start3A_543 = arith.constant 0 : i32
      %dma_start3A_544 = tpu.memref_slice %arg10[%dma_start3A_542, %dma_start3A_543] : memref<128x128xf32, #tpu.memory_space<vmem>> -> memref<64x128xf32, #tpu.memory_space<vmem>>
      %dma_start3A_545 = arith.constant 0 : i32
      %dma_start3A_546 = tpu.memref_slice %arg7[%and3A_122, %dma_start3A_541, %dma_start3A_545] : memref<2x16x128xi32, #tpu.memory_space<vmem>> -> memref<1x1x64xi32, #tpu.memory_space<vmem>>
      %dma_start3A_547 = tpu.memref_squeeze %dma_start3A_546 : memref<1x1x64xi32, #tpu.memory_space<vmem>> -> memref<64xi32, #tpu.memory_space<vmem>>
      %dma_start3A_548 = arith.constant 0 : i32
      %dma_start3A_549 = arith.constant 0 : i32
      %dma_start3A_550 = tpu.memref_slice %arg2[%dma_start3A_548, %dma_start3A_549] : memref<10000x128xf32, #tpu.memory_space<hbm>> -> memref<10000x128xf32, #tpu.memory_space<hbm>>
      tpu.enqueue_indirect_dma source(%dma_start3A_550 : memref<10000x128xf32, #tpu.memory_space<hbm>>) target(%dma_start3A_544 : memref<64x128xf32, #tpu.memory_space<vmem>>) offsets(%dma_start3A_547 : memref<64xi32, #tpu.memory_space<vmem>>) semaphore(%arg14 : memref<!tpu.dma_semaphore, #tpu.memory_space<semaphore_mem>>)
      %dma_start3A_551 = arith.constant 15 : i32
      %dma_start3A_552 = arith.constant 64 : i32
      %dma_start3A_553 = arith.constant 0 : i32
      %dma_start3A_554 = tpu.memref_slice %arg10[%dma_start3A_552, %dma_start3A_553] : memref<128x128xf32, #tpu.memory_space<vmem>> -> memref<64x128xf32, #tpu.memory_space<vmem>>
      %dma_start3A_555 = arith.constant 64 : i32
      %dma_start3A_556 = tpu.memref_slice %arg7[%and3A_122, %dma_start3A_551, %dma_start3A_555] : memref<2x16x128xi32, #tpu.memory_space<vmem>> -> memref<1x1x64xi32, #tpu.memory_space<vmem>>
      %dma_start3A_557 = tpu.memref_squeeze %dma_start3A_556 : memref<1x1x64xi32, #tpu.memory_space<vmem>> -> memref<64xi32, #tpu.memory_space<vmem>>
      %dma_start3A_558 = arith.constant 0 : i32
      %dma_start3A_559 = arith.constant 0 : i32
      %dma_start3A_560 = tpu.memref_slice %arg2[%dma_start3A_558, %dma_start3A_559] : memref<10000x128xf32, #tpu.memory_space<hbm>> -> memref<10000x128xf32, #tpu.memory_space<hbm>>
      tpu.enqueue_indirect_dma source(%dma_start3A_560 : memref<10000x128xf32, #tpu.memory_space<hbm>>) target(%dma_start3A_554 : memref<64x128xf32, #tpu.memory_space<vmem>>) offsets(%dma_start3A_557 : memref<64xi32, #tpu.memory_space<vmem>>) semaphore(%arg14 : memref<!tpu.dma_semaphore, #tpu.memory_space<semaphore_mem>>)
      %run_scoped3A_561 = arith.constant 14 : i32
      "tpu.region"() ({
        %run_scoped3A_577 = tpu.sem_alloc : memref<!tpu.dma_semaphore, #tpu.memory_space<semaphore_mem>>
        %dma_start3A_578 = arith.constant 0 : i32
        %dma_start3A_579 = tpu.memref_slice %arg8[%and3A_122, %run_scoped3A_561, %dma_start3A_578] : memref<2x16x128xi32, #tpu.memory_space<vmem>> -> memref<1x1x128xi32, #tpu.memory_space<vmem>>
        %dma_start3A_580 = tpu.memref_squeeze %dma_start3A_579 : memref<1x1x128xi32, #tpu.memory_space<vmem>> -> memref<128xi32, #tpu.memory_space<vmem>>
        %dma_start3A_581 = arith.constant 0 : i32
        %dma_start3A_582 = arith.constant 0 : i32
        %dma_start3A_583 = tpu.memref_slice %arg11[%dma_start3A_581, %dma_start3A_582] : memref<10112x128xf32, #tpu.memory_space<vmem_shared>> -> memref<10112x128xf32, #tpu.memory_space<vmem_shared>>
        tpu.enqueue_indirect_dma source(%arg9 : memref<128x128xf32, #tpu.memory_space<vmem>>) target(%dma_start3A_583 : memref<10112x128xf32, #tpu.memory_space<vmem_shared>>) offsets(%dma_start3A_580 : memref<128xi32, #tpu.memory_space<vmem>>) semaphore(%run_scoped3A_577 : memref<!tpu.dma_semaphore, #tpu.memory_space<semaphore_mem>>) {add = true}
        %dma_wait3A_584 = arith.constant 0 : i32
        %dma_wait3A_585 = tpu.memref_slice %arg8[%and3A_122, %run_scoped3A_561, %dma_wait3A_584] : memref<2x16x128xi32, #tpu.memory_space<vmem>> -> memref<1x1x128xi32, #tpu.memory_space<vmem>>
        %dma_wait3A_586 = tpu.memref_squeeze %dma_wait3A_585 : memref<1x1x128xi32, #tpu.memory_space<vmem>> -> memref<128xi32, #tpu.memory_space<vmem>>
        %dma_wait3A_587 = arith.constant 0 : i32
        %dma_wait3A_588 = arith.constant 0 : i32
        %dma_wait3A_589 = tpu.memref_slice %arg11[%dma_wait3A_587, %dma_wait3A_588] : memref<10112x128xf32, #tpu.memory_space<vmem_shared>> -> memref<10112x128xf32, #tpu.memory_space<vmem_shared>>
        tpu.wait_indirect_dma semaphore(%run_scoped3A_577 : memref<!tpu.dma_semaphore, #tpu.memory_space<semaphore_mem>>) src(%arg9 : memref<128x128xf32, #tpu.memory_space<vmem>>) dst(%dma_wait3A_589 : memref<10112x128xf32, #tpu.memory_space<vmem_shared>>)
        tpu.yield
      }) : () -> ()
      %dma_wait3A_562 = arith.constant 0 : i32
      %dma_wait3A_563 = arith.constant 0 : i32
      %dma_wait3A_564 = arith.constant 0 : i32
      %dma_wait3A_565 = tpu.memref_slice %arg7[%dma_wait3A_562, %dma_wait3A_563, %dma_wait3A_564] : memref<2x16x128xi32, #tpu.memory_space<vmem>> -> memref<1x1x128xi32, #tpu.memory_space<vmem>>
      %dma_wait3A_566 = tpu.memref_squeeze %dma_wait3A_565 : memref<1x1x128xi32, #tpu.memory_space<vmem>> -> memref<128xi32, #tpu.memory_space<vmem>>
      %dma_wait3A_567 = arith.constant 0 : i32
      %dma_wait3A_568 = arith.constant 0 : i32
      %dma_wait3A_569 = tpu.memref_slice %arg2[%dma_wait3A_567, %dma_wait3A_568] : memref<10000x128xf32, #tpu.memory_space<hbm>> -> memref<10000x128xf32, #tpu.memory_space<hbm>>
      tpu.wait_indirect_dma semaphore(%arg14 : memref<!tpu.dma_semaphore, #tpu.memory_space<semaphore_mem>>) src(%dma_wait3A_569 : memref<10000x128xf32, #tpu.memory_space<hbm>>) dst(%arg10 : memref<128x128xf32, #tpu.memory_space<vmem>>)
      %run_scoped3A_570 = arith.constant 15 : i32
      "tpu.region"() ({
        %run_scoped3A_577 = tpu.sem_alloc : memref<!tpu.dma_semaphore, #tpu.memory_space<semaphore_mem>>
        %dma_start3A_578 = arith.constant 0 : i32
        %dma_start3A_579 = tpu.memref_slice %arg8[%and3A_122, %run_scoped3A_570, %dma_start3A_578] : memref<2x16x128xi32, #tpu.memory_space<vmem>> -> memref<1x1x128xi32, #tpu.memory_space<vmem>>
        %dma_start3A_580 = tpu.memref_squeeze %dma_start3A_579 : memref<1x1x128xi32, #tpu.memory_space<vmem>> -> memref<128xi32, #tpu.memory_space<vmem>>
        %dma_start3A_581 = arith.constant 0 : i32
        %dma_start3A_582 = arith.constant 0 : i32
        %dma_start3A_583 = tpu.memref_slice %arg11[%dma_start3A_581, %dma_start3A_582] : memref<10112x128xf32, #tpu.memory_space<vmem_shared>> -> memref<10112x128xf32, #tpu.memory_space<vmem_shared>>
        tpu.enqueue_indirect_dma source(%arg10 : memref<128x128xf32, #tpu.memory_space<vmem>>) target(%dma_start3A_583 : memref<10112x128xf32, #tpu.memory_space<vmem_shared>>) offsets(%dma_start3A_580 : memref<128xi32, #tpu.memory_space<vmem>>) semaphore(%run_scoped3A_577 : memref<!tpu.dma_semaphore, #tpu.memory_space<semaphore_mem>>) {add = true}
        %dma_wait3A_584 = arith.constant 0 : i32
        %dma_wait3A_585 = tpu.memref_slice %arg8[%and3A_122, %run_scoped3A_570, %dma_wait3A_584] : memref<2x16x128xi32, #tpu.memory_space<vmem>> -> memref<1x1x128xi32, #tpu.memory_space<vmem>>
        %dma_wait3A_586 = tpu.memref_squeeze %dma_wait3A_585 : memref<1x1x128xi32, #tpu.memory_space<vmem>> -> memref<128xi32, #tpu.memory_space<vmem>>
        %dma_wait3A_587 = arith.constant 0 : i32
        %dma_wait3A_588 = arith.constant 0 : i32
        %dma_wait3A_589 = tpu.memref_slice %arg11[%dma_wait3A_587, %dma_wait3A_588] : memref<10112x128xf32, #tpu.memory_space<vmem_shared>> -> memref<10112x128xf32, #tpu.memory_space<vmem_shared>>
        tpu.wait_indirect_dma semaphore(%run_scoped3A_577 : memref<!tpu.dma_semaphore, #tpu.memory_space<semaphore_mem>>) src(%arg10 : memref<128x128xf32, #tpu.memory_space<vmem>>) dst(%dma_wait3A_589 : memref<10112x128xf32, #tpu.memory_space<vmem_shared>>)
        tpu.yield
      }) : () -> ()
      %add3A_571 = arith.constant 1 : i32
      %add3A_572 = arith.addi %scan3A_121, %add3A_571 : i32
      %lt3A = arith.constant 5 : i32
      %lt3A_573 = arith.cmpi slt, %add3A_572, %lt3A : i32
      %convert_element_type3A_574 = arith.extui %lt3A_573 : i1 to i32
      %cond3A_575 = arith.constant 0 : i32
      %cond3A_576 = arith.cmpi ne, %convert_element_type3A_574, %cond3A_575 : i32
      scf.if %cond3A_576 {
        %dma_wait3A_577 = arith.constant 0 : i32
        %dma_wait3A_578 = arith.constant 0 : i32
        %dma_wait3A_579 = arith.constant 0 : i32
        %dma_wait3A_580 = tpu.memref_slice %arg7[%dma_wait3A_577, %dma_wait3A_578, %dma_wait3A_579] : memref<2x16x128xi32, #tpu.memory_space<vmem>> -> memref<1x16x128xi32, #tpu.memory_space<vmem>>
        %dma_wait3A_581 = tpu.memref_squeeze %dma_wait3A_580 : memref<1x16x128xi32, #tpu.memory_space<vmem>> -> memref<16x128xi32, #tpu.memory_space<vmem>>
        %dma_wait3A_582 = arith.constant 0 : i32
        %dma_wait3A_583 = arith.constant 0 : i32
        %dma_wait3A_584 = tpu.memref_slice %arg3[%dma_wait3A_582, %dma_wait3A_583] : memref<2560x128xi32, #tpu.memory_space<hbm>> -> memref<16x128xi32, #tpu.memory_space<hbm>>
        %dma_wait3A_585 = arith.constant 0 : i32
        %dma_wait3A_586 = arith.constant 0 : i32
        %dma_wait3A_587 = tpu.memref_slice %arg7[%dma_wait3A_577, %dma_wait3A_585, %dma_wait3A_586] : memref<2x16x128xi32, #tpu.memory_space<vmem>> -> memref<1x16x128xi32, #tpu.memory_space<vmem>>
        %dma_wait3A_588 = tpu.memref_squeeze %dma_wait3A_587 : memref<1x16x128xi32, #tpu.memory_space<vmem>> -> memref<16x128xi32, #tpu.memory_space<vmem>>
        %dma_wait3A_589 = arith.constant 0 : i32
        %dma_wait3A_590 = arith.constant 0 : i32
        %dma_wait3A_591 = tpu.memref_slice %arg3[%dma_wait3A_589, %dma_wait3A_590] : memref<2560x128xi32, #tpu.memory_space<hbm>> -> memref<16x128xi32, #tpu.memory_space<hbm>>
        tpu.wait_dma2 semaphore(%arg12 : memref<!tpu.dma_semaphore, #tpu.memory_space<semaphore_mem>>) src(%dma_wait3A_591 : memref<16x128xi32, #tpu.memory_space<hbm>>) dst(%dma_wait3A_588 : memref<16x128xi32, #tpu.memory_space<vmem>>)
        %dma_wait3A_592 = arith.constant 0 : i32
        %dma_wait3A_593 = arith.constant 0 : i32
        %dma_wait3A_594 = arith.constant 0 : i32
        %dma_wait3A_595 = tpu.memref_slice %arg8[%dma_wait3A_592, %dma_wait3A_593, %dma_wait3A_594] : memref<2x16x128xi32, #tpu.memory_space<vmem>> -> memref<1x16x128xi32, #tpu.memory_space<vmem>>
        %dma_wait3A_596 = tpu.memref_squeeze %dma_wait3A_595 : memref<1x16x128xi32, #tpu.memory_space<vmem>> -> memref<16x128xi32, #tpu.memory_space<vmem>>
        %dma_wait3A_597 = arith.constant 0 : i32
        %dma_wait3A_598 = arith.constant 0 : i32
        %dma_wait3A_599 = tpu.memref_slice %arg3[%dma_wait3A_597, %dma_wait3A_598] : memref<2560x128xi32, #tpu.memory_space<hbm>> -> memref<16x128xi32, #tpu.memory_space<hbm>>
        %dma_wait3A_600 = arith.constant 0 : i32
        %dma_wait3A_601 = arith.constant 0 : i32
        %dma_wait3A_602 = tpu.memref_slice %arg8[%dma_wait3A_592, %dma_wait3A_600, %dma_wait3A_601] : memref<2x16x128xi32, #tpu.memory_space<vmem>> -> memref<1x16x128xi32, #tpu.memory_space<vmem>>
        %dma_wait3A_603 = tpu.memref_squeeze %dma_wait3A_602 : memref<1x16x128xi32, #tpu.memory_space<vmem>> -> memref<16x128xi32, #tpu.memory_space<vmem>>
        %dma_wait3A_604 = arith.constant 0 : i32
        %dma_wait3A_605 = arith.constant 0 : i32
        %dma_wait3A_606 = tpu.memref_slice %arg3[%dma_wait3A_604, %dma_wait3A_605] : memref<2560x128xi32, #tpu.memory_space<hbm>> -> memref<16x128xi32, #tpu.memory_space<hbm>>
        tpu.wait_dma2 semaphore(%arg12 : memref<!tpu.dma_semaphore, #tpu.memory_space<semaphore_mem>>) src(%dma_wait3A_606 : memref<16x128xi32, #tpu.memory_space<hbm>>) dst(%dma_wait3A_603 : memref<16x128xi32, #tpu.memory_space<vmem>>)
        %add3A_607 = arith.constant 2 : i32
        %add3A_608 = arith.addi %scan3A_121, %add3A_607 : i32
        %lt3A_609 = arith.constant 5 : i32
        %lt3A_610 = arith.cmpi slt, %add3A_608, %lt3A_609 : i32
        %convert_element_type3A_611 = arith.extui %lt3A_610 : i1 to i32
        %cond3A_612 = arith.constant 0 : i32
        %cond3A_613 = arith.cmpi ne, %convert_element_type3A_611, %cond3A_612 : i32
        scf.if %cond3A_613 {
          %dma_start3A_635 = arith.constant 0 : i32
          %dma_start3A_636 = arith.constant 0 : i32
          %dma_start3A_637 = tpu.memref_slice %arg7[%and3A_122, %dma_start3A_635, %dma_start3A_636] : memref<2x16x128xi32, #tpu.memory_space<vmem>> -> memref<1x16x128xi32, #tpu.memory_space<vmem>>
          %dma_start3A_638 = tpu.memref_squeeze %dma_start3A_637 : memref<1x16x128xi32, #tpu.memory_space<vmem>> -> memref<16x128xi32, #tpu.memory_space<vmem>>
          %dma_start3A_639 = arith.constant 0 : i32
          %dma_start3A_640 = tpu.memref_slice %arg3[%add3A_127, %dma_start3A_639] : memref<2560x128xi32, #tpu.memory_space<hbm>> -> memref<16x128xi32, #tpu.memory_space<hbm>>
          %dma_start3A_641 = arith.constant 0 : i32
          %dma_start3A_642 = arith.constant 0 : i32
          %dma_start3A_643 = tpu.memref_slice %arg7[%and3A_122, %dma_start3A_641, %dma_start3A_642] : memref<2x16x128xi32, #tpu.memory_space<vmem>> -> memref<1x16x128xi32, #tpu.memory_space<vmem>>
          %dma_start3A_644 = tpu.memref_squeeze %dma_start3A_643 : memref<1x16x128xi32, #tpu.memory_space<vmem>> -> memref<16x128xi32, #tpu.memory_space<vmem>>
          %dma_start3A_645 = arith.constant 0 : i32
          %dma_start3A_646 = tpu.memref_slice %arg3[%add3A_127, %dma_start3A_645] : memref<2560x128xi32, #tpu.memory_space<hbm>> -> memref<16x128xi32, #tpu.memory_space<hbm>>
          tpu.enqueue_dma source(%dma_start3A_646 : memref<16x128xi32, #tpu.memory_space<hbm>>) target(%dma_start3A_644 : memref<16x128xi32, #tpu.memory_space<vmem>>) target_semaphore(%arg12 : memref<!tpu.dma_semaphore, #tpu.memory_space<semaphore_mem>>)
          %dma_start3A_647 = arith.constant 0 : i32
          %dma_start3A_648 = arith.constant 0 : i32
          %dma_start3A_649 = tpu.memref_slice %arg8[%and3A_122, %dma_start3A_647, %dma_start3A_648] : memref<2x16x128xi32, #tpu.memory_space<vmem>> -> memref<1x16x128xi32, #tpu.memory_space<vmem>>
          %dma_start3A_650 = tpu.memref_squeeze %dma_start3A_649 : memref<1x16x128xi32, #tpu.memory_space<vmem>> -> memref<16x128xi32, #tpu.memory_space<vmem>>
          %dma_start3A_651 = arith.constant 0 : i32
          %dma_start3A_652 = tpu.memref_slice %arg4[%add3A_127, %dma_start3A_651] : memref<2560x128xi32, #tpu.memory_space<hbm>> -> memref<16x128xi32, #tpu.memory_space<hbm>>
          %dma_start3A_653 = arith.constant 0 : i32
          %dma_start3A_654 = arith.constant 0 : i32
          %dma_start3A_655 = tpu.memref_slice %arg8[%and3A_122, %dma_start3A_653, %dma_start3A_654] : memref<2x16x128xi32, #tpu.memory_space<vmem>> -> memref<1x16x128xi32, #tpu.memory_space<vmem>>
          %dma_start3A_656 = tpu.memref_squeeze %dma_start3A_655 : memref<1x16x128xi32, #tpu.memory_space<vmem>> -> memref<16x128xi32, #tpu.memory_space<vmem>>
          %dma_start3A_657 = arith.constant 0 : i32
          %dma_start3A_658 = tpu.memref_slice %arg4[%add3A_127, %dma_start3A_657] : memref<2560x128xi32, #tpu.memory_space<hbm>> -> memref<16x128xi32, #tpu.memory_space<hbm>>
          tpu.enqueue_dma source(%dma_start3A_658 : memref<16x128xi32, #tpu.memory_space<hbm>>) target(%dma_start3A_656 : memref<16x128xi32, #tpu.memory_space<vmem>>) target_semaphore(%arg12 : memref<!tpu.dma_semaphore, #tpu.memory_space<semaphore_mem>>)
        } else {
        }
        %sub3A = arith.constant 1 : i32
        %sub3A_614 = arith.subi %sub3A, %and3A_122 : i32
        %dma_start3A_615 = arith.constant 0 : i32
        %dma_start3A_616 = arith.constant 0 : i32
        %dma_start3A_617 = arith.constant 0 : i32
        %dma_start3A_618 = tpu.memref_slice %arg9[%dma_start3A_616, %dma_start3A_617] : memref<128x128xf32, #tpu.memory_space<vmem>> -> memref<64x128xf32, #tpu.memory_space<vmem>>
        %dma_start3A_619 = arith.constant 0 : i32
        %dma_start3A_620 = tpu.memref_slice %arg7[%sub3A_614, %dma_start3A_615, %dma_start3A_619] : memref<2x16x128xi32, #tpu.memory_space<vmem>> -> memref<1x1x64xi32, #tpu.memory_space<vmem>>
        %dma_start3A_621 = tpu.memref_squeeze %dma_start3A_620 : memref<1x1x64xi32, #tpu.memory_space<vmem>> -> memref<64xi32, #tpu.memory_space<vmem>>
        %dma_start3A_622 = arith.constant 0 : i32
        %dma_start3A_623 = arith.constant 0 : i32
        %dma_start3A_624 = tpu.memref_slice %arg2[%dma_start3A_622, %dma_start3A_623] : memref<10000x128xf32, #tpu.memory_space<hbm>> -> memref<10000x128xf32, #tpu.memory_space<hbm>>
        tpu.enqueue_indirect_dma source(%dma_start3A_624 : memref<10000x128xf32, #tpu.memory_space<hbm>>) target(%dma_start3A_618 : memref<64x128xf32, #tpu.memory_space<vmem>>) offsets(%dma_start3A_621 : memref<64xi32, #tpu.memory_space<vmem>>) semaphore(%arg13 : memref<!tpu.dma_semaphore, #tpu.memory_space<semaphore_mem>>)
        %dma_start3A_625 = arith.constant 0 : i32
        %dma_start3A_626 = arith.constant 64 : i32
        %dma_start3A_627 = arith.constant 0 : i32
        %dma_start3A_628 = tpu.memref_slice %arg9[%dma_start3A_626, %dma_start3A_627] : memref<128x128xf32, #tpu.memory_space<vmem>> -> memref<64x128xf32, #tpu.memory_space<vmem>>
        %dma_start3A_629 = arith.constant 64 : i32
        %dma_start3A_630 = tpu.memref_slice %arg7[%sub3A_614, %dma_start3A_625, %dma_start3A_629] : memref<2x16x128xi32, #tpu.memory_space<vmem>> -> memref<1x1x64xi32, #tpu.memory_space<vmem>>
        %dma_start3A_631 = tpu.memref_squeeze %dma_start3A_630 : memref<1x1x64xi32, #tpu.memory_space<vmem>> -> memref<64xi32, #tpu.memory_space<vmem>>
        %dma_start3A_632 = arith.constant 0 : i32
        %dma_start3A_633 = arith.constant 0 : i32
        %dma_start3A_634 = tpu.memref_slice %arg2[%dma_start3A_632, %dma_start3A_633] : memref<10000x128xf32, #tpu.memory_space<hbm>> -> memref<10000x128xf32, #tpu.memory_space<hbm>>
        tpu.enqueue_indirect_dma source(%dma_start3A_634 : memref<10000x128xf32, #tpu.memory_space<hbm>>) target(%dma_start3A_628 : memref<64x128xf32, #tpu.memory_space<vmem>>) offsets(%dma_start3A_631 : memref<64xi32, #tpu.memory_space<vmem>>) semaphore(%arg13 : memref<!tpu.dma_semaphore, #tpu.memory_space<semaphore_mem>>)
      } else {
      }
    }
    %scan3A_117 = arith.constant 5 : i32
    %barrier3A_118 = arith.constant 0 : index
    tpu.barrier barrier_id(%barrier3A_118)
    %eq3A = arith.constant 0 : i32
    %eq3A_119 = arith.cmpi eq, %arg1, %eq3A : i32
    %convert_element_type3A = arith.extui %eq3A_119 : i1 to i32
    %cond3A = arith.constant 0 : i32
    %cond3A_120 = arith.cmpi ne, %convert_element_type3A, %cond3A : i32
    scf.if %cond3A_120 {
      "tpu.region"() ({
        %run_scoped3A = tpu.sem_alloc : memref<!tpu.dma_semaphore, #tpu.memory_space<semaphore_mem>>
        %dma_start3A_121 = arith.constant 0 : i32
        %dma_start3A_122 = arith.constant 0 : i32
        %dma_start3A_123 = tpu.memref_slice %arg6[%arg0, %dma_start3A_121, %dma_start3A_122] : memref<2x10112x128xf32, #tpu.memory_space<hbm>> -> memref<1x10112x128xf32, #tpu.memory_space<hbm>>
        %dma_start3A_124 = tpu.memref_squeeze %dma_start3A_123 : memref<1x10112x128xf32, #tpu.memory_space<hbm>> -> memref<10112x128xf32, #tpu.memory_space<hbm>>
        tpu.enqueue_dma source(%arg11 : memref<10112x128xf32, #tpu.memory_space<vmem_shared>>) target(%dma_start3A_124 : memref<10112x128xf32, #tpu.memory_space<hbm>>) target_semaphore(%run_scoped3A : memref<!tpu.dma_semaphore, #tpu.memory_space<semaphore_mem>>)
        %dma_wait3A_125 = arith.constant 0 : i32
        %dma_wait3A_126 = arith.constant 0 : i32
        %dma_wait3A_127 = tpu.memref_slice %arg6[%arg0, %dma_wait3A_125, %dma_wait3A_126] : memref<2x10112x128xf32, #tpu.memory_space<hbm>> -> memref<1x10112x128xf32, #tpu.memory_space<hbm>>
        %dma_wait3A_128 = tpu.memref_squeeze %dma_wait3A_127 : memref<1x10112x128xf32, #tpu.memory_space<hbm>> -> memref<10112x128xf32, #tpu.memory_space<hbm>>
        tpu.wait_dma2 semaphore(%run_scoped3A : memref<!tpu.dma_semaphore, #tpu.memory_space<semaphore_mem>>) src(%arg11 : memref<10112x128xf32, #tpu.memory_space<vmem_shared>>) dst(%dma_wait3A_128 : memref<10112x128xf32, #tpu.memory_space<hbm>>)
        tpu.yield
      }) : () -> ()
    } else {
    }
    return
  }
}

#map = affine_map<(d0, d1) -> (0, 0)>
#map1 = affine_map<(d0, d1) -> (0, 0, 0)>
module attributes {stable_mosaic.version = 14 : i64} {
  func.func @agg_kernel(%arg0: i32, %arg1: i32, %arg2: memref<10000x128xf32, #tpu.memory_space<hbm>>, %arg3: memref<2560x128xi32, #tpu.memory_space<hbm>>, %arg4: memref<2560x128xi32, #tpu.memory_space<hbm>>, %arg5: memref<10112x128xf32, #tpu.memory_space<hbm>>, %arg6: memref<2x10112x128xf32, #tpu.memory_space<hbm>>, %arg7: memref<2x16x128xi32, #tpu.memory_space<vmem>>, %arg8: memref<2x16x128xi32, #tpu.memory_space<vmem>>, %arg9: memref<128x128xf32, #tpu.memory_space<vmem>>, %arg10: memref<128x128xf32, #tpu.memory_space<vmem>>, %arg11: memref<10112x128xf32, #tpu.memory_space<vmem_shared>>, %arg12: memref<!tpu.dma_semaphore, #tpu.memory_space<semaphore_mem>>, %arg13: memref<!tpu.dma_semaphore, #tpu.memory_space<semaphore_mem>>, %arg14: memref<!tpu.dma_semaphore, #tpu.memory_space<semaphore_mem>>) attributes {dimension_semantics = [#tpu.dimension_semantics<core_parallel>, #tpu.dimension_semantics<subcore_parallel>], iteration_bounds = array<i64: 2, 16>, scalar_prefetch = 0 : i64, scratch_operands = 8 : i64, tpu.core_type = #tpu.core_type<sc_vector_subcore>, window_params = [{transform_indices = #map}, {transform_indices = #map}, {transform_indices = #map}, {transform_indices = #map}, {transform_indices = #map1}]} {
    %mul3A = arith.constant 632 : i32
    %mul3A_0 = arith.muli %arg1, %mul3A : i32
    %mul3A_1 = arith.constant 632 : i32
    %mul3A_2 = arith.muli %arg1, %mul3A_1 : i32
    "tpu.region"() ({
      %run_scoped3A = tpu.sem_alloc : memref<!tpu.dma_semaphore, #tpu.memory_space<semaphore_mem>>
      %dma_start3A_121 = arith.constant 0 : i32
      %dma_start3A_122 = tpu.memref_slice %arg11[%mul3A_2, %dma_start3A_121] : memref<10112x128xf32, #tpu.memory_space<vmem_shared>> -> memref<632x128xf32, #tpu.memory_space<vmem_shared>>
      %dma_start3A_123 = arith.constant 0 : i32
      %dma_start3A_124 = tpu.memref_slice %arg5[%mul3A_0, %dma_start3A_123] : memref<10112x128xf32, #tpu.memory_space<hbm>> -> memref<632x128xf32, #tpu.memory_space<hbm>>
      tpu.enqueue_dma source(%dma_start3A_124 : memref<632x128xf32, #tpu.memory_space<hbm>>) target(%dma_start3A_122 : memref<632x128xf32, #tpu.memory_space<vmem_shared>>) target_semaphore(%run_scoped3A : memref<!tpu.dma_semaphore, #tpu.memory_space<semaphore_mem>>)
      %dma_wait3A_125 = arith.constant 0 : i32
      %dma_wait3A_126 = tpu.memref_slice %arg11[%mul3A_2, %dma_wait3A_125] : memref<10112x128xf32, #tpu.memory_space<vmem_shared>> -> memref<632x128xf32, #tpu.memory_space<vmem_shared>>
      %dma_wait3A_127 = arith.constant 0 : i32
      %dma_wait3A_128 = tpu.memref_slice %arg5[%mul3A_0, %dma_wait3A_127] : memref<10112x128xf32, #tpu.memory_space<hbm>> -> memref<632x128xf32, #tpu.memory_space<hbm>>
      tpu.wait_dma2 semaphore(%run_scoped3A : memref<!tpu.dma_semaphore, #tpu.memory_space<semaphore_mem>>) src(%dma_wait3A_128 : memref<632x128xf32, #tpu.memory_space<hbm>>) dst(%dma_wait3A_126 : memref<632x128xf32, #tpu.memory_space<vmem_shared>>)
      tpu.yield
    }) : () -> ()
    %barrier3A = arith.constant 0 : index
    tpu.barrier barrier_id(%barrier3A)
    %mul3A_3 = arith.constant 16 : i32
    %mul3A_4 = arith.muli %arg0, %mul3A_3 : i32
    %add3A = arith.addi %mul3A_4, %arg1 : i32
    %mul3A_5 = arith.constant 80 : i32
    %mul3A_6 = arith.muli %add3A, %mul3A_5 : i32
    %dma_start3A = arith.constant 0 : i32
    %dma_start3A_7 = arith.constant 0 : i32
    %dma_start3A_8 = arith.constant 0 : i32
    %dma_start3A_9 = tpu.memref_slice %arg7[%dma_start3A, %dma_start3A_7, %dma_start3A_8] : memref<2x16x128xi32, #tpu.memory_space<vmem>> -> memref<1x16x128xi32, #tpu.memory_space<vmem>>
    %dma_start3A_10 = tpu.memref_squeeze %dma_start3A_9 : memref<1x16x128xi32, #tpu.memory_space<vmem>> -> memref<16x128xi32, #tpu.memory_space<vmem>>
    %dma_start3A_11 = arith.constant 0 : i32
    %dma_start3A_12 = tpu.memref_slice %arg3[%mul3A_6, %dma_start3A_11] : memref<2560x128xi32, #tpu.memory_space<hbm>> -> memref<16x128xi32, #tpu.memory_space<hbm>>
    %dma_start3A_13 = arith.constant 0 : i32
    %dma_start3A_14 = arith.constant 0 : i32
    %dma_start3A_15 = tpu.memref_slice %arg7[%dma_start3A, %dma_start3A_13, %dma_start3A_14] : memref<2x16x128xi32, #tpu.memory_space<vmem>> -> memref<1x16x128xi32, #tpu.memory_space<vmem>>
    %dma_start3A_16 = tpu.memref_squeeze %dma_start3A_15 : memref<1x16x128xi32, #tpu.memory_space<vmem>> -> memref<16x128xi32, #tpu.memory_space<vmem>>
    %dma_start3A_17 = arith.constant 0 : i32
    %dma_start3A_18 = tpu.memref_slice %arg3[%mul3A_6, %dma_start3A_17] : memref<2560x128xi32, #tpu.memory_space<hbm>> -> memref<16x128xi32, #tpu.memory_space<hbm>>
    tpu.enqueue_dma source(%dma_start3A_18 : memref<16x128xi32, #tpu.memory_space<hbm>>) target(%dma_start3A_16 : memref<16x128xi32, #tpu.memory_space<vmem>>) target_semaphore(%arg12 : memref<!tpu.dma_semaphore, #tpu.memory_space<semaphore_mem>>)
    %dma_start3A_19 = arith.constant 0 : i32
    %dma_start3A_20 = arith.constant 0 : i32
    %dma_start3A_21 = arith.constant 0 : i32
    %dma_start3A_22 = tpu.memref_slice %arg8[%dma_start3A_19, %dma_start3A_20, %dma_start3A_21] : memref<2x16x128xi32, #tpu.memory_space<vmem>> -> memref<1x16x128xi32, #tpu.memory_space<vmem>>
    %dma_start3A_23 = tpu.memref_squeeze %dma_start3A_22 : memref<1x16x128xi32, #tpu.memory_space<vmem>> -> memref<16x128xi32, #tpu.memory_space<vmem>>
    %dma_start3A_24 = arith.constant 0 : i32
    %dma_start3A_25 = tpu.memref_slice %arg4[%mul3A_6, %dma_start3A_24] : memref<2560x128xi32, #tpu.memory_space<hbm>> -> memref<16x128xi32, #tpu.memory_space<hbm>>
    %dma_start3A_26 = arith.constant 0 : i32
    %dma_start3A_27 = arith.constant 0 : i32
    %dma_start3A_28 = tpu.memref_slice %arg8[%dma_start3A_19, %dma_start3A_26, %dma_start3A_27] : memref<2x16x128xi32, #tpu.memory_space<vmem>> -> memref<1x16x128xi32, #tpu.memory_space<vmem>>
    %dma_start3A_29 = tpu.memref_squeeze %dma_start3A_28 : memref<1x16x128xi32, #tpu.memory_space<vmem>> -> memref<16x128xi32, #tpu.memory_space<vmem>>
    %dma_start3A_30 = arith.constant 0 : i32
    %dma_start3A_31 = tpu.memref_slice %arg4[%mul3A_6, %dma_start3A_30] : memref<2560x128xi32, #tpu.memory_space<hbm>> -> memref<16x128xi32, #tpu.memory_space<hbm>>
    tpu.enqueue_dma source(%dma_start3A_31 : memref<16x128xi32, #tpu.memory_space<hbm>>) target(%dma_start3A_29 : memref<16x128xi32, #tpu.memory_space<vmem>>) target_semaphore(%arg12 : memref<!tpu.dma_semaphore, #tpu.memory_space<semaphore_mem>>)
    %dma_wait3A = arith.constant 0 : i32
    %dma_wait3A_32 = arith.constant 0 : i32
    %dma_wait3A_33 = arith.constant 0 : i32
    %dma_wait3A_34 = tpu.memref_slice %arg7[%dma_wait3A, %dma_wait3A_32, %dma_wait3A_33] : memref<2x16x128xi32, #tpu.memory_space<vmem>> -> memref<1x16x128xi32, #tpu.memory_space<vmem>>
    %dma_wait3A_35 = tpu.memref_squeeze %dma_wait3A_34 : memref<1x16x128xi32, #tpu.memory_space<vmem>> -> memref<16x128xi32, #tpu.memory_space<vmem>>
    %dma_wait3A_36 = arith.constant 0 : i32
    %dma_wait3A_37 = arith.constant 0 : i32
    %dma_wait3A_38 = tpu.memref_slice %arg3[%dma_wait3A_36, %dma_wait3A_37] : memref<2560x128xi32, #tpu.memory_space<hbm>> -> memref<16x128xi32, #tpu.memory_space<hbm>>
    %dma_wait3A_39 = arith.constant 0 : i32
    %dma_wait3A_40 = arith.constant 0 : i32
    %dma_wait3A_41 = tpu.memref_slice %arg7[%dma_wait3A, %dma_wait3A_39, %dma_wait3A_40] : memref<2x16x128xi32, #tpu.memory_space<vmem>> -> memref<1x16x128xi32, #tpu.memory_space<vmem>>
    %dma_wait3A_42 = tpu.memref_squeeze %dma_wait3A_41 : memref<1x16x128xi32, #tpu.memory_space<vmem>> -> memref<16x128xi32, #tpu.memory_space<vmem>>
    %dma_wait3A_43 = arith.constant 0 : i32
    %dma_wait3A_44 = arith.constant 0 : i32
    %dma_wait3A_45 = tpu.memref_slice %arg3[%dma_wait3A_43, %dma_wait3A_44] : memref<2560x128xi32, #tpu.memory_space<hbm>> -> memref<16x128xi32, #tpu.memory_space<hbm>>
    tpu.wait_dma2 semaphore(%arg12 : memref<!tpu.dma_semaphore, #tpu.memory_space<semaphore_mem>>) src(%dma_wait3A_45 : memref<16x128xi32, #tpu.memory_space<hbm>>) dst(%dma_wait3A_42 : memref<16x128xi32, #tpu.memory_space<vmem>>)
    %dma_wait3A_46 = arith.constant 0 : i32
    %dma_wait3A_47 = arith.constant 0 : i32
    %dma_wait3A_48 = arith.constant 0 : i32
    %dma_wait3A_49 = tpu.memref_slice %arg8[%dma_wait3A_46, %dma_wait3A_47, %dma_wait3A_48] : memref<2x16x128xi32, #tpu.memory_space<vmem>> -> memref<1x16x128xi32, #tpu.memory_space<vmem>>
    %dma_wait3A_50 = tpu.memref_squeeze %dma_wait3A_49 : memref<1x16x128xi32, #tpu.memory_space<vmem>> -> memref<16x128xi32, #tpu.memory_space<vmem>>
    %dma_wait3A_51 = arith.constant 0 : i32
    %dma_wait3A_52 = arith.constant 0 : i32
    %dma_wait3A_53 = tpu.memref_slice %arg3[%dma_wait3A_51, %dma_wait3A_52] : memref<2560x128xi32, #tpu.memory_space<hbm>> -> memref<16x128xi32, #tpu.memory_space<hbm>>
    %dma_wait3A_54 = arith.constant 0 : i32
    %dma_wait3A_55 = arith.constant 0 : i32
    %dma_wait3A_56 = tpu.memref_slice %arg8[%dma_wait3A_46, %dma_wait3A_54, %dma_wait3A_55] : memref<2x16x128xi32, #tpu.memory_space<vmem>> -> memref<1x16x128xi32, #tpu.memory_space<vmem>>
    %dma_wait3A_57 = tpu.memref_squeeze %dma_wait3A_56 : memref<1x16x128xi32, #tpu.memory_space<vmem>> -> memref<16x128xi32, #tpu.memory_space<vmem>>
    %dma_wait3A_58 = arith.constant 0 : i32
    %dma_wait3A_59 = arith.constant 0 : i32
    %dma_wait3A_60 = tpu.memref_slice %arg3[%dma_wait3A_58, %dma_wait3A_59] : memref<2560x128xi32, #tpu.memory_space<hbm>> -> memref<16x128xi32, #tpu.memory_space<hbm>>
    tpu.wait_dma2 semaphore(%arg12 : memref<!tpu.dma_semaphore, #tpu.memory_space<semaphore_mem>>) src(%dma_wait3A_60 : memref<16x128xi32, #tpu.memory_space<hbm>>) dst(%dma_wait3A_57 : memref<16x128xi32, #tpu.memory_space<vmem>>)
    %add3A_61 = arith.constant 16 : i32
    %add3A_62 = arith.addi %mul3A_6, %add3A_61 : i32
    %dma_start3A_63 = arith.constant 1 : i32
    %dma_start3A_64 = arith.constant 0 : i32
    %dma_start3A_65 = arith.constant 0 : i32
    %dma_start3A_66 = tpu.memref_slice %arg7[%dma_start3A_63, %dma_start3A_64, %dma_start3A_65] : memref<2x16x128xi32, #tpu.memory_space<vmem>> -> memref<1x16x128xi32, #tpu.memory_space<vmem>>
    %dma_start3A_67 = tpu.memref_squeeze %dma_start3A_66 : memref<1x16x128xi32, #tpu.memory_space<vmem>> -> memref<16x128xi32, #tpu.memory_space<vmem>>
    %dma_start3A_68 = arith.constant 0 : i32
    %dma_start3A_69 = tpu.memref_slice %arg3[%add3A_62, %dma_start3A_68] : memref<2560x128xi32, #tpu.memory_space<hbm>> -> memref<16x128xi32, #tpu.memory_space<hbm>>
    %dma_start3A_70 = arith.constant 0 : i32
    %dma_start3A_71 = arith.constant 0 : i32
    %dma_start3A_72 = tpu.memref_slice %arg7[%dma_start3A_63, %dma_start3A_70, %dma_start3A_71] : memref<2x16x128xi32, #tpu.memory_space<vmem>> -> memref<1x16x128xi32, #tpu.memory_space<vmem>>
    %dma_start3A_73 = tpu.memref_squeeze %dma_start3A_72 : memref<1x16x128xi32, #tpu.memory_space<vmem>> -> memref<16x128xi32, #tpu.memory_space<vmem>>
    %dma_start3A_74 = arith.constant 0 : i32
    %dma_start3A_75 = tpu.memref_slice %arg3[%add3A_62, %dma_start3A_74] : memref<2560x128xi32, #tpu.memory_space<hbm>> -> memref<16x128xi32, #tpu.memory_space<hbm>>
    tpu.enqueue_dma source(%dma_start3A_75 : memref<16x128xi32, #tpu.memory_space<hbm>>) target(%dma_start3A_73 : memref<16x128xi32, #tpu.memory_space<vmem>>) target_semaphore(%arg12 : memref<!tpu.dma_semaphore, #tpu.memory_space<semaphore_mem>>)
    %add3A_76 = arith.constant 16 : i32
    %add3A_77 = arith.addi %mul3A_6, %add3A_76 : i32
    %dma_start3A_78 = arith.constant 1 : i32
    %dma_start3A_79 = arith.constant 0 : i32
    %dma_start3A_80 = arith.constant 0 : i32
    %dma_start3A_81 = tpu.memref_slice %arg8[%dma_start3A_78, %dma_start3A_79, %dma_start3A_80] : memref<2x16x128xi32, #tpu.memory_space<vmem>> -> memref<1x16x128xi32, #tpu.memory_space<vmem>>
    %dma_start3A_82 = tpu.memref_squeeze %dma_start3A_81 : memref<1x16x128xi32, #tpu.memory_space<vmem>> -> memref<16x128xi32, #tpu.memory_space<vmem>>
    %dma_start3A_83 = arith.constant 0 : i32
    %dma_start3A_84 = tpu.memref_slice %arg4[%add3A_77, %dma_start3A_83] : memref<2560x128xi32, #tpu.memory_space<hbm>> -> memref<16x128xi32, #tpu.memory_space<hbm>>
    %dma_start3A_85 = arith.constant 0 : i32
    %dma_start3A_86 = arith.constant 0 : i32
    %dma_start3A_87 = tpu.memref_slice %arg8[%dma_start3A_78, %dma_start3A_85, %dma_start3A_86] : memref<2x16x128xi32, #tpu.memory_space<vmem>> -> memref<1x16x128xi32, #tpu.memory_space<vmem>>
    %dma_start3A_88 = tpu.memref_squeeze %dma_start3A_87 : memref<1x16x128xi32, #tpu.memory_space<vmem>> -> memref<16x128xi32, #tpu.memory_space<vmem>>
    %dma_start3A_89 = arith.constant 0 : i32
    %dma_start3A_90 = tpu.memref_slice %arg4[%add3A_77, %dma_start3A_89] : memref<2560x128xi32, #tpu.memory_space<hbm>> -> memref<16x128xi32, #tpu.memory_space<hbm>>
    tpu.enqueue_dma source(%dma_start3A_90 : memref<16x128xi32, #tpu.memory_space<hbm>>) target(%dma_start3A_88 : memref<16x128xi32, #tpu.memory_space<vmem>>) target_semaphore(%arg12 : memref<!tpu.dma_semaphore, #tpu.memory_space<semaphore_mem>>)
    %dma_start3A_91 = arith.constant 0 : i32
    %dma_start3A_92 = arith.constant 0 : i32
    %dma_start3A_93 = arith.constant 0 : i32
    %dma_start3A_94 = arith.constant 0 : i32
    %dma_start3A_95 = tpu.memref_slice %arg9[%dma_start3A_93, %dma_start3A_94] : memref<128x128xf32, #tpu.memory_space<vmem>> -> memref<64x128xf32, #tpu.memory_space<vmem>>
    %dma_start3A_96 = arith.constant 0 : i32
    %dma_start3A_97 = tpu.memref_slice %arg7[%dma_start3A_91, %dma_start3A_92, %dma_start3A_96] : memref<2x16x128xi32, #tpu.memory_space<vmem>> -> memref<1x1x64xi32, #tpu.memory_space<vmem>>
    %dma_start3A_98 = tpu.memref_squeeze %dma_start3A_97 : memref<1x1x64xi32, #tpu.memory_space<vmem>> -> memref<64xi32, #tpu.memory_space<vmem>>
    %dma_start3A_99 = arith.constant 0 : i32
    %dma_start3A_100 = arith.constant 0 : i32
    %dma_start3A_101 = tpu.memref_slice %arg2[%dma_start3A_99, %dma_start3A_100] : memref<10000x128xf32, #tpu.memory_space<hbm>> -> memref<10000x128xf32, #tpu.memory_space<hbm>>
    tpu.enqueue_indirect_dma source(%dma_start3A_101 : memref<10000x128xf32, #tpu.memory_space<hbm>>) target(%dma_start3A_95 : memref<64x128xf32, #tpu.memory_space<vmem>>) offsets(%dma_start3A_98 : memref<64xi32, #tpu.memory_space<vmem>>) semaphore(%arg13 : memref<!tpu.dma_semaphore, #tpu.memory_space<semaphore_mem>>)
    %dma_start3A_102 = arith.constant 0 : i32
    %dma_start3A_103 = arith.constant 0 : i32
    %dma_start3A_104 = arith.constant 64 : i32
    %dma_start3A_105 = arith.constant 0 : i32
    %dma_start3A_106 = tpu.memref_slice %arg9[%dma_start3A_104, %dma_start3A_105] : memref<128x128xf32, #tpu.memory_space<vmem>> -> memref<64x128xf32, #tpu.memory_space<vmem>>
    %dma_start3A_107 = arith.constant 64 : i32
    %dma_start3A_108 = tpu.memref_slice %arg7[%dma_start3A_102, %dma_start3A_103, %dma_start3A_107] : memref<2x16x128xi32, #tpu.memory_space<vmem>> -> memref<1x1x64xi32, #tpu.memory_space<vmem>>
    %dma_start3A_109 = tpu.memref_squeeze %dma_start3A_108 : memref<1x1x64xi32, #tpu.memory_space<vmem>> -> memref<64xi32, #tpu.memory_space<vmem>>
    %dma_start3A_110 = arith.constant 0 : i32
    %dma_start3A_111 = arith.constant 0 : i32
    %dma_start3A_112 = tpu.memref_slice %arg2[%dma_start3A_110, %dma_start3A_111] : memref<10000x128xf32, #tpu.memory_space<hbm>> -> memref<10000x128xf32, #tpu.memory_space<hbm>>
    tpu.enqueue_indirect_dma source(%dma_start3A_112 : memref<10000x128xf32, #tpu.memory_space<hbm>>) target(%dma_start3A_106 : memref<64x128xf32, #tpu.memory_space<vmem>>) offsets(%dma_start3A_109 : memref<64xi32, #tpu.memory_space<vmem>>) semaphore(%arg13 : memref<!tpu.dma_semaphore, #tpu.memory_space<semaphore_mem>>)
    %scan3A = arith.constant 0 : i32
    %scan3A_113 = arith.constant 0 : i32
    %scan3A_114 = arith.constant 5 : i32
    %scan3A_115 = arith.addi %scan3A_113, %scan3A_114 : i32
    %scan3A_116 = arith.constant 1 : i32
    scf.for %scan3A_121 = %scan3A_113 to %scan3A_115 step %scan3A_116  : i32 {
      %and3A = arith.constant 1 : i32
      %and3A_122 = arith.andi %scan3A_121, %and3A : i32
      %add3A_123 = arith.constant 2 : i32
      %add3A_124 = arith.addi %scan3A_121, %add3A_123 : i32
      %mul3A_125 = arith.constant 16 : i32
      %mul3A_126 = arith.muli %add3A_124, %mul3A_125 : i32
      %add3A_127 = arith.addi %mul3A_6, %mul3A_126 : i32
      %dma_wait3A_128 = arith.constant 0 : i32
      %dma_wait3A_129 = arith.constant 0 : i32
      %dma_wait3A_130 = arith.constant 0 : i32
      %dma_wait3A_131 = tpu.memref_slice %arg7[%dma_wait3A_128, %dma_wait3A_129, %dma_wait3A_130] : memref<2x16x128xi32, #tpu.memory_space<vmem>> -> memref<1x1x128xi32, #tpu.memory_space<vmem>>
      %dma_wait3A_132 = tpu.memref_squeeze %dma_wait3A_131 : memref<1x1x128xi32, #tpu.memory_space<vmem>> -> memref<128xi32, #tpu.memory_space<vmem>>
      %dma_wait3A_133 = arith.constant 0 : i32
      %dma_wait3A_134 = arith.constant 0 : i32
      %dma_wait3A_135 = tpu.memref_slice %arg2[%dma_wait3A_133, %dma_wait3A_134] : memref<10000x128xf32, #tpu.memory_space<hbm>> -> memref<10000x128xf32, #tpu.memory_space<hbm>>
      tpu.wait_indirect_dma semaphore(%arg13 : memref<!tpu.dma_semaphore, #tpu.memory_space<semaphore_mem>>) src(%dma_wait3A_135 : memref<10000x128xf32, #tpu.memory_space<hbm>>) dst(%arg9 : memref<128x128xf32, #tpu.memory_space<vmem>>)
      %dma_start3A_136 = arith.constant 1 : i32
      %dma_start3A_137 = arith.constant 0 : i32
      %dma_start3A_138 = arith.constant 0 : i32
      %dma_start3A_139 = tpu.memref_slice %arg10[%dma_start3A_137, %dma_start3A_138] : memref<128x128xf32, #tpu.memory_space<vmem>> -> memref<64x128xf32, #tpu.memory_space<vmem>>
      %dma_start3A_140 = arith.constant 0 : i32
      %dma_start3A_141 = tpu.memref_slice %arg7[%and3A_122, %dma_start3A_136, %dma_start3A_140] : memref<2x16x128xi32, #tpu.memory_space<vmem>> -> memref<1x1x64xi32, #tpu.memory_space<vmem>>
      %dma_start3A_142 = tpu.memref_squeeze %dma_start3A_141 : memref<1x1x64xi32, #tpu.memory_space<vmem>> -> memref<64xi32, #tpu.memory_space<vmem>>
      %dma_start3A_143 = arith.constant 0 : i32
      %dma_start3A_144 = arith.constant 0 : i32
      %dma_start3A_145 = tpu.memref_slice %arg2[%dma_start3A_143, %dma_start3A_144] : memref<10000x128xf32, #tpu.memory_space<hbm>> -> memref<10000x128xf32, #tpu.memory_space<hbm>>
      tpu.enqueue_indirect_dma source(%dma_start3A_145 : memref<10000x128xf32, #tpu.memory_space<hbm>>) target(%dma_start3A_139 : memref<64x128xf32, #tpu.memory_space<vmem>>) offsets(%dma_start3A_142 : memref<64xi32, #tpu.memory_space<vmem>>) semaphore(%arg14 : memref<!tpu.dma_semaphore, #tpu.memory_space<semaphore_mem>>)
      %dma_start3A_146 = arith.constant 1 : i32
      %dma_start3A_147 = arith.constant 64 : i32
      %dma_start3A_148 = arith.constant 0 : i32
      %dma_start3A_149 = tpu.memref_slice %arg10[%dma_start3A_147, %dma_start3A_148] : memref<128x128xf32, #tpu.memory_space<vmem>> -> memref<64x128xf32, #tpu.memory_space<vmem>>
      %dma_start3A_150 = arith.constant 64 : i32
      %dma_start3A_151 = tpu.memref_slice %arg7[%and3A_122, %dma_start3A_146, %dma_start3A_150] : memref<2x16x128xi32, #tpu.memory_space<vmem>> -> memref<1x1x64xi32, #tpu.memory_space<vmem>>
      %dma_start3A_152 = tpu.memref_squeeze %dma_start3A_151 : memref<1x1x64xi32, #tpu.memory_space<vmem>> -> memref<64xi32, #tpu.memory_space<vmem>>
      %dma_start3A_153 = arith.constant 0 : i32
      %dma_start3A_154 = arith.constant 0 : i32
      %dma_start3A_155 = tpu.memref_slice %arg2[%dma_start3A_153, %dma_start3A_154] : memref<10000x128xf32, #tpu.memory_space<hbm>> -> memref<10000x128xf32, #tpu.memory_space<hbm>>
      tpu.enqueue_indirect_dma source(%dma_start3A_155 : memref<10000x128xf32, #tpu.memory_space<hbm>>) target(%dma_start3A_149 : memref<64x128xf32, #tpu.memory_space<vmem>>) offsets(%dma_start3A_152 : memref<64xi32, #tpu.memory_space<vmem>>) semaphore(%arg14 : memref<!tpu.dma_semaphore, #tpu.memory_space<semaphore_mem>>)
      %run_scoped3A = arith.constant 0 : i32
      "tpu.region"() ({
        %run_scoped3A_577 = tpu.sem_alloc : memref<!tpu.dma_semaphore, #tpu.memory_space<semaphore_mem>>
        %dma_start3A_578 = arith.constant 0 : i32
        %dma_start3A_579 = tpu.memref_slice %arg8[%and3A_122, %run_scoped3A, %dma_start3A_578] : memref<2x16x128xi32, #tpu.memory_space<vmem>> -> memref<1x1x128xi32, #tpu.memory_space<vmem>>
        %dma_start3A_580 = tpu.memref_squeeze %dma_start3A_579 : memref<1x1x128xi32, #tpu.memory_space<vmem>> -> memref<128xi32, #tpu.memory_space<vmem>>
        %dma_start3A_581 = arith.constant 0 : i32
        %dma_start3A_582 = arith.constant 0 : i32
        %dma_start3A_583 = tpu.memref_slice %arg11[%dma_start3A_581, %dma_start3A_582] : memref<10112x128xf32, #tpu.memory_space<vmem_shared>> -> memref<10112x128xf32, #tpu.memory_space<vmem_shared>>
        tpu.enqueue_indirect_dma source(%arg9 : memref<128x128xf32, #tpu.memory_space<vmem>>) target(%dma_start3A_583 : memref<10112x128xf32, #tpu.memory_space<vmem_shared>>) offsets(%dma_start3A_580 : memref<128xi32, #tpu.memory_space<vmem>>) semaphore(%run_scoped3A_577 : memref<!tpu.dma_semaphore, #tpu.memory_space<semaphore_mem>>) {add = true}
        %dma_wait3A_584 = arith.constant 0 : i32
        %dma_wait3A_585 = tpu.memref_slice %arg8[%and3A_122, %run_scoped3A, %dma_wait3A_584] : memref<2x16x128xi32, #tpu.memory_space<vmem>> -> memref<1x1x128xi32, #tpu.memory_space<vmem>>
        %dma_wait3A_586 = tpu.memref_squeeze %dma_wait3A_585 : memref<1x1x128xi32, #tpu.memory_space<vmem>> -> memref<128xi32, #tpu.memory_space<vmem>>
        %dma_wait3A_587 = arith.constant 0 : i32
        %dma_wait3A_588 = arith.constant 0 : i32
        %dma_wait3A_589 = tpu.memref_slice %arg11[%dma_wait3A_587, %dma_wait3A_588] : memref<10112x128xf32, #tpu.memory_space<vmem_shared>> -> memref<10112x128xf32, #tpu.memory_space<vmem_shared>>
        tpu.wait_indirect_dma semaphore(%run_scoped3A_577 : memref<!tpu.dma_semaphore, #tpu.memory_space<semaphore_mem>>) src(%arg9 : memref<128x128xf32, #tpu.memory_space<vmem>>) dst(%dma_wait3A_589 : memref<10112x128xf32, #tpu.memory_space<vmem_shared>>)
        tpu.yield
      }) : () -> ()
      %dma_wait3A_156 = arith.constant 0 : i32
      %dma_wait3A_157 = arith.constant 0 : i32
      %dma_wait3A_158 = arith.constant 0 : i32
      %dma_wait3A_159 = tpu.memref_slice %arg7[%dma_wait3A_156, %dma_wait3A_157, %dma_wait3A_158] : memref<2x16x128xi32, #tpu.memory_space<vmem>> -> memref<1x1x128xi32, #tpu.memory_space<vmem>>
      %dma_wait3A_160 = tpu.memref_squeeze %dma_wait3A_159 : memref<1x1x128xi32, #tpu.memory_space<vmem>> -> memref<128xi32, #tpu.memory_space<vmem>>
      %dma_wait3A_161 = arith.constant 0 : i32
      %dma_wait3A_162 = arith.constant 0 : i32
      %dma_wait3A_163 = tpu.memref_slice %arg2[%dma_wait3A_161, %dma_wait3A_162] : memref<10000x128xf32, #tpu.memory_space<hbm>> -> memref<10000x128xf32, #tpu.memory_space<hbm>>
      tpu.wait_indirect_dma semaphore(%arg14 : memref<!tpu.dma_semaphore, #tpu.memory_space<semaphore_mem>>) src(%dma_wait3A_163 : memref<10000x128xf32, #tpu.memory_space<hbm>>) dst(%arg10 : memref<128x128xf32, #tpu.memory_space<vmem>>)
      %dma_start3A_164 = arith.constant 2 : i32
      %dma_start3A_165 = arith.constant 0 : i32
      %dma_start3A_166 = arith.constant 0 : i32
      %dma_start3A_167 = tpu.memref_slice %arg9[%dma_start3A_165, %dma_start3A_166] : memref<128x128xf32, #tpu.memory_space<vmem>> -> memref<64x128xf32, #tpu.memory_space<vmem>>
      %dma_start3A_168 = arith.constant 0 : i32
      %dma_start3A_169 = tpu.memref_slice %arg7[%and3A_122, %dma_start3A_164, %dma_start3A_168] : memref<2x16x128xi32, #tpu.memory_space<vmem>> -> memref<1x1x64xi32, #tpu.memory_space<vmem>>
      %dma_start3A_170 = tpu.memref_squeeze %dma_start3A_169 : memref<1x1x64xi32, #tpu.memory_space<vmem>> -> memref<64xi32, #tpu.memory_space<vmem>>
      %dma_start3A_171 = arith.constant 0 : i32
      %dma_start3A_172 = arith.constant 0 : i32
      %dma_start3A_173 = tpu.memref_slice %arg2[%dma_start3A_171, %dma_start3A_172] : memref<10000x128xf32, #tpu.memory_space<hbm>> -> memref<10000x128xf32, #tpu.memory_space<hbm>>
      tpu.enqueue_indirect_dma source(%dma_start3A_173 : memref<10000x128xf32, #tpu.memory_space<hbm>>) target(%dma_start3A_167 : memref<64x128xf32, #tpu.memory_space<vmem>>) offsets(%dma_start3A_170 : memref<64xi32, #tpu.memory_space<vmem>>) semaphore(%arg13 : memref<!tpu.dma_semaphore, #tpu.memory_space<semaphore_mem>>)
      %dma_start3A_174 = arith.constant 2 : i32
      %dma_start3A_175 = arith.constant 64 : i32
      %dma_start3A_176 = arith.constant 0 : i32
      %dma_start3A_177 = tpu.memref_slice %arg9[%dma_start3A_175, %dma_start3A_176] : memref<128x128xf32, #tpu.memory_space<vmem>> -> memref<64x128xf32, #tpu.memory_space<vmem>>
      %dma_start3A_178 = arith.constant 64 : i32
      %dma_start3A_179 = tpu.memref_slice %arg7[%and3A_122, %dma_start3A_174, %dma_start3A_178] : memref<2x16x128xi32, #tpu.memory_space<vmem>> -> memref<1x1x64xi32, #tpu.memory_space<vmem>>
      %dma_start3A_180 = tpu.memref_squeeze %dma_start3A_179 : memref<1x1x64xi32, #tpu.memory_space<vmem>> -> memref<64xi32, #tpu.memory_space<vmem>>
      %dma_start3A_181 = arith.constant 0 : i32
      %dma_start3A_182 = arith.constant 0 : i32
      %dma_start3A_183 = tpu.memref_slice %arg2[%dma_start3A_181, %dma_start3A_182] : memref<10000x128xf32, #tpu.memory_space<hbm>> -> memref<10000x128xf32, #tpu.memory_space<hbm>>
      tpu.enqueue_indirect_dma source(%dma_start3A_183 : memref<10000x128xf32, #tpu.memory_space<hbm>>) target(%dma_start3A_177 : memref<64x128xf32, #tpu.memory_space<vmem>>) offsets(%dma_start3A_180 : memref<64xi32, #tpu.memory_space<vmem>>) semaphore(%arg13 : memref<!tpu.dma_semaphore, #tpu.memory_space<semaphore_mem>>)
      %run_scoped3A_184 = arith.constant 1 : i32
      "tpu.region"() ({
        %run_scoped3A_577 = tpu.sem_alloc : memref<!tpu.dma_semaphore, #tpu.memory_space<semaphore_mem>>
        %dma_start3A_578 = arith.constant 0 : i32
        %dma_start3A_579 = tpu.memref_slice %arg8[%and3A_122, %run_scoped3A_184, %dma_start3A_578] : memref<2x16x128xi32, #tpu.memory_space<vmem>> -> memref<1x1x128xi32, #tpu.memory_space<vmem>>
        %dma_start3A_580 = tpu.memref_squeeze %dma_start3A_579 : memref<1x1x128xi32, #tpu.memory_space<vmem>> -> memref<128xi32, #tpu.memory_space<vmem>>
        %dma_start3A_581 = arith.constant 0 : i32
        %dma_start3A_582 = arith.constant 0 : i32
        %dma_start3A_583 = tpu.memref_slice %arg11[%dma_start3A_581, %dma_start3A_582] : memref<10112x128xf32, #tpu.memory_space<vmem_shared>> -> memref<10112x128xf32, #tpu.memory_space<vmem_shared>>
        tpu.enqueue_indirect_dma source(%arg10 : memref<128x128xf32, #tpu.memory_space<vmem>>) target(%dma_start3A_583 : memref<10112x128xf32, #tpu.memory_space<vmem_shared>>) offsets(%dma_start3A_580 : memref<128xi32, #tpu.memory_space<vmem>>) semaphore(%run_scoped3A_577 : memref<!tpu.dma_semaphore, #tpu.memory_space<semaphore_mem>>) {add = true}
        %dma_wait3A_584 = arith.constant 0 : i32
        %dma_wait3A_585 = tpu.memref_slice %arg8[%and3A_122, %run_scoped3A_184, %dma_wait3A_584] : memref<2x16x128xi32, #tpu.memory_space<vmem>> -> memref<1x1x128xi32, #tpu.memory_space<vmem>>
        %dma_wait3A_586 = tpu.memref_squeeze %dma_wait3A_585 : memref<1x1x128xi32, #tpu.memory_space<vmem>> -> memref<128xi32, #tpu.memory_space<vmem>>
        %dma_wait3A_587 = arith.constant 0 : i32
        %dma_wait3A_588 = arith.constant 0 : i32
        %dma_wait3A_589 = tpu.memref_slice %arg11[%dma_wait3A_587, %dma_wait3A_588] : memref<10112x128xf32, #tpu.memory_space<vmem_shared>> -> memref<10112x128xf32, #tpu.memory_space<vmem_shared>>
        tpu.wait_indirect_dma semaphore(%run_scoped3A_577 : memref<!tpu.dma_semaphore, #tpu.memory_space<semaphore_mem>>) src(%arg10 : memref<128x128xf32, #tpu.memory_space<vmem>>) dst(%dma_wait3A_589 : memref<10112x128xf32, #tpu.memory_space<vmem_shared>>)
        tpu.yield
      }) : () -> ()
      %dma_wait3A_185 = arith.constant 0 : i32
      %dma_wait3A_186 = arith.constant 0 : i32
      %dma_wait3A_187 = arith.constant 0 : i32
      %dma_wait3A_188 = tpu.memref_slice %arg7[%dma_wait3A_185, %dma_wait3A_186, %dma_wait3A_187] : memref<2x16x128xi32, #tpu.memory_space<vmem>> -> memref<1x1x128xi32, #tpu.memory_space<vmem>>
      %dma_wait3A_189 = tpu.memref_squeeze %dma_wait3A_188 : memref<1x1x128xi32, #tpu.memory_space<vmem>> -> memref<128xi32, #tpu.memory_space<vmem>>
      %dma_wait3A_190 = arith.constant 0 : i32
      %dma_wait3A_191 = arith.constant 0 : i32
      %dma_wait3A_192 = tpu.memref_slice %arg2[%dma_wait3A_190, %dma_wait3A_191] : memref<10000x128xf32, #tpu.memory_space<hbm>> -> memref<10000x128xf32, #tpu.memory_space<hbm>>
      tpu.wait_indirect_dma semaphore(%arg13 : memref<!tpu.dma_semaphore, #tpu.memory_space<semaphore_mem>>) src(%dma_wait3A_192 : memref<10000x128xf32, #tpu.memory_space<hbm>>) dst(%arg9 : memref<128x128xf32, #tpu.memory_space<vmem>>)
      %dma_start3A_193 = arith.constant 3 : i32
      %dma_start3A_194 = arith.constant 0 : i32
      %dma_start3A_195 = arith.constant 0 : i32
      %dma_start3A_196 = tpu.memref_slice %arg10[%dma_start3A_194, %dma_start3A_195] : memref<128x128xf32, #tpu.memory_space<vmem>> -> memref<64x128xf32, #tpu.memory_space<vmem>>
      %dma_start3A_197 = arith.constant 0 : i32
      %dma_start3A_198 = tpu.memref_slice %arg7[%and3A_122, %dma_start3A_193, %dma_start3A_197] : memref<2x16x128xi32, #tpu.memory_space<vmem>> -> memref<1x1x64xi32, #tpu.memory_space<vmem>>
      %dma_start3A_199 = tpu.memref_squeeze %dma_start3A_198 : memref<1x1x64xi32, #tpu.memory_space<vmem>> -> memref<64xi32, #tpu.memory_space<vmem>>
      %dma_start3A_200 = arith.constant 0 : i32
      %dma_start3A_201 = arith.constant 0 : i32
      %dma_start3A_202 = tpu.memref_slice %arg2[%dma_start3A_200, %dma_start3A_201] : memref<10000x128xf32, #tpu.memory_space<hbm>> -> memref<10000x128xf32, #tpu.memory_space<hbm>>
      tpu.enqueue_indirect_dma source(%dma_start3A_202 : memref<10000x128xf32, #tpu.memory_space<hbm>>) target(%dma_start3A_196 : memref<64x128xf32, #tpu.memory_space<vmem>>) offsets(%dma_start3A_199 : memref<64xi32, #tpu.memory_space<vmem>>) semaphore(%arg14 : memref<!tpu.dma_semaphore, #tpu.memory_space<semaphore_mem>>)
      %dma_start3A_203 = arith.constant 3 : i32
      %dma_start3A_204 = arith.constant 64 : i32
      %dma_start3A_205 = arith.constant 0 : i32
      %dma_start3A_206 = tpu.memref_slice %arg10[%dma_start3A_204, %dma_start3A_205] : memref<128x128xf32, #tpu.memory_space<vmem>> -> memref<64x128xf32, #tpu.memory_space<vmem>>
      %dma_start3A_207 = arith.constant 64 : i32
      %dma_start3A_208 = tpu.memref_slice %arg7[%and3A_122, %dma_start3A_203, %dma_start3A_207] : memref<2x16x128xi32, #tpu.memory_space<vmem>> -> memref<1x1x64xi32, #tpu.memory_space<vmem>>
      %dma_start3A_209 = tpu.memref_squeeze %dma_start3A_208 : memref<1x1x64xi32, #tpu.memory_space<vmem>> -> memref<64xi32, #tpu.memory_space<vmem>>
      %dma_start3A_210 = arith.constant 0 : i32
      %dma_start3A_211 = arith.constant 0 : i32
      %dma_start3A_212 = tpu.memref_slice %arg2[%dma_start3A_210, %dma_start3A_211] : memref<10000x128xf32, #tpu.memory_space<hbm>> -> memref<10000x128xf32, #tpu.memory_space<hbm>>
      tpu.enqueue_indirect_dma source(%dma_start3A_212 : memref<10000x128xf32, #tpu.memory_space<hbm>>) target(%dma_start3A_206 : memref<64x128xf32, #tpu.memory_space<vmem>>) offsets(%dma_start3A_209 : memref<64xi32, #tpu.memory_space<vmem>>) semaphore(%arg14 : memref<!tpu.dma_semaphore, #tpu.memory_space<semaphore_mem>>)
      %run_scoped3A_213 = arith.constant 2 : i32
      "tpu.region"() ({
        %run_scoped3A_577 = tpu.sem_alloc : memref<!tpu.dma_semaphore, #tpu.memory_space<semaphore_mem>>
        %dma_start3A_578 = arith.constant 0 : i32
        %dma_start3A_579 = tpu.memref_slice %arg8[%and3A_122, %run_scoped3A_213, %dma_start3A_578] : memref<2x16x128xi32, #tpu.memory_space<vmem>> -> memref<1x1x128xi32, #tpu.memory_space<vmem>>
        %dma_start3A_580 = tpu.memref_squeeze %dma_start3A_579 : memref<1x1x128xi32, #tpu.memory_space<vmem>> -> memref<128xi32, #tpu.memory_space<vmem>>
        %dma_start3A_581 = arith.constant 0 : i32
        %dma_start3A_582 = arith.constant 0 : i32
        %dma_start3A_583 = tpu.memref_slice %arg11[%dma_start3A_581, %dma_start3A_582] : memref<10112x128xf32, #tpu.memory_space<vmem_shared>> -> memref<10112x128xf32, #tpu.memory_space<vmem_shared>>
        tpu.enqueue_indirect_dma source(%arg9 : memref<128x128xf32, #tpu.memory_space<vmem>>) target(%dma_start3A_583 : memref<10112x128xf32, #tpu.memory_space<vmem_shared>>) offsets(%dma_start3A_580 : memref<128xi32, #tpu.memory_space<vmem>>) semaphore(%run_scoped3A_577 : memref<!tpu.dma_semaphore, #tpu.memory_space<semaphore_mem>>) {add = true}
        %dma_wait3A_584 = arith.constant 0 : i32
        %dma_wait3A_585 = tpu.memref_slice %arg8[%and3A_122, %run_scoped3A_213, %dma_wait3A_584] : memref<2x16x128xi32, #tpu.memory_space<vmem>> -> memref<1x1x128xi32, #tpu.memory_space<vmem>>
        %dma_wait3A_586 = tpu.memref_squeeze %dma_wait3A_585 : memref<1x1x128xi32, #tpu.memory_space<vmem>> -> memref<128xi32, #tpu.memory_space<vmem>>
        %dma_wait3A_587 = arith.constant 0 : i32
        %dma_wait3A_588 = arith.constant 0 : i32
        %dma_wait3A_589 = tpu.memref_slice %arg11[%dma_wait3A_587, %dma_wait3A_588] : memref<10112x128xf32, #tpu.memory_space<vmem_shared>> -> memref<10112x128xf32, #tpu.memory_space<vmem_shared>>
        tpu.wait_indirect_dma semaphore(%run_scoped3A_577 : memref<!tpu.dma_semaphore, #tpu.memory_space<semaphore_mem>>) src(%arg9 : memref<128x128xf32, #tpu.memory_space<vmem>>) dst(%dma_wait3A_589 : memref<10112x128xf32, #tpu.memory_space<vmem_shared>>)
        tpu.yield
      }) : () -> ()
      %dma_wait3A_214 = arith.constant 0 : i32
      %dma_wait3A_215 = arith.constant 0 : i32
      %dma_wait3A_216 = arith.constant 0 : i32
      %dma_wait3A_217 = tpu.memref_slice %arg7[%dma_wait3A_214, %dma_wait3A_215, %dma_wait3A_216] : memref<2x16x128xi32, #tpu.memory_space<vmem>> -> memref<1x1x128xi32, #tpu.memory_space<vmem>>
      %dma_wait3A_218 = tpu.memref_squeeze %dma_wait3A_217 : memref<1x1x128xi32, #tpu.memory_space<vmem>> -> memref<128xi32, #tpu.memory_space<vmem>>
      %dma_wait3A_219 = arith.constant 0 : i32
      %dma_wait3A_220 = arith.constant 0 : i32
      %dma_wait3A_221 = tpu.memref_slice %arg2[%dma_wait3A_219, %dma_wait3A_220] : memref<10000x128xf32, #tpu.memory_space<hbm>> -> memref<10000x128xf32, #tpu.memory_space<hbm>>
      tpu.wait_indirect_dma semaphore(%arg14 : memref<!tpu.dma_semaphore, #tpu.memory_space<semaphore_mem>>) src(%dma_wait3A_221 : memref<10000x128xf32, #tpu.memory_space<hbm>>) dst(%arg10 : memref<128x128xf32, #tpu.memory_space<vmem>>)
      %dma_start3A_222 = arith.constant 4 : i32
      %dma_start3A_223 = arith.constant 0 : i32
      %dma_start3A_224 = arith.constant 0 : i32
      %dma_start3A_225 = tpu.memref_slice %arg9[%dma_start3A_223, %dma_start3A_224] : memref<128x128xf32, #tpu.memory_space<vmem>> -> memref<64x128xf32, #tpu.memory_space<vmem>>
      %dma_start3A_226 = arith.constant 0 : i32
      %dma_start3A_227 = tpu.memref_slice %arg7[%and3A_122, %dma_start3A_222, %dma_start3A_226] : memref<2x16x128xi32, #tpu.memory_space<vmem>> -> memref<1x1x64xi32, #tpu.memory_space<vmem>>
      %dma_start3A_228 = tpu.memref_squeeze %dma_start3A_227 : memref<1x1x64xi32, #tpu.memory_space<vmem>> -> memref<64xi32, #tpu.memory_space<vmem>>
      %dma_start3A_229 = arith.constant 0 : i32
      %dma_start3A_230 = arith.constant 0 : i32
      %dma_start3A_231 = tpu.memref_slice %arg2[%dma_start3A_229, %dma_start3A_230] : memref<10000x128xf32, #tpu.memory_space<hbm>> -> memref<10000x128xf32, #tpu.memory_space<hbm>>
      tpu.enqueue_indirect_dma source(%dma_start3A_231 : memref<10000x128xf32, #tpu.memory_space<hbm>>) target(%dma_start3A_225 : memref<64x128xf32, #tpu.memory_space<vmem>>) offsets(%dma_start3A_228 : memref<64xi32, #tpu.memory_space<vmem>>) semaphore(%arg13 : memref<!tpu.dma_semaphore, #tpu.memory_space<semaphore_mem>>)
      %dma_start3A_232 = arith.constant 4 : i32
      %dma_start3A_233 = arith.constant 64 : i32
      %dma_start3A_234 = arith.constant 0 : i32
      %dma_start3A_235 = tpu.memref_slice %arg9[%dma_start3A_233, %dma_start3A_234] : memref<128x128xf32, #tpu.memory_space<vmem>> -> memref<64x128xf32, #tpu.memory_space<vmem>>
      %dma_start3A_236 = arith.constant 64 : i32
      %dma_start3A_237 = tpu.memref_slice %arg7[%and3A_122, %dma_start3A_232, %dma_start3A_236] : memref<2x16x128xi32, #tpu.memory_space<vmem>> -> memref<1x1x64xi32, #tpu.memory_space<vmem>>
      %dma_start3A_238 = tpu.memref_squeeze %dma_start3A_237 : memref<1x1x64xi32, #tpu.memory_space<vmem>> -> memref<64xi32, #tpu.memory_space<vmem>>
      %dma_start3A_239 = arith.constant 0 : i32
      %dma_start3A_240 = arith.constant 0 : i32
      %dma_start3A_241 = tpu.memref_slice %arg2[%dma_start3A_239, %dma_start3A_240] : memref<10000x128xf32, #tpu.memory_space<hbm>> -> memref<10000x128xf32, #tpu.memory_space<hbm>>
      tpu.enqueue_indirect_dma source(%dma_start3A_241 : memref<10000x128xf32, #tpu.memory_space<hbm>>) target(%dma_start3A_235 : memref<64x128xf32, #tpu.memory_space<vmem>>) offsets(%dma_start3A_238 : memref<64xi32, #tpu.memory_space<vmem>>) semaphore(%arg13 : memref<!tpu.dma_semaphore, #tpu.memory_space<semaphore_mem>>)
      %run_scoped3A_242 = arith.constant 3 : i32
      "tpu.region"() ({
        %run_scoped3A_577 = tpu.sem_alloc : memref<!tpu.dma_semaphore, #tpu.memory_space<semaphore_mem>>
        %dma_start3A_578 = arith.constant 0 : i32
        %dma_start3A_579 = tpu.memref_slice %arg8[%and3A_122, %run_scoped3A_242, %dma_start3A_578] : memref<2x16x128xi32, #tpu.memory_space<vmem>> -> memref<1x1x128xi32, #tpu.memory_space<vmem>>
        %dma_start3A_580 = tpu.memref_squeeze %dma_start3A_579 : memref<1x1x128xi32, #tpu.memory_space<vmem>> -> memref<128xi32, #tpu.memory_space<vmem>>
        %dma_start3A_581 = arith.constant 0 : i32
        %dma_start3A_582 = arith.constant 0 : i32
        %dma_start3A_583 = tpu.memref_slice %arg11[%dma_start3A_581, %dma_start3A_582] : memref<10112x128xf32, #tpu.memory_space<vmem_shared>> -> memref<10112x128xf32, #tpu.memory_space<vmem_shared>>
        tpu.enqueue_indirect_dma source(%arg10 : memref<128x128xf32, #tpu.memory_space<vmem>>) target(%dma_start3A_583 : memref<10112x128xf32, #tpu.memory_space<vmem_shared>>) offsets(%dma_start3A_580 : memref<128xi32, #tpu.memory_space<vmem>>) semaphore(%run_scoped3A_577 : memref<!tpu.dma_semaphore, #tpu.memory_space<semaphore_mem>>) {add = true}
        %dma_wait3A_584 = arith.constant 0 : i32
        %dma_wait3A_585 = tpu.memref_slice %arg8[%and3A_122, %run_scoped3A_242, %dma_wait3A_584] : memref<2x16x128xi32, #tpu.memory_space<vmem>> -> memref<1x1x128xi32, #tpu.memory_space<vmem>>
        %dma_wait3A_586 = tpu.memref_squeeze %dma_wait3A_585 : memref<1x1x128xi32, #tpu.memory_space<vmem>> -> memref<128xi32, #tpu.memory_space<vmem>>
        %dma_wait3A_587 = arith.constant 0 : i32
        %dma_wait3A_588 = arith.constant 0 : i32
        %dma_wait3A_589 = tpu.memref_slice %arg11[%dma_wait3A_587, %dma_wait3A_588] : memref<10112x128xf32, #tpu.memory_space<vmem_shared>> -> memref<10112x128xf32, #tpu.memory_space<vmem_shared>>
        tpu.wait_indirect_dma semaphore(%run_scoped3A_577 : memref<!tpu.dma_semaphore, #tpu.memory_space<semaphore_mem>>) src(%arg10 : memref<128x128xf32, #tpu.memory_space<vmem>>) dst(%dma_wait3A_589 : memref<10112x128xf32, #tpu.memory_space<vmem_shared>>)
        tpu.yield
      }) : () -> ()
      %dma_wait3A_243 = arith.constant 0 : i32
      %dma_wait3A_244 = arith.constant 0 : i32
      %dma_wait3A_245 = arith.constant 0 : i32
      %dma_wait3A_246 = tpu.memref_slice %arg7[%dma_wait3A_243, %dma_wait3A_244, %dma_wait3A_245] : memref<2x16x128xi32, #tpu.memory_space<vmem>> -> memref<1x1x128xi32, #tpu.memory_space<vmem>>
      %dma_wait3A_247 = tpu.memref_squeeze %dma_wait3A_246 : memref<1x1x128xi32, #tpu.memory_space<vmem>> -> memref<128xi32, #tpu.memory_space<vmem>>
      %dma_wait3A_248 = arith.constant 0 : i32
      %dma_wait3A_249 = arith.constant 0 : i32
      %dma_wait3A_250 = tpu.memref_slice %arg2[%dma_wait3A_248, %dma_wait3A_249] : memref<10000x128xf32, #tpu.memory_space<hbm>> -> memref<10000x128xf32, #tpu.memory_space<hbm>>
      tpu.wait_indirect_dma semaphore(%arg13 : memref<!tpu.dma_semaphore, #tpu.memory_space<semaphore_mem>>) src(%dma_wait3A_250 : memref<10000x128xf32, #tpu.memory_space<hbm>>) dst(%arg9 : memref<128x128xf32, #tpu.memory_space<vmem>>)
      %dma_start3A_251 = arith.constant 5 : i32
      %dma_start3A_252 = arith.constant 0 : i32
      %dma_start3A_253 = arith.constant 0 : i32
      %dma_start3A_254 = tpu.memref_slice %arg10[%dma_start3A_252, %dma_start3A_253] : memref<128x128xf32, #tpu.memory_space<vmem>> -> memref<64x128xf32, #tpu.memory_space<vmem>>
      %dma_start3A_255 = arith.constant 0 : i32
      %dma_start3A_256 = tpu.memref_slice %arg7[%and3A_122, %dma_start3A_251, %dma_start3A_255] : memref<2x16x128xi32, #tpu.memory_space<vmem>> -> memref<1x1x64xi32, #tpu.memory_space<vmem>>
      %dma_start3A_257 = tpu.memref_squeeze %dma_start3A_256 : memref<1x1x64xi32, #tpu.memory_space<vmem>> -> memref<64xi32, #tpu.memory_space<vmem>>
      %dma_start3A_258 = arith.constant 0 : i32
      %dma_start3A_259 = arith.constant 0 : i32
      %dma_start3A_260 = tpu.memref_slice %arg2[%dma_start3A_258, %dma_start3A_259] : memref<10000x128xf32, #tpu.memory_space<hbm>> -> memref<10000x128xf32, #tpu.memory_space<hbm>>
      tpu.enqueue_indirect_dma source(%dma_start3A_260 : memref<10000x128xf32, #tpu.memory_space<hbm>>) target(%dma_start3A_254 : memref<64x128xf32, #tpu.memory_space<vmem>>) offsets(%dma_start3A_257 : memref<64xi32, #tpu.memory_space<vmem>>) semaphore(%arg14 : memref<!tpu.dma_semaphore, #tpu.memory_space<semaphore_mem>>)
      %dma_start3A_261 = arith.constant 5 : i32
      %dma_start3A_262 = arith.constant 64 : i32
      %dma_start3A_263 = arith.constant 0 : i32
      %dma_start3A_264 = tpu.memref_slice %arg10[%dma_start3A_262, %dma_start3A_263] : memref<128x128xf32, #tpu.memory_space<vmem>> -> memref<64x128xf32, #tpu.memory_space<vmem>>
      %dma_start3A_265 = arith.constant 64 : i32
      %dma_start3A_266 = tpu.memref_slice %arg7[%and3A_122, %dma_start3A_261, %dma_start3A_265] : memref<2x16x128xi32, #tpu.memory_space<vmem>> -> memref<1x1x64xi32, #tpu.memory_space<vmem>>
      %dma_start3A_267 = tpu.memref_squeeze %dma_start3A_266 : memref<1x1x64xi32, #tpu.memory_space<vmem>> -> memref<64xi32, #tpu.memory_space<vmem>>
      %dma_start3A_268 = arith.constant 0 : i32
      %dma_start3A_269 = arith.constant 0 : i32
      %dma_start3A_270 = tpu.memref_slice %arg2[%dma_start3A_268, %dma_start3A_269] : memref<10000x128xf32, #tpu.memory_space<hbm>> -> memref<10000x128xf32, #tpu.memory_space<hbm>>
      tpu.enqueue_indirect_dma source(%dma_start3A_270 : memref<10000x128xf32, #tpu.memory_space<hbm>>) target(%dma_start3A_264 : memref<64x128xf32, #tpu.memory_space<vmem>>) offsets(%dma_start3A_267 : memref<64xi32, #tpu.memory_space<vmem>>) semaphore(%arg14 : memref<!tpu.dma_semaphore, #tpu.memory_space<semaphore_mem>>)
      %run_scoped3A_271 = arith.constant 4 : i32
      "tpu.region"() ({
        %run_scoped3A_577 = tpu.sem_alloc : memref<!tpu.dma_semaphore, #tpu.memory_space<semaphore_mem>>
        %dma_start3A_578 = arith.constant 0 : i32
        %dma_start3A_579 = tpu.memref_slice %arg8[%and3A_122, %run_scoped3A_271, %dma_start3A_578] : memref<2x16x128xi32, #tpu.memory_space<vmem>> -> memref<1x1x128xi32, #tpu.memory_space<vmem>>
        %dma_start3A_580 = tpu.memref_squeeze %dma_start3A_579 : memref<1x1x128xi32, #tpu.memory_space<vmem>> -> memref<128xi32, #tpu.memory_space<vmem>>
        %dma_start3A_581 = arith.constant 0 : i32
        %dma_start3A_582 = arith.constant 0 : i32
        %dma_start3A_583 = tpu.memref_slice %arg11[%dma_start3A_581, %dma_start3A_582] : memref<10112x128xf32, #tpu.memory_space<vmem_shared>> -> memref<10112x128xf32, #tpu.memory_space<vmem_shared>>
        tpu.enqueue_indirect_dma source(%arg9 : memref<128x128xf32, #tpu.memory_space<vmem>>) target(%dma_start3A_583 : memref<10112x128xf32, #tpu.memory_space<vmem_shared>>) offsets(%dma_start3A_580 : memref<128xi32, #tpu.memory_space<vmem>>) semaphore(%run_scoped3A_577 : memref<!tpu.dma_semaphore, #tpu.memory_space<semaphore_mem>>) {add = true}
        %dma_wait3A_584 = arith.constant 0 : i32
        %dma_wait3A_585 = tpu.memref_slice %arg8[%and3A_122, %run_scoped3A_271, %dma_wait3A_584] : memref<2x16x128xi32, #tpu.memory_space<vmem>> -> memref<1x1x128xi32, #tpu.memory_space<vmem>>
        %dma_wait3A_586 = tpu.memref_squeeze %dma_wait3A_585 : memref<1x1x128xi32, #tpu.memory_space<vmem>> -> memref<128xi32, #tpu.memory_space<vmem>>
        %dma_wait3A_587 = arith.constant 0 : i32
        %dma_wait3A_588 = arith.constant 0 : i32
        %dma_wait3A_589 = tpu.memref_slice %arg11[%dma_wait3A_587, %dma_wait3A_588] : memref<10112x128xf32, #tpu.memory_space<vmem_shared>> -> memref<10112x128xf32, #tpu.memory_space<vmem_shared>>
        tpu.wait_indirect_dma semaphore(%run_scoped3A_577 : memref<!tpu.dma_semaphore, #tpu.memory_space<semaphore_mem>>) src(%arg9 : memref<128x128xf32, #tpu.memory_space<vmem>>) dst(%dma_wait3A_589 : memref<10112x128xf32, #tpu.memory_space<vmem_shared>>)
        tpu.yield
      }) : () -> ()
      %dma_wait3A_272 = arith.constant 0 : i32
      %dma_wait3A_273 = arith.constant 0 : i32
      %dma_wait3A_274 = arith.constant 0 : i32
      %dma_wait3A_275 = tpu.memref_slice %arg7[%dma_wait3A_272, %dma_wait3A_273, %dma_wait3A_274] : memref<2x16x128xi32, #tpu.memory_space<vmem>> -> memref<1x1x128xi32, #tpu.memory_space<vmem>>
      %dma_wait3A_276 = tpu.memref_squeeze %dma_wait3A_275 : memref<1x1x128xi32, #tpu.memory_space<vmem>> -> memref<128xi32, #tpu.memory_space<vmem>>
      %dma_wait3A_277 = arith.constant 0 : i32
      %dma_wait3A_278 = arith.constant 0 : i32
      %dma_wait3A_279 = tpu.memref_slice %arg2[%dma_wait3A_277, %dma_wait3A_278] : memref<10000x128xf32, #tpu.memory_space<hbm>> -> memref<10000x128xf32, #tpu.memory_space<hbm>>
      tpu.wait_indirect_dma semaphore(%arg14 : memref<!tpu.dma_semaphore, #tpu.memory_space<semaphore_mem>>) src(%dma_wait3A_279 : memref<10000x128xf32, #tpu.memory_space<hbm>>) dst(%arg10 : memref<128x128xf32, #tpu.memory_space<vmem>>)
      %dma_start3A_280 = arith.constant 6 : i32
      %dma_start3A_281 = arith.constant 0 : i32
      %dma_start3A_282 = arith.constant 0 : i32
      %dma_start3A_283 = tpu.memref_slice %arg9[%dma_start3A_281, %dma_start3A_282] : memref<128x128xf32, #tpu.memory_space<vmem>> -> memref<64x128xf32, #tpu.memory_space<vmem>>
      %dma_start3A_284 = arith.constant 0 : i32
      %dma_start3A_285 = tpu.memref_slice %arg7[%and3A_122, %dma_start3A_280, %dma_start3A_284] : memref<2x16x128xi32, #tpu.memory_space<vmem>> -> memref<1x1x64xi32, #tpu.memory_space<vmem>>
      %dma_start3A_286 = tpu.memref_squeeze %dma_start3A_285 : memref<1x1x64xi32, #tpu.memory_space<vmem>> -> memref<64xi32, #tpu.memory_space<vmem>>
      %dma_start3A_287 = arith.constant 0 : i32
      %dma_start3A_288 = arith.constant 0 : i32
      %dma_start3A_289 = tpu.memref_slice %arg2[%dma_start3A_287, %dma_start3A_288] : memref<10000x128xf32, #tpu.memory_space<hbm>> -> memref<10000x128xf32, #tpu.memory_space<hbm>>
      tpu.enqueue_indirect_dma source(%dma_start3A_289 : memref<10000x128xf32, #tpu.memory_space<hbm>>) target(%dma_start3A_283 : memref<64x128xf32, #tpu.memory_space<vmem>>) offsets(%dma_start3A_286 : memref<64xi32, #tpu.memory_space<vmem>>) semaphore(%arg13 : memref<!tpu.dma_semaphore, #tpu.memory_space<semaphore_mem>>)
      %dma_start3A_290 = arith.constant 6 : i32
      %dma_start3A_291 = arith.constant 64 : i32
      %dma_start3A_292 = arith.constant 0 : i32
      %dma_start3A_293 = tpu.memref_slice %arg9[%dma_start3A_291, %dma_start3A_292] : memref<128x128xf32, #tpu.memory_space<vmem>> -> memref<64x128xf32, #tpu.memory_space<vmem>>
      %dma_start3A_294 = arith.constant 64 : i32
      %dma_start3A_295 = tpu.memref_slice %arg7[%and3A_122, %dma_start3A_290, %dma_start3A_294] : memref<2x16x128xi32, #tpu.memory_space<vmem>> -> memref<1x1x64xi32, #tpu.memory_space<vmem>>
      %dma_start3A_296 = tpu.memref_squeeze %dma_start3A_295 : memref<1x1x64xi32, #tpu.memory_space<vmem>> -> memref<64xi32, #tpu.memory_space<vmem>>
      %dma_start3A_297 = arith.constant 0 : i32
      %dma_start3A_298 = arith.constant 0 : i32
      %dma_start3A_299 = tpu.memref_slice %arg2[%dma_start3A_297, %dma_start3A_298] : memref<10000x128xf32, #tpu.memory_space<hbm>> -> memref<10000x128xf32, #tpu.memory_space<hbm>>
      tpu.enqueue_indirect_dma source(%dma_start3A_299 : memref<10000x128xf32, #tpu.memory_space<hbm>>) target(%dma_start3A_293 : memref<64x128xf32, #tpu.memory_space<vmem>>) offsets(%dma_start3A_296 : memref<64xi32, #tpu.memory_space<vmem>>) semaphore(%arg13 : memref<!tpu.dma_semaphore, #tpu.memory_space<semaphore_mem>>)
      %run_scoped3A_300 = arith.constant 5 : i32
      "tpu.region"() ({
        %run_scoped3A_577 = tpu.sem_alloc : memref<!tpu.dma_semaphore, #tpu.memory_space<semaphore_mem>>
        %dma_start3A_578 = arith.constant 0 : i32
        %dma_start3A_579 = tpu.memref_slice %arg8[%and3A_122, %run_scoped3A_300, %dma_start3A_578] : memref<2x16x128xi32, #tpu.memory_space<vmem>> -> memref<1x1x128xi32, #tpu.memory_space<vmem>>
        %dma_start3A_580 = tpu.memref_squeeze %dma_start3A_579 : memref<1x1x128xi32, #tpu.memory_space<vmem>> -> memref<128xi32, #tpu.memory_space<vmem>>
        %dma_start3A_581 = arith.constant 0 : i32
        %dma_start3A_582 = arith.constant 0 : i32
        %dma_start3A_583 = tpu.memref_slice %arg11[%dma_start3A_581, %dma_start3A_582] : memref<10112x128xf32, #tpu.memory_space<vmem_shared>> -> memref<10112x128xf32, #tpu.memory_space<vmem_shared>>
        tpu.enqueue_indirect_dma source(%arg10 : memref<128x128xf32, #tpu.memory_space<vmem>>) target(%dma_start3A_583 : memref<10112x128xf32, #tpu.memory_space<vmem_shared>>) offsets(%dma_start3A_580 : memref<128xi32, #tpu.memory_space<vmem>>) semaphore(%run_scoped3A_577 : memref<!tpu.dma_semaphore, #tpu.memory_space<semaphore_mem>>) {add = true}
        %dma_wait3A_584 = arith.constant 0 : i32
        %dma_wait3A_585 = tpu.memref_slice %arg8[%and3A_122, %run_scoped3A_300, %dma_wait3A_584] : memref<2x16x128xi32, #tpu.memory_space<vmem>> -> memref<1x1x128xi32, #tpu.memory_space<vmem>>
        %dma_wait3A_586 = tpu.memref_squeeze %dma_wait3A_585 : memref<1x1x128xi32, #tpu.memory_space<vmem>> -> memref<128xi32, #tpu.memory_space<vmem>>
        %dma_wait3A_587 = arith.constant 0 : i32
        %dma_wait3A_588 = arith.constant 0 : i32
        %dma_wait3A_589 = tpu.memref_slice %arg11[%dma_wait3A_587, %dma_wait3A_588] : memref<10112x128xf32, #tpu.memory_space<vmem_shared>> -> memref<10112x128xf32, #tpu.memory_space<vmem_shared>>
        tpu.wait_indirect_dma semaphore(%run_scoped3A_577 : memref<!tpu.dma_semaphore, #tpu.memory_space<semaphore_mem>>) src(%arg10 : memref<128x128xf32, #tpu.memory_space<vmem>>) dst(%dma_wait3A_589 : memref<10112x128xf32, #tpu.memory_space<vmem_shared>>)
        tpu.yield
      }) : () -> ()
      %dma_wait3A_301 = arith.constant 0 : i32
      %dma_wait3A_302 = arith.constant 0 : i32
      %dma_wait3A_303 = arith.constant 0 : i32
      %dma_wait3A_304 = tpu.memref_slice %arg7[%dma_wait3A_301, %dma_wait3A_302, %dma_wait3A_303] : memref<2x16x128xi32, #tpu.memory_space<vmem>> -> memref<1x1x128xi32, #tpu.memory_space<vmem>>
      %dma_wait3A_305 = tpu.memref_squeeze %dma_wait3A_304 : memref<1x1x128xi32, #tpu.memory_space<vmem>> -> memref<128xi32, #tpu.memory_space<vmem>>
      %dma_wait3A_306 = arith.constant 0 : i32
      %dma_wait3A_307 = arith.constant 0 : i32
      %dma_wait3A_308 = tpu.memref_slice %arg2[%dma_wait3A_306, %dma_wait3A_307] : memref<10000x128xf32, #tpu.memory_space<hbm>> -> memref<10000x128xf32, #tpu.memory_space<hbm>>
      tpu.wait_indirect_dma semaphore(%arg13 : memref<!tpu.dma_semaphore, #tpu.memory_space<semaphore_mem>>) src(%dma_wait3A_308 : memref<10000x128xf32, #tpu.memory_space<hbm>>) dst(%arg9 : memref<128x128xf32, #tpu.memory_space<vmem>>)
      %dma_start3A_309 = arith.constant 7 : i32
      %dma_start3A_310 = arith.constant 0 : i32
      %dma_start3A_311 = arith.constant 0 : i32
      %dma_start3A_312 = tpu.memref_slice %arg10[%dma_start3A_310, %dma_start3A_311] : memref<128x128xf32, #tpu.memory_space<vmem>> -> memref<64x128xf32, #tpu.memory_space<vmem>>
      %dma_start3A_313 = arith.constant 0 : i32
      %dma_start3A_314 = tpu.memref_slice %arg7[%and3A_122, %dma_start3A_309, %dma_start3A_313] : memref<2x16x128xi32, #tpu.memory_space<vmem>> -> memref<1x1x64xi32, #tpu.memory_space<vmem>>
      %dma_start3A_315 = tpu.memref_squeeze %dma_start3A_314 : memref<1x1x64xi32, #tpu.memory_space<vmem>> -> memref<64xi32, #tpu.memory_space<vmem>>
      %dma_start3A_316 = arith.constant 0 : i32
      %dma_start3A_317 = arith.constant 0 : i32
      %dma_start3A_318 = tpu.memref_slice %arg2[%dma_start3A_316, %dma_start3A_317] : memref<10000x128xf32, #tpu.memory_space<hbm>> -> memref<10000x128xf32, #tpu.memory_space<hbm>>
      tpu.enqueue_indirect_dma source(%dma_start3A_318 : memref<10000x128xf32, #tpu.memory_space<hbm>>) target(%dma_start3A_312 : memref<64x128xf32, #tpu.memory_space<vmem>>) offsets(%dma_start3A_315 : memref<64xi32, #tpu.memory_space<vmem>>) semaphore(%arg14 : memref<!tpu.dma_semaphore, #tpu.memory_space<semaphore_mem>>)
      %dma_start3A_319 = arith.constant 7 : i32
      %dma_start3A_320 = arith.constant 64 : i32
      %dma_start3A_321 = arith.constant 0 : i32
      %dma_start3A_322 = tpu.memref_slice %arg10[%dma_start3A_320, %dma_start3A_321] : memref<128x128xf32, #tpu.memory_space<vmem>> -> memref<64x128xf32, #tpu.memory_space<vmem>>
      %dma_start3A_323 = arith.constant 64 : i32
      %dma_start3A_324 = tpu.memref_slice %arg7[%and3A_122, %dma_start3A_319, %dma_start3A_323] : memref<2x16x128xi32, #tpu.memory_space<vmem>> -> memref<1x1x64xi32, #tpu.memory_space<vmem>>
      %dma_start3A_325 = tpu.memref_squeeze %dma_start3A_324 : memref<1x1x64xi32, #tpu.memory_space<vmem>> -> memref<64xi32, #tpu.memory_space<vmem>>
      %dma_start3A_326 = arith.constant 0 : i32
      %dma_start3A_327 = arith.constant 0 : i32
      %dma_start3A_328 = tpu.memref_slice %arg2[%dma_start3A_326, %dma_start3A_327] : memref<10000x128xf32, #tpu.memory_space<hbm>> -> memref<10000x128xf32, #tpu.memory_space<hbm>>
      tpu.enqueue_indirect_dma source(%dma_start3A_328 : memref<10000x128xf32, #tpu.memory_space<hbm>>) target(%dma_start3A_322 : memref<64x128xf32, #tpu.memory_space<vmem>>) offsets(%dma_start3A_325 : memref<64xi32, #tpu.memory_space<vmem>>) semaphore(%arg14 : memref<!tpu.dma_semaphore, #tpu.memory_space<semaphore_mem>>)
      %run_scoped3A_329 = arith.constant 6 : i32
      "tpu.region"() ({
        %run_scoped3A_577 = tpu.sem_alloc : memref<!tpu.dma_semaphore, #tpu.memory_space<semaphore_mem>>
        %dma_start3A_578 = arith.constant 0 : i32
        %dma_start3A_579 = tpu.memref_slice %arg8[%and3A_122, %run_scoped3A_329, %dma_start3A_578] : memref<2x16x128xi32, #tpu.memory_space<vmem>> -> memref<1x1x128xi32, #tpu.memory_space<vmem>>
        %dma_start3A_580 = tpu.memref_squeeze %dma_start3A_579 : memref<1x1x128xi32, #tpu.memory_space<vmem>> -> memref<128xi32, #tpu.memory_space<vmem>>
        %dma_start3A_581 = arith.constant 0 : i32
        %dma_start3A_582 = arith.constant 0 : i32
        %dma_start3A_583 = tpu.memref_slice %arg11[%dma_start3A_581, %dma_start3A_582] : memref<10112x128xf32, #tpu.memory_space<vmem_shared>> -> memref<10112x128xf32, #tpu.memory_space<vmem_shared>>
        tpu.enqueue_indirect_dma source(%arg9 : memref<128x128xf32, #tpu.memory_space<vmem>>) target(%dma_start3A_583 : memref<10112x128xf32, #tpu.memory_space<vmem_shared>>) offsets(%dma_start3A_580 : memref<128xi32, #tpu.memory_space<vmem>>) semaphore(%run_scoped3A_577 : memref<!tpu.dma_semaphore, #tpu.memory_space<semaphore_mem>>) {add = true}
        %dma_wait3A_584 = arith.constant 0 : i32
        %dma_wait3A_585 = tpu.memref_slice %arg8[%and3A_122, %run_scoped3A_329, %dma_wait3A_584] : memref<2x16x128xi32, #tpu.memory_space<vmem>> -> memref<1x1x128xi32, #tpu.memory_space<vmem>>
        %dma_wait3A_586 = tpu.memref_squeeze %dma_wait3A_585 : memref<1x1x128xi32, #tpu.memory_space<vmem>> -> memref<128xi32, #tpu.memory_space<vmem>>
        %dma_wait3A_587 = arith.constant 0 : i32
        %dma_wait3A_588 = arith.constant 0 : i32
        %dma_wait3A_589 = tpu.memref_slice %arg11[%dma_wait3A_587, %dma_wait3A_588] : memref<10112x128xf32, #tpu.memory_space<vmem_shared>> -> memref<10112x128xf32, #tpu.memory_space<vmem_shared>>
        tpu.wait_indirect_dma semaphore(%run_scoped3A_577 : memref<!tpu.dma_semaphore, #tpu.memory_space<semaphore_mem>>) src(%arg9 : memref<128x128xf32, #tpu.memory_space<vmem>>) dst(%dma_wait3A_589 : memref<10112x128xf32, #tpu.memory_space<vmem_shared>>)
        tpu.yield
      }) : () -> ()
      %dma_wait3A_330 = arith.constant 0 : i32
      %dma_wait3A_331 = arith.constant 0 : i32
      %dma_wait3A_332 = arith.constant 0 : i32
      %dma_wait3A_333 = tpu.memref_slice %arg7[%dma_wait3A_330, %dma_wait3A_331, %dma_wait3A_332] : memref<2x16x128xi32, #tpu.memory_space<vmem>> -> memref<1x1x128xi32, #tpu.memory_space<vmem>>
      %dma_wait3A_334 = tpu.memref_squeeze %dma_wait3A_333 : memref<1x1x128xi32, #tpu.memory_space<vmem>> -> memref<128xi32, #tpu.memory_space<vmem>>
      %dma_wait3A_335 = arith.constant 0 : i32
      %dma_wait3A_336 = arith.constant 0 : i32
      %dma_wait3A_337 = tpu.memref_slice %arg2[%dma_wait3A_335, %dma_wait3A_336] : memref<10000x128xf32, #tpu.memory_space<hbm>> -> memref<10000x128xf32, #tpu.memory_space<hbm>>
      tpu.wait_indirect_dma semaphore(%arg14 : memref<!tpu.dma_semaphore, #tpu.memory_space<semaphore_mem>>) src(%dma_wait3A_337 : memref<10000x128xf32, #tpu.memory_space<hbm>>) dst(%arg10 : memref<128x128xf32, #tpu.memory_space<vmem>>)
      %dma_start3A_338 = arith.constant 8 : i32
      %dma_start3A_339 = arith.constant 0 : i32
      %dma_start3A_340 = arith.constant 0 : i32
      %dma_start3A_341 = tpu.memref_slice %arg9[%dma_start3A_339, %dma_start3A_340] : memref<128x128xf32, #tpu.memory_space<vmem>> -> memref<64x128xf32, #tpu.memory_space<vmem>>
      %dma_start3A_342 = arith.constant 0 : i32
      %dma_start3A_343 = tpu.memref_slice %arg7[%and3A_122, %dma_start3A_338, %dma_start3A_342] : memref<2x16x128xi32, #tpu.memory_space<vmem>> -> memref<1x1x64xi32, #tpu.memory_space<vmem>>
      %dma_start3A_344 = tpu.memref_squeeze %dma_start3A_343 : memref<1x1x64xi32, #tpu.memory_space<vmem>> -> memref<64xi32, #tpu.memory_space<vmem>>
      %dma_start3A_345 = arith.constant 0 : i32
      %dma_start3A_346 = arith.constant 0 : i32
      %dma_start3A_347 = tpu.memref_slice %arg2[%dma_start3A_345, %dma_start3A_346] : memref<10000x128xf32, #tpu.memory_space<hbm>> -> memref<10000x128xf32, #tpu.memory_space<hbm>>
      tpu.enqueue_indirect_dma source(%dma_start3A_347 : memref<10000x128xf32, #tpu.memory_space<hbm>>) target(%dma_start3A_341 : memref<64x128xf32, #tpu.memory_space<vmem>>) offsets(%dma_start3A_344 : memref<64xi32, #tpu.memory_space<vmem>>) semaphore(%arg13 : memref<!tpu.dma_semaphore, #tpu.memory_space<semaphore_mem>>)
      %dma_start3A_348 = arith.constant 8 : i32
      %dma_start3A_349 = arith.constant 64 : i32
      %dma_start3A_350 = arith.constant 0 : i32
      %dma_start3A_351 = tpu.memref_slice %arg9[%dma_start3A_349, %dma_start3A_350] : memref<128x128xf32, #tpu.memory_space<vmem>> -> memref<64x128xf32, #tpu.memory_space<vmem>>
      %dma_start3A_352 = arith.constant 64 : i32
      %dma_start3A_353 = tpu.memref_slice %arg7[%and3A_122, %dma_start3A_348, %dma_start3A_352] : memref<2x16x128xi32, #tpu.memory_space<vmem>> -> memref<1x1x64xi32, #tpu.memory_space<vmem>>
      %dma_start3A_354 = tpu.memref_squeeze %dma_start3A_353 : memref<1x1x64xi32, #tpu.memory_space<vmem>> -> memref<64xi32, #tpu.memory_space<vmem>>
      %dma_start3A_355 = arith.constant 0 : i32
      %dma_start3A_356 = arith.constant 0 : i32
      %dma_start3A_357 = tpu.memref_slice %arg2[%dma_start3A_355, %dma_start3A_356] : memref<10000x128xf32, #tpu.memory_space<hbm>> -> memref<10000x128xf32, #tpu.memory_space<hbm>>
      tpu.enqueue_indirect_dma source(%dma_start3A_357 : memref<10000x128xf32, #tpu.memory_space<hbm>>) target(%dma_start3A_351 : memref<64x128xf32, #tpu.memory_space<vmem>>) offsets(%dma_start3A_354 : memref<64xi32, #tpu.memory_space<vmem>>) semaphore(%arg13 : memref<!tpu.dma_semaphore, #tpu.memory_space<semaphore_mem>>)
      %run_scoped3A_358 = arith.constant 7 : i32
      "tpu.region"() ({
        %run_scoped3A_577 = tpu.sem_alloc : memref<!tpu.dma_semaphore, #tpu.memory_space<semaphore_mem>>
        %dma_start3A_578 = arith.constant 0 : i32
        %dma_start3A_579 = tpu.memref_slice %arg8[%and3A_122, %run_scoped3A_358, %dma_start3A_578] : memref<2x16x128xi32, #tpu.memory_space<vmem>> -> memref<1x1x128xi32, #tpu.memory_space<vmem>>
        %dma_start3A_580 = tpu.memref_squeeze %dma_start3A_579 : memref<1x1x128xi32, #tpu.memory_space<vmem>> -> memref<128xi32, #tpu.memory_space<vmem>>
        %dma_start3A_581 = arith.constant 0 : i32
        %dma_start3A_582 = arith.constant 0 : i32
        %dma_start3A_583 = tpu.memref_slice %arg11[%dma_start3A_581, %dma_start3A_582] : memref<10112x128xf32, #tpu.memory_space<vmem_shared>> -> memref<10112x128xf32, #tpu.memory_space<vmem_shared>>
        tpu.enqueue_indirect_dma source(%arg10 : memref<128x128xf32, #tpu.memory_space<vmem>>) target(%dma_start3A_583 : memref<10112x128xf32, #tpu.memory_space<vmem_shared>>) offsets(%dma_start3A_580 : memref<128xi32, #tpu.memory_space<vmem>>) semaphore(%run_scoped3A_577 : memref<!tpu.dma_semaphore, #tpu.memory_space<semaphore_mem>>) {add = true}
        %dma_wait3A_584 = arith.constant 0 : i32
        %dma_wait3A_585 = tpu.memref_slice %arg8[%and3A_122, %run_scoped3A_358, %dma_wait3A_584] : memref<2x16x128xi32, #tpu.memory_space<vmem>> -> memref<1x1x128xi32, #tpu.memory_space<vmem>>
        %dma_wait3A_586 = tpu.memref_squeeze %dma_wait3A_585 : memref<1x1x128xi32, #tpu.memory_space<vmem>> -> memref<128xi32, #tpu.memory_space<vmem>>
        %dma_wait3A_587 = arith.constant 0 : i32
        %dma_wait3A_588 = arith.constant 0 : i32
        %dma_wait3A_589 = tpu.memref_slice %arg11[%dma_wait3A_587, %dma_wait3A_588] : memref<10112x128xf32, #tpu.memory_space<vmem_shared>> -> memref<10112x128xf32, #tpu.memory_space<vmem_shared>>
        tpu.wait_indirect_dma semaphore(%run_scoped3A_577 : memref<!tpu.dma_semaphore, #tpu.memory_space<semaphore_mem>>) src(%arg10 : memref<128x128xf32, #tpu.memory_space<vmem>>) dst(%dma_wait3A_589 : memref<10112x128xf32, #tpu.memory_space<vmem_shared>>)
        tpu.yield
      }) : () -> ()
      %dma_wait3A_359 = arith.constant 0 : i32
      %dma_wait3A_360 = arith.constant 0 : i32
      %dma_wait3A_361 = arith.constant 0 : i32
      %dma_wait3A_362 = tpu.memref_slice %arg7[%dma_wait3A_359, %dma_wait3A_360, %dma_wait3A_361] : memref<2x16x128xi32, #tpu.memory_space<vmem>> -> memref<1x1x128xi32, #tpu.memory_space<vmem>>
      %dma_wait3A_363 = tpu.memref_squeeze %dma_wait3A_362 : memref<1x1x128xi32, #tpu.memory_space<vmem>> -> memref<128xi32, #tpu.memory_space<vmem>>
      %dma_wait3A_364 = arith.constant 0 : i32
      %dma_wait3A_365 = arith.constant 0 : i32
      %dma_wait3A_366 = tpu.memref_slice %arg2[%dma_wait3A_364, %dma_wait3A_365] : memref<10000x128xf32, #tpu.memory_space<hbm>> -> memref<10000x128xf32, #tpu.memory_space<hbm>>
      tpu.wait_indirect_dma semaphore(%arg13 : memref<!tpu.dma_semaphore, #tpu.memory_space<semaphore_mem>>) src(%dma_wait3A_366 : memref<10000x128xf32, #tpu.memory_space<hbm>>) dst(%arg9 : memref<128x128xf32, #tpu.memory_space<vmem>>)
      %dma_start3A_367 = arith.constant 9 : i32
      %dma_start3A_368 = arith.constant 0 : i32
      %dma_start3A_369 = arith.constant 0 : i32
      %dma_start3A_370 = tpu.memref_slice %arg10[%dma_start3A_368, %dma_start3A_369] : memref<128x128xf32, #tpu.memory_space<vmem>> -> memref<64x128xf32, #tpu.memory_space<vmem>>
      %dma_start3A_371 = arith.constant 0 : i32
      %dma_start3A_372 = tpu.memref_slice %arg7[%and3A_122, %dma_start3A_367, %dma_start3A_371] : memref<2x16x128xi32, #tpu.memory_space<vmem>> -> memref<1x1x64xi32, #tpu.memory_space<vmem>>
      %dma_start3A_373 = tpu.memref_squeeze %dma_start3A_372 : memref<1x1x64xi32, #tpu.memory_space<vmem>> -> memref<64xi32, #tpu.memory_space<vmem>>
      %dma_start3A_374 = arith.constant 0 : i32
      %dma_start3A_375 = arith.constant 0 : i32
      %dma_start3A_376 = tpu.memref_slice %arg2[%dma_start3A_374, %dma_start3A_375] : memref<10000x128xf32, #tpu.memory_space<hbm>> -> memref<10000x128xf32, #tpu.memory_space<hbm>>
      tpu.enqueue_indirect_dma source(%dma_start3A_376 : memref<10000x128xf32, #tpu.memory_space<hbm>>) target(%dma_start3A_370 : memref<64x128xf32, #tpu.memory_space<vmem>>) offsets(%dma_start3A_373 : memref<64xi32, #tpu.memory_space<vmem>>) semaphore(%arg14 : memref<!tpu.dma_semaphore, #tpu.memory_space<semaphore_mem>>)
      %dma_start3A_377 = arith.constant 9 : i32
      %dma_start3A_378 = arith.constant 64 : i32
      %dma_start3A_379 = arith.constant 0 : i32
      %dma_start3A_380 = tpu.memref_slice %arg10[%dma_start3A_378, %dma_start3A_379] : memref<128x128xf32, #tpu.memory_space<vmem>> -> memref<64x128xf32, #tpu.memory_space<vmem>>
      %dma_start3A_381 = arith.constant 64 : i32
      %dma_start3A_382 = tpu.memref_slice %arg7[%and3A_122, %dma_start3A_377, %dma_start3A_381] : memref<2x16x128xi32, #tpu.memory_space<vmem>> -> memref<1x1x64xi32, #tpu.memory_space<vmem>>
      %dma_start3A_383 = tpu.memref_squeeze %dma_start3A_382 : memref<1x1x64xi32, #tpu.memory_space<vmem>> -> memref<64xi32, #tpu.memory_space<vmem>>
      %dma_start3A_384 = arith.constant 0 : i32
      %dma_start3A_385 = arith.constant 0 : i32
      %dma_start3A_386 = tpu.memref_slice %arg2[%dma_start3A_384, %dma_start3A_385] : memref<10000x128xf32, #tpu.memory_space<hbm>> -> memref<10000x128xf32, #tpu.memory_space<hbm>>
      tpu.enqueue_indirect_dma source(%dma_start3A_386 : memref<10000x128xf32, #tpu.memory_space<hbm>>) target(%dma_start3A_380 : memref<64x128xf32, #tpu.memory_space<vmem>>) offsets(%dma_start3A_383 : memref<64xi32, #tpu.memory_space<vmem>>) semaphore(%arg14 : memref<!tpu.dma_semaphore, #tpu.memory_space<semaphore_mem>>)
      %run_scoped3A_387 = arith.constant 8 : i32
      "tpu.region"() ({
        %run_scoped3A_577 = tpu.sem_alloc : memref<!tpu.dma_semaphore, #tpu.memory_space<semaphore_mem>>
        %dma_start3A_578 = arith.constant 0 : i32
        %dma_start3A_579 = tpu.memref_slice %arg8[%and3A_122, %run_scoped3A_387, %dma_start3A_578] : memref<2x16x128xi32, #tpu.memory_space<vmem>> -> memref<1x1x128xi32, #tpu.memory_space<vmem>>
        %dma_start3A_580 = tpu.memref_squeeze %dma_start3A_579 : memref<1x1x128xi32, #tpu.memory_space<vmem>> -> memref<128xi32, #tpu.memory_space<vmem>>
        %dma_start3A_581 = arith.constant 0 : i32
        %dma_start3A_582 = arith.constant 0 : i32
        %dma_start3A_583 = tpu.memref_slice %arg11[%dma_start3A_581, %dma_start3A_582] : memref<10112x128xf32, #tpu.memory_space<vmem_shared>> -> memref<10112x128xf32, #tpu.memory_space<vmem_shared>>
        tpu.enqueue_indirect_dma source(%arg9 : memref<128x128xf32, #tpu.memory_space<vmem>>) target(%dma_start3A_583 : memref<10112x128xf32, #tpu.memory_space<vmem_shared>>) offsets(%dma_start3A_580 : memref<128xi32, #tpu.memory_space<vmem>>) semaphore(%run_scoped3A_577 : memref<!tpu.dma_semaphore, #tpu.memory_space<semaphore_mem>>) {add = true}
        %dma_wait3A_584 = arith.constant 0 : i32
        %dma_wait3A_585 = tpu.memref_slice %arg8[%and3A_122, %run_scoped3A_387, %dma_wait3A_584] : memref<2x16x128xi32, #tpu.memory_space<vmem>> -> memref<1x1x128xi32, #tpu.memory_space<vmem>>
        %dma_wait3A_586 = tpu.memref_squeeze %dma_wait3A_585 : memref<1x1x128xi32, #tpu.memory_space<vmem>> -> memref<128xi32, #tpu.memory_space<vmem>>
        %dma_wait3A_587 = arith.constant 0 : i32
        %dma_wait3A_588 = arith.constant 0 : i32
        %dma_wait3A_589 = tpu.memref_slice %arg11[%dma_wait3A_587, %dma_wait3A_588] : memref<10112x128xf32, #tpu.memory_space<vmem_shared>> -> memref<10112x128xf32, #tpu.memory_space<vmem_shared>>
        tpu.wait_indirect_dma semaphore(%run_scoped3A_577 : memref<!tpu.dma_semaphore, #tpu.memory_space<semaphore_mem>>) src(%arg9 : memref<128x128xf32, #tpu.memory_space<vmem>>) dst(%dma_wait3A_589 : memref<10112x128xf32, #tpu.memory_space<vmem_shared>>)
        tpu.yield
      }) : () -> ()
      %dma_wait3A_388 = arith.constant 0 : i32
      %dma_wait3A_389 = arith.constant 0 : i32
      %dma_wait3A_390 = arith.constant 0 : i32
      %dma_wait3A_391 = tpu.memref_slice %arg7[%dma_wait3A_388, %dma_wait3A_389, %dma_wait3A_390] : memref<2x16x128xi32, #tpu.memory_space<vmem>> -> memref<1x1x128xi32, #tpu.memory_space<vmem>>
      %dma_wait3A_392 = tpu.memref_squeeze %dma_wait3A_391 : memref<1x1x128xi32, #tpu.memory_space<vmem>> -> memref<128xi32, #tpu.memory_space<vmem>>
      %dma_wait3A_393 = arith.constant 0 : i32
      %dma_wait3A_394 = arith.constant 0 : i32
      %dma_wait3A_395 = tpu.memref_slice %arg2[%dma_wait3A_393, %dma_wait3A_394] : memref<10000x128xf32, #tpu.memory_space<hbm>> -> memref<10000x128xf32, #tpu.memory_space<hbm>>
      tpu.wait_indirect_dma semaphore(%arg14 : memref<!tpu.dma_semaphore, #tpu.memory_space<semaphore_mem>>) src(%dma_wait3A_395 : memref<10000x128xf32, #tpu.memory_space<hbm>>) dst(%arg10 : memref<128x128xf32, #tpu.memory_space<vmem>>)
      %dma_start3A_396 = arith.constant 10 : i32
      %dma_start3A_397 = arith.constant 0 : i32
      %dma_start3A_398 = arith.constant 0 : i32
      %dma_start3A_399 = tpu.memref_slice %arg9[%dma_start3A_397, %dma_start3A_398] : memref<128x128xf32, #tpu.memory_space<vmem>> -> memref<64x128xf32, #tpu.memory_space<vmem>>
      %dma_start3A_400 = arith.constant 0 : i32
      %dma_start3A_401 = tpu.memref_slice %arg7[%and3A_122, %dma_start3A_396, %dma_start3A_400] : memref<2x16x128xi32, #tpu.memory_space<vmem>> -> memref<1x1x64xi32, #tpu.memory_space<vmem>>
      %dma_start3A_402 = tpu.memref_squeeze %dma_start3A_401 : memref<1x1x64xi32, #tpu.memory_space<vmem>> -> memref<64xi32, #tpu.memory_space<vmem>>
      %dma_start3A_403 = arith.constant 0 : i32
      %dma_start3A_404 = arith.constant 0 : i32
      %dma_start3A_405 = tpu.memref_slice %arg2[%dma_start3A_403, %dma_start3A_404] : memref<10000x128xf32, #tpu.memory_space<hbm>> -> memref<10000x128xf32, #tpu.memory_space<hbm>>
      tpu.enqueue_indirect_dma source(%dma_start3A_405 : memref<10000x128xf32, #tpu.memory_space<hbm>>) target(%dma_start3A_399 : memref<64x128xf32, #tpu.memory_space<vmem>>) offsets(%dma_start3A_402 : memref<64xi32, #tpu.memory_space<vmem>>) semaphore(%arg13 : memref<!tpu.dma_semaphore, #tpu.memory_space<semaphore_mem>>)
      %dma_start3A_406 = arith.constant 10 : i32
      %dma_start3A_407 = arith.constant 64 : i32
      %dma_start3A_408 = arith.constant 0 : i32
      %dma_start3A_409 = tpu.memref_slice %arg9[%dma_start3A_407, %dma_start3A_408] : memref<128x128xf32, #tpu.memory_space<vmem>> -> memref<64x128xf32, #tpu.memory_space<vmem>>
      %dma_start3A_410 = arith.constant 64 : i32
      %dma_start3A_411 = tpu.memref_slice %arg7[%and3A_122, %dma_start3A_406, %dma_start3A_410] : memref<2x16x128xi32, #tpu.memory_space<vmem>> -> memref<1x1x64xi32, #tpu.memory_space<vmem>>
      %dma_start3A_412 = tpu.memref_squeeze %dma_start3A_411 : memref<1x1x64xi32, #tpu.memory_space<vmem>> -> memref<64xi32, #tpu.memory_space<vmem>>
      %dma_start3A_413 = arith.constant 0 : i32
      %dma_start3A_414 = arith.constant 0 : i32
      %dma_start3A_415 = tpu.memref_slice %arg2[%dma_start3A_413, %dma_start3A_414] : memref<10000x128xf32, #tpu.memory_space<hbm>> -> memref<10000x128xf32, #tpu.memory_space<hbm>>
      tpu.enqueue_indirect_dma source(%dma_start3A_415 : memref<10000x128xf32, #tpu.memory_space<hbm>>) target(%dma_start3A_409 : memref<64x128xf32, #tpu.memory_space<vmem>>) offsets(%dma_start3A_412 : memref<64xi32, #tpu.memory_space<vmem>>) semaphore(%arg13 : memref<!tpu.dma_semaphore, #tpu.memory_space<semaphore_mem>>)
      %run_scoped3A_416 = arith.constant 9 : i32
      "tpu.region"() ({
        %run_scoped3A_577 = tpu.sem_alloc : memref<!tpu.dma_semaphore, #tpu.memory_space<semaphore_mem>>
        %dma_start3A_578 = arith.constant 0 : i32
        %dma_start3A_579 = tpu.memref_slice %arg8[%and3A_122, %run_scoped3A_416, %dma_start3A_578] : memref<2x16x128xi32, #tpu.memory_space<vmem>> -> memref<1x1x128xi32, #tpu.memory_space<vmem>>
        %dma_start3A_580 = tpu.memref_squeeze %dma_start3A_579 : memref<1x1x128xi32, #tpu.memory_space<vmem>> -> memref<128xi32, #tpu.memory_space<vmem>>
        %dma_start3A_581 = arith.constant 0 : i32
        %dma_start3A_582 = arith.constant 0 : i32
        %dma_start3A_583 = tpu.memref_slice %arg11[%dma_start3A_581, %dma_start3A_582] : memref<10112x128xf32, #tpu.memory_space<vmem_shared>> -> memref<10112x128xf32, #tpu.memory_space<vmem_shared>>
        tpu.enqueue_indirect_dma source(%arg10 : memref<128x128xf32, #tpu.memory_space<vmem>>) target(%dma_start3A_583 : memref<10112x128xf32, #tpu.memory_space<vmem_shared>>) offsets(%dma_start3A_580 : memref<128xi32, #tpu.memory_space<vmem>>) semaphore(%run_scoped3A_577 : memref<!tpu.dma_semaphore, #tpu.memory_space<semaphore_mem>>) {add = true}
        %dma_wait3A_584 = arith.constant 0 : i32
        %dma_wait3A_585 = tpu.memref_slice %arg8[%and3A_122, %run_scoped3A_416, %dma_wait3A_584] : memref<2x16x128xi32, #tpu.memory_space<vmem>> -> memref<1x1x128xi32, #tpu.memory_space<vmem>>
        %dma_wait3A_586 = tpu.memref_squeeze %dma_wait3A_585 : memref<1x1x128xi32, #tpu.memory_space<vmem>> -> memref<128xi32, #tpu.memory_space<vmem>>
        %dma_wait3A_587 = arith.constant 0 : i32
        %dma_wait3A_588 = arith.constant 0 : i32
        %dma_wait3A_589 = tpu.memref_slice %arg11[%dma_wait3A_587, %dma_wait3A_588] : memref<10112x128xf32, #tpu.memory_space<vmem_shared>> -> memref<10112x128xf32, #tpu.memory_space<vmem_shared>>
        tpu.wait_indirect_dma semaphore(%run_scoped3A_577 : memref<!tpu.dma_semaphore, #tpu.memory_space<semaphore_mem>>) src(%arg10 : memref<128x128xf32, #tpu.memory_space<vmem>>) dst(%dma_wait3A_589 : memref<10112x128xf32, #tpu.memory_space<vmem_shared>>)
        tpu.yield
      }) : () -> ()
      %dma_wait3A_417 = arith.constant 0 : i32
      %dma_wait3A_418 = arith.constant 0 : i32
      %dma_wait3A_419 = arith.constant 0 : i32
      %dma_wait3A_420 = tpu.memref_slice %arg7[%dma_wait3A_417, %dma_wait3A_418, %dma_wait3A_419] : memref<2x16x128xi32, #tpu.memory_space<vmem>> -> memref<1x1x128xi32, #tpu.memory_space<vmem>>
      %dma_wait3A_421 = tpu.memref_squeeze %dma_wait3A_420 : memref<1x1x128xi32, #tpu.memory_space<vmem>> -> memref<128xi32, #tpu.memory_space<vmem>>
      %dma_wait3A_422 = arith.constant 0 : i32
      %dma_wait3A_423 = arith.constant 0 : i32
      %dma_wait3A_424 = tpu.memref_slice %arg2[%dma_wait3A_422, %dma_wait3A_423] : memref<10000x128xf32, #tpu.memory_space<hbm>> -> memref<10000x128xf32, #tpu.memory_space<hbm>>
      tpu.wait_indirect_dma semaphore(%arg13 : memref<!tpu.dma_semaphore, #tpu.memory_space<semaphore_mem>>) src(%dma_wait3A_424 : memref<10000x128xf32, #tpu.memory_space<hbm>>) dst(%arg9 : memref<128x128xf32, #tpu.memory_space<vmem>>)
      %dma_start3A_425 = arith.constant 11 : i32
      %dma_start3A_426 = arith.constant 0 : i32
      %dma_start3A_427 = arith.constant 0 : i32
      %dma_start3A_428 = tpu.memref_slice %arg10[%dma_start3A_426, %dma_start3A_427] : memref<128x128xf32, #tpu.memory_space<vmem>> -> memref<64x128xf32, #tpu.memory_space<vmem>>
      %dma_start3A_429 = arith.constant 0 : i32
      %dma_start3A_430 = tpu.memref_slice %arg7[%and3A_122, %dma_start3A_425, %dma_start3A_429] : memref<2x16x128xi32, #tpu.memory_space<vmem>> -> memref<1x1x64xi32, #tpu.memory_space<vmem>>
      %dma_start3A_431 = tpu.memref_squeeze %dma_start3A_430 : memref<1x1x64xi32, #tpu.memory_space<vmem>> -> memref<64xi32, #tpu.memory_space<vmem>>
      %dma_start3A_432 = arith.constant 0 : i32
      %dma_start3A_433 = arith.constant 0 : i32
      %dma_start3A_434 = tpu.memref_slice %arg2[%dma_start3A_432, %dma_start3A_433] : memref<10000x128xf32, #tpu.memory_space<hbm>> -> memref<10000x128xf32, #tpu.memory_space<hbm>>
      tpu.enqueue_indirect_dma source(%dma_start3A_434 : memref<10000x128xf32, #tpu.memory_space<hbm>>) target(%dma_start3A_428 : memref<64x128xf32, #tpu.memory_space<vmem>>) offsets(%dma_start3A_431 : memref<64xi32, #tpu.memory_space<vmem>>) semaphore(%arg14 : memref<!tpu.dma_semaphore, #tpu.memory_space<semaphore_mem>>)
      %dma_start3A_435 = arith.constant 11 : i32
      %dma_start3A_436 = arith.constant 64 : i32
      %dma_start3A_437 = arith.constant 0 : i32
      %dma_start3A_438 = tpu.memref_slice %arg10[%dma_start3A_436, %dma_start3A_437] : memref<128x128xf32, #tpu.memory_space<vmem>> -> memref<64x128xf32, #tpu.memory_space<vmem>>
      %dma_start3A_439 = arith.constant 64 : i32
      %dma_start3A_440 = tpu.memref_slice %arg7[%and3A_122, %dma_start3A_435, %dma_start3A_439] : memref<2x16x128xi32, #tpu.memory_space<vmem>> -> memref<1x1x64xi32, #tpu.memory_space<vmem>>
      %dma_start3A_441 = tpu.memref_squeeze %dma_start3A_440 : memref<1x1x64xi32, #tpu.memory_space<vmem>> -> memref<64xi32, #tpu.memory_space<vmem>>
      %dma_start3A_442 = arith.constant 0 : i32
      %dma_start3A_443 = arith.constant 0 : i32
      %dma_start3A_444 = tpu.memref_slice %arg2[%dma_start3A_442, %dma_start3A_443] : memref<10000x128xf32, #tpu.memory_space<hbm>> -> memref<10000x128xf32, #tpu.memory_space<hbm>>
      tpu.enqueue_indirect_dma source(%dma_start3A_444 : memref<10000x128xf32, #tpu.memory_space<hbm>>) target(%dma_start3A_438 : memref<64x128xf32, #tpu.memory_space<vmem>>) offsets(%dma_start3A_441 : memref<64xi32, #tpu.memory_space<vmem>>) semaphore(%arg14 : memref<!tpu.dma_semaphore, #tpu.memory_space<semaphore_mem>>)
      %run_scoped3A_445 = arith.constant 10 : i32
      "tpu.region"() ({
        %run_scoped3A_577 = tpu.sem_alloc : memref<!tpu.dma_semaphore, #tpu.memory_space<semaphore_mem>>
        %dma_start3A_578 = arith.constant 0 : i32
        %dma_start3A_579 = tpu.memref_slice %arg8[%and3A_122, %run_scoped3A_445, %dma_start3A_578] : memref<2x16x128xi32, #tpu.memory_space<vmem>> -> memref<1x1x128xi32, #tpu.memory_space<vmem>>
        %dma_start3A_580 = tpu.memref_squeeze %dma_start3A_579 : memref<1x1x128xi32, #tpu.memory_space<vmem>> -> memref<128xi32, #tpu.memory_space<vmem>>
        %dma_start3A_581 = arith.constant 0 : i32
        %dma_start3A_582 = arith.constant 0 : i32
        %dma_start3A_583 = tpu.memref_slice %arg11[%dma_start3A_581, %dma_start3A_582] : memref<10112x128xf32, #tpu.memory_space<vmem_shared>> -> memref<10112x128xf32, #tpu.memory_space<vmem_shared>>
        tpu.enqueue_indirect_dma source(%arg9 : memref<128x128xf32, #tpu.memory_space<vmem>>) target(%dma_start3A_583 : memref<10112x128xf32, #tpu.memory_space<vmem_shared>>) offsets(%dma_start3A_580 : memref<128xi32, #tpu.memory_space<vmem>>) semaphore(%run_scoped3A_577 : memref<!tpu.dma_semaphore, #tpu.memory_space<semaphore_mem>>) {add = true}
        %dma_wait3A_584 = arith.constant 0 : i32
        %dma_wait3A_585 = tpu.memref_slice %arg8[%and3A_122, %run_scoped3A_445, %dma_wait3A_584] : memref<2x16x128xi32, #tpu.memory_space<vmem>> -> memref<1x1x128xi32, #tpu.memory_space<vmem>>
        %dma_wait3A_586 = tpu.memref_squeeze %dma_wait3A_585 : memref<1x1x128xi32, #tpu.memory_space<vmem>> -> memref<128xi32, #tpu.memory_space<vmem>>
        %dma_wait3A_587 = arith.constant 0 : i32
        %dma_wait3A_588 = arith.constant 0 : i32
        %dma_wait3A_589 = tpu.memref_slice %arg11[%dma_wait3A_587, %dma_wait3A_588] : memref<10112x128xf32, #tpu.memory_space<vmem_shared>> -> memref<10112x128xf32, #tpu.memory_space<vmem_shared>>
        tpu.wait_indirect_dma semaphore(%run_scoped3A_577 : memref<!tpu.dma_semaphore, #tpu.memory_space<semaphore_mem>>) src(%arg9 : memref<128x128xf32, #tpu.memory_space<vmem>>) dst(%dma_wait3A_589 : memref<10112x128xf32, #tpu.memory_space<vmem_shared>>)
        tpu.yield
      }) : () -> ()
      %dma_wait3A_446 = arith.constant 0 : i32
      %dma_wait3A_447 = arith.constant 0 : i32
      %dma_wait3A_448 = arith.constant 0 : i32
      %dma_wait3A_449 = tpu.memref_slice %arg7[%dma_wait3A_446, %dma_wait3A_447, %dma_wait3A_448] : memref<2x16x128xi32, #tpu.memory_space<vmem>> -> memref<1x1x128xi32, #tpu.memory_space<vmem>>
      %dma_wait3A_450 = tpu.memref_squeeze %dma_wait3A_449 : memref<1x1x128xi32, #tpu.memory_space<vmem>> -> memref<128xi32, #tpu.memory_space<vmem>>
      %dma_wait3A_451 = arith.constant 0 : i32
      %dma_wait3A_452 = arith.constant 0 : i32
      %dma_wait3A_453 = tpu.memref_slice %arg2[%dma_wait3A_451, %dma_wait3A_452] : memref<10000x128xf32, #tpu.memory_space<hbm>> -> memref<10000x128xf32, #tpu.memory_space<hbm>>
      tpu.wait_indirect_dma semaphore(%arg14 : memref<!tpu.dma_semaphore, #tpu.memory_space<semaphore_mem>>) src(%dma_wait3A_453 : memref<10000x128xf32, #tpu.memory_space<hbm>>) dst(%arg10 : memref<128x128xf32, #tpu.memory_space<vmem>>)
      %dma_start3A_454 = arith.constant 12 : i32
      %dma_start3A_455 = arith.constant 0 : i32
      %dma_start3A_456 = arith.constant 0 : i32
      %dma_start3A_457 = tpu.memref_slice %arg9[%dma_start3A_455, %dma_start3A_456] : memref<128x128xf32, #tpu.memory_space<vmem>> -> memref<64x128xf32, #tpu.memory_space<vmem>>
      %dma_start3A_458 = arith.constant 0 : i32
      %dma_start3A_459 = tpu.memref_slice %arg7[%and3A_122, %dma_start3A_454, %dma_start3A_458] : memref<2x16x128xi32, #tpu.memory_space<vmem>> -> memref<1x1x64xi32, #tpu.memory_space<vmem>>
      %dma_start3A_460 = tpu.memref_squeeze %dma_start3A_459 : memref<1x1x64xi32, #tpu.memory_space<vmem>> -> memref<64xi32, #tpu.memory_space<vmem>>
      %dma_start3A_461 = arith.constant 0 : i32
      %dma_start3A_462 = arith.constant 0 : i32
      %dma_start3A_463 = tpu.memref_slice %arg2[%dma_start3A_461, %dma_start3A_462] : memref<10000x128xf32, #tpu.memory_space<hbm>> -> memref<10000x128xf32, #tpu.memory_space<hbm>>
      tpu.enqueue_indirect_dma source(%dma_start3A_463 : memref<10000x128xf32, #tpu.memory_space<hbm>>) target(%dma_start3A_457 : memref<64x128xf32, #tpu.memory_space<vmem>>) offsets(%dma_start3A_460 : memref<64xi32, #tpu.memory_space<vmem>>) semaphore(%arg13 : memref<!tpu.dma_semaphore, #tpu.memory_space<semaphore_mem>>)
      %dma_start3A_464 = arith.constant 12 : i32
      %dma_start3A_465 = arith.constant 64 : i32
      %dma_start3A_466 = arith.constant 0 : i32
      %dma_start3A_467 = tpu.memref_slice %arg9[%dma_start3A_465, %dma_start3A_466] : memref<128x128xf32, #tpu.memory_space<vmem>> -> memref<64x128xf32, #tpu.memory_space<vmem>>
      %dma_start3A_468 = arith.constant 64 : i32
      %dma_start3A_469 = tpu.memref_slice %arg7[%and3A_122, %dma_start3A_464, %dma_start3A_468] : memref<2x16x128xi32, #tpu.memory_space<vmem>> -> memref<1x1x64xi32, #tpu.memory_space<vmem>>
      %dma_start3A_470 = tpu.memref_squeeze %dma_start3A_469 : memref<1x1x64xi32, #tpu.memory_space<vmem>> -> memref<64xi32, #tpu.memory_space<vmem>>
      %dma_start3A_471 = arith.constant 0 : i32
      %dma_start3A_472 = arith.constant 0 : i32
      %dma_start3A_473 = tpu.memref_slice %arg2[%dma_start3A_471, %dma_start3A_472] : memref<10000x128xf32, #tpu.memory_space<hbm>> -> memref<10000x128xf32, #tpu.memory_space<hbm>>
      tpu.enqueue_indirect_dma source(%dma_start3A_473 : memref<10000x128xf32, #tpu.memory_space<hbm>>) target(%dma_start3A_467 : memref<64x128xf32, #tpu.memory_space<vmem>>) offsets(%dma_start3A_470 : memref<64xi32, #tpu.memory_space<vmem>>) semaphore(%arg13 : memref<!tpu.dma_semaphore, #tpu.memory_space<semaphore_mem>>)
      %run_scoped3A_474 = arith.constant 11 : i32
      "tpu.region"() ({
        %run_scoped3A_577 = tpu.sem_alloc : memref<!tpu.dma_semaphore, #tpu.memory_space<semaphore_mem>>
        %dma_start3A_578 = arith.constant 0 : i32
        %dma_start3A_579 = tpu.memref_slice %arg8[%and3A_122, %run_scoped3A_474, %dma_start3A_578] : memref<2x16x128xi32, #tpu.memory_space<vmem>> -> memref<1x1x128xi32, #tpu.memory_space<vmem>>
        %dma_start3A_580 = tpu.memref_squeeze %dma_start3A_579 : memref<1x1x128xi32, #tpu.memory_space<vmem>> -> memref<128xi32, #tpu.memory_space<vmem>>
        %dma_start3A_581 = arith.constant 0 : i32
        %dma_start3A_582 = arith.constant 0 : i32
        %dma_start3A_583 = tpu.memref_slice %arg11[%dma_start3A_581, %dma_start3A_582] : memref<10112x128xf32, #tpu.memory_space<vmem_shared>> -> memref<10112x128xf32, #tpu.memory_space<vmem_shared>>
        tpu.enqueue_indirect_dma source(%arg10 : memref<128x128xf32, #tpu.memory_space<vmem>>) target(%dma_start3A_583 : memref<10112x128xf32, #tpu.memory_space<vmem_shared>>) offsets(%dma_start3A_580 : memref<128xi32, #tpu.memory_space<vmem>>) semaphore(%run_scoped3A_577 : memref<!tpu.dma_semaphore, #tpu.memory_space<semaphore_mem>>) {add = true}
        %dma_wait3A_584 = arith.constant 0 : i32
        %dma_wait3A_585 = tpu.memref_slice %arg8[%and3A_122, %run_scoped3A_474, %dma_wait3A_584] : memref<2x16x128xi32, #tpu.memory_space<vmem>> -> memref<1x1x128xi32, #tpu.memory_space<vmem>>
        %dma_wait3A_586 = tpu.memref_squeeze %dma_wait3A_585 : memref<1x1x128xi32, #tpu.memory_space<vmem>> -> memref<128xi32, #tpu.memory_space<vmem>>
        %dma_wait3A_587 = arith.constant 0 : i32
        %dma_wait3A_588 = arith.constant 0 : i32
        %dma_wait3A_589 = tpu.memref_slice %arg11[%dma_wait3A_587, %dma_wait3A_588] : memref<10112x128xf32, #tpu.memory_space<vmem_shared>> -> memref<10112x128xf32, #tpu.memory_space<vmem_shared>>
        tpu.wait_indirect_dma semaphore(%run_scoped3A_577 : memref<!tpu.dma_semaphore, #tpu.memory_space<semaphore_mem>>) src(%arg10 : memref<128x128xf32, #tpu.memory_space<vmem>>) dst(%dma_wait3A_589 : memref<10112x128xf32, #tpu.memory_space<vmem_shared>>)
        tpu.yield
      }) : () -> ()
      %dma_wait3A_475 = arith.constant 0 : i32
      %dma_wait3A_476 = arith.constant 0 : i32
      %dma_wait3A_477 = arith.constant 0 : i32
      %dma_wait3A_478 = tpu.memref_slice %arg7[%dma_wait3A_475, %dma_wait3A_476, %dma_wait3A_477] : memref<2x16x128xi32, #tpu.memory_space<vmem>> -> memref<1x1x128xi32, #tpu.memory_space<vmem>>
      %dma_wait3A_479 = tpu.memref_squeeze %dma_wait3A_478 : memref<1x1x128xi32, #tpu.memory_space<vmem>> -> memref<128xi32, #tpu.memory_space<vmem>>
      %dma_wait3A_480 = arith.constant 0 : i32
      %dma_wait3A_481 = arith.constant 0 : i32
      %dma_wait3A_482 = tpu.memref_slice %arg2[%dma_wait3A_480, %dma_wait3A_481] : memref<10000x128xf32, #tpu.memory_space<hbm>> -> memref<10000x128xf32, #tpu.memory_space<hbm>>
      tpu.wait_indirect_dma semaphore(%arg13 : memref<!tpu.dma_semaphore, #tpu.memory_space<semaphore_mem>>) src(%dma_wait3A_482 : memref<10000x128xf32, #tpu.memory_space<hbm>>) dst(%arg9 : memref<128x128xf32, #tpu.memory_space<vmem>>)
      %dma_start3A_483 = arith.constant 13 : i32
      %dma_start3A_484 = arith.constant 0 : i32
      %dma_start3A_485 = arith.constant 0 : i32
      %dma_start3A_486 = tpu.memref_slice %arg10[%dma_start3A_484, %dma_start3A_485] : memref<128x128xf32, #tpu.memory_space<vmem>> -> memref<64x128xf32, #tpu.memory_space<vmem>>
      %dma_start3A_487 = arith.constant 0 : i32
      %dma_start3A_488 = tpu.memref_slice %arg7[%and3A_122, %dma_start3A_483, %dma_start3A_487] : memref<2x16x128xi32, #tpu.memory_space<vmem>> -> memref<1x1x64xi32, #tpu.memory_space<vmem>>
      %dma_start3A_489 = tpu.memref_squeeze %dma_start3A_488 : memref<1x1x64xi32, #tpu.memory_space<vmem>> -> memref<64xi32, #tpu.memory_space<vmem>>
      %dma_start3A_490 = arith.constant 0 : i32
      %dma_start3A_491 = arith.constant 0 : i32
      %dma_start3A_492 = tpu.memref_slice %arg2[%dma_start3A_490, %dma_start3A_491] : memref<10000x128xf32, #tpu.memory_space<hbm>> -> memref<10000x128xf32, #tpu.memory_space<hbm>>
      tpu.enqueue_indirect_dma source(%dma_start3A_492 : memref<10000x128xf32, #tpu.memory_space<hbm>>) target(%dma_start3A_486 : memref<64x128xf32, #tpu.memory_space<vmem>>) offsets(%dma_start3A_489 : memref<64xi32, #tpu.memory_space<vmem>>) semaphore(%arg14 : memref<!tpu.dma_semaphore, #tpu.memory_space<semaphore_mem>>)
      %dma_start3A_493 = arith.constant 13 : i32
      %dma_start3A_494 = arith.constant 64 : i32
      %dma_start3A_495 = arith.constant 0 : i32
      %dma_start3A_496 = tpu.memref_slice %arg10[%dma_start3A_494, %dma_start3A_495] : memref<128x128xf32, #tpu.memory_space<vmem>> -> memref<64x128xf32, #tpu.memory_space<vmem>>
      %dma_start3A_497 = arith.constant 64 : i32
      %dma_start3A_498 = tpu.memref_slice %arg7[%and3A_122, %dma_start3A_493, %dma_start3A_497] : memref<2x16x128xi32, #tpu.memory_space<vmem>> -> memref<1x1x64xi32, #tpu.memory_space<vmem>>
      %dma_start3A_499 = tpu.memref_squeeze %dma_start3A_498 : memref<1x1x64xi32, #tpu.memory_space<vmem>> -> memref<64xi32, #tpu.memory_space<vmem>>
      %dma_start3A_500 = arith.constant 0 : i32
      %dma_start3A_501 = arith.constant 0 : i32
      %dma_start3A_502 = tpu.memref_slice %arg2[%dma_start3A_500, %dma_start3A_501] : memref<10000x128xf32, #tpu.memory_space<hbm>> -> memref<10000x128xf32, #tpu.memory_space<hbm>>
      tpu.enqueue_indirect_dma source(%dma_start3A_502 : memref<10000x128xf32, #tpu.memory_space<hbm>>) target(%dma_start3A_496 : memref<64x128xf32, #tpu.memory_space<vmem>>) offsets(%dma_start3A_499 : memref<64xi32, #tpu.memory_space<vmem>>) semaphore(%arg14 : memref<!tpu.dma_semaphore, #tpu.memory_space<semaphore_mem>>)
      %run_scoped3A_503 = arith.constant 12 : i32
      "tpu.region"() ({
        %run_scoped3A_577 = tpu.sem_alloc : memref<!tpu.dma_semaphore, #tpu.memory_space<semaphore_mem>>
        %dma_start3A_578 = arith.constant 0 : i32
        %dma_start3A_579 = tpu.memref_slice %arg8[%and3A_122, %run_scoped3A_503, %dma_start3A_578] : memref<2x16x128xi32, #tpu.memory_space<vmem>> -> memref<1x1x128xi32, #tpu.memory_space<vmem>>
        %dma_start3A_580 = tpu.memref_squeeze %dma_start3A_579 : memref<1x1x128xi32, #tpu.memory_space<vmem>> -> memref<128xi32, #tpu.memory_space<vmem>>
        %dma_start3A_581 = arith.constant 0 : i32
        %dma_start3A_582 = arith.constant 0 : i32
        %dma_start3A_583 = tpu.memref_slice %arg11[%dma_start3A_581, %dma_start3A_582] : memref<10112x128xf32, #tpu.memory_space<vmem_shared>> -> memref<10112x128xf32, #tpu.memory_space<vmem_shared>>
        tpu.enqueue_indirect_dma source(%arg9 : memref<128x128xf32, #tpu.memory_space<vmem>>) target(%dma_start3A_583 : memref<10112x128xf32, #tpu.memory_space<vmem_shared>>) offsets(%dma_start3A_580 : memref<128xi32, #tpu.memory_space<vmem>>) semaphore(%run_scoped3A_577 : memref<!tpu.dma_semaphore, #tpu.memory_space<semaphore_mem>>) {add = true}
        %dma_wait3A_584 = arith.constant 0 : i32
        %dma_wait3A_585 = tpu.memref_slice %arg8[%and3A_122, %run_scoped3A_503, %dma_wait3A_584] : memref<2x16x128xi32, #tpu.memory_space<vmem>> -> memref<1x1x128xi32, #tpu.memory_space<vmem>>
        %dma_wait3A_586 = tpu.memref_squeeze %dma_wait3A_585 : memref<1x1x128xi32, #tpu.memory_space<vmem>> -> memref<128xi32, #tpu.memory_space<vmem>>
        %dma_wait3A_587 = arith.constant 0 : i32
        %dma_wait3A_588 = arith.constant 0 : i32
        %dma_wait3A_589 = tpu.memref_slice %arg11[%dma_wait3A_587, %dma_wait3A_588] : memref<10112x128xf32, #tpu.memory_space<vmem_shared>> -> memref<10112x128xf32, #tpu.memory_space<vmem_shared>>
        tpu.wait_indirect_dma semaphore(%run_scoped3A_577 : memref<!tpu.dma_semaphore, #tpu.memory_space<semaphore_mem>>) src(%arg9 : memref<128x128xf32, #tpu.memory_space<vmem>>) dst(%dma_wait3A_589 : memref<10112x128xf32, #tpu.memory_space<vmem_shared>>)
        tpu.yield
      }) : () -> ()
      %dma_wait3A_504 = arith.constant 0 : i32
      %dma_wait3A_505 = arith.constant 0 : i32
      %dma_wait3A_506 = arith.constant 0 : i32
      %dma_wait3A_507 = tpu.memref_slice %arg7[%dma_wait3A_504, %dma_wait3A_505, %dma_wait3A_506] : memref<2x16x128xi32, #tpu.memory_space<vmem>> -> memref<1x1x128xi32, #tpu.memory_space<vmem>>
      %dma_wait3A_508 = tpu.memref_squeeze %dma_wait3A_507 : memref<1x1x128xi32, #tpu.memory_space<vmem>> -> memref<128xi32, #tpu.memory_space<vmem>>
      %dma_wait3A_509 = arith.constant 0 : i32
      %dma_wait3A_510 = arith.constant 0 : i32
      %dma_wait3A_511 = tpu.memref_slice %arg2[%dma_wait3A_509, %dma_wait3A_510] : memref<10000x128xf32, #tpu.memory_space<hbm>> -> memref<10000x128xf32, #tpu.memory_space<hbm>>
      tpu.wait_indirect_dma semaphore(%arg14 : memref<!tpu.dma_semaphore, #tpu.memory_space<semaphore_mem>>) src(%dma_wait3A_511 : memref<10000x128xf32, #tpu.memory_space<hbm>>) dst(%arg10 : memref<128x128xf32, #tpu.memory_space<vmem>>)
      %dma_start3A_512 = arith.constant 14 : i32
      %dma_start3A_513 = arith.constant 0 : i32
      %dma_start3A_514 = arith.constant 0 : i32
      %dma_start3A_515 = tpu.memref_slice %arg9[%dma_start3A_513, %dma_start3A_514] : memref<128x128xf32, #tpu.memory_space<vmem>> -> memref<64x128xf32, #tpu.memory_space<vmem>>
      %dma_start3A_516 = arith.constant 0 : i32
      %dma_start3A_517 = tpu.memref_slice %arg7[%and3A_122, %dma_start3A_512, %dma_start3A_516] : memref<2x16x128xi32, #tpu.memory_space<vmem>> -> memref<1x1x64xi32, #tpu.memory_space<vmem>>
      %dma_start3A_518 = tpu.memref_squeeze %dma_start3A_517 : memref<1x1x64xi32, #tpu.memory_space<vmem>> -> memref<64xi32, #tpu.memory_space<vmem>>
      %dma_start3A_519 = arith.constant 0 : i32
      %dma_start3A_520 = arith.constant 0 : i32
      %dma_start3A_521 = tpu.memref_slice %arg2[%dma_start3A_519, %dma_start3A_520] : memref<10000x128xf32, #tpu.memory_space<hbm>> -> memref<10000x128xf32, #tpu.memory_space<hbm>>
      tpu.enqueue_indirect_dma source(%dma_start3A_521 : memref<10000x128xf32, #tpu.memory_space<hbm>>) target(%dma_start3A_515 : memref<64x128xf32, #tpu.memory_space<vmem>>) offsets(%dma_start3A_518 : memref<64xi32, #tpu.memory_space<vmem>>) semaphore(%arg13 : memref<!tpu.dma_semaphore, #tpu.memory_space<semaphore_mem>>)
      %dma_start3A_522 = arith.constant 14 : i32
      %dma_start3A_523 = arith.constant 64 : i32
      %dma_start3A_524 = arith.constant 0 : i32
      %dma_start3A_525 = tpu.memref_slice %arg9[%dma_start3A_523, %dma_start3A_524] : memref<128x128xf32, #tpu.memory_space<vmem>> -> memref<64x128xf32, #tpu.memory_space<vmem>>
      %dma_start3A_526 = arith.constant 64 : i32
      %dma_start3A_527 = tpu.memref_slice %arg7[%and3A_122, %dma_start3A_522, %dma_start3A_526] : memref<2x16x128xi32, #tpu.memory_space<vmem>> -> memref<1x1x64xi32, #tpu.memory_space<vmem>>
      %dma_start3A_528 = tpu.memref_squeeze %dma_start3A_527 : memref<1x1x64xi32, #tpu.memory_space<vmem>> -> memref<64xi32, #tpu.memory_space<vmem>>
      %dma_start3A_529 = arith.constant 0 : i32
      %dma_start3A_530 = arith.constant 0 : i32
      %dma_start3A_531 = tpu.memref_slice %arg2[%dma_start3A_529, %dma_start3A_530] : memref<10000x128xf32, #tpu.memory_space<hbm>> -> memref<10000x128xf32, #tpu.memory_space<hbm>>
      tpu.enqueue_indirect_dma source(%dma_start3A_531 : memref<10000x128xf32, #tpu.memory_space<hbm>>) target(%dma_start3A_525 : memref<64x128xf32, #tpu.memory_space<vmem>>) offsets(%dma_start3A_528 : memref<64xi32, #tpu.memory_space<vmem>>) semaphore(%arg13 : memref<!tpu.dma_semaphore, #tpu.memory_space<semaphore_mem>>)
      %run_scoped3A_532 = arith.constant 13 : i32
      "tpu.region"() ({
        %run_scoped3A_577 = tpu.sem_alloc : memref<!tpu.dma_semaphore, #tpu.memory_space<semaphore_mem>>
        %dma_start3A_578 = arith.constant 0 : i32
        %dma_start3A_579 = tpu.memref_slice %arg8[%and3A_122, %run_scoped3A_532, %dma_start3A_578] : memref<2x16x128xi32, #tpu.memory_space<vmem>> -> memref<1x1x128xi32, #tpu.memory_space<vmem>>
        %dma_start3A_580 = tpu.memref_squeeze %dma_start3A_579 : memref<1x1x128xi32, #tpu.memory_space<vmem>> -> memref<128xi32, #tpu.memory_space<vmem>>
        %dma_start3A_581 = arith.constant 0 : i32
        %dma_start3A_582 = arith.constant 0 : i32
        %dma_start3A_583 = tpu.memref_slice %arg11[%dma_start3A_581, %dma_start3A_582] : memref<10112x128xf32, #tpu.memory_space<vmem_shared>> -> memref<10112x128xf32, #tpu.memory_space<vmem_shared>>
        tpu.enqueue_indirect_dma source(%arg10 : memref<128x128xf32, #tpu.memory_space<vmem>>) target(%dma_start3A_583 : memref<10112x128xf32, #tpu.memory_space<vmem_shared>>) offsets(%dma_start3A_580 : memref<128xi32, #tpu.memory_space<vmem>>) semaphore(%run_scoped3A_577 : memref<!tpu.dma_semaphore, #tpu.memory_space<semaphore_mem>>) {add = true}
        %dma_wait3A_584 = arith.constant 0 : i32
        %dma_wait3A_585 = tpu.memref_slice %arg8[%and3A_122, %run_scoped3A_532, %dma_wait3A_584] : memref<2x16x128xi32, #tpu.memory_space<vmem>> -> memref<1x1x128xi32, #tpu.memory_space<vmem>>
        %dma_wait3A_586 = tpu.memref_squeeze %dma_wait3A_585 : memref<1x1x128xi32, #tpu.memory_space<vmem>> -> memref<128xi32, #tpu.memory_space<vmem>>
        %dma_wait3A_587 = arith.constant 0 : i32
        %dma_wait3A_588 = arith.constant 0 : i32
        %dma_wait3A_589 = tpu.memref_slice %arg11[%dma_wait3A_587, %dma_wait3A_588] : memref<10112x128xf32, #tpu.memory_space<vmem_shared>> -> memref<10112x128xf32, #tpu.memory_space<vmem_shared>>
        tpu.wait_indirect_dma semaphore(%run_scoped3A_577 : memref<!tpu.dma_semaphore, #tpu.memory_space<semaphore_mem>>) src(%arg10 : memref<128x128xf32, #tpu.memory_space<vmem>>) dst(%dma_wait3A_589 : memref<10112x128xf32, #tpu.memory_space<vmem_shared>>)
        tpu.yield
      }) : () -> ()
      %dma_wait3A_533 = arith.constant 0 : i32
      %dma_wait3A_534 = arith.constant 0 : i32
      %dma_wait3A_535 = arith.constant 0 : i32
      %dma_wait3A_536 = tpu.memref_slice %arg7[%dma_wait3A_533, %dma_wait3A_534, %dma_wait3A_535] : memref<2x16x128xi32, #tpu.memory_space<vmem>> -> memref<1x1x128xi32, #tpu.memory_space<vmem>>
      %dma_wait3A_537 = tpu.memref_squeeze %dma_wait3A_536 : memref<1x1x128xi32, #tpu.memory_space<vmem>> -> memref<128xi32, #tpu.memory_space<vmem>>
      %dma_wait3A_538 = arith.constant 0 : i32
      %dma_wait3A_539 = arith.constant 0 : i32
      %dma_wait3A_540 = tpu.memref_slice %arg2[%dma_wait3A_538, %dma_wait3A_539] : memref<10000x128xf32, #tpu.memory_space<hbm>> -> memref<10000x128xf32, #tpu.memory_space<hbm>>
      tpu.wait_indirect_dma semaphore(%arg13 : memref<!tpu.dma_semaphore, #tpu.memory_space<semaphore_mem>>) src(%dma_wait3A_540 : memref<10000x128xf32, #tpu.memory_space<hbm>>) dst(%arg9 : memref<128x128xf32, #tpu.memory_space<vmem>>)
      %dma_start3A_541 = arith.constant 15 : i32
      %dma_start3A_542 = arith.constant 0 : i32
      %dma_start3A_543 = arith.constant 0 : i32
      %dma_start3A_544 = tpu.memref_slice %arg10[%dma_start3A_542, %dma_start3A_543] : memref<128x128xf32, #tpu.memory_space<vmem>> -> memref<64x128xf32, #tpu.memory_space<vmem>>
      %dma_start3A_545 = arith.constant 0 : i32
      %dma_start3A_546 = tpu.memref_slice %arg7[%and3A_122, %dma_start3A_541, %dma_start3A_545] : memref<2x16x128xi32, #tpu.memory_space<vmem>> -> memref<1x1x64xi32, #tpu.memory_space<vmem>>
      %dma_start3A_547 = tpu.memref_squeeze %dma_start3A_546 : memref<1x1x64xi32, #tpu.memory_space<vmem>> -> memref<64xi32, #tpu.memory_space<vmem>>
      %dma_start3A_548 = arith.constant 0 : i32
      %dma_start3A_549 = arith.constant 0 : i32
      %dma_start3A_550 = tpu.memref_slice %arg2[%dma_start3A_548, %dma_start3A_549] : memref<10000x128xf32, #tpu.memory_space<hbm>> -> memref<10000x128xf32, #tpu.memory_space<hbm>>
      tpu.enqueue_indirect_dma source(%dma_start3A_550 : memref<10000x128xf32, #tpu.memory_space<hbm>>) target(%dma_start3A_544 : memref<64x128xf32, #tpu.memory_space<vmem>>) offsets(%dma_start3A_547 : memref<64xi32, #tpu.memory_space<vmem>>) semaphore(%arg14 : memref<!tpu.dma_semaphore, #tpu.memory_space<semaphore_mem>>)
      %dma_start3A_551 = arith.constant 15 : i32
      %dma_start3A_552 = arith.constant 64 : i32
      %dma_start3A_553 = arith.constant 0 : i32
      %dma_start3A_554 = tpu.memref_slice %arg10[%dma_start3A_552, %dma_start3A_553] : memref<128x128xf32, #tpu.memory_space<vmem>> -> memref<64x128xf32, #tpu.memory_space<vmem>>
      %dma_start3A_555 = arith.constant 64 : i32
      %dma_start3A_556 = tpu.memref_slice %arg7[%and3A_122, %dma_start3A_551, %dma_start3A_555] : memref<2x16x128xi32, #tpu.memory_space<vmem>> -> memref<1x1x64xi32, #tpu.memory_space<vmem>>
      %dma_start3A_557 = tpu.memref_squeeze %dma_start3A_556 : memref<1x1x64xi32, #tpu.memory_space<vmem>> -> memref<64xi32, #tpu.memory_space<vmem>>
      %dma_start3A_558 = arith.constant 0 : i32
      %dma_start3A_559 = arith.constant 0 : i32
      %dma_start3A_560 = tpu.memref_slice %arg2[%dma_start3A_558, %dma_start3A_559] : memref<10000x128xf32, #tpu.memory_space<hbm>> -> memref<10000x128xf32, #tpu.memory_space<hbm>>
      tpu.enqueue_indirect_dma source(%dma_start3A_560 : memref<10000x128xf32, #tpu.memory_space<hbm>>) target(%dma_start3A_554 : memref<64x128xf32, #tpu.memory_space<vmem>>) offsets(%dma_start3A_557 : memref<64xi32, #tpu.memory_space<vmem>>) semaphore(%arg14 : memref<!tpu.dma_semaphore, #tpu.memory_space<semaphore_mem>>)
      %run_scoped3A_561 = arith.constant 14 : i32
      "tpu.region"() ({
        %run_scoped3A_577 = tpu.sem_alloc : memref<!tpu.dma_semaphore, #tpu.memory_space<semaphore_mem>>
        %dma_start3A_578 = arith.constant 0 : i32
        %dma_start3A_579 = tpu.memref_slice %arg8[%and3A_122, %run_scoped3A_561, %dma_start3A_578] : memref<2x16x128xi32, #tpu.memory_space<vmem>> -> memref<1x1x128xi32, #tpu.memory_space<vmem>>
        %dma_start3A_580 = tpu.memref_squeeze %dma_start3A_579 : memref<1x1x128xi32, #tpu.memory_space<vmem>> -> memref<128xi32, #tpu.memory_space<vmem>>
        %dma_start3A_581 = arith.constant 0 : i32
        %dma_start3A_582 = arith.constant 0 : i32
        %dma_start3A_583 = tpu.memref_slice %arg11[%dma_start3A_581, %dma_start3A_582] : memref<10112x128xf32, #tpu.memory_space<vmem_shared>> -> memref<10112x128xf32, #tpu.memory_space<vmem_shared>>
        tpu.enqueue_indirect_dma source(%arg9 : memref<128x128xf32, #tpu.memory_space<vmem>>) target(%dma_start3A_583 : memref<10112x128xf32, #tpu.memory_space<vmem_shared>>) offsets(%dma_start3A_580 : memref<128xi32, #tpu.memory_space<vmem>>) semaphore(%run_scoped3A_577 : memref<!tpu.dma_semaphore, #tpu.memory_space<semaphore_mem>>) {add = true}
        %dma_wait3A_584 = arith.constant 0 : i32
        %dma_wait3A_585 = tpu.memref_slice %arg8[%and3A_122, %run_scoped3A_561, %dma_wait3A_584] : memref<2x16x128xi32, #tpu.memory_space<vmem>> -> memref<1x1x128xi32, #tpu.memory_space<vmem>>
        %dma_wait3A_586 = tpu.memref_squeeze %dma_wait3A_585 : memref<1x1x128xi32, #tpu.memory_space<vmem>> -> memref<128xi32, #tpu.memory_space<vmem>>
        %dma_wait3A_587 = arith.constant 0 : i32
        %dma_wait3A_588 = arith.constant 0 : i32
        %dma_wait3A_589 = tpu.memref_slice %arg11[%dma_wait3A_587, %dma_wait3A_588] : memref<10112x128xf32, #tpu.memory_space<vmem_shared>> -> memref<10112x128xf32, #tpu.memory_space<vmem_shared>>
        tpu.wait_indirect_dma semaphore(%run_scoped3A_577 : memref<!tpu.dma_semaphore, #tpu.memory_space<semaphore_mem>>) src(%arg9 : memref<128x128xf32, #tpu.memory_space<vmem>>) dst(%dma_wait3A_589 : memref<10112x128xf32, #tpu.memory_space<vmem_shared>>)
        tpu.yield
      }) : () -> ()
      %dma_wait3A_562 = arith.constant 0 : i32
      %dma_wait3A_563 = arith.constant 0 : i32
      %dma_wait3A_564 = arith.constant 0 : i32
      %dma_wait3A_565 = tpu.memref_slice %arg7[%dma_wait3A_562, %dma_wait3A_563, %dma_wait3A_564] : memref<2x16x128xi32, #tpu.memory_space<vmem>> -> memref<1x1x128xi32, #tpu.memory_space<vmem>>
      %dma_wait3A_566 = tpu.memref_squeeze %dma_wait3A_565 : memref<1x1x128xi32, #tpu.memory_space<vmem>> -> memref<128xi32, #tpu.memory_space<vmem>>
      %dma_wait3A_567 = arith.constant 0 : i32
      %dma_wait3A_568 = arith.constant 0 : i32
      %dma_wait3A_569 = tpu.memref_slice %arg2[%dma_wait3A_567, %dma_wait3A_568] : memref<10000x128xf32, #tpu.memory_space<hbm>> -> memref<10000x128xf32, #tpu.memory_space<hbm>>
      tpu.wait_indirect_dma semaphore(%arg14 : memref<!tpu.dma_semaphore, #tpu.memory_space<semaphore_mem>>) src(%dma_wait3A_569 : memref<10000x128xf32, #tpu.memory_space<hbm>>) dst(%arg10 : memref<128x128xf32, #tpu.memory_space<vmem>>)
      %run_scoped3A_570 = arith.constant 15 : i32
      "tpu.region"() ({
        %run_scoped3A_577 = tpu.sem_alloc : memref<!tpu.dma_semaphore, #tpu.memory_space<semaphore_mem>>
        %dma_start3A_578 = arith.constant 0 : i32
        %dma_start3A_579 = tpu.memref_slice %arg8[%and3A_122, %run_scoped3A_570, %dma_start3A_578] : memref<2x16x128xi32, #tpu.memory_space<vmem>> -> memref<1x1x128xi32, #tpu.memory_space<vmem>>
        %dma_start3A_580 = tpu.memref_squeeze %dma_start3A_579 : memref<1x1x128xi32, #tpu.memory_space<vmem>> -> memref<128xi32, #tpu.memory_space<vmem>>
        %dma_start3A_581 = arith.constant 0 : i32
        %dma_start3A_582 = arith.constant 0 : i32
        %dma_start3A_583 = tpu.memref_slice %arg11[%dma_start3A_581, %dma_start3A_582] : memref<10112x128xf32, #tpu.memory_space<vmem_shared>> -> memref<10112x128xf32, #tpu.memory_space<vmem_shared>>
        tpu.enqueue_indirect_dma source(%arg10 : memref<128x128xf32, #tpu.memory_space<vmem>>) target(%dma_start3A_583 : memref<10112x128xf32, #tpu.memory_space<vmem_shared>>) offsets(%dma_start3A_580 : memref<128xi32, #tpu.memory_space<vmem>>) semaphore(%run_scoped3A_577 : memref<!tpu.dma_semaphore, #tpu.memory_space<semaphore_mem>>) {add = true}
        %dma_wait3A_584 = arith.constant 0 : i32
        %dma_wait3A_585 = tpu.memref_slice %arg8[%and3A_122, %run_scoped3A_570, %dma_wait3A_584] : memref<2x16x128xi32, #tpu.memory_space<vmem>> -> memref<1x1x128xi32, #tpu.memory_space<vmem>>
        %dma_wait3A_586 = tpu.memref_squeeze %dma_wait3A_585 : memref<1x1x128xi32, #tpu.memory_space<vmem>> -> memref<128xi32, #tpu.memory_space<vmem>>
        %dma_wait3A_587 = arith.constant 0 : i32
        %dma_wait3A_588 = arith.constant 0 : i32
        %dma_wait3A_589 = tpu.memref_slice %arg11[%dma_wait3A_587, %dma_wait3A_588] : memref<10112x128xf32, #tpu.memory_space<vmem_shared>> -> memref<10112x128xf32, #tpu.memory_space<vmem_shared>>
        tpu.wait_indirect_dma semaphore(%run_scoped3A_577 : memref<!tpu.dma_semaphore, #tpu.memory_space<semaphore_mem>>) src(%arg10 : memref<128x128xf32, #tpu.memory_space<vmem>>) dst(%dma_wait3A_589 : memref<10112x128xf32, #tpu.memory_space<vmem_shared>>)
        tpu.yield
      }) : () -> ()
      %add3A_571 = arith.constant 1 : i32
      %add3A_572 = arith.addi %scan3A_121, %add3A_571 : i32
      %lt3A = arith.constant 5 : i32
      %lt3A_573 = arith.cmpi slt, %add3A_572, %lt3A : i32
      %convert_element_type3A_574 = arith.extui %lt3A_573 : i1 to i32
      %cond3A_575 = arith.constant 0 : i32
      %cond3A_576 = arith.cmpi ne, %convert_element_type3A_574, %cond3A_575 : i32
      scf.if %cond3A_576 {
        %dma_wait3A_577 = arith.constant 0 : i32
        %dma_wait3A_578 = arith.constant 0 : i32
        %dma_wait3A_579 = arith.constant 0 : i32
        %dma_wait3A_580 = tpu.memref_slice %arg7[%dma_wait3A_577, %dma_wait3A_578, %dma_wait3A_579] : memref<2x16x128xi32, #tpu.memory_space<vmem>> -> memref<1x16x128xi32, #tpu.memory_space<vmem>>
        %dma_wait3A_581 = tpu.memref_squeeze %dma_wait3A_580 : memref<1x16x128xi32, #tpu.memory_space<vmem>> -> memref<16x128xi32, #tpu.memory_space<vmem>>
        %dma_wait3A_582 = arith.constant 0 : i32
        %dma_wait3A_583 = arith.constant 0 : i32
        %dma_wait3A_584 = tpu.memref_slice %arg3[%dma_wait3A_582, %dma_wait3A_583] : memref<2560x128xi32, #tpu.memory_space<hbm>> -> memref<16x128xi32, #tpu.memory_space<hbm>>
        %dma_wait3A_585 = arith.constant 0 : i32
        %dma_wait3A_586 = arith.constant 0 : i32
        %dma_wait3A_587 = tpu.memref_slice %arg7[%dma_wait3A_577, %dma_wait3A_585, %dma_wait3A_586] : memref<2x16x128xi32, #tpu.memory_space<vmem>> -> memref<1x16x128xi32, #tpu.memory_space<vmem>>
        %dma_wait3A_588 = tpu.memref_squeeze %dma_wait3A_587 : memref<1x16x128xi32, #tpu.memory_space<vmem>> -> memref<16x128xi32, #tpu.memory_space<vmem>>
        %dma_wait3A_589 = arith.constant 0 : i32
        %dma_wait3A_590 = arith.constant 0 : i32
        %dma_wait3A_591 = tpu.memref_slice %arg3[%dma_wait3A_589, %dma_wait3A_590] : memref<2560x128xi32, #tpu.memory_space<hbm>> -> memref<16x128xi32, #tpu.memory_space<hbm>>
        tpu.wait_dma2 semaphore(%arg12 : memref<!tpu.dma_semaphore, #tpu.memory_space<semaphore_mem>>) src(%dma_wait3A_591 : memref<16x128xi32, #tpu.memory_space<hbm>>) dst(%dma_wait3A_588 : memref<16x128xi32, #tpu.memory_space<vmem>>)
        %dma_wait3A_592 = arith.constant 0 : i32
        %dma_wait3A_593 = arith.constant 0 : i32
        %dma_wait3A_594 = arith.constant 0 : i32
        %dma_wait3A_595 = tpu.memref_slice %arg8[%dma_wait3A_592, %dma_wait3A_593, %dma_wait3A_594] : memref<2x16x128xi32, #tpu.memory_space<vmem>> -> memref<1x16x128xi32, #tpu.memory_space<vmem>>
        %dma_wait3A_596 = tpu.memref_squeeze %dma_wait3A_595 : memref<1x16x128xi32, #tpu.memory_space<vmem>> -> memref<16x128xi32, #tpu.memory_space<vmem>>
        %dma_wait3A_597 = arith.constant 0 : i32
        %dma_wait3A_598 = arith.constant 0 : i32
        %dma_wait3A_599 = tpu.memref_slice %arg3[%dma_wait3A_597, %dma_wait3A_598] : memref<2560x128xi32, #tpu.memory_space<hbm>> -> memref<16x128xi32, #tpu.memory_space<hbm>>
        %dma_wait3A_600 = arith.constant 0 : i32
        %dma_wait3A_601 = arith.constant 0 : i32
        %dma_wait3A_602 = tpu.memref_slice %arg8[%dma_wait3A_592, %dma_wait3A_600, %dma_wait3A_601] : memref<2x16x128xi32, #tpu.memory_space<vmem>> -> memref<1x16x128xi32, #tpu.memory_space<vmem>>
        %dma_wait3A_603 = tpu.memref_squeeze %dma_wait3A_602 : memref<1x16x128xi32, #tpu.memory_space<vmem>> -> memref<16x128xi32, #tpu.memory_space<vmem>>
        %dma_wait3A_604 = arith.constant 0 : i32
        %dma_wait3A_605 = arith.constant 0 : i32
        %dma_wait3A_606 = tpu.memref_slice %arg3[%dma_wait3A_604, %dma_wait3A_605] : memref<2560x128xi32, #tpu.memory_space<hbm>> -> memref<16x128xi32, #tpu.memory_space<hbm>>
        tpu.wait_dma2 semaphore(%arg12 : memref<!tpu.dma_semaphore, #tpu.memory_space<semaphore_mem>>) src(%dma_wait3A_606 : memref<16x128xi32, #tpu.memory_space<hbm>>) dst(%dma_wait3A_603 : memref<16x128xi32, #tpu.memory_space<vmem>>)
        %add3A_607 = arith.constant 2 : i32
        %add3A_608 = arith.addi %scan3A_121, %add3A_607 : i32
        %lt3A_609 = arith.constant 5 : i32
        %lt3A_610 = arith.cmpi slt, %add3A_608, %lt3A_609 : i32
        %convert_element_type3A_611 = arith.extui %lt3A_610 : i1 to i32
        %cond3A_612 = arith.constant 0 : i32
        %cond3A_613 = arith.cmpi ne, %convert_element_type3A_611, %cond3A_612 : i32
        scf.if %cond3A_613 {
          %dma_start3A_635 = arith.constant 0 : i32
          %dma_start3A_636 = arith.constant 0 : i32
          %dma_start3A_637 = tpu.memref_slice %arg7[%and3A_122, %dma_start3A_635, %dma_start3A_636] : memref<2x16x128xi32, #tpu.memory_space<vmem>> -> memref<1x16x128xi32, #tpu.memory_space<vmem>>
          %dma_start3A_638 = tpu.memref_squeeze %dma_start3A_637 : memref<1x16x128xi32, #tpu.memory_space<vmem>> -> memref<16x128xi32, #tpu.memory_space<vmem>>
          %dma_start3A_639 = arith.constant 0 : i32
          %dma_start3A_640 = tpu.memref_slice %arg3[%add3A_127, %dma_start3A_639] : memref<2560x128xi32, #tpu.memory_space<hbm>> -> memref<16x128xi32, #tpu.memory_space<hbm>>
          %dma_start3A_641 = arith.constant 0 : i32
          %dma_start3A_642 = arith.constant 0 : i32
          %dma_start3A_643 = tpu.memref_slice %arg7[%and3A_122, %dma_start3A_641, %dma_start3A_642] : memref<2x16x128xi32, #tpu.memory_space<vmem>> -> memref<1x16x128xi32, #tpu.memory_space<vmem>>
          %dma_start3A_644 = tpu.memref_squeeze %dma_start3A_643 : memref<1x16x128xi32, #tpu.memory_space<vmem>> -> memref<16x128xi32, #tpu.memory_space<vmem>>
          %dma_start3A_645 = arith.constant 0 : i32
          %dma_start3A_646 = tpu.memref_slice %arg3[%add3A_127, %dma_start3A_645] : memref<2560x128xi32, #tpu.memory_space<hbm>> -> memref<16x128xi32, #tpu.memory_space<hbm>>
          tpu.enqueue_dma source(%dma_start3A_646 : memref<16x128xi32, #tpu.memory_space<hbm>>) target(%dma_start3A_644 : memref<16x128xi32, #tpu.memory_space<vmem>>) target_semaphore(%arg12 : memref<!tpu.dma_semaphore, #tpu.memory_space<semaphore_mem>>)
          %dma_start3A_647 = arith.constant 0 : i32
          %dma_start3A_648 = arith.constant 0 : i32
          %dma_start3A_649 = tpu.memref_slice %arg8[%and3A_122, %dma_start3A_647, %dma_start3A_648] : memref<2x16x128xi32, #tpu.memory_space<vmem>> -> memref<1x16x128xi32, #tpu.memory_space<vmem>>
          %dma_start3A_650 = tpu.memref_squeeze %dma_start3A_649 : memref<1x16x128xi32, #tpu.memory_space<vmem>> -> memref<16x128xi32, #tpu.memory_space<vmem>>
          %dma_start3A_651 = arith.constant 0 : i32
          %dma_start3A_652 = tpu.memref_slice %arg4[%add3A_127, %dma_start3A_651] : memref<2560x128xi32, #tpu.memory_space<hbm>> -> memref<16x128xi32, #tpu.memory_space<hbm>>
          %dma_start3A_653 = arith.constant 0 : i32
          %dma_start3A_654 = arith.constant 0 : i32
          %dma_start3A_655 = tpu.memref_slice %arg8[%and3A_122, %dma_start3A_653, %dma_start3A_654] : memref<2x16x128xi32, #tpu.memory_space<vmem>> -> memref<1x16x128xi32, #tpu.memory_space<vmem>>
          %dma_start3A_656 = tpu.memref_squeeze %dma_start3A_655 : memref<1x16x128xi32, #tpu.memory_space<vmem>> -> memref<16x128xi32, #tpu.memory_space<vmem>>
          %dma_start3A_657 = arith.constant 0 : i32
          %dma_start3A_658 = tpu.memref_slice %arg4[%add3A_127, %dma_start3A_657] : memref<2560x128xi32, #tpu.memory_space<hbm>> -> memref<16x128xi32, #tpu.memory_space<hbm>>
          tpu.enqueue_dma source(%dma_start3A_658 : memref<16x128xi32, #tpu.memory_space<hbm>>) target(%dma_start3A_656 : memref<16x128xi32, #tpu.memory_space<vmem>>) target_semaphore(%arg12 : memref<!tpu.dma_semaphore, #tpu.memory_space<semaphore_mem>>)
        } else {
        }
        %sub3A = arith.constant 1 : i32
        %sub3A_614 = arith.subi %sub3A, %and3A_122 : i32
        %dma_start3A_615 = arith.constant 0 : i32
        %dma_start3A_616 = arith.constant 0 : i32
        %dma_start3A_617 = arith.constant 0 : i32
        %dma_start3A_618 = tpu.memref_slice %arg9[%dma_start3A_616, %dma_start3A_617] : memref<128x128xf32, #tpu.memory_space<vmem>> -> memref<64x128xf32, #tpu.memory_space<vmem>>
        %dma_start3A_619 = arith.constant 0 : i32
        %dma_start3A_620 = tpu.memref_slice %arg7[%sub3A_614, %dma_start3A_615, %dma_start3A_619] : memref<2x16x128xi32, #tpu.memory_space<vmem>> -> memref<1x1x64xi32, #tpu.memory_space<vmem>>
        %dma_start3A_621 = tpu.memref_squeeze %dma_start3A_620 : memref<1x1x64xi32, #tpu.memory_space<vmem>> -> memref<64xi32, #tpu.memory_space<vmem>>
        %dma_start3A_622 = arith.constant 0 : i32
        %dma_start3A_623 = arith.constant 0 : i32
        %dma_start3A_624 = tpu.memref_slice %arg2[%dma_start3A_622, %dma_start3A_623] : memref<10000x128xf32, #tpu.memory_space<hbm>> -> memref<10000x128xf32, #tpu.memory_space<hbm>>
        tpu.enqueue_indirect_dma source(%dma_start3A_624 : memref<10000x128xf32, #tpu.memory_space<hbm>>) target(%dma_start3A_618 : memref<64x128xf32, #tpu.memory_space<vmem>>) offsets(%dma_start3A_621 : memref<64xi32, #tpu.memory_space<vmem>>) semaphore(%arg13 : memref<!tpu.dma_semaphore, #tpu.memory_space<semaphore_mem>>)
        %dma_start3A_625 = arith.constant 0 : i32
        %dma_start3A_626 = arith.constant 64 : i32
        %dma_start3A_627 = arith.constant 0 : i32
        %dma_start3A_628 = tpu.memref_slice %arg9[%dma_start3A_626, %dma_start3A_627] : memref<128x128xf32, #tpu.memory_space<vmem>> -> memref<64x128xf32, #tpu.memory_space<vmem>>
        %dma_start3A_629 = arith.constant 64 : i32
        %dma_start3A_630 = tpu.memref_slice %arg7[%sub3A_614, %dma_start3A_625, %dma_start3A_629] : memref<2x16x128xi32, #tpu.memory_space<vmem>> -> memref<1x1x64xi32, #tpu.memory_space<vmem>>
        %dma_start3A_631 = tpu.memref_squeeze %dma_start3A_630 : memref<1x1x64xi32, #tpu.memory_space<vmem>> -> memref<64xi32, #tpu.memory_space<vmem>>
        %dma_start3A_632 = arith.constant 0 : i32
        %dma_start3A_633 = arith.constant 0 : i32
        %dma_start3A_634 = tpu.memref_slice %arg2[%dma_start3A_632, %dma_start3A_633] : memref<10000x128xf32, #tpu.memory_space<hbm>> -> memref<10000x128xf32, #tpu.memory_space<hbm>>
        tpu.enqueue_indirect_dma source(%dma_start3A_634 : memref<10000x128xf32, #tpu.memory_space<hbm>>) target(%dma_start3A_628 : memref<64x128xf32, #tpu.memory_space<vmem>>) offsets(%dma_start3A_631 : memref<64xi32, #tpu.memory_space<vmem>>) semaphore(%arg13 : memref<!tpu.dma_semaphore, #tpu.memory_space<semaphore_mem>>)
      } else {
      }
    }
    %scan3A_117 = arith.constant 5 : i32
    %barrier3A_118 = arith.constant 0 : index
    tpu.barrier barrier_id(%barrier3A_118)
    %eq3A = arith.constant 0 : i32
    %eq3A_119 = arith.cmpi eq, %arg1, %eq3A : i32
    %convert_element_type3A = arith.extui %eq3A_119 : i1 to i32
    %cond3A = arith.constant 0 : i32
    %cond3A_120 = arith.cmpi ne, %convert_element_type3A, %cond3A : i32
    scf.if %cond3A_120 {
      "tpu.region"() ({
        %run_scoped3A = tpu.sem_alloc : memref<!tpu.dma_semaphore, #tpu.memory_space<semaphore_mem>>
        %dma_start3A_121 = arith.constant 0 : i32
        %dma_start3A_122 = arith.constant 0 : i32
        %dma_start3A_123 = tpu.memref_slice %arg6[%arg0, %dma_start3A_121, %dma_start3A_122] : memref<2x10112x128xf32, #tpu.memory_space<hbm>> -> memref<1x10112x128xf32, #tpu.memory_space<hbm>>
        %dma_start3A_124 = tpu.memref_squeeze %dma_start3A_123 : memref<1x10112x128xf32, #tpu.memory_space<hbm>> -> memref<10112x128xf32, #tpu.memory_space<hbm>>
        tpu.enqueue_dma source(%arg11 : memref<10112x128xf32, #tpu.memory_space<vmem_shared>>) target(%dma_start3A_124 : memref<10112x128xf32, #tpu.memory_space<hbm>>) target_semaphore(%run_scoped3A : memref<!tpu.dma_semaphore, #tpu.memory_space<semaphore_mem>>)
        %dma_wait3A_125 = arith.constant 0 : i32
        %dma_wait3A_126 = arith.constant 0 : i32
        %dma_wait3A_127 = tpu.memref_slice %arg6[%arg0, %dma_wait3A_125, %dma_wait3A_126] : memref<2x10112x128xf32, #tpu.memory_space<hbm>> -> memref<1x10112x128xf32, #tpu.memory_space<hbm>>
        %dma_wait3A_128 = tpu.memref_squeeze %dma_wait3A_127 : memref<1x10112x128xf32, #tpu.memory_space<hbm>> -> memref<10112x128xf32, #tpu.memory_space<hbm>>
        tpu.wait_dma2 semaphore(%run_scoped3A : memref<!tpu.dma_semaphore, #tpu.memory_space<semaphore_mem>>) src(%arg11 : memref<10112x128xf32, #tpu.memory_space<vmem_shared>>) dst(%dma_wait3A_128 : memref<10112x128xf32, #tpu.memory_space<hbm>>)
        tpu.yield
      }) : () -> ()
    } else {
    }
    return
  }
}

#map = affine_map<(d0, d1) -> (0, 0)>
#map1 = affine_map<(d0, d1) -> (0, 0, 0)>
module attributes {stable_mosaic.version = 14 : i64} {
  func.func @agg_kernel(%arg0: i32, %arg1: i32, %arg2: memref<10000x128xf32, #tpu.memory_space<hbm>>, %arg3: memref<2560x128xi32, #tpu.memory_space<hbm>>, %arg4: memref<2560x128xi32, #tpu.memory_space<hbm>>, %arg5: memref<10112x128xf32, #tpu.memory_space<hbm>>, %arg6: memref<2x10112x128xf32, #tpu.memory_space<hbm>>, %arg7: memref<2x16x128xi32, #tpu.memory_space<vmem>>, %arg8: memref<2x16x128xi32, #tpu.memory_space<vmem>>, %arg9: memref<128x128xf32, #tpu.memory_space<vmem>>, %arg10: memref<128x128xf32, #tpu.memory_space<vmem>>, %arg11: memref<10112x128xf32, #tpu.memory_space<vmem_shared>>, %arg12: memref<!tpu.dma_semaphore, #tpu.memory_space<semaphore_mem>>, %arg13: memref<!tpu.dma_semaphore, #tpu.memory_space<semaphore_mem>>, %arg14: memref<!tpu.dma_semaphore, #tpu.memory_space<semaphore_mem>>) attributes {dimension_semantics = [#tpu.dimension_semantics<core_parallel>, #tpu.dimension_semantics<subcore_parallel>], iteration_bounds = array<i64: 2, 16>, scalar_prefetch = 0 : i64, scratch_operands = 8 : i64, tpu.core_type = #tpu.core_type<sc_vector_subcore>, window_params = [{transform_indices = #map}, {transform_indices = #map}, {transform_indices = #map}, {transform_indices = #map}, {transform_indices = #map1}]} {
    %mul3A = arith.constant 632 : i32
    %mul3A_0 = arith.muli %arg1, %mul3A : i32
    %mul3A_1 = arith.constant 632 : i32
    %mul3A_2 = arith.muli %arg1, %mul3A_1 : i32
    "tpu.region"() ({
      %run_scoped3A = tpu.sem_alloc : memref<!tpu.dma_semaphore, #tpu.memory_space<semaphore_mem>>
      %dma_start3A_121 = arith.constant 0 : i32
      %dma_start3A_122 = tpu.memref_slice %arg11[%mul3A_2, %dma_start3A_121] : memref<10112x128xf32, #tpu.memory_space<vmem_shared>> -> memref<632x128xf32, #tpu.memory_space<vmem_shared>>
      %dma_start3A_123 = arith.constant 0 : i32
      %dma_start3A_124 = tpu.memref_slice %arg5[%mul3A_0, %dma_start3A_123] : memref<10112x128xf32, #tpu.memory_space<hbm>> -> memref<632x128xf32, #tpu.memory_space<hbm>>
      tpu.enqueue_dma source(%dma_start3A_124 : memref<632x128xf32, #tpu.memory_space<hbm>>) target(%dma_start3A_122 : memref<632x128xf32, #tpu.memory_space<vmem_shared>>) target_semaphore(%run_scoped3A : memref<!tpu.dma_semaphore, #tpu.memory_space<semaphore_mem>>)
      %dma_wait3A_125 = arith.constant 0 : i32
      %dma_wait3A_126 = tpu.memref_slice %arg11[%mul3A_2, %dma_wait3A_125] : memref<10112x128xf32, #tpu.memory_space<vmem_shared>> -> memref<632x128xf32, #tpu.memory_space<vmem_shared>>
      %dma_wait3A_127 = arith.constant 0 : i32
      %dma_wait3A_128 = tpu.memref_slice %arg5[%mul3A_0, %dma_wait3A_127] : memref<10112x128xf32, #tpu.memory_space<hbm>> -> memref<632x128xf32, #tpu.memory_space<hbm>>
      tpu.wait_dma2 semaphore(%run_scoped3A : memref<!tpu.dma_semaphore, #tpu.memory_space<semaphore_mem>>) src(%dma_wait3A_128 : memref<632x128xf32, #tpu.memory_space<hbm>>) dst(%dma_wait3A_126 : memref<632x128xf32, #tpu.memory_space<vmem_shared>>)
      tpu.yield
    }) : () -> ()
    %barrier3A = arith.constant 0 : index
    tpu.barrier barrier_id(%barrier3A)
    %mul3A_3 = arith.constant 16 : i32
    %mul3A_4 = arith.muli %arg0, %mul3A_3 : i32
    %add3A = arith.addi %mul3A_4, %arg1 : i32
    %mul3A_5 = arith.constant 80 : i32
    %mul3A_6 = arith.muli %add3A, %mul3A_5 : i32
    %dma_start3A = arith.constant 0 : i32
    %dma_start3A_7 = arith.constant 0 : i32
    %dma_start3A_8 = arith.constant 0 : i32
    %dma_start3A_9 = tpu.memref_slice %arg7[%dma_start3A, %dma_start3A_7, %dma_start3A_8] : memref<2x16x128xi32, #tpu.memory_space<vmem>> -> memref<1x16x128xi32, #tpu.memory_space<vmem>>
    %dma_start3A_10 = tpu.memref_squeeze %dma_start3A_9 : memref<1x16x128xi32, #tpu.memory_space<vmem>> -> memref<16x128xi32, #tpu.memory_space<vmem>>
    %dma_start3A_11 = arith.constant 0 : i32
    %dma_start3A_12 = tpu.memref_slice %arg3[%mul3A_6, %dma_start3A_11] : memref<2560x128xi32, #tpu.memory_space<hbm>> -> memref<16x128xi32, #tpu.memory_space<hbm>>
    %dma_start3A_13 = arith.constant 0 : i32
    %dma_start3A_14 = arith.constant 0 : i32
    %dma_start3A_15 = tpu.memref_slice %arg7[%dma_start3A, %dma_start3A_13, %dma_start3A_14] : memref<2x16x128xi32, #tpu.memory_space<vmem>> -> memref<1x16x128xi32, #tpu.memory_space<vmem>>
    %dma_start3A_16 = tpu.memref_squeeze %dma_start3A_15 : memref<1x16x128xi32, #tpu.memory_space<vmem>> -> memref<16x128xi32, #tpu.memory_space<vmem>>
    %dma_start3A_17 = arith.constant 0 : i32
    %dma_start3A_18 = tpu.memref_slice %arg3[%mul3A_6, %dma_start3A_17] : memref<2560x128xi32, #tpu.memory_space<hbm>> -> memref<16x128xi32, #tpu.memory_space<hbm>>
    tpu.enqueue_dma source(%dma_start3A_18 : memref<16x128xi32, #tpu.memory_space<hbm>>) target(%dma_start3A_16 : memref<16x128xi32, #tpu.memory_space<vmem>>) target_semaphore(%arg12 : memref<!tpu.dma_semaphore, #tpu.memory_space<semaphore_mem>>)
    %dma_start3A_19 = arith.constant 0 : i32
    %dma_start3A_20 = arith.constant 0 : i32
    %dma_start3A_21 = arith.constant 0 : i32
    %dma_start3A_22 = tpu.memref_slice %arg8[%dma_start3A_19, %dma_start3A_20, %dma_start3A_21] : memref<2x16x128xi32, #tpu.memory_space<vmem>> -> memref<1x16x128xi32, #tpu.memory_space<vmem>>
    %dma_start3A_23 = tpu.memref_squeeze %dma_start3A_22 : memref<1x16x128xi32, #tpu.memory_space<vmem>> -> memref<16x128xi32, #tpu.memory_space<vmem>>
    %dma_start3A_24 = arith.constant 0 : i32
    %dma_start3A_25 = tpu.memref_slice %arg4[%mul3A_6, %dma_start3A_24] : memref<2560x128xi32, #tpu.memory_space<hbm>> -> memref<16x128xi32, #tpu.memory_space<hbm>>
    %dma_start3A_26 = arith.constant 0 : i32
    %dma_start3A_27 = arith.constant 0 : i32
    %dma_start3A_28 = tpu.memref_slice %arg8[%dma_start3A_19, %dma_start3A_26, %dma_start3A_27] : memref<2x16x128xi32, #tpu.memory_space<vmem>> -> memref<1x16x128xi32, #tpu.memory_space<vmem>>
    %dma_start3A_29 = tpu.memref_squeeze %dma_start3A_28 : memref<1x16x128xi32, #tpu.memory_space<vmem>> -> memref<16x128xi32, #tpu.memory_space<vmem>>
    %dma_start3A_30 = arith.constant 0 : i32
    %dma_start3A_31 = tpu.memref_slice %arg4[%mul3A_6, %dma_start3A_30] : memref<2560x128xi32, #tpu.memory_space<hbm>> -> memref<16x128xi32, #tpu.memory_space<hbm>>
    tpu.enqueue_dma source(%dma_start3A_31 : memref<16x128xi32, #tpu.memory_space<hbm>>) target(%dma_start3A_29 : memref<16x128xi32, #tpu.memory_space<vmem>>) target_semaphore(%arg12 : memref<!tpu.dma_semaphore, #tpu.memory_space<semaphore_mem>>)
    %dma_wait3A = arith.constant 0 : i32
    %dma_wait3A_32 = arith.constant 0 : i32
    %dma_wait3A_33 = arith.constant 0 : i32
    %dma_wait3A_34 = tpu.memref_slice %arg7[%dma_wait3A, %dma_wait3A_32, %dma_wait3A_33] : memref<2x16x128xi32, #tpu.memory_space<vmem>> -> memref<1x16x128xi32, #tpu.memory_space<vmem>>
    %dma_wait3A_35 = tpu.memref_squeeze %dma_wait3A_34 : memref<1x16x128xi32, #tpu.memory_space<vmem>> -> memref<16x128xi32, #tpu.memory_space<vmem>>
    %dma_wait3A_36 = arith.constant 0 : i32
    %dma_wait3A_37 = arith.constant 0 : i32
    %dma_wait3A_38 = tpu.memref_slice %arg3[%dma_wait3A_36, %dma_wait3A_37] : memref<2560x128xi32, #tpu.memory_space<hbm>> -> memref<16x128xi32, #tpu.memory_space<hbm>>
    %dma_wait3A_39 = arith.constant 0 : i32
    %dma_wait3A_40 = arith.constant 0 : i32
    %dma_wait3A_41 = tpu.memref_slice %arg7[%dma_wait3A, %dma_wait3A_39, %dma_wait3A_40] : memref<2x16x128xi32, #tpu.memory_space<vmem>> -> memref<1x16x128xi32, #tpu.memory_space<vmem>>
    %dma_wait3A_42 = tpu.memref_squeeze %dma_wait3A_41 : memref<1x16x128xi32, #tpu.memory_space<vmem>> -> memref<16x128xi32, #tpu.memory_space<vmem>>
    %dma_wait3A_43 = arith.constant 0 : i32
    %dma_wait3A_44 = arith.constant 0 : i32
    %dma_wait3A_45 = tpu.memref_slice %arg3[%dma_wait3A_43, %dma_wait3A_44] : memref<2560x128xi32, #tpu.memory_space<hbm>> -> memref<16x128xi32, #tpu.memory_space<hbm>>
    tpu.wait_dma2 semaphore(%arg12 : memref<!tpu.dma_semaphore, #tpu.memory_space<semaphore_mem>>) src(%dma_wait3A_45 : memref<16x128xi32, #tpu.memory_space<hbm>>) dst(%dma_wait3A_42 : memref<16x128xi32, #tpu.memory_space<vmem>>)
    %dma_wait3A_46 = arith.constant 0 : i32
    %dma_wait3A_47 = arith.constant 0 : i32
    %dma_wait3A_48 = arith.constant 0 : i32
    %dma_wait3A_49 = tpu.memref_slice %arg8[%dma_wait3A_46, %dma_wait3A_47, %dma_wait3A_48] : memref<2x16x128xi32, #tpu.memory_space<vmem>> -> memref<1x16x128xi32, #tpu.memory_space<vmem>>
    %dma_wait3A_50 = tpu.memref_squeeze %dma_wait3A_49 : memref<1x16x128xi32, #tpu.memory_space<vmem>> -> memref<16x128xi32, #tpu.memory_space<vmem>>
    %dma_wait3A_51 = arith.constant 0 : i32
    %dma_wait3A_52 = arith.constant 0 : i32
    %dma_wait3A_53 = tpu.memref_slice %arg3[%dma_wait3A_51, %dma_wait3A_52] : memref<2560x128xi32, #tpu.memory_space<hbm>> -> memref<16x128xi32, #tpu.memory_space<hbm>>
    %dma_wait3A_54 = arith.constant 0 : i32
    %dma_wait3A_55 = arith.constant 0 : i32
    %dma_wait3A_56 = tpu.memref_slice %arg8[%dma_wait3A_46, %dma_wait3A_54, %dma_wait3A_55] : memref<2x16x128xi32, #tpu.memory_space<vmem>> -> memref<1x16x128xi32, #tpu.memory_space<vmem>>
    %dma_wait3A_57 = tpu.memref_squeeze %dma_wait3A_56 : memref<1x16x128xi32, #tpu.memory_space<vmem>> -> memref<16x128xi32, #tpu.memory_space<vmem>>
    %dma_wait3A_58 = arith.constant 0 : i32
    %dma_wait3A_59 = arith.constant 0 : i32
    %dma_wait3A_60 = tpu.memref_slice %arg3[%dma_wait3A_58, %dma_wait3A_59] : memref<2560x128xi32, #tpu.memory_space<hbm>> -> memref<16x128xi32, #tpu.memory_space<hbm>>
    tpu.wait_dma2 semaphore(%arg12 : memref<!tpu.dma_semaphore, #tpu.memory_space<semaphore_mem>>) src(%dma_wait3A_60 : memref<16x128xi32, #tpu.memory_space<hbm>>) dst(%dma_wait3A_57 : memref<16x128xi32, #tpu.memory_space<vmem>>)
    %add3A_61 = arith.constant 16 : i32
    %add3A_62 = arith.addi %mul3A_6, %add3A_61 : i32
    %dma_start3A_63 = arith.constant 1 : i32
    %dma_start3A_64 = arith.constant 0 : i32
    %dma_start3A_65 = arith.constant 0 : i32
    %dma_start3A_66 = tpu.memref_slice %arg7[%dma_start3A_63, %dma_start3A_64, %dma_start3A_65] : memref<2x16x128xi32, #tpu.memory_space<vmem>> -> memref<1x16x128xi32, #tpu.memory_space<vmem>>
    %dma_start3A_67 = tpu.memref_squeeze %dma_start3A_66 : memref<1x16x128xi32, #tpu.memory_space<vmem>> -> memref<16x128xi32, #tpu.memory_space<vmem>>
    %dma_start3A_68 = arith.constant 0 : i32
    %dma_start3A_69 = tpu.memref_slice %arg3[%add3A_62, %dma_start3A_68] : memref<2560x128xi32, #tpu.memory_space<hbm>> -> memref<16x128xi32, #tpu.memory_space<hbm>>
    %dma_start3A_70 = arith.constant 0 : i32
    %dma_start3A_71 = arith.constant 0 : i32
    %dma_start3A_72 = tpu.memref_slice %arg7[%dma_start3A_63, %dma_start3A_70, %dma_start3A_71] : memref<2x16x128xi32, #tpu.memory_space<vmem>> -> memref<1x16x128xi32, #tpu.memory_space<vmem>>
    %dma_start3A_73 = tpu.memref_squeeze %dma_start3A_72 : memref<1x16x128xi32, #tpu.memory_space<vmem>> -> memref<16x128xi32, #tpu.memory_space<vmem>>
    %dma_start3A_74 = arith.constant 0 : i32
    %dma_start3A_75 = tpu.memref_slice %arg3[%add3A_62, %dma_start3A_74] : memref<2560x128xi32, #tpu.memory_space<hbm>> -> memref<16x128xi32, #tpu.memory_space<hbm>>
    tpu.enqueue_dma source(%dma_start3A_75 : memref<16x128xi32, #tpu.memory_space<hbm>>) target(%dma_start3A_73 : memref<16x128xi32, #tpu.memory_space<vmem>>) target_semaphore(%arg12 : memref<!tpu.dma_semaphore, #tpu.memory_space<semaphore_mem>>)
    %add3A_76 = arith.constant 16 : i32
    %add3A_77 = arith.addi %mul3A_6, %add3A_76 : i32
    %dma_start3A_78 = arith.constant 1 : i32
    %dma_start3A_79 = arith.constant 0 : i32
    %dma_start3A_80 = arith.constant 0 : i32
    %dma_start3A_81 = tpu.memref_slice %arg8[%dma_start3A_78, %dma_start3A_79, %dma_start3A_80] : memref<2x16x128xi32, #tpu.memory_space<vmem>> -> memref<1x16x128xi32, #tpu.memory_space<vmem>>
    %dma_start3A_82 = tpu.memref_squeeze %dma_start3A_81 : memref<1x16x128xi32, #tpu.memory_space<vmem>> -> memref<16x128xi32, #tpu.memory_space<vmem>>
    %dma_start3A_83 = arith.constant 0 : i32
    %dma_start3A_84 = tpu.memref_slice %arg4[%add3A_77, %dma_start3A_83] : memref<2560x128xi32, #tpu.memory_space<hbm>> -> memref<16x128xi32, #tpu.memory_space<hbm>>
    %dma_start3A_85 = arith.constant 0 : i32
    %dma_start3A_86 = arith.constant 0 : i32
    %dma_start3A_87 = tpu.memref_slice %arg8[%dma_start3A_78, %dma_start3A_85, %dma_start3A_86] : memref<2x16x128xi32, #tpu.memory_space<vmem>> -> memref<1x16x128xi32, #tpu.memory_space<vmem>>
    %dma_start3A_88 = tpu.memref_squeeze %dma_start3A_87 : memref<1x16x128xi32, #tpu.memory_space<vmem>> -> memref<16x128xi32, #tpu.memory_space<vmem>>
    %dma_start3A_89 = arith.constant 0 : i32
    %dma_start3A_90 = tpu.memref_slice %arg4[%add3A_77, %dma_start3A_89] : memref<2560x128xi32, #tpu.memory_space<hbm>> -> memref<16x128xi32, #tpu.memory_space<hbm>>
    tpu.enqueue_dma source(%dma_start3A_90 : memref<16x128xi32, #tpu.memory_space<hbm>>) target(%dma_start3A_88 : memref<16x128xi32, #tpu.memory_space<vmem>>) target_semaphore(%arg12 : memref<!tpu.dma_semaphore, #tpu.memory_space<semaphore_mem>>)
    %dma_start3A_91 = arith.constant 0 : i32
    %dma_start3A_92 = arith.constant 0 : i32
    %dma_start3A_93 = arith.constant 0 : i32
    %dma_start3A_94 = arith.constant 0 : i32
    %dma_start3A_95 = tpu.memref_slice %arg9[%dma_start3A_93, %dma_start3A_94] : memref<128x128xf32, #tpu.memory_space<vmem>> -> memref<64x128xf32, #tpu.memory_space<vmem>>
    %dma_start3A_96 = arith.constant 0 : i32
    %dma_start3A_97 = tpu.memref_slice %arg7[%dma_start3A_91, %dma_start3A_92, %dma_start3A_96] : memref<2x16x128xi32, #tpu.memory_space<vmem>> -> memref<1x1x64xi32, #tpu.memory_space<vmem>>
    %dma_start3A_98 = tpu.memref_squeeze %dma_start3A_97 : memref<1x1x64xi32, #tpu.memory_space<vmem>> -> memref<64xi32, #tpu.memory_space<vmem>>
    %dma_start3A_99 = arith.constant 0 : i32
    %dma_start3A_100 = arith.constant 0 : i32
    %dma_start3A_101 = tpu.memref_slice %arg2[%dma_start3A_99, %dma_start3A_100] : memref<10000x128xf32, #tpu.memory_space<hbm>> -> memref<10000x128xf32, #tpu.memory_space<hbm>>
    tpu.enqueue_indirect_dma source(%dma_start3A_101 : memref<10000x128xf32, #tpu.memory_space<hbm>>) target(%dma_start3A_95 : memref<64x128xf32, #tpu.memory_space<vmem>>) offsets(%dma_start3A_98 : memref<64xi32, #tpu.memory_space<vmem>>) semaphore(%arg13 : memref<!tpu.dma_semaphore, #tpu.memory_space<semaphore_mem>>)
    %dma_start3A_102 = arith.constant 0 : i32
    %dma_start3A_103 = arith.constant 0 : i32
    %dma_start3A_104 = arith.constant 64 : i32
    %dma_start3A_105 = arith.constant 0 : i32
    %dma_start3A_106 = tpu.memref_slice %arg9[%dma_start3A_104, %dma_start3A_105] : memref<128x128xf32, #tpu.memory_space<vmem>> -> memref<64x128xf32, #tpu.memory_space<vmem>>
    %dma_start3A_107 = arith.constant 64 : i32
    %dma_start3A_108 = tpu.memref_slice %arg7[%dma_start3A_102, %dma_start3A_103, %dma_start3A_107] : memref<2x16x128xi32, #tpu.memory_space<vmem>> -> memref<1x1x64xi32, #tpu.memory_space<vmem>>
    %dma_start3A_109 = tpu.memref_squeeze %dma_start3A_108 : memref<1x1x64xi32, #tpu.memory_space<vmem>> -> memref<64xi32, #tpu.memory_space<vmem>>
    %dma_start3A_110 = arith.constant 0 : i32
    %dma_start3A_111 = arith.constant 0 : i32
    %dma_start3A_112 = tpu.memref_slice %arg2[%dma_start3A_110, %dma_start3A_111] : memref<10000x128xf32, #tpu.memory_space<hbm>> -> memref<10000x128xf32, #tpu.memory_space<hbm>>
    tpu.enqueue_indirect_dma source(%dma_start3A_112 : memref<10000x128xf32, #tpu.memory_space<hbm>>) target(%dma_start3A_106 : memref<64x128xf32, #tpu.memory_space<vmem>>) offsets(%dma_start3A_109 : memref<64xi32, #tpu.memory_space<vmem>>) semaphore(%arg13 : memref<!tpu.dma_semaphore, #tpu.memory_space<semaphore_mem>>)
    %scan3A = arith.constant 0 : i32
    %scan3A_113 = arith.constant 0 : i32
    %scan3A_114 = arith.constant 5 : i32
    %scan3A_115 = arith.addi %scan3A_113, %scan3A_114 : i32
    %scan3A_116 = arith.constant 1 : i32
    scf.for %scan3A_121 = %scan3A_113 to %scan3A_115 step %scan3A_116  : i32 {
      %and3A = arith.constant 1 : i32
      %and3A_122 = arith.andi %scan3A_121, %and3A : i32
      %add3A_123 = arith.constant 2 : i32
      %add3A_124 = arith.addi %scan3A_121, %add3A_123 : i32
      %mul3A_125 = arith.constant 16 : i32
      %mul3A_126 = arith.muli %add3A_124, %mul3A_125 : i32
      %add3A_127 = arith.addi %mul3A_6, %mul3A_126 : i32
      %dma_wait3A_128 = arith.constant 0 : i32
      %dma_wait3A_129 = arith.constant 0 : i32
      %dma_wait3A_130 = arith.constant 0 : i32
      %dma_wait3A_131 = tpu.memref_slice %arg7[%dma_wait3A_128, %dma_wait3A_129, %dma_wait3A_130] : memref<2x16x128xi32, #tpu.memory_space<vmem>> -> memref<1x1x128xi32, #tpu.memory_space<vmem>>
      %dma_wait3A_132 = tpu.memref_squeeze %dma_wait3A_131 : memref<1x1x128xi32, #tpu.memory_space<vmem>> -> memref<128xi32, #tpu.memory_space<vmem>>
      %dma_wait3A_133 = arith.constant 0 : i32
      %dma_wait3A_134 = arith.constant 0 : i32
      %dma_wait3A_135 = tpu.memref_slice %arg2[%dma_wait3A_133, %dma_wait3A_134] : memref<10000x128xf32, #tpu.memory_space<hbm>> -> memref<10000x128xf32, #tpu.memory_space<hbm>>
      tpu.wait_indirect_dma semaphore(%arg13 : memref<!tpu.dma_semaphore, #tpu.memory_space<semaphore_mem>>) src(%dma_wait3A_135 : memref<10000x128xf32, #tpu.memory_space<hbm>>) dst(%arg9 : memref<128x128xf32, #tpu.memory_space<vmem>>)
      %dma_start3A_136 = arith.constant 1 : i32
      %dma_start3A_137 = arith.constant 0 : i32
      %dma_start3A_138 = arith.constant 0 : i32
      %dma_start3A_139 = tpu.memref_slice %arg10[%dma_start3A_137, %dma_start3A_138] : memref<128x128xf32, #tpu.memory_space<vmem>> -> memref<64x128xf32, #tpu.memory_space<vmem>>
      %dma_start3A_140 = arith.constant 0 : i32
      %dma_start3A_141 = tpu.memref_slice %arg7[%and3A_122, %dma_start3A_136, %dma_start3A_140] : memref<2x16x128xi32, #tpu.memory_space<vmem>> -> memref<1x1x64xi32, #tpu.memory_space<vmem>>
      %dma_start3A_142 = tpu.memref_squeeze %dma_start3A_141 : memref<1x1x64xi32, #tpu.memory_space<vmem>> -> memref<64xi32, #tpu.memory_space<vmem>>
      %dma_start3A_143 = arith.constant 0 : i32
      %dma_start3A_144 = arith.constant 0 : i32
      %dma_start3A_145 = tpu.memref_slice %arg2[%dma_start3A_143, %dma_start3A_144] : memref<10000x128xf32, #tpu.memory_space<hbm>> -> memref<10000x128xf32, #tpu.memory_space<hbm>>
      tpu.enqueue_indirect_dma source(%dma_start3A_145 : memref<10000x128xf32, #tpu.memory_space<hbm>>) target(%dma_start3A_139 : memref<64x128xf32, #tpu.memory_space<vmem>>) offsets(%dma_start3A_142 : memref<64xi32, #tpu.memory_space<vmem>>) semaphore(%arg14 : memref<!tpu.dma_semaphore, #tpu.memory_space<semaphore_mem>>)
      %dma_start3A_146 = arith.constant 1 : i32
      %dma_start3A_147 = arith.constant 64 : i32
      %dma_start3A_148 = arith.constant 0 : i32
      %dma_start3A_149 = tpu.memref_slice %arg10[%dma_start3A_147, %dma_start3A_148] : memref<128x128xf32, #tpu.memory_space<vmem>> -> memref<64x128xf32, #tpu.memory_space<vmem>>
      %dma_start3A_150 = arith.constant 64 : i32
      %dma_start3A_151 = tpu.memref_slice %arg7[%and3A_122, %dma_start3A_146, %dma_start3A_150] : memref<2x16x128xi32, #tpu.memory_space<vmem>> -> memref<1x1x64xi32, #tpu.memory_space<vmem>>
      %dma_start3A_152 = tpu.memref_squeeze %dma_start3A_151 : memref<1x1x64xi32, #tpu.memory_space<vmem>> -> memref<64xi32, #tpu.memory_space<vmem>>
      %dma_start3A_153 = arith.constant 0 : i32
      %dma_start3A_154 = arith.constant 0 : i32
      %dma_start3A_155 = tpu.memref_slice %arg2[%dma_start3A_153, %dma_start3A_154] : memref<10000x128xf32, #tpu.memory_space<hbm>> -> memref<10000x128xf32, #tpu.memory_space<hbm>>
      tpu.enqueue_indirect_dma source(%dma_start3A_155 : memref<10000x128xf32, #tpu.memory_space<hbm>>) target(%dma_start3A_149 : memref<64x128xf32, #tpu.memory_space<vmem>>) offsets(%dma_start3A_152 : memref<64xi32, #tpu.memory_space<vmem>>) semaphore(%arg14 : memref<!tpu.dma_semaphore, #tpu.memory_space<semaphore_mem>>)
      %run_scoped3A = arith.constant 0 : i32
      "tpu.region"() ({
        %run_scoped3A_577 = tpu.sem_alloc : memref<!tpu.dma_semaphore, #tpu.memory_space<semaphore_mem>>
        %dma_start3A_578 = arith.constant 0 : i32
        %dma_start3A_579 = tpu.memref_slice %arg8[%and3A_122, %run_scoped3A, %dma_start3A_578] : memref<2x16x128xi32, #tpu.memory_space<vmem>> -> memref<1x1x128xi32, #tpu.memory_space<vmem>>
        %dma_start3A_580 = tpu.memref_squeeze %dma_start3A_579 : memref<1x1x128xi32, #tpu.memory_space<vmem>> -> memref<128xi32, #tpu.memory_space<vmem>>
        %dma_start3A_581 = arith.constant 0 : i32
        %dma_start3A_582 = arith.constant 0 : i32
        %dma_start3A_583 = tpu.memref_slice %arg11[%dma_start3A_581, %dma_start3A_582] : memref<10112x128xf32, #tpu.memory_space<vmem_shared>> -> memref<10112x128xf32, #tpu.memory_space<vmem_shared>>
        tpu.enqueue_indirect_dma source(%arg9 : memref<128x128xf32, #tpu.memory_space<vmem>>) target(%dma_start3A_583 : memref<10112x128xf32, #tpu.memory_space<vmem_shared>>) offsets(%dma_start3A_580 : memref<128xi32, #tpu.memory_space<vmem>>) semaphore(%run_scoped3A_577 : memref<!tpu.dma_semaphore, #tpu.memory_space<semaphore_mem>>) {add = true}
        %dma_wait3A_584 = arith.constant 0 : i32
        %dma_wait3A_585 = tpu.memref_slice %arg8[%and3A_122, %run_scoped3A, %dma_wait3A_584] : memref<2x16x128xi32, #tpu.memory_space<vmem>> -> memref<1x1x128xi32, #tpu.memory_space<vmem>>
        %dma_wait3A_586 = tpu.memref_squeeze %dma_wait3A_585 : memref<1x1x128xi32, #tpu.memory_space<vmem>> -> memref<128xi32, #tpu.memory_space<vmem>>
        %dma_wait3A_587 = arith.constant 0 : i32
        %dma_wait3A_588 = arith.constant 0 : i32
        %dma_wait3A_589 = tpu.memref_slice %arg11[%dma_wait3A_587, %dma_wait3A_588] : memref<10112x128xf32, #tpu.memory_space<vmem_shared>> -> memref<10112x128xf32, #tpu.memory_space<vmem_shared>>
        tpu.wait_indirect_dma semaphore(%run_scoped3A_577 : memref<!tpu.dma_semaphore, #tpu.memory_space<semaphore_mem>>) src(%arg9 : memref<128x128xf32, #tpu.memory_space<vmem>>) dst(%dma_wait3A_589 : memref<10112x128xf32, #tpu.memory_space<vmem_shared>>)
        tpu.yield
      }) : () -> ()
      %dma_wait3A_156 = arith.constant 0 : i32
      %dma_wait3A_157 = arith.constant 0 : i32
      %dma_wait3A_158 = arith.constant 0 : i32
      %dma_wait3A_159 = tpu.memref_slice %arg7[%dma_wait3A_156, %dma_wait3A_157, %dma_wait3A_158] : memref<2x16x128xi32, #tpu.memory_space<vmem>> -> memref<1x1x128xi32, #tpu.memory_space<vmem>>
      %dma_wait3A_160 = tpu.memref_squeeze %dma_wait3A_159 : memref<1x1x128xi32, #tpu.memory_space<vmem>> -> memref<128xi32, #tpu.memory_space<vmem>>
      %dma_wait3A_161 = arith.constant 0 : i32
      %dma_wait3A_162 = arith.constant 0 : i32
      %dma_wait3A_163 = tpu.memref_slice %arg2[%dma_wait3A_161, %dma_wait3A_162] : memref<10000x128xf32, #tpu.memory_space<hbm>> -> memref<10000x128xf32, #tpu.memory_space<hbm>>
      tpu.wait_indirect_dma semaphore(%arg14 : memref<!tpu.dma_semaphore, #tpu.memory_space<semaphore_mem>>) src(%dma_wait3A_163 : memref<10000x128xf32, #tpu.memory_space<hbm>>) dst(%arg10 : memref<128x128xf32, #tpu.memory_space<vmem>>)
      %dma_start3A_164 = arith.constant 2 : i32
      %dma_start3A_165 = arith.constant 0 : i32
      %dma_start3A_166 = arith.constant 0 : i32
      %dma_start3A_167 = tpu.memref_slice %arg9[%dma_start3A_165, %dma_start3A_166] : memref<128x128xf32, #tpu.memory_space<vmem>> -> memref<64x128xf32, #tpu.memory_space<vmem>>
      %dma_start3A_168 = arith.constant 0 : i32
      %dma_start3A_169 = tpu.memref_slice %arg7[%and3A_122, %dma_start3A_164, %dma_start3A_168] : memref<2x16x128xi32, #tpu.memory_space<vmem>> -> memref<1x1x64xi32, #tpu.memory_space<vmem>>
      %dma_start3A_170 = tpu.memref_squeeze %dma_start3A_169 : memref<1x1x64xi32, #tpu.memory_space<vmem>> -> memref<64xi32, #tpu.memory_space<vmem>>
      %dma_start3A_171 = arith.constant 0 : i32
      %dma_start3A_172 = arith.constant 0 : i32
      %dma_start3A_173 = tpu.memref_slice %arg2[%dma_start3A_171, %dma_start3A_172] : memref<10000x128xf32, #tpu.memory_space<hbm>> -> memref<10000x128xf32, #tpu.memory_space<hbm>>
      tpu.enqueue_indirect_dma source(%dma_start3A_173 : memref<10000x128xf32, #tpu.memory_space<hbm>>) target(%dma_start3A_167 : memref<64x128xf32, #tpu.memory_space<vmem>>) offsets(%dma_start3A_170 : memref<64xi32, #tpu.memory_space<vmem>>) semaphore(%arg13 : memref<!tpu.dma_semaphore, #tpu.memory_space<semaphore_mem>>)
      %dma_start3A_174 = arith.constant 2 : i32
      %dma_start3A_175 = arith.constant 64 : i32
      %dma_start3A_176 = arith.constant 0 : i32
      %dma_start3A_177 = tpu.memref_slice %arg9[%dma_start3A_175, %dma_start3A_176] : memref<128x128xf32, #tpu.memory_space<vmem>> -> memref<64x128xf32, #tpu.memory_space<vmem>>
      %dma_start3A_178 = arith.constant 64 : i32
      %dma_start3A_179 = tpu.memref_slice %arg7[%and3A_122, %dma_start3A_174, %dma_start3A_178] : memref<2x16x128xi32, #tpu.memory_space<vmem>> -> memref<1x1x64xi32, #tpu.memory_space<vmem>>
      %dma_start3A_180 = tpu.memref_squeeze %dma_start3A_179 : memref<1x1x64xi32, #tpu.memory_space<vmem>> -> memref<64xi32, #tpu.memory_space<vmem>>
      %dma_start3A_181 = arith.constant 0 : i32
      %dma_start3A_182 = arith.constant 0 : i32
      %dma_start3A_183 = tpu.memref_slice %arg2[%dma_start3A_181, %dma_start3A_182] : memref<10000x128xf32, #tpu.memory_space<hbm>> -> memref<10000x128xf32, #tpu.memory_space<hbm>>
      tpu.enqueue_indirect_dma source(%dma_start3A_183 : memref<10000x128xf32, #tpu.memory_space<hbm>>) target(%dma_start3A_177 : memref<64x128xf32, #tpu.memory_space<vmem>>) offsets(%dma_start3A_180 : memref<64xi32, #tpu.memory_space<vmem>>) semaphore(%arg13 : memref<!tpu.dma_semaphore, #tpu.memory_space<semaphore_mem>>)
      %run_scoped3A_184 = arith.constant 1 : i32
      "tpu.region"() ({
        %run_scoped3A_577 = tpu.sem_alloc : memref<!tpu.dma_semaphore, #tpu.memory_space<semaphore_mem>>
        %dma_start3A_578 = arith.constant 0 : i32
        %dma_start3A_579 = tpu.memref_slice %arg8[%and3A_122, %run_scoped3A_184, %dma_start3A_578] : memref<2x16x128xi32, #tpu.memory_space<vmem>> -> memref<1x1x128xi32, #tpu.memory_space<vmem>>
        %dma_start3A_580 = tpu.memref_squeeze %dma_start3A_579 : memref<1x1x128xi32, #tpu.memory_space<vmem>> -> memref<128xi32, #tpu.memory_space<vmem>>
        %dma_start3A_581 = arith.constant 0 : i32
        %dma_start3A_582 = arith.constant 0 : i32
        %dma_start3A_583 = tpu.memref_slice %arg11[%dma_start3A_581, %dma_start3A_582] : memref<10112x128xf32, #tpu.memory_space<vmem_shared>> -> memref<10112x128xf32, #tpu.memory_space<vmem_shared>>
        tpu.enqueue_indirect_dma source(%arg10 : memref<128x128xf32, #tpu.memory_space<vmem>>) target(%dma_start3A_583 : memref<10112x128xf32, #tpu.memory_space<vmem_shared>>) offsets(%dma_start3A_580 : memref<128xi32, #tpu.memory_space<vmem>>) semaphore(%run_scoped3A_577 : memref<!tpu.dma_semaphore, #tpu.memory_space<semaphore_mem>>) {add = true}
        %dma_wait3A_584 = arith.constant 0 : i32
        %dma_wait3A_585 = tpu.memref_slice %arg8[%and3A_122, %run_scoped3A_184, %dma_wait3A_584] : memref<2x16x128xi32, #tpu.memory_space<vmem>> -> memref<1x1x128xi32, #tpu.memory_space<vmem>>
        %dma_wait3A_586 = tpu.memref_squeeze %dma_wait3A_585 : memref<1x1x128xi32, #tpu.memory_space<vmem>> -> memref<128xi32, #tpu.memory_space<vmem>>
        %dma_wait3A_587 = arith.constant 0 : i32
        %dma_wait3A_588 = arith.constant 0 : i32
        %dma_wait3A_589 = tpu.memref_slice %arg11[%dma_wait3A_587, %dma_wait3A_588] : memref<10112x128xf32, #tpu.memory_space<vmem_shared>> -> memref<10112x128xf32, #tpu.memory_space<vmem_shared>>
        tpu.wait_indirect_dma semaphore(%run_scoped3A_577 : memref<!tpu.dma_semaphore, #tpu.memory_space<semaphore_mem>>) src(%arg10 : memref<128x128xf32, #tpu.memory_space<vmem>>) dst(%dma_wait3A_589 : memref<10112x128xf32, #tpu.memory_space<vmem_shared>>)
        tpu.yield
      }) : () -> ()
      %dma_wait3A_185 = arith.constant 0 : i32
      %dma_wait3A_186 = arith.constant 0 : i32
      %dma_wait3A_187 = arith.constant 0 : i32
      %dma_wait3A_188 = tpu.memref_slice %arg7[%dma_wait3A_185, %dma_wait3A_186, %dma_wait3A_187] : memref<2x16x128xi32, #tpu.memory_space<vmem>> -> memref<1x1x128xi32, #tpu.memory_space<vmem>>
      %dma_wait3A_189 = tpu.memref_squeeze %dma_wait3A_188 : memref<1x1x128xi32, #tpu.memory_space<vmem>> -> memref<128xi32, #tpu.memory_space<vmem>>
      %dma_wait3A_190 = arith.constant 0 : i32
      %dma_wait3A_191 = arith.constant 0 : i32
      %dma_wait3A_192 = tpu.memref_slice %arg2[%dma_wait3A_190, %dma_wait3A_191] : memref<10000x128xf32, #tpu.memory_space<hbm>> -> memref<10000x128xf32, #tpu.memory_space<hbm>>
      tpu.wait_indirect_dma semaphore(%arg13 : memref<!tpu.dma_semaphore, #tpu.memory_space<semaphore_mem>>) src(%dma_wait3A_192 : memref<10000x128xf32, #tpu.memory_space<hbm>>) dst(%arg9 : memref<128x128xf32, #tpu.memory_space<vmem>>)
      %dma_start3A_193 = arith.constant 3 : i32
      %dma_start3A_194 = arith.constant 0 : i32
      %dma_start3A_195 = arith.constant 0 : i32
      %dma_start3A_196 = tpu.memref_slice %arg10[%dma_start3A_194, %dma_start3A_195] : memref<128x128xf32, #tpu.memory_space<vmem>> -> memref<64x128xf32, #tpu.memory_space<vmem>>
      %dma_start3A_197 = arith.constant 0 : i32
      %dma_start3A_198 = tpu.memref_slice %arg7[%and3A_122, %dma_start3A_193, %dma_start3A_197] : memref<2x16x128xi32, #tpu.memory_space<vmem>> -> memref<1x1x64xi32, #tpu.memory_space<vmem>>
      %dma_start3A_199 = tpu.memref_squeeze %dma_start3A_198 : memref<1x1x64xi32, #tpu.memory_space<vmem>> -> memref<64xi32, #tpu.memory_space<vmem>>
      %dma_start3A_200 = arith.constant 0 : i32
      %dma_start3A_201 = arith.constant 0 : i32
      %dma_start3A_202 = tpu.memref_slice %arg2[%dma_start3A_200, %dma_start3A_201] : memref<10000x128xf32, #tpu.memory_space<hbm>> -> memref<10000x128xf32, #tpu.memory_space<hbm>>
      tpu.enqueue_indirect_dma source(%dma_start3A_202 : memref<10000x128xf32, #tpu.memory_space<hbm>>) target(%dma_start3A_196 : memref<64x128xf32, #tpu.memory_space<vmem>>) offsets(%dma_start3A_199 : memref<64xi32, #tpu.memory_space<vmem>>) semaphore(%arg14 : memref<!tpu.dma_semaphore, #tpu.memory_space<semaphore_mem>>)
      %dma_start3A_203 = arith.constant 3 : i32
      %dma_start3A_204 = arith.constant 64 : i32
      %dma_start3A_205 = arith.constant 0 : i32
      %dma_start3A_206 = tpu.memref_slice %arg10[%dma_start3A_204, %dma_start3A_205] : memref<128x128xf32, #tpu.memory_space<vmem>> -> memref<64x128xf32, #tpu.memory_space<vmem>>
      %dma_start3A_207 = arith.constant 64 : i32
      %dma_start3A_208 = tpu.memref_slice %arg7[%and3A_122, %dma_start3A_203, %dma_start3A_207] : memref<2x16x128xi32, #tpu.memory_space<vmem>> -> memref<1x1x64xi32, #tpu.memory_space<vmem>>
      %dma_start3A_209 = tpu.memref_squeeze %dma_start3A_208 : memref<1x1x64xi32, #tpu.memory_space<vmem>> -> memref<64xi32, #tpu.memory_space<vmem>>
      %dma_start3A_210 = arith.constant 0 : i32
      %dma_start3A_211 = arith.constant 0 : i32
      %dma_start3A_212 = tpu.memref_slice %arg2[%dma_start3A_210, %dma_start3A_211] : memref<10000x128xf32, #tpu.memory_space<hbm>> -> memref<10000x128xf32, #tpu.memory_space<hbm>>
      tpu.enqueue_indirect_dma source(%dma_start3A_212 : memref<10000x128xf32, #tpu.memory_space<hbm>>) target(%dma_start3A_206 : memref<64x128xf32, #tpu.memory_space<vmem>>) offsets(%dma_start3A_209 : memref<64xi32, #tpu.memory_space<vmem>>) semaphore(%arg14 : memref<!tpu.dma_semaphore, #tpu.memory_space<semaphore_mem>>)
      %run_scoped3A_213 = arith.constant 2 : i32
      "tpu.region"() ({
        %run_scoped3A_577 = tpu.sem_alloc : memref<!tpu.dma_semaphore, #tpu.memory_space<semaphore_mem>>
        %dma_start3A_578 = arith.constant 0 : i32
        %dma_start3A_579 = tpu.memref_slice %arg8[%and3A_122, %run_scoped3A_213, %dma_start3A_578] : memref<2x16x128xi32, #tpu.memory_space<vmem>> -> memref<1x1x128xi32, #tpu.memory_space<vmem>>
        %dma_start3A_580 = tpu.memref_squeeze %dma_start3A_579 : memref<1x1x128xi32, #tpu.memory_space<vmem>> -> memref<128xi32, #tpu.memory_space<vmem>>
        %dma_start3A_581 = arith.constant 0 : i32
        %dma_start3A_582 = arith.constant 0 : i32
        %dma_start3A_583 = tpu.memref_slice %arg11[%dma_start3A_581, %dma_start3A_582] : memref<10112x128xf32, #tpu.memory_space<vmem_shared>> -> memref<10112x128xf32, #tpu.memory_space<vmem_shared>>
        tpu.enqueue_indirect_dma source(%arg9 : memref<128x128xf32, #tpu.memory_space<vmem>>) target(%dma_start3A_583 : memref<10112x128xf32, #tpu.memory_space<vmem_shared>>) offsets(%dma_start3A_580 : memref<128xi32, #tpu.memory_space<vmem>>) semaphore(%run_scoped3A_577 : memref<!tpu.dma_semaphore, #tpu.memory_space<semaphore_mem>>) {add = true}
        %dma_wait3A_584 = arith.constant 0 : i32
        %dma_wait3A_585 = tpu.memref_slice %arg8[%and3A_122, %run_scoped3A_213, %dma_wait3A_584] : memref<2x16x128xi32, #tpu.memory_space<vmem>> -> memref<1x1x128xi32, #tpu.memory_space<vmem>>
        %dma_wait3A_586 = tpu.memref_squeeze %dma_wait3A_585 : memref<1x1x128xi32, #tpu.memory_space<vmem>> -> memref<128xi32, #tpu.memory_space<vmem>>
        %dma_wait3A_587 = arith.constant 0 : i32
        %dma_wait3A_588 = arith.constant 0 : i32
        %dma_wait3A_589 = tpu.memref_slice %arg11[%dma_wait3A_587, %dma_wait3A_588] : memref<10112x128xf32, #tpu.memory_space<vmem_shared>> -> memref<10112x128xf32, #tpu.memory_space<vmem_shared>>
        tpu.wait_indirect_dma semaphore(%run_scoped3A_577 : memref<!tpu.dma_semaphore, #tpu.memory_space<semaphore_mem>>) src(%arg9 : memref<128x128xf32, #tpu.memory_space<vmem>>) dst(%dma_wait3A_589 : memref<10112x128xf32, #tpu.memory_space<vmem_shared>>)
        tpu.yield
      }) : () -> ()
      %dma_wait3A_214 = arith.constant 0 : i32
      %dma_wait3A_215 = arith.constant 0 : i32
      %dma_wait3A_216 = arith.constant 0 : i32
      %dma_wait3A_217 = tpu.memref_slice %arg7[%dma_wait3A_214, %dma_wait3A_215, %dma_wait3A_216] : memref<2x16x128xi32, #tpu.memory_space<vmem>> -> memref<1x1x128xi32, #tpu.memory_space<vmem>>
      %dma_wait3A_218 = tpu.memref_squeeze %dma_wait3A_217 : memref<1x1x128xi32, #tpu.memory_space<vmem>> -> memref<128xi32, #tpu.memory_space<vmem>>
      %dma_wait3A_219 = arith.constant 0 : i32
      %dma_wait3A_220 = arith.constant 0 : i32
      %dma_wait3A_221 = tpu.memref_slice %arg2[%dma_wait3A_219, %dma_wait3A_220] : memref<10000x128xf32, #tpu.memory_space<hbm>> -> memref<10000x128xf32, #tpu.memory_space<hbm>>
      tpu.wait_indirect_dma semaphore(%arg14 : memref<!tpu.dma_semaphore, #tpu.memory_space<semaphore_mem>>) src(%dma_wait3A_221 : memref<10000x128xf32, #tpu.memory_space<hbm>>) dst(%arg10 : memref<128x128xf32, #tpu.memory_space<vmem>>)
      %dma_start3A_222 = arith.constant 4 : i32
      %dma_start3A_223 = arith.constant 0 : i32
      %dma_start3A_224 = arith.constant 0 : i32
      %dma_start3A_225 = tpu.memref_slice %arg9[%dma_start3A_223, %dma_start3A_224] : memref<128x128xf32, #tpu.memory_space<vmem>> -> memref<64x128xf32, #tpu.memory_space<vmem>>
      %dma_start3A_226 = arith.constant 0 : i32
      %dma_start3A_227 = tpu.memref_slice %arg7[%and3A_122, %dma_start3A_222, %dma_start3A_226] : memref<2x16x128xi32, #tpu.memory_space<vmem>> -> memref<1x1x64xi32, #tpu.memory_space<vmem>>
      %dma_start3A_228 = tpu.memref_squeeze %dma_start3A_227 : memref<1x1x64xi32, #tpu.memory_space<vmem>> -> memref<64xi32, #tpu.memory_space<vmem>>
      %dma_start3A_229 = arith.constant 0 : i32
      %dma_start3A_230 = arith.constant 0 : i32
      %dma_start3A_231 = tpu.memref_slice %arg2[%dma_start3A_229, %dma_start3A_230] : memref<10000x128xf32, #tpu.memory_space<hbm>> -> memref<10000x128xf32, #tpu.memory_space<hbm>>
      tpu.enqueue_indirect_dma source(%dma_start3A_231 : memref<10000x128xf32, #tpu.memory_space<hbm>>) target(%dma_start3A_225 : memref<64x128xf32, #tpu.memory_space<vmem>>) offsets(%dma_start3A_228 : memref<64xi32, #tpu.memory_space<vmem>>) semaphore(%arg13 : memref<!tpu.dma_semaphore, #tpu.memory_space<semaphore_mem>>)
      %dma_start3A_232 = arith.constant 4 : i32
      %dma_start3A_233 = arith.constant 64 : i32
      %dma_start3A_234 = arith.constant 0 : i32
      %dma_start3A_235 = tpu.memref_slice %arg9[%dma_start3A_233, %dma_start3A_234] : memref<128x128xf32, #tpu.memory_space<vmem>> -> memref<64x128xf32, #tpu.memory_space<vmem>>
      %dma_start3A_236 = arith.constant 64 : i32
      %dma_start3A_237 = tpu.memref_slice %arg7[%and3A_122, %dma_start3A_232, %dma_start3A_236] : memref<2x16x128xi32, #tpu.memory_space<vmem>> -> memref<1x1x64xi32, #tpu.memory_space<vmem>>
      %dma_start3A_238 = tpu.memref_squeeze %dma_start3A_237 : memref<1x1x64xi32, #tpu.memory_space<vmem>> -> memref<64xi32, #tpu.memory_space<vmem>>
      %dma_start3A_239 = arith.constant 0 : i32
      %dma_start3A_240 = arith.constant 0 : i32
      %dma_start3A_241 = tpu.memref_slice %arg2[%dma_start3A_239, %dma_start3A_240] : memref<10000x128xf32, #tpu.memory_space<hbm>> -> memref<10000x128xf32, #tpu.memory_space<hbm>>
      tpu.enqueue_indirect_dma source(%dma_start3A_241 : memref<10000x128xf32, #tpu.memory_space<hbm>>) target(%dma_start3A_235 : memref<64x128xf32, #tpu.memory_space<vmem>>) offsets(%dma_start3A_238 : memref<64xi32, #tpu.memory_space<vmem>>) semaphore(%arg13 : memref<!tpu.dma_semaphore, #tpu.memory_space<semaphore_mem>>)
      %run_scoped3A_242 = arith.constant 3 : i32
      "tpu.region"() ({
        %run_scoped3A_577 = tpu.sem_alloc : memref<!tpu.dma_semaphore, #tpu.memory_space<semaphore_mem>>
        %dma_start3A_578 = arith.constant 0 : i32
        %dma_start3A_579 = tpu.memref_slice %arg8[%and3A_122, %run_scoped3A_242, %dma_start3A_578] : memref<2x16x128xi32, #tpu.memory_space<vmem>> -> memref<1x1x128xi32, #tpu.memory_space<vmem>>
        %dma_start3A_580 = tpu.memref_squeeze %dma_start3A_579 : memref<1x1x128xi32, #tpu.memory_space<vmem>> -> memref<128xi32, #tpu.memory_space<vmem>>
        %dma_start3A_581 = arith.constant 0 : i32
        %dma_start3A_582 = arith.constant 0 : i32
        %dma_start3A_583 = tpu.memref_slice %arg11[%dma_start3A_581, %dma_start3A_582] : memref<10112x128xf32, #tpu.memory_space<vmem_shared>> -> memref<10112x128xf32, #tpu.memory_space<vmem_shared>>
        tpu.enqueue_indirect_dma source(%arg10 : memref<128x128xf32, #tpu.memory_space<vmem>>) target(%dma_start3A_583 : memref<10112x128xf32, #tpu.memory_space<vmem_shared>>) offsets(%dma_start3A_580 : memref<128xi32, #tpu.memory_space<vmem>>) semaphore(%run_scoped3A_577 : memref<!tpu.dma_semaphore, #tpu.memory_space<semaphore_mem>>) {add = true}
        %dma_wait3A_584 = arith.constant 0 : i32
        %dma_wait3A_585 = tpu.memref_slice %arg8[%and3A_122, %run_scoped3A_242, %dma_wait3A_584] : memref<2x16x128xi32, #tpu.memory_space<vmem>> -> memref<1x1x128xi32, #tpu.memory_space<vmem>>
        %dma_wait3A_586 = tpu.memref_squeeze %dma_wait3A_585 : memref<1x1x128xi32, #tpu.memory_space<vmem>> -> memref<128xi32, #tpu.memory_space<vmem>>
        %dma_wait3A_587 = arith.constant 0 : i32
        %dma_wait3A_588 = arith.constant 0 : i32
        %dma_wait3A_589 = tpu.memref_slice %arg11[%dma_wait3A_587, %dma_wait3A_588] : memref<10112x128xf32, #tpu.memory_space<vmem_shared>> -> memref<10112x128xf32, #tpu.memory_space<vmem_shared>>
        tpu.wait_indirect_dma semaphore(%run_scoped3A_577 : memref<!tpu.dma_semaphore, #tpu.memory_space<semaphore_mem>>) src(%arg10 : memref<128x128xf32, #tpu.memory_space<vmem>>) dst(%dma_wait3A_589 : memref<10112x128xf32, #tpu.memory_space<vmem_shared>>)
        tpu.yield
      }) : () -> ()
      %dma_wait3A_243 = arith.constant 0 : i32
      %dma_wait3A_244 = arith.constant 0 : i32
      %dma_wait3A_245 = arith.constant 0 : i32
      %dma_wait3A_246 = tpu.memref_slice %arg7[%dma_wait3A_243, %dma_wait3A_244, %dma_wait3A_245] : memref<2x16x128xi32, #tpu.memory_space<vmem>> -> memref<1x1x128xi32, #tpu.memory_space<vmem>>
      %dma_wait3A_247 = tpu.memref_squeeze %dma_wait3A_246 : memref<1x1x128xi32, #tpu.memory_space<vmem>> -> memref<128xi32, #tpu.memory_space<vmem>>
      %dma_wait3A_248 = arith.constant 0 : i32
      %dma_wait3A_249 = arith.constant 0 : i32
      %dma_wait3A_250 = tpu.memref_slice %arg2[%dma_wait3A_248, %dma_wait3A_249] : memref<10000x128xf32, #tpu.memory_space<hbm>> -> memref<10000x128xf32, #tpu.memory_space<hbm>>
      tpu.wait_indirect_dma semaphore(%arg13 : memref<!tpu.dma_semaphore, #tpu.memory_space<semaphore_mem>>) src(%dma_wait3A_250 : memref<10000x128xf32, #tpu.memory_space<hbm>>) dst(%arg9 : memref<128x128xf32, #tpu.memory_space<vmem>>)
      %dma_start3A_251 = arith.constant 5 : i32
      %dma_start3A_252 = arith.constant 0 : i32
      %dma_start3A_253 = arith.constant 0 : i32
      %dma_start3A_254 = tpu.memref_slice %arg10[%dma_start3A_252, %dma_start3A_253] : memref<128x128xf32, #tpu.memory_space<vmem>> -> memref<64x128xf32, #tpu.memory_space<vmem>>
      %dma_start3A_255 = arith.constant 0 : i32
      %dma_start3A_256 = tpu.memref_slice %arg7[%and3A_122, %dma_start3A_251, %dma_start3A_255] : memref<2x16x128xi32, #tpu.memory_space<vmem>> -> memref<1x1x64xi32, #tpu.memory_space<vmem>>
      %dma_start3A_257 = tpu.memref_squeeze %dma_start3A_256 : memref<1x1x64xi32, #tpu.memory_space<vmem>> -> memref<64xi32, #tpu.memory_space<vmem>>
      %dma_start3A_258 = arith.constant 0 : i32
      %dma_start3A_259 = arith.constant 0 : i32
      %dma_start3A_260 = tpu.memref_slice %arg2[%dma_start3A_258, %dma_start3A_259] : memref<10000x128xf32, #tpu.memory_space<hbm>> -> memref<10000x128xf32, #tpu.memory_space<hbm>>
      tpu.enqueue_indirect_dma source(%dma_start3A_260 : memref<10000x128xf32, #tpu.memory_space<hbm>>) target(%dma_start3A_254 : memref<64x128xf32, #tpu.memory_space<vmem>>) offsets(%dma_start3A_257 : memref<64xi32, #tpu.memory_space<vmem>>) semaphore(%arg14 : memref<!tpu.dma_semaphore, #tpu.memory_space<semaphore_mem>>)
      %dma_start3A_261 = arith.constant 5 : i32
      %dma_start3A_262 = arith.constant 64 : i32
      %dma_start3A_263 = arith.constant 0 : i32
      %dma_start3A_264 = tpu.memref_slice %arg10[%dma_start3A_262, %dma_start3A_263] : memref<128x128xf32, #tpu.memory_space<vmem>> -> memref<64x128xf32, #tpu.memory_space<vmem>>
      %dma_start3A_265 = arith.constant 64 : i32
      %dma_start3A_266 = tpu.memref_slice %arg7[%and3A_122, %dma_start3A_261, %dma_start3A_265] : memref<2x16x128xi32, #tpu.memory_space<vmem>> -> memref<1x1x64xi32, #tpu.memory_space<vmem>>
      %dma_start3A_267 = tpu.memref_squeeze %dma_start3A_266 : memref<1x1x64xi32, #tpu.memory_space<vmem>> -> memref<64xi32, #tpu.memory_space<vmem>>
      %dma_start3A_268 = arith.constant 0 : i32
      %dma_start3A_269 = arith.constant 0 : i32
      %dma_start3A_270 = tpu.memref_slice %arg2[%dma_start3A_268, %dma_start3A_269] : memref<10000x128xf32, #tpu.memory_space<hbm>> -> memref<10000x128xf32, #tpu.memory_space<hbm>>
      tpu.enqueue_indirect_dma source(%dma_start3A_270 : memref<10000x128xf32, #tpu.memory_space<hbm>>) target(%dma_start3A_264 : memref<64x128xf32, #tpu.memory_space<vmem>>) offsets(%dma_start3A_267 : memref<64xi32, #tpu.memory_space<vmem>>) semaphore(%arg14 : memref<!tpu.dma_semaphore, #tpu.memory_space<semaphore_mem>>)
      %run_scoped3A_271 = arith.constant 4 : i32
      "tpu.region"() ({
        %run_scoped3A_577 = tpu.sem_alloc : memref<!tpu.dma_semaphore, #tpu.memory_space<semaphore_mem>>
        %dma_start3A_578 = arith.constant 0 : i32
        %dma_start3A_579 = tpu.memref_slice %arg8[%and3A_122, %run_scoped3A_271, %dma_start3A_578] : memref<2x16x128xi32, #tpu.memory_space<vmem>> -> memref<1x1x128xi32, #tpu.memory_space<vmem>>
        %dma_start3A_580 = tpu.memref_squeeze %dma_start3A_579 : memref<1x1x128xi32, #tpu.memory_space<vmem>> -> memref<128xi32, #tpu.memory_space<vmem>>
        %dma_start3A_581 = arith.constant 0 : i32
        %dma_start3A_582 = arith.constant 0 : i32
        %dma_start3A_583 = tpu.memref_slice %arg11[%dma_start3A_581, %dma_start3A_582] : memref<10112x128xf32, #tpu.memory_space<vmem_shared>> -> memref<10112x128xf32, #tpu.memory_space<vmem_shared>>
        tpu.enqueue_indirect_dma source(%arg9 : memref<128x128xf32, #tpu.memory_space<vmem>>) target(%dma_start3A_583 : memref<10112x128xf32, #tpu.memory_space<vmem_shared>>) offsets(%dma_start3A_580 : memref<128xi32, #tpu.memory_space<vmem>>) semaphore(%run_scoped3A_577 : memref<!tpu.dma_semaphore, #tpu.memory_space<semaphore_mem>>) {add = true}
        %dma_wait3A_584 = arith.constant 0 : i32
        %dma_wait3A_585 = tpu.memref_slice %arg8[%and3A_122, %run_scoped3A_271, %dma_wait3A_584] : memref<2x16x128xi32, #tpu.memory_space<vmem>> -> memref<1x1x128xi32, #tpu.memory_space<vmem>>
        %dma_wait3A_586 = tpu.memref_squeeze %dma_wait3A_585 : memref<1x1x128xi32, #tpu.memory_space<vmem>> -> memref<128xi32, #tpu.memory_space<vmem>>
        %dma_wait3A_587 = arith.constant 0 : i32
        %dma_wait3A_588 = arith.constant 0 : i32
        %dma_wait3A_589 = tpu.memref_slice %arg11[%dma_wait3A_587, %dma_wait3A_588] : memref<10112x128xf32, #tpu.memory_space<vmem_shared>> -> memref<10112x128xf32, #tpu.memory_space<vmem_shared>>
        tpu.wait_indirect_dma semaphore(%run_scoped3A_577 : memref<!tpu.dma_semaphore, #tpu.memory_space<semaphore_mem>>) src(%arg9 : memref<128x128xf32, #tpu.memory_space<vmem>>) dst(%dma_wait3A_589 : memref<10112x128xf32, #tpu.memory_space<vmem_shared>>)
        tpu.yield
      }) : () -> ()
      %dma_wait3A_272 = arith.constant 0 : i32
      %dma_wait3A_273 = arith.constant 0 : i32
      %dma_wait3A_274 = arith.constant 0 : i32
      %dma_wait3A_275 = tpu.memref_slice %arg7[%dma_wait3A_272, %dma_wait3A_273, %dma_wait3A_274] : memref<2x16x128xi32, #tpu.memory_space<vmem>> -> memref<1x1x128xi32, #tpu.memory_space<vmem>>
      %dma_wait3A_276 = tpu.memref_squeeze %dma_wait3A_275 : memref<1x1x128xi32, #tpu.memory_space<vmem>> -> memref<128xi32, #tpu.memory_space<vmem>>
      %dma_wait3A_277 = arith.constant 0 : i32
      %dma_wait3A_278 = arith.constant 0 : i32
      %dma_wait3A_279 = tpu.memref_slice %arg2[%dma_wait3A_277, %dma_wait3A_278] : memref<10000x128xf32, #tpu.memory_space<hbm>> -> memref<10000x128xf32, #tpu.memory_space<hbm>>
      tpu.wait_indirect_dma semaphore(%arg14 : memref<!tpu.dma_semaphore, #tpu.memory_space<semaphore_mem>>) src(%dma_wait3A_279 : memref<10000x128xf32, #tpu.memory_space<hbm>>) dst(%arg10 : memref<128x128xf32, #tpu.memory_space<vmem>>)
      %dma_start3A_280 = arith.constant 6 : i32
      %dma_start3A_281 = arith.constant 0 : i32
      %dma_start3A_282 = arith.constant 0 : i32
      %dma_start3A_283 = tpu.memref_slice %arg9[%dma_start3A_281, %dma_start3A_282] : memref<128x128xf32, #tpu.memory_space<vmem>> -> memref<64x128xf32, #tpu.memory_space<vmem>>
      %dma_start3A_284 = arith.constant 0 : i32
      %dma_start3A_285 = tpu.memref_slice %arg7[%and3A_122, %dma_start3A_280, %dma_start3A_284] : memref<2x16x128xi32, #tpu.memory_space<vmem>> -> memref<1x1x64xi32, #tpu.memory_space<vmem>>
      %dma_start3A_286 = tpu.memref_squeeze %dma_start3A_285 : memref<1x1x64xi32, #tpu.memory_space<vmem>> -> memref<64xi32, #tpu.memory_space<vmem>>
      %dma_start3A_287 = arith.constant 0 : i32
      %dma_start3A_288 = arith.constant 0 : i32
      %dma_start3A_289 = tpu.memref_slice %arg2[%dma_start3A_287, %dma_start3A_288] : memref<10000x128xf32, #tpu.memory_space<hbm>> -> memref<10000x128xf32, #tpu.memory_space<hbm>>
      tpu.enqueue_indirect_dma source(%dma_start3A_289 : memref<10000x128xf32, #tpu.memory_space<hbm>>) target(%dma_start3A_283 : memref<64x128xf32, #tpu.memory_space<vmem>>) offsets(%dma_start3A_286 : memref<64xi32, #tpu.memory_space<vmem>>) semaphore(%arg13 : memref<!tpu.dma_semaphore, #tpu.memory_space<semaphore_mem>>)
      %dma_start3A_290 = arith.constant 6 : i32
      %dma_start3A_291 = arith.constant 64 : i32
      %dma_start3A_292 = arith.constant 0 : i32
      %dma_start3A_293 = tpu.memref_slice %arg9[%dma_start3A_291, %dma_start3A_292] : memref<128x128xf32, #tpu.memory_space<vmem>> -> memref<64x128xf32, #tpu.memory_space<vmem>>
      %dma_start3A_294 = arith.constant 64 : i32
      %dma_start3A_295 = tpu.memref_slice %arg7[%and3A_122, %dma_start3A_290, %dma_start3A_294] : memref<2x16x128xi32, #tpu.memory_space<vmem>> -> memref<1x1x64xi32, #tpu.memory_space<vmem>>
      %dma_start3A_296 = tpu.memref_squeeze %dma_start3A_295 : memref<1x1x64xi32, #tpu.memory_space<vmem>> -> memref<64xi32, #tpu.memory_space<vmem>>
      %dma_start3A_297 = arith.constant 0 : i32
      %dma_start3A_298 = arith.constant 0 : i32
      %dma_start3A_299 = tpu.memref_slice %arg2[%dma_start3A_297, %dma_start3A_298] : memref<10000x128xf32, #tpu.memory_space<hbm>> -> memref<10000x128xf32, #tpu.memory_space<hbm>>
      tpu.enqueue_indirect_dma source(%dma_start3A_299 : memref<10000x128xf32, #tpu.memory_space<hbm>>) target(%dma_start3A_293 : memref<64x128xf32, #tpu.memory_space<vmem>>) offsets(%dma_start3A_296 : memref<64xi32, #tpu.memory_space<vmem>>) semaphore(%arg13 : memref<!tpu.dma_semaphore, #tpu.memory_space<semaphore_mem>>)
      %run_scoped3A_300 = arith.constant 5 : i32
      "tpu.region"() ({
        %run_scoped3A_577 = tpu.sem_alloc : memref<!tpu.dma_semaphore, #tpu.memory_space<semaphore_mem>>
        %dma_start3A_578 = arith.constant 0 : i32
        %dma_start3A_579 = tpu.memref_slice %arg8[%and3A_122, %run_scoped3A_300, %dma_start3A_578] : memref<2x16x128xi32, #tpu.memory_space<vmem>> -> memref<1x1x128xi32, #tpu.memory_space<vmem>>
        %dma_start3A_580 = tpu.memref_squeeze %dma_start3A_579 : memref<1x1x128xi32, #tpu.memory_space<vmem>> -> memref<128xi32, #tpu.memory_space<vmem>>
        %dma_start3A_581 = arith.constant 0 : i32
        %dma_start3A_582 = arith.constant 0 : i32
        %dma_start3A_583 = tpu.memref_slice %arg11[%dma_start3A_581, %dma_start3A_582] : memref<10112x128xf32, #tpu.memory_space<vmem_shared>> -> memref<10112x128xf32, #tpu.memory_space<vmem_shared>>
        tpu.enqueue_indirect_dma source(%arg10 : memref<128x128xf32, #tpu.memory_space<vmem>>) target(%dma_start3A_583 : memref<10112x128xf32, #tpu.memory_space<vmem_shared>>) offsets(%dma_start3A_580 : memref<128xi32, #tpu.memory_space<vmem>>) semaphore(%run_scoped3A_577 : memref<!tpu.dma_semaphore, #tpu.memory_space<semaphore_mem>>) {add = true}
        %dma_wait3A_584 = arith.constant 0 : i32
        %dma_wait3A_585 = tpu.memref_slice %arg8[%and3A_122, %run_scoped3A_300, %dma_wait3A_584] : memref<2x16x128xi32, #tpu.memory_space<vmem>> -> memref<1x1x128xi32, #tpu.memory_space<vmem>>
        %dma_wait3A_586 = tpu.memref_squeeze %dma_wait3A_585 : memref<1x1x128xi32, #tpu.memory_space<vmem>> -> memref<128xi32, #tpu.memory_space<vmem>>
        %dma_wait3A_587 = arith.constant 0 : i32
        %dma_wait3A_588 = arith.constant 0 : i32
        %dma_wait3A_589 = tpu.memref_slice %arg11[%dma_wait3A_587, %dma_wait3A_588] : memref<10112x128xf32, #tpu.memory_space<vmem_shared>> -> memref<10112x128xf32, #tpu.memory_space<vmem_shared>>
        tpu.wait_indirect_dma semaphore(%run_scoped3A_577 : memref<!tpu.dma_semaphore, #tpu.memory_space<semaphore_mem>>) src(%arg10 : memref<128x128xf32, #tpu.memory_space<vmem>>) dst(%dma_wait3A_589 : memref<10112x128xf32, #tpu.memory_space<vmem_shared>>)
        tpu.yield
      }) : () -> ()
      %dma_wait3A_301 = arith.constant 0 : i32
      %dma_wait3A_302 = arith.constant 0 : i32
      %dma_wait3A_303 = arith.constant 0 : i32
      %dma_wait3A_304 = tpu.memref_slice %arg7[%dma_wait3A_301, %dma_wait3A_302, %dma_wait3A_303] : memref<2x16x128xi32, #tpu.memory_space<vmem>> -> memref<1x1x128xi32, #tpu.memory_space<vmem>>
      %dma_wait3A_305 = tpu.memref_squeeze %dma_wait3A_304 : memref<1x1x128xi32, #tpu.memory_space<vmem>> -> memref<128xi32, #tpu.memory_space<vmem>>
      %dma_wait3A_306 = arith.constant 0 : i32
      %dma_wait3A_307 = arith.constant 0 : i32
      %dma_wait3A_308 = tpu.memref_slice %arg2[%dma_wait3A_306, %dma_wait3A_307] : memref<10000x128xf32, #tpu.memory_space<hbm>> -> memref<10000x128xf32, #tpu.memory_space<hbm>>
      tpu.wait_indirect_dma semaphore(%arg13 : memref<!tpu.dma_semaphore, #tpu.memory_space<semaphore_mem>>) src(%dma_wait3A_308 : memref<10000x128xf32, #tpu.memory_space<hbm>>) dst(%arg9 : memref<128x128xf32, #tpu.memory_space<vmem>>)
      %dma_start3A_309 = arith.constant 7 : i32
      %dma_start3A_310 = arith.constant 0 : i32
      %dma_start3A_311 = arith.constant 0 : i32
      %dma_start3A_312 = tpu.memref_slice %arg10[%dma_start3A_310, %dma_start3A_311] : memref<128x128xf32, #tpu.memory_space<vmem>> -> memref<64x128xf32, #tpu.memory_space<vmem>>
      %dma_start3A_313 = arith.constant 0 : i32
      %dma_start3A_314 = tpu.memref_slice %arg7[%and3A_122, %dma_start3A_309, %dma_start3A_313] : memref<2x16x128xi32, #tpu.memory_space<vmem>> -> memref<1x1x64xi32, #tpu.memory_space<vmem>>
      %dma_start3A_315 = tpu.memref_squeeze %dma_start3A_314 : memref<1x1x64xi32, #tpu.memory_space<vmem>> -> memref<64xi32, #tpu.memory_space<vmem>>
      %dma_start3A_316 = arith.constant 0 : i32
      %dma_start3A_317 = arith.constant 0 : i32
      %dma_start3A_318 = tpu.memref_slice %arg2[%dma_start3A_316, %dma_start3A_317] : memref<10000x128xf32, #tpu.memory_space<hbm>> -> memref<10000x128xf32, #tpu.memory_space<hbm>>
      tpu.enqueue_indirect_dma source(%dma_start3A_318 : memref<10000x128xf32, #tpu.memory_space<hbm>>) target(%dma_start3A_312 : memref<64x128xf32, #tpu.memory_space<vmem>>) offsets(%dma_start3A_315 : memref<64xi32, #tpu.memory_space<vmem>>) semaphore(%arg14 : memref<!tpu.dma_semaphore, #tpu.memory_space<semaphore_mem>>)
      %dma_start3A_319 = arith.constant 7 : i32
      %dma_start3A_320 = arith.constant 64 : i32
      %dma_start3A_321 = arith.constant 0 : i32
      %dma_start3A_322 = tpu.memref_slice %arg10[%dma_start3A_320, %dma_start3A_321] : memref<128x128xf32, #tpu.memory_space<vmem>> -> memref<64x128xf32, #tpu.memory_space<vmem>>
      %dma_start3A_323 = arith.constant 64 : i32
      %dma_start3A_324 = tpu.memref_slice %arg7[%and3A_122, %dma_start3A_319, %dma_start3A_323] : memref<2x16x128xi32, #tpu.memory_space<vmem>> -> memref<1x1x64xi32, #tpu.memory_space<vmem>>
      %dma_start3A_325 = tpu.memref_squeeze %dma_start3A_324 : memref<1x1x64xi32, #tpu.memory_space<vmem>> -> memref<64xi32, #tpu.memory_space<vmem>>
      %dma_start3A_326 = arith.constant 0 : i32
      %dma_start3A_327 = arith.constant 0 : i32
      %dma_start3A_328 = tpu.memref_slice %arg2[%dma_start3A_326, %dma_start3A_327] : memref<10000x128xf32, #tpu.memory_space<hbm>> -> memref<10000x128xf32, #tpu.memory_space<hbm>>
      tpu.enqueue_indirect_dma source(%dma_start3A_328 : memref<10000x128xf32, #tpu.memory_space<hbm>>) target(%dma_start3A_322 : memref<64x128xf32, #tpu.memory_space<vmem>>) offsets(%dma_start3A_325 : memref<64xi32, #tpu.memory_space<vmem>>) semaphore(%arg14 : memref<!tpu.dma_semaphore, #tpu.memory_space<semaphore_mem>>)
      %run_scoped3A_329 = arith.constant 6 : i32
      "tpu.region"() ({
        %run_scoped3A_577 = tpu.sem_alloc : memref<!tpu.dma_semaphore, #tpu.memory_space<semaphore_mem>>
        %dma_start3A_578 = arith.constant 0 : i32
        %dma_start3A_579 = tpu.memref_slice %arg8[%and3A_122, %run_scoped3A_329, %dma_start3A_578] : memref<2x16x128xi32, #tpu.memory_space<vmem>> -> memref<1x1x128xi32, #tpu.memory_space<vmem>>
        %dma_start3A_580 = tpu.memref_squeeze %dma_start3A_579 : memref<1x1x128xi32, #tpu.memory_space<vmem>> -> memref<128xi32, #tpu.memory_space<vmem>>
        %dma_start3A_581 = arith.constant 0 : i32
        %dma_start3A_582 = arith.constant 0 : i32
        %dma_start3A_583 = tpu.memref_slice %arg11[%dma_start3A_581, %dma_start3A_582] : memref<10112x128xf32, #tpu.memory_space<vmem_shared>> -> memref<10112x128xf32, #tpu.memory_space<vmem_shared>>
        tpu.enqueue_indirect_dma source(%arg9 : memref<128x128xf32, #tpu.memory_space<vmem>>) target(%dma_start3A_583 : memref<10112x128xf32, #tpu.memory_space<vmem_shared>>) offsets(%dma_start3A_580 : memref<128xi32, #tpu.memory_space<vmem>>) semaphore(%run_scoped3A_577 : memref<!tpu.dma_semaphore, #tpu.memory_space<semaphore_mem>>) {add = true}
        %dma_wait3A_584 = arith.constant 0 : i32
        %dma_wait3A_585 = tpu.memref_slice %arg8[%and3A_122, %run_scoped3A_329, %dma_wait3A_584] : memref<2x16x128xi32, #tpu.memory_space<vmem>> -> memref<1x1x128xi32, #tpu.memory_space<vmem>>
        %dma_wait3A_586 = tpu.memref_squeeze %dma_wait3A_585 : memref<1x1x128xi32, #tpu.memory_space<vmem>> -> memref<128xi32, #tpu.memory_space<vmem>>
        %dma_wait3A_587 = arith.constant 0 : i32
        %dma_wait3A_588 = arith.constant 0 : i32
        %dma_wait3A_589 = tpu.memref_slice %arg11[%dma_wait3A_587, %dma_wait3A_588] : memref<10112x128xf32, #tpu.memory_space<vmem_shared>> -> memref<10112x128xf32, #tpu.memory_space<vmem_shared>>
        tpu.wait_indirect_dma semaphore(%run_scoped3A_577 : memref<!tpu.dma_semaphore, #tpu.memory_space<semaphore_mem>>) src(%arg9 : memref<128x128xf32, #tpu.memory_space<vmem>>) dst(%dma_wait3A_589 : memref<10112x128xf32, #tpu.memory_space<vmem_shared>>)
        tpu.yield
      }) : () -> ()
      %dma_wait3A_330 = arith.constant 0 : i32
      %dma_wait3A_331 = arith.constant 0 : i32
      %dma_wait3A_332 = arith.constant 0 : i32
      %dma_wait3A_333 = tpu.memref_slice %arg7[%dma_wait3A_330, %dma_wait3A_331, %dma_wait3A_332] : memref<2x16x128xi32, #tpu.memory_space<vmem>> -> memref<1x1x128xi32, #tpu.memory_space<vmem>>
      %dma_wait3A_334 = tpu.memref_squeeze %dma_wait3A_333 : memref<1x1x128xi32, #tpu.memory_space<vmem>> -> memref<128xi32, #tpu.memory_space<vmem>>
      %dma_wait3A_335 = arith.constant 0 : i32
      %dma_wait3A_336 = arith.constant 0 : i32
      %dma_wait3A_337 = tpu.memref_slice %arg2[%dma_wait3A_335, %dma_wait3A_336] : memref<10000x128xf32, #tpu.memory_space<hbm>> -> memref<10000x128xf32, #tpu.memory_space<hbm>>
      tpu.wait_indirect_dma semaphore(%arg14 : memref<!tpu.dma_semaphore, #tpu.memory_space<semaphore_mem>>) src(%dma_wait3A_337 : memref<10000x128xf32, #tpu.memory_space<hbm>>) dst(%arg10 : memref<128x128xf32, #tpu.memory_space<vmem>>)
      %dma_start3A_338 = arith.constant 8 : i32
      %dma_start3A_339 = arith.constant 0 : i32
      %dma_start3A_340 = arith.constant 0 : i32
      %dma_start3A_341 = tpu.memref_slice %arg9[%dma_start3A_339, %dma_start3A_340] : memref<128x128xf32, #tpu.memory_space<vmem>> -> memref<64x128xf32, #tpu.memory_space<vmem>>
      %dma_start3A_342 = arith.constant 0 : i32
      %dma_start3A_343 = tpu.memref_slice %arg7[%and3A_122, %dma_start3A_338, %dma_start3A_342] : memref<2x16x128xi32, #tpu.memory_space<vmem>> -> memref<1x1x64xi32, #tpu.memory_space<vmem>>
      %dma_start3A_344 = tpu.memref_squeeze %dma_start3A_343 : memref<1x1x64xi32, #tpu.memory_space<vmem>> -> memref<64xi32, #tpu.memory_space<vmem>>
      %dma_start3A_345 = arith.constant 0 : i32
      %dma_start3A_346 = arith.constant 0 : i32
      %dma_start3A_347 = tpu.memref_slice %arg2[%dma_start3A_345, %dma_start3A_346] : memref<10000x128xf32, #tpu.memory_space<hbm>> -> memref<10000x128xf32, #tpu.memory_space<hbm>>
      tpu.enqueue_indirect_dma source(%dma_start3A_347 : memref<10000x128xf32, #tpu.memory_space<hbm>>) target(%dma_start3A_341 : memref<64x128xf32, #tpu.memory_space<vmem>>) offsets(%dma_start3A_344 : memref<64xi32, #tpu.memory_space<vmem>>) semaphore(%arg13 : memref<!tpu.dma_semaphore, #tpu.memory_space<semaphore_mem>>)
      %dma_start3A_348 = arith.constant 8 : i32
      %dma_start3A_349 = arith.constant 64 : i32
      %dma_start3A_350 = arith.constant 0 : i32
      %dma_start3A_351 = tpu.memref_slice %arg9[%dma_start3A_349, %dma_start3A_350] : memref<128x128xf32, #tpu.memory_space<vmem>> -> memref<64x128xf32, #tpu.memory_space<vmem>>
      %dma_start3A_352 = arith.constant 64 : i32
      %dma_start3A_353 = tpu.memref_slice %arg7[%and3A_122, %dma_start3A_348, %dma_start3A_352] : memref<2x16x128xi32, #tpu.memory_space<vmem>> -> memref<1x1x64xi32, #tpu.memory_space<vmem>>
      %dma_start3A_354 = tpu.memref_squeeze %dma_start3A_353 : memref<1x1x64xi32, #tpu.memory_space<vmem>> -> memref<64xi32, #tpu.memory_space<vmem>>
      %dma_start3A_355 = arith.constant 0 : i32
      %dma_start3A_356 = arith.constant 0 : i32
      %dma_start3A_357 = tpu.memref_slice %arg2[%dma_start3A_355, %dma_start3A_356] : memref<10000x128xf32, #tpu.memory_space<hbm>> -> memref<10000x128xf32, #tpu.memory_space<hbm>>
      tpu.enqueue_indirect_dma source(%dma_start3A_357 : memref<10000x128xf32, #tpu.memory_space<hbm>>) target(%dma_start3A_351 : memref<64x128xf32, #tpu.memory_space<vmem>>) offsets(%dma_start3A_354 : memref<64xi32, #tpu.memory_space<vmem>>) semaphore(%arg13 : memref<!tpu.dma_semaphore, #tpu.memory_space<semaphore_mem>>)
      %run_scoped3A_358 = arith.constant 7 : i32
      "tpu.region"() ({
        %run_scoped3A_577 = tpu.sem_alloc : memref<!tpu.dma_semaphore, #tpu.memory_space<semaphore_mem>>
        %dma_start3A_578 = arith.constant 0 : i32
        %dma_start3A_579 = tpu.memref_slice %arg8[%and3A_122, %run_scoped3A_358, %dma_start3A_578] : memref<2x16x128xi32, #tpu.memory_space<vmem>> -> memref<1x1x128xi32, #tpu.memory_space<vmem>>
        %dma_start3A_580 = tpu.memref_squeeze %dma_start3A_579 : memref<1x1x128xi32, #tpu.memory_space<vmem>> -> memref<128xi32, #tpu.memory_space<vmem>>
        %dma_start3A_581 = arith.constant 0 : i32
        %dma_start3A_582 = arith.constant 0 : i32
        %dma_start3A_583 = tpu.memref_slice %arg11[%dma_start3A_581, %dma_start3A_582] : memref<10112x128xf32, #tpu.memory_space<vmem_shared>> -> memref<10112x128xf32, #tpu.memory_space<vmem_shared>>
        tpu.enqueue_indirect_dma source(%arg10 : memref<128x128xf32, #tpu.memory_space<vmem>>) target(%dma_start3A_583 : memref<10112x128xf32, #tpu.memory_space<vmem_shared>>) offsets(%dma_start3A_580 : memref<128xi32, #tpu.memory_space<vmem>>) semaphore(%run_scoped3A_577 : memref<!tpu.dma_semaphore, #tpu.memory_space<semaphore_mem>>) {add = true}
        %dma_wait3A_584 = arith.constant 0 : i32
        %dma_wait3A_585 = tpu.memref_slice %arg8[%and3A_122, %run_scoped3A_358, %dma_wait3A_584] : memref<2x16x128xi32, #tpu.memory_space<vmem>> -> memref<1x1x128xi32, #tpu.memory_space<vmem>>
        %dma_wait3A_586 = tpu.memref_squeeze %dma_wait3A_585 : memref<1x1x128xi32, #tpu.memory_space<vmem>> -> memref<128xi32, #tpu.memory_space<vmem>>
        %dma_wait3A_587 = arith.constant 0 : i32
        %dma_wait3A_588 = arith.constant 0 : i32
        %dma_wait3A_589 = tpu.memref_slice %arg11[%dma_wait3A_587, %dma_wait3A_588] : memref<10112x128xf32, #tpu.memory_space<vmem_shared>> -> memref<10112x128xf32, #tpu.memory_space<vmem_shared>>
        tpu.wait_indirect_dma semaphore(%run_scoped3A_577 : memref<!tpu.dma_semaphore, #tpu.memory_space<semaphore_mem>>) src(%arg10 : memref<128x128xf32, #tpu.memory_space<vmem>>) dst(%dma_wait3A_589 : memref<10112x128xf32, #tpu.memory_space<vmem_shared>>)
        tpu.yield
      }) : () -> ()
      %dma_wait3A_359 = arith.constant 0 : i32
      %dma_wait3A_360 = arith.constant 0 : i32
      %dma_wait3A_361 = arith.constant 0 : i32
      %dma_wait3A_362 = tpu.memref_slice %arg7[%dma_wait3A_359, %dma_wait3A_360, %dma_wait3A_361] : memref<2x16x128xi32, #tpu.memory_space<vmem>> -> memref<1x1x128xi32, #tpu.memory_space<vmem>>
      %dma_wait3A_363 = tpu.memref_squeeze %dma_wait3A_362 : memref<1x1x128xi32, #tpu.memory_space<vmem>> -> memref<128xi32, #tpu.memory_space<vmem>>
      %dma_wait3A_364 = arith.constant 0 : i32
      %dma_wait3A_365 = arith.constant 0 : i32
      %dma_wait3A_366 = tpu.memref_slice %arg2[%dma_wait3A_364, %dma_wait3A_365] : memref<10000x128xf32, #tpu.memory_space<hbm>> -> memref<10000x128xf32, #tpu.memory_space<hbm>>
      tpu.wait_indirect_dma semaphore(%arg13 : memref<!tpu.dma_semaphore, #tpu.memory_space<semaphore_mem>>) src(%dma_wait3A_366 : memref<10000x128xf32, #tpu.memory_space<hbm>>) dst(%arg9 : memref<128x128xf32, #tpu.memory_space<vmem>>)
      %dma_start3A_367 = arith.constant 9 : i32
      %dma_start3A_368 = arith.constant 0 : i32
      %dma_start3A_369 = arith.constant 0 : i32
      %dma_start3A_370 = tpu.memref_slice %arg10[%dma_start3A_368, %dma_start3A_369] : memref<128x128xf32, #tpu.memory_space<vmem>> -> memref<64x128xf32, #tpu.memory_space<vmem>>
      %dma_start3A_371 = arith.constant 0 : i32
      %dma_start3A_372 = tpu.memref_slice %arg7[%and3A_122, %dma_start3A_367, %dma_start3A_371] : memref<2x16x128xi32, #tpu.memory_space<vmem>> -> memref<1x1x64xi32, #tpu.memory_space<vmem>>
      %dma_start3A_373 = tpu.memref_squeeze %dma_start3A_372 : memref<1x1x64xi32, #tpu.memory_space<vmem>> -> memref<64xi32, #tpu.memory_space<vmem>>
      %dma_start3A_374 = arith.constant 0 : i32
      %dma_start3A_375 = arith.constant 0 : i32
      %dma_start3A_376 = tpu.memref_slice %arg2[%dma_start3A_374, %dma_start3A_375] : memref<10000x128xf32, #tpu.memory_space<hbm>> -> memref<10000x128xf32, #tpu.memory_space<hbm>>
      tpu.enqueue_indirect_dma source(%dma_start3A_376 : memref<10000x128xf32, #tpu.memory_space<hbm>>) target(%dma_start3A_370 : memref<64x128xf32, #tpu.memory_space<vmem>>) offsets(%dma_start3A_373 : memref<64xi32, #tpu.memory_space<vmem>>) semaphore(%arg14 : memref<!tpu.dma_semaphore, #tpu.memory_space<semaphore_mem>>)
      %dma_start3A_377 = arith.constant 9 : i32
      %dma_start3A_378 = arith.constant 64 : i32
      %dma_start3A_379 = arith.constant 0 : i32
      %dma_start3A_380 = tpu.memref_slice %arg10[%dma_start3A_378, %dma_start3A_379] : memref<128x128xf32, #tpu.memory_space<vmem>> -> memref<64x128xf32, #tpu.memory_space<vmem>>
      %dma_start3A_381 = arith.constant 64 : i32
      %dma_start3A_382 = tpu.memref_slice %arg7[%and3A_122, %dma_start3A_377, %dma_start3A_381] : memref<2x16x128xi32, #tpu.memory_space<vmem>> -> memref<1x1x64xi32, #tpu.memory_space<vmem>>
      %dma_start3A_383 = tpu.memref_squeeze %dma_start3A_382 : memref<1x1x64xi32, #tpu.memory_space<vmem>> -> memref<64xi32, #tpu.memory_space<vmem>>
      %dma_start3A_384 = arith.constant 0 : i32
      %dma_start3A_385 = arith.constant 0 : i32
      %dma_start3A_386 = tpu.memref_slice %arg2[%dma_start3A_384, %dma_start3A_385] : memref<10000x128xf32, #tpu.memory_space<hbm>> -> memref<10000x128xf32, #tpu.memory_space<hbm>>
      tpu.enqueue_indirect_dma source(%dma_start3A_386 : memref<10000x128xf32, #tpu.memory_space<hbm>>) target(%dma_start3A_380 : memref<64x128xf32, #tpu.memory_space<vmem>>) offsets(%dma_start3A_383 : memref<64xi32, #tpu.memory_space<vmem>>) semaphore(%arg14 : memref<!tpu.dma_semaphore, #tpu.memory_space<semaphore_mem>>)
      %run_scoped3A_387 = arith.constant 8 : i32
      "tpu.region"() ({
        %run_scoped3A_577 = tpu.sem_alloc : memref<!tpu.dma_semaphore, #tpu.memory_space<semaphore_mem>>
        %dma_start3A_578 = arith.constant 0 : i32
        %dma_start3A_579 = tpu.memref_slice %arg8[%and3A_122, %run_scoped3A_387, %dma_start3A_578] : memref<2x16x128xi32, #tpu.memory_space<vmem>> -> memref<1x1x128xi32, #tpu.memory_space<vmem>>
        %dma_start3A_580 = tpu.memref_squeeze %dma_start3A_579 : memref<1x1x128xi32, #tpu.memory_space<vmem>> -> memref<128xi32, #tpu.memory_space<vmem>>
        %dma_start3A_581 = arith.constant 0 : i32
        %dma_start3A_582 = arith.constant 0 : i32
        %dma_start3A_583 = tpu.memref_slice %arg11[%dma_start3A_581, %dma_start3A_582] : memref<10112x128xf32, #tpu.memory_space<vmem_shared>> -> memref<10112x128xf32, #tpu.memory_space<vmem_shared>>
        tpu.enqueue_indirect_dma source(%arg9 : memref<128x128xf32, #tpu.memory_space<vmem>>) target(%dma_start3A_583 : memref<10112x128xf32, #tpu.memory_space<vmem_shared>>) offsets(%dma_start3A_580 : memref<128xi32, #tpu.memory_space<vmem>>) semaphore(%run_scoped3A_577 : memref<!tpu.dma_semaphore, #tpu.memory_space<semaphore_mem>>) {add = true}
        %dma_wait3A_584 = arith.constant 0 : i32
        %dma_wait3A_585 = tpu.memref_slice %arg8[%and3A_122, %run_scoped3A_387, %dma_wait3A_584] : memref<2x16x128xi32, #tpu.memory_space<vmem>> -> memref<1x1x128xi32, #tpu.memory_space<vmem>>
        %dma_wait3A_586 = tpu.memref_squeeze %dma_wait3A_585 : memref<1x1x128xi32, #tpu.memory_space<vmem>> -> memref<128xi32, #tpu.memory_space<vmem>>
        %dma_wait3A_587 = arith.constant 0 : i32
        %dma_wait3A_588 = arith.constant 0 : i32
        %dma_wait3A_589 = tpu.memref_slice %arg11[%dma_wait3A_587, %dma_wait3A_588] : memref<10112x128xf32, #tpu.memory_space<vmem_shared>> -> memref<10112x128xf32, #tpu.memory_space<vmem_shared>>
        tpu.wait_indirect_dma semaphore(%run_scoped3A_577 : memref<!tpu.dma_semaphore, #tpu.memory_space<semaphore_mem>>) src(%arg9 : memref<128x128xf32, #tpu.memory_space<vmem>>) dst(%dma_wait3A_589 : memref<10112x128xf32, #tpu.memory_space<vmem_shared>>)
        tpu.yield
      }) : () -> ()
      %dma_wait3A_388 = arith.constant 0 : i32
      %dma_wait3A_389 = arith.constant 0 : i32
      %dma_wait3A_390 = arith.constant 0 : i32
      %dma_wait3A_391 = tpu.memref_slice %arg7[%dma_wait3A_388, %dma_wait3A_389, %dma_wait3A_390] : memref<2x16x128xi32, #tpu.memory_space<vmem>> -> memref<1x1x128xi32, #tpu.memory_space<vmem>>
      %dma_wait3A_392 = tpu.memref_squeeze %dma_wait3A_391 : memref<1x1x128xi32, #tpu.memory_space<vmem>> -> memref<128xi32, #tpu.memory_space<vmem>>
      %dma_wait3A_393 = arith.constant 0 : i32
      %dma_wait3A_394 = arith.constant 0 : i32
      %dma_wait3A_395 = tpu.memref_slice %arg2[%dma_wait3A_393, %dma_wait3A_394] : memref<10000x128xf32, #tpu.memory_space<hbm>> -> memref<10000x128xf32, #tpu.memory_space<hbm>>
      tpu.wait_indirect_dma semaphore(%arg14 : memref<!tpu.dma_semaphore, #tpu.memory_space<semaphore_mem>>) src(%dma_wait3A_395 : memref<10000x128xf32, #tpu.memory_space<hbm>>) dst(%arg10 : memref<128x128xf32, #tpu.memory_space<vmem>>)
      %dma_start3A_396 = arith.constant 10 : i32
      %dma_start3A_397 = arith.constant 0 : i32
      %dma_start3A_398 = arith.constant 0 : i32
      %dma_start3A_399 = tpu.memref_slice %arg9[%dma_start3A_397, %dma_start3A_398] : memref<128x128xf32, #tpu.memory_space<vmem>> -> memref<64x128xf32, #tpu.memory_space<vmem>>
      %dma_start3A_400 = arith.constant 0 : i32
      %dma_start3A_401 = tpu.memref_slice %arg7[%and3A_122, %dma_start3A_396, %dma_start3A_400] : memref<2x16x128xi32, #tpu.memory_space<vmem>> -> memref<1x1x64xi32, #tpu.memory_space<vmem>>
      %dma_start3A_402 = tpu.memref_squeeze %dma_start3A_401 : memref<1x1x64xi32, #tpu.memory_space<vmem>> -> memref<64xi32, #tpu.memory_space<vmem>>
      %dma_start3A_403 = arith.constant 0 : i32
      %dma_start3A_404 = arith.constant 0 : i32
      %dma_start3A_405 = tpu.memref_slice %arg2[%dma_start3A_403, %dma_start3A_404] : memref<10000x128xf32, #tpu.memory_space<hbm>> -> memref<10000x128xf32, #tpu.memory_space<hbm>>
      tpu.enqueue_indirect_dma source(%dma_start3A_405 : memref<10000x128xf32, #tpu.memory_space<hbm>>) target(%dma_start3A_399 : memref<64x128xf32, #tpu.memory_space<vmem>>) offsets(%dma_start3A_402 : memref<64xi32, #tpu.memory_space<vmem>>) semaphore(%arg13 : memref<!tpu.dma_semaphore, #tpu.memory_space<semaphore_mem>>)
      %dma_start3A_406 = arith.constant 10 : i32
      %dma_start3A_407 = arith.constant 64 : i32
      %dma_start3A_408 = arith.constant 0 : i32
      %dma_start3A_409 = tpu.memref_slice %arg9[%dma_start3A_407, %dma_start3A_408] : memref<128x128xf32, #tpu.memory_space<vmem>> -> memref<64x128xf32, #tpu.memory_space<vmem>>
      %dma_start3A_410 = arith.constant 64 : i32
      %dma_start3A_411 = tpu.memref_slice %arg7[%and3A_122, %dma_start3A_406, %dma_start3A_410] : memref<2x16x128xi32, #tpu.memory_space<vmem>> -> memref<1x1x64xi32, #tpu.memory_space<vmem>>
      %dma_start3A_412 = tpu.memref_squeeze %dma_start3A_411 : memref<1x1x64xi32, #tpu.memory_space<vmem>> -> memref<64xi32, #tpu.memory_space<vmem>>
      %dma_start3A_413 = arith.constant 0 : i32
      %dma_start3A_414 = arith.constant 0 : i32
      %dma_start3A_415 = tpu.memref_slice %arg2[%dma_start3A_413, %dma_start3A_414] : memref<10000x128xf32, #tpu.memory_space<hbm>> -> memref<10000x128xf32, #tpu.memory_space<hbm>>
      tpu.enqueue_indirect_dma source(%dma_start3A_415 : memref<10000x128xf32, #tpu.memory_space<hbm>>) target(%dma_start3A_409 : memref<64x128xf32, #tpu.memory_space<vmem>>) offsets(%dma_start3A_412 : memref<64xi32, #tpu.memory_space<vmem>>) semaphore(%arg13 : memref<!tpu.dma_semaphore, #tpu.memory_space<semaphore_mem>>)
      %run_scoped3A_416 = arith.constant 9 : i32
      "tpu.region"() ({
        %run_scoped3A_577 = tpu.sem_alloc : memref<!tpu.dma_semaphore, #tpu.memory_space<semaphore_mem>>
        %dma_start3A_578 = arith.constant 0 : i32
        %dma_start3A_579 = tpu.memref_slice %arg8[%and3A_122, %run_scoped3A_416, %dma_start3A_578] : memref<2x16x128xi32, #tpu.memory_space<vmem>> -> memref<1x1x128xi32, #tpu.memory_space<vmem>>
        %dma_start3A_580 = tpu.memref_squeeze %dma_start3A_579 : memref<1x1x128xi32, #tpu.memory_space<vmem>> -> memref<128xi32, #tpu.memory_space<vmem>>
        %dma_start3A_581 = arith.constant 0 : i32
        %dma_start3A_582 = arith.constant 0 : i32
        %dma_start3A_583 = tpu.memref_slice %arg11[%dma_start3A_581, %dma_start3A_582] : memref<10112x128xf32, #tpu.memory_space<vmem_shared>> -> memref<10112x128xf32, #tpu.memory_space<vmem_shared>>
        tpu.enqueue_indirect_dma source(%arg10 : memref<128x128xf32, #tpu.memory_space<vmem>>) target(%dma_start3A_583 : memref<10112x128xf32, #tpu.memory_space<vmem_shared>>) offsets(%dma_start3A_580 : memref<128xi32, #tpu.memory_space<vmem>>) semaphore(%run_scoped3A_577 : memref<!tpu.dma_semaphore, #tpu.memory_space<semaphore_mem>>) {add = true}
        %dma_wait3A_584 = arith.constant 0 : i32
        %dma_wait3A_585 = tpu.memref_slice %arg8[%and3A_122, %run_scoped3A_416, %dma_wait3A_584] : memref<2x16x128xi32, #tpu.memory_space<vmem>> -> memref<1x1x128xi32, #tpu.memory_space<vmem>>
        %dma_wait3A_586 = tpu.memref_squeeze %dma_wait3A_585 : memref<1x1x128xi32, #tpu.memory_space<vmem>> -> memref<128xi32, #tpu.memory_space<vmem>>
        %dma_wait3A_587 = arith.constant 0 : i32
        %dma_wait3A_588 = arith.constant 0 : i32
        %dma_wait3A_589 = tpu.memref_slice %arg11[%dma_wait3A_587, %dma_wait3A_588] : memref<10112x128xf32, #tpu.memory_space<vmem_shared>> -> memref<10112x128xf32, #tpu.memory_space<vmem_shared>>
        tpu.wait_indirect_dma semaphore(%run_scoped3A_577 : memref<!tpu.dma_semaphore, #tpu.memory_space<semaphore_mem>>) src(%arg10 : memref<128x128xf32, #tpu.memory_space<vmem>>) dst(%dma_wait3A_589 : memref<10112x128xf32, #tpu.memory_space<vmem_shared>>)
        tpu.yield
      }) : () -> ()
      %dma_wait3A_417 = arith.constant 0 : i32
      %dma_wait3A_418 = arith.constant 0 : i32
      %dma_wait3A_419 = arith.constant 0 : i32
      %dma_wait3A_420 = tpu.memref_slice %arg7[%dma_wait3A_417, %dma_wait3A_418, %dma_wait3A_419] : memref<2x16x128xi32, #tpu.memory_space<vmem>> -> memref<1x1x128xi32, #tpu.memory_space<vmem>>
      %dma_wait3A_421 = tpu.memref_squeeze %dma_wait3A_420 : memref<1x1x128xi32, #tpu.memory_space<vmem>> -> memref<128xi32, #tpu.memory_space<vmem>>
      %dma_wait3A_422 = arith.constant 0 : i32
      %dma_wait3A_423 = arith.constant 0 : i32
      %dma_wait3A_424 = tpu.memref_slice %arg2[%dma_wait3A_422, %dma_wait3A_423] : memref<10000x128xf32, #tpu.memory_space<hbm>> -> memref<10000x128xf32, #tpu.memory_space<hbm>>
      tpu.wait_indirect_dma semaphore(%arg13 : memref<!tpu.dma_semaphore, #tpu.memory_space<semaphore_mem>>) src(%dma_wait3A_424 : memref<10000x128xf32, #tpu.memory_space<hbm>>) dst(%arg9 : memref<128x128xf32, #tpu.memory_space<vmem>>)
      %dma_start3A_425 = arith.constant 11 : i32
      %dma_start3A_426 = arith.constant 0 : i32
      %dma_start3A_427 = arith.constant 0 : i32
      %dma_start3A_428 = tpu.memref_slice %arg10[%dma_start3A_426, %dma_start3A_427] : memref<128x128xf32, #tpu.memory_space<vmem>> -> memref<64x128xf32, #tpu.memory_space<vmem>>
      %dma_start3A_429 = arith.constant 0 : i32
      %dma_start3A_430 = tpu.memref_slice %arg7[%and3A_122, %dma_start3A_425, %dma_start3A_429] : memref<2x16x128xi32, #tpu.memory_space<vmem>> -> memref<1x1x64xi32, #tpu.memory_space<vmem>>
      %dma_start3A_431 = tpu.memref_squeeze %dma_start3A_430 : memref<1x1x64xi32, #tpu.memory_space<vmem>> -> memref<64xi32, #tpu.memory_space<vmem>>
      %dma_start3A_432 = arith.constant 0 : i32
      %dma_start3A_433 = arith.constant 0 : i32
      %dma_start3A_434 = tpu.memref_slice %arg2[%dma_start3A_432, %dma_start3A_433] : memref<10000x128xf32, #tpu.memory_space<hbm>> -> memref<10000x128xf32, #tpu.memory_space<hbm>>
      tpu.enqueue_indirect_dma source(%dma_start3A_434 : memref<10000x128xf32, #tpu.memory_space<hbm>>) target(%dma_start3A_428 : memref<64x128xf32, #tpu.memory_space<vmem>>) offsets(%dma_start3A_431 : memref<64xi32, #tpu.memory_space<vmem>>) semaphore(%arg14 : memref<!tpu.dma_semaphore, #tpu.memory_space<semaphore_mem>>)
      %dma_start3A_435 = arith.constant 11 : i32
      %dma_start3A_436 = arith.constant 64 : i32
      %dma_start3A_437 = arith.constant 0 : i32
      %dma_start3A_438 = tpu.memref_slice %arg10[%dma_start3A_436, %dma_start3A_437] : memref<128x128xf32, #tpu.memory_space<vmem>> -> memref<64x128xf32, #tpu.memory_space<vmem>>
      %dma_start3A_439 = arith.constant 64 : i32
      %dma_start3A_440 = tpu.memref_slice %arg7[%and3A_122, %dma_start3A_435, %dma_start3A_439] : memref<2x16x128xi32, #tpu.memory_space<vmem>> -> memref<1x1x64xi32, #tpu.memory_space<vmem>>
      %dma_start3A_441 = tpu.memref_squeeze %dma_start3A_440 : memref<1x1x64xi32, #tpu.memory_space<vmem>> -> memref<64xi32, #tpu.memory_space<vmem>>
      %dma_start3A_442 = arith.constant 0 : i32
      %dma_start3A_443 = arith.constant 0 : i32
      %dma_start3A_444 = tpu.memref_slice %arg2[%dma_start3A_442, %dma_start3A_443] : memref<10000x128xf32, #tpu.memory_space<hbm>> -> memref<10000x128xf32, #tpu.memory_space<hbm>>
      tpu.enqueue_indirect_dma source(%dma_start3A_444 : memref<10000x128xf32, #tpu.memory_space<hbm>>) target(%dma_start3A_438 : memref<64x128xf32, #tpu.memory_space<vmem>>) offsets(%dma_start3A_441 : memref<64xi32, #tpu.memory_space<vmem>>) semaphore(%arg14 : memref<!tpu.dma_semaphore, #tpu.memory_space<semaphore_mem>>)
      %run_scoped3A_445 = arith.constant 10 : i32
      "tpu.region"() ({
        %run_scoped3A_577 = tpu.sem_alloc : memref<!tpu.dma_semaphore, #tpu.memory_space<semaphore_mem>>
        %dma_start3A_578 = arith.constant 0 : i32
        %dma_start3A_579 = tpu.memref_slice %arg8[%and3A_122, %run_scoped3A_445, %dma_start3A_578] : memref<2x16x128xi32, #tpu.memory_space<vmem>> -> memref<1x1x128xi32, #tpu.memory_space<vmem>>
        %dma_start3A_580 = tpu.memref_squeeze %dma_start3A_579 : memref<1x1x128xi32, #tpu.memory_space<vmem>> -> memref<128xi32, #tpu.memory_space<vmem>>
        %dma_start3A_581 = arith.constant 0 : i32
        %dma_start3A_582 = arith.constant 0 : i32
        %dma_start3A_583 = tpu.memref_slice %arg11[%dma_start3A_581, %dma_start3A_582] : memref<10112x128xf32, #tpu.memory_space<vmem_shared>> -> memref<10112x128xf32, #tpu.memory_space<vmem_shared>>
        tpu.enqueue_indirect_dma source(%arg9 : memref<128x128xf32, #tpu.memory_space<vmem>>) target(%dma_start3A_583 : memref<10112x128xf32, #tpu.memory_space<vmem_shared>>) offsets(%dma_start3A_580 : memref<128xi32, #tpu.memory_space<vmem>>) semaphore(%run_scoped3A_577 : memref<!tpu.dma_semaphore, #tpu.memory_space<semaphore_mem>>) {add = true}
        %dma_wait3A_584 = arith.constant 0 : i32
        %dma_wait3A_585 = tpu.memref_slice %arg8[%and3A_122, %run_scoped3A_445, %dma_wait3A_584] : memref<2x16x128xi32, #tpu.memory_space<vmem>> -> memref<1x1x128xi32, #tpu.memory_space<vmem>>
        %dma_wait3A_586 = tpu.memref_squeeze %dma_wait3A_585 : memref<1x1x128xi32, #tpu.memory_space<vmem>> -> memref<128xi32, #tpu.memory_space<vmem>>
        %dma_wait3A_587 = arith.constant 0 : i32
        %dma_wait3A_588 = arith.constant 0 : i32
        %dma_wait3A_589 = tpu.memref_slice %arg11[%dma_wait3A_587, %dma_wait3A_588] : memref<10112x128xf32, #tpu.memory_space<vmem_shared>> -> memref<10112x128xf32, #tpu.memory_space<vmem_shared>>
        tpu.wait_indirect_dma semaphore(%run_scoped3A_577 : memref<!tpu.dma_semaphore, #tpu.memory_space<semaphore_mem>>) src(%arg9 : memref<128x128xf32, #tpu.memory_space<vmem>>) dst(%dma_wait3A_589 : memref<10112x128xf32, #tpu.memory_space<vmem_shared>>)
        tpu.yield
      }) : () -> ()
      %dma_wait3A_446 = arith.constant 0 : i32
      %dma_wait3A_447 = arith.constant 0 : i32
      %dma_wait3A_448 = arith.constant 0 : i32
      %dma_wait3A_449 = tpu.memref_slice %arg7[%dma_wait3A_446, %dma_wait3A_447, %dma_wait3A_448] : memref<2x16x128xi32, #tpu.memory_space<vmem>> -> memref<1x1x128xi32, #tpu.memory_space<vmem>>
      %dma_wait3A_450 = tpu.memref_squeeze %dma_wait3A_449 : memref<1x1x128xi32, #tpu.memory_space<vmem>> -> memref<128xi32, #tpu.memory_space<vmem>>
      %dma_wait3A_451 = arith.constant 0 : i32
      %dma_wait3A_452 = arith.constant 0 : i32
      %dma_wait3A_453 = tpu.memref_slice %arg2[%dma_wait3A_451, %dma_wait3A_452] : memref<10000x128xf32, #tpu.memory_space<hbm>> -> memref<10000x128xf32, #tpu.memory_space<hbm>>
      tpu.wait_indirect_dma semaphore(%arg14 : memref<!tpu.dma_semaphore, #tpu.memory_space<semaphore_mem>>) src(%dma_wait3A_453 : memref<10000x128xf32, #tpu.memory_space<hbm>>) dst(%arg10 : memref<128x128xf32, #tpu.memory_space<vmem>>)
      %dma_start3A_454 = arith.constant 12 : i32
      %dma_start3A_455 = arith.constant 0 : i32
      %dma_start3A_456 = arith.constant 0 : i32
      %dma_start3A_457 = tpu.memref_slice %arg9[%dma_start3A_455, %dma_start3A_456] : memref<128x128xf32, #tpu.memory_space<vmem>> -> memref<64x128xf32, #tpu.memory_space<vmem>>
      %dma_start3A_458 = arith.constant 0 : i32
      %dma_start3A_459 = tpu.memref_slice %arg7[%and3A_122, %dma_start3A_454, %dma_start3A_458] : memref<2x16x128xi32, #tpu.memory_space<vmem>> -> memref<1x1x64xi32, #tpu.memory_space<vmem>>
      %dma_start3A_460 = tpu.memref_squeeze %dma_start3A_459 : memref<1x1x64xi32, #tpu.memory_space<vmem>> -> memref<64xi32, #tpu.memory_space<vmem>>
      %dma_start3A_461 = arith.constant 0 : i32
      %dma_start3A_462 = arith.constant 0 : i32
      %dma_start3A_463 = tpu.memref_slice %arg2[%dma_start3A_461, %dma_start3A_462] : memref<10000x128xf32, #tpu.memory_space<hbm>> -> memref<10000x128xf32, #tpu.memory_space<hbm>>
      tpu.enqueue_indirect_dma source(%dma_start3A_463 : memref<10000x128xf32, #tpu.memory_space<hbm>>) target(%dma_start3A_457 : memref<64x128xf32, #tpu.memory_space<vmem>>) offsets(%dma_start3A_460 : memref<64xi32, #tpu.memory_space<vmem>>) semaphore(%arg13 : memref<!tpu.dma_semaphore, #tpu.memory_space<semaphore_mem>>)
      %dma_start3A_464 = arith.constant 12 : i32
      %dma_start3A_465 = arith.constant 64 : i32
      %dma_start3A_466 = arith.constant 0 : i32
      %dma_start3A_467 = tpu.memref_slice %arg9[%dma_start3A_465, %dma_start3A_466] : memref<128x128xf32, #tpu.memory_space<vmem>> -> memref<64x128xf32, #tpu.memory_space<vmem>>
      %dma_start3A_468 = arith.constant 64 : i32
      %dma_start3A_469 = tpu.memref_slice %arg7[%and3A_122, %dma_start3A_464, %dma_start3A_468] : memref<2x16x128xi32, #tpu.memory_space<vmem>> -> memref<1x1x64xi32, #tpu.memory_space<vmem>>
      %dma_start3A_470 = tpu.memref_squeeze %dma_start3A_469 : memref<1x1x64xi32, #tpu.memory_space<vmem>> -> memref<64xi32, #tpu.memory_space<vmem>>
      %dma_start3A_471 = arith.constant 0 : i32
      %dma_start3A_472 = arith.constant 0 : i32
      %dma_start3A_473 = tpu.memref_slice %arg2[%dma_start3A_471, %dma_start3A_472] : memref<10000x128xf32, #tpu.memory_space<hbm>> -> memref<10000x128xf32, #tpu.memory_space<hbm>>
      tpu.enqueue_indirect_dma source(%dma_start3A_473 : memref<10000x128xf32, #tpu.memory_space<hbm>>) target(%dma_start3A_467 : memref<64x128xf32, #tpu.memory_space<vmem>>) offsets(%dma_start3A_470 : memref<64xi32, #tpu.memory_space<vmem>>) semaphore(%arg13 : memref<!tpu.dma_semaphore, #tpu.memory_space<semaphore_mem>>)
      %run_scoped3A_474 = arith.constant 11 : i32
      "tpu.region"() ({
        %run_scoped3A_577 = tpu.sem_alloc : memref<!tpu.dma_semaphore, #tpu.memory_space<semaphore_mem>>
        %dma_start3A_578 = arith.constant 0 : i32
        %dma_start3A_579 = tpu.memref_slice %arg8[%and3A_122, %run_scoped3A_474, %dma_start3A_578] : memref<2x16x128xi32, #tpu.memory_space<vmem>> -> memref<1x1x128xi32, #tpu.memory_space<vmem>>
        %dma_start3A_580 = tpu.memref_squeeze %dma_start3A_579 : memref<1x1x128xi32, #tpu.memory_space<vmem>> -> memref<128xi32, #tpu.memory_space<vmem>>
        %dma_start3A_581 = arith.constant 0 : i32
        %dma_start3A_582 = arith.constant 0 : i32
        %dma_start3A_583 = tpu.memref_slice %arg11[%dma_start3A_581, %dma_start3A_582] : memref<10112x128xf32, #tpu.memory_space<vmem_shared>> -> memref<10112x128xf32, #tpu.memory_space<vmem_shared>>
        tpu.enqueue_indirect_dma source(%arg10 : memref<128x128xf32, #tpu.memory_space<vmem>>) target(%dma_start3A_583 : memref<10112x128xf32, #tpu.memory_space<vmem_shared>>) offsets(%dma_start3A_580 : memref<128xi32, #tpu.memory_space<vmem>>) semaphore(%run_scoped3A_577 : memref<!tpu.dma_semaphore, #tpu.memory_space<semaphore_mem>>) {add = true}
        %dma_wait3A_584 = arith.constant 0 : i32
        %dma_wait3A_585 = tpu.memref_slice %arg8[%and3A_122, %run_scoped3A_474, %dma_wait3A_584] : memref<2x16x128xi32, #tpu.memory_space<vmem>> -> memref<1x1x128xi32, #tpu.memory_space<vmem>>
        %dma_wait3A_586 = tpu.memref_squeeze %dma_wait3A_585 : memref<1x1x128xi32, #tpu.memory_space<vmem>> -> memref<128xi32, #tpu.memory_space<vmem>>
        %dma_wait3A_587 = arith.constant 0 : i32
        %dma_wait3A_588 = arith.constant 0 : i32
        %dma_wait3A_589 = tpu.memref_slice %arg11[%dma_wait3A_587, %dma_wait3A_588] : memref<10112x128xf32, #tpu.memory_space<vmem_shared>> -> memref<10112x128xf32, #tpu.memory_space<vmem_shared>>
        tpu.wait_indirect_dma semaphore(%run_scoped3A_577 : memref<!tpu.dma_semaphore, #tpu.memory_space<semaphore_mem>>) src(%arg10 : memref<128x128xf32, #tpu.memory_space<vmem>>) dst(%dma_wait3A_589 : memref<10112x128xf32, #tpu.memory_space<vmem_shared>>)
        tpu.yield
      }) : () -> ()
      %dma_wait3A_475 = arith.constant 0 : i32
      %dma_wait3A_476 = arith.constant 0 : i32
      %dma_wait3A_477 = arith.constant 0 : i32
      %dma_wait3A_478 = tpu.memref_slice %arg7[%dma_wait3A_475, %dma_wait3A_476, %dma_wait3A_477] : memref<2x16x128xi32, #tpu.memory_space<vmem>> -> memref<1x1x128xi32, #tpu.memory_space<vmem>>
      %dma_wait3A_479 = tpu.memref_squeeze %dma_wait3A_478 : memref<1x1x128xi32, #tpu.memory_space<vmem>> -> memref<128xi32, #tpu.memory_space<vmem>>
      %dma_wait3A_480 = arith.constant 0 : i32
      %dma_wait3A_481 = arith.constant 0 : i32
      %dma_wait3A_482 = tpu.memref_slice %arg2[%dma_wait3A_480, %dma_wait3A_481] : memref<10000x128xf32, #tpu.memory_space<hbm>> -> memref<10000x128xf32, #tpu.memory_space<hbm>>
      tpu.wait_indirect_dma semaphore(%arg13 : memref<!tpu.dma_semaphore, #tpu.memory_space<semaphore_mem>>) src(%dma_wait3A_482 : memref<10000x128xf32, #tpu.memory_space<hbm>>) dst(%arg9 : memref<128x128xf32, #tpu.memory_space<vmem>>)
      %dma_start3A_483 = arith.constant 13 : i32
      %dma_start3A_484 = arith.constant 0 : i32
      %dma_start3A_485 = arith.constant 0 : i32
      %dma_start3A_486 = tpu.memref_slice %arg10[%dma_start3A_484, %dma_start3A_485] : memref<128x128xf32, #tpu.memory_space<vmem>> -> memref<64x128xf32, #tpu.memory_space<vmem>>
      %dma_start3A_487 = arith.constant 0 : i32
      %dma_start3A_488 = tpu.memref_slice %arg7[%and3A_122, %dma_start3A_483, %dma_start3A_487] : memref<2x16x128xi32, #tpu.memory_space<vmem>> -> memref<1x1x64xi32, #tpu.memory_space<vmem>>
      %dma_start3A_489 = tpu.memref_squeeze %dma_start3A_488 : memref<1x1x64xi32, #tpu.memory_space<vmem>> -> memref<64xi32, #tpu.memory_space<vmem>>
      %dma_start3A_490 = arith.constant 0 : i32
      %dma_start3A_491 = arith.constant 0 : i32
      %dma_start3A_492 = tpu.memref_slice %arg2[%dma_start3A_490, %dma_start3A_491] : memref<10000x128xf32, #tpu.memory_space<hbm>> -> memref<10000x128xf32, #tpu.memory_space<hbm>>
      tpu.enqueue_indirect_dma source(%dma_start3A_492 : memref<10000x128xf32, #tpu.memory_space<hbm>>) target(%dma_start3A_486 : memref<64x128xf32, #tpu.memory_space<vmem>>) offsets(%dma_start3A_489 : memref<64xi32, #tpu.memory_space<vmem>>) semaphore(%arg14 : memref<!tpu.dma_semaphore, #tpu.memory_space<semaphore_mem>>)
      %dma_start3A_493 = arith.constant 13 : i32
      %dma_start3A_494 = arith.constant 64 : i32
      %dma_start3A_495 = arith.constant 0 : i32
      %dma_start3A_496 = tpu.memref_slice %arg10[%dma_start3A_494, %dma_start3A_495] : memref<128x128xf32, #tpu.memory_space<vmem>> -> memref<64x128xf32, #tpu.memory_space<vmem>>
      %dma_start3A_497 = arith.constant 64 : i32
      %dma_start3A_498 = tpu.memref_slice %arg7[%and3A_122, %dma_start3A_493, %dma_start3A_497] : memref<2x16x128xi32, #tpu.memory_space<vmem>> -> memref<1x1x64xi32, #tpu.memory_space<vmem>>
      %dma_start3A_499 = tpu.memref_squeeze %dma_start3A_498 : memref<1x1x64xi32, #tpu.memory_space<vmem>> -> memref<64xi32, #tpu.memory_space<vmem>>
      %dma_start3A_500 = arith.constant 0 : i32
      %dma_start3A_501 = arith.constant 0 : i32
      %dma_start3A_502 = tpu.memref_slice %arg2[%dma_start3A_500, %dma_start3A_501] : memref<10000x128xf32, #tpu.memory_space<hbm>> -> memref<10000x128xf32, #tpu.memory_space<hbm>>
      tpu.enqueue_indirect_dma source(%dma_start3A_502 : memref<10000x128xf32, #tpu.memory_space<hbm>>) target(%dma_start3A_496 : memref<64x128xf32, #tpu.memory_space<vmem>>) offsets(%dma_start3A_499 : memref<64xi32, #tpu.memory_space<vmem>>) semaphore(%arg14 : memref<!tpu.dma_semaphore, #tpu.memory_space<semaphore_mem>>)
      %run_scoped3A_503 = arith.constant 12 : i32
      "tpu.region"() ({
        %run_scoped3A_577 = tpu.sem_alloc : memref<!tpu.dma_semaphore, #tpu.memory_space<semaphore_mem>>
        %dma_start3A_578 = arith.constant 0 : i32
        %dma_start3A_579 = tpu.memref_slice %arg8[%and3A_122, %run_scoped3A_503, %dma_start3A_578] : memref<2x16x128xi32, #tpu.memory_space<vmem>> -> memref<1x1x128xi32, #tpu.memory_space<vmem>>
        %dma_start3A_580 = tpu.memref_squeeze %dma_start3A_579 : memref<1x1x128xi32, #tpu.memory_space<vmem>> -> memref<128xi32, #tpu.memory_space<vmem>>
        %dma_start3A_581 = arith.constant 0 : i32
        %dma_start3A_582 = arith.constant 0 : i32
        %dma_start3A_583 = tpu.memref_slice %arg11[%dma_start3A_581, %dma_start3A_582] : memref<10112x128xf32, #tpu.memory_space<vmem_shared>> -> memref<10112x128xf32, #tpu.memory_space<vmem_shared>>
        tpu.enqueue_indirect_dma source(%arg9 : memref<128x128xf32, #tpu.memory_space<vmem>>) target(%dma_start3A_583 : memref<10112x128xf32, #tpu.memory_space<vmem_shared>>) offsets(%dma_start3A_580 : memref<128xi32, #tpu.memory_space<vmem>>) semaphore(%run_scoped3A_577 : memref<!tpu.dma_semaphore, #tpu.memory_space<semaphore_mem>>) {add = true}
        %dma_wait3A_584 = arith.constant 0 : i32
        %dma_wait3A_585 = tpu.memref_slice %arg8[%and3A_122, %run_scoped3A_503, %dma_wait3A_584] : memref<2x16x128xi32, #tpu.memory_space<vmem>> -> memref<1x1x128xi32, #tpu.memory_space<vmem>>
        %dma_wait3A_586 = tpu.memref_squeeze %dma_wait3A_585 : memref<1x1x128xi32, #tpu.memory_space<vmem>> -> memref<128xi32, #tpu.memory_space<vmem>>
        %dma_wait3A_587 = arith.constant 0 : i32
        %dma_wait3A_588 = arith.constant 0 : i32
        %dma_wait3A_589 = tpu.memref_slice %arg11[%dma_wait3A_587, %dma_wait3A_588] : memref<10112x128xf32, #tpu.memory_space<vmem_shared>> -> memref<10112x128xf32, #tpu.memory_space<vmem_shared>>
        tpu.wait_indirect_dma semaphore(%run_scoped3A_577 : memref<!tpu.dma_semaphore, #tpu.memory_space<semaphore_mem>>) src(%arg9 : memref<128x128xf32, #tpu.memory_space<vmem>>) dst(%dma_wait3A_589 : memref<10112x128xf32, #tpu.memory_space<vmem_shared>>)
        tpu.yield
      }) : () -> ()
      %dma_wait3A_504 = arith.constant 0 : i32
      %dma_wait3A_505 = arith.constant 0 : i32
      %dma_wait3A_506 = arith.constant 0 : i32
      %dma_wait3A_507 = tpu.memref_slice %arg7[%dma_wait3A_504, %dma_wait3A_505, %dma_wait3A_506] : memref<2x16x128xi32, #tpu.memory_space<vmem>> -> memref<1x1x128xi32, #tpu.memory_space<vmem>>
      %dma_wait3A_508 = tpu.memref_squeeze %dma_wait3A_507 : memref<1x1x128xi32, #tpu.memory_space<vmem>> -> memref<128xi32, #tpu.memory_space<vmem>>
      %dma_wait3A_509 = arith.constant 0 : i32
      %dma_wait3A_510 = arith.constant 0 : i32
      %dma_wait3A_511 = tpu.memref_slice %arg2[%dma_wait3A_509, %dma_wait3A_510] : memref<10000x128xf32, #tpu.memory_space<hbm>> -> memref<10000x128xf32, #tpu.memory_space<hbm>>
      tpu.wait_indirect_dma semaphore(%arg14 : memref<!tpu.dma_semaphore, #tpu.memory_space<semaphore_mem>>) src(%dma_wait3A_511 : memref<10000x128xf32, #tpu.memory_space<hbm>>) dst(%arg10 : memref<128x128xf32, #tpu.memory_space<vmem>>)
      %dma_start3A_512 = arith.constant 14 : i32
      %dma_start3A_513 = arith.constant 0 : i32
      %dma_start3A_514 = arith.constant 0 : i32
      %dma_start3A_515 = tpu.memref_slice %arg9[%dma_start3A_513, %dma_start3A_514] : memref<128x128xf32, #tpu.memory_space<vmem>> -> memref<64x128xf32, #tpu.memory_space<vmem>>
      %dma_start3A_516 = arith.constant 0 : i32
      %dma_start3A_517 = tpu.memref_slice %arg7[%and3A_122, %dma_start3A_512, %dma_start3A_516] : memref<2x16x128xi32, #tpu.memory_space<vmem>> -> memref<1x1x64xi32, #tpu.memory_space<vmem>>
      %dma_start3A_518 = tpu.memref_squeeze %dma_start3A_517 : memref<1x1x64xi32, #tpu.memory_space<vmem>> -> memref<64xi32, #tpu.memory_space<vmem>>
      %dma_start3A_519 = arith.constant 0 : i32
      %dma_start3A_520 = arith.constant 0 : i32
      %dma_start3A_521 = tpu.memref_slice %arg2[%dma_start3A_519, %dma_start3A_520] : memref<10000x128xf32, #tpu.memory_space<hbm>> -> memref<10000x128xf32, #tpu.memory_space<hbm>>
      tpu.enqueue_indirect_dma source(%dma_start3A_521 : memref<10000x128xf32, #tpu.memory_space<hbm>>) target(%dma_start3A_515 : memref<64x128xf32, #tpu.memory_space<vmem>>) offsets(%dma_start3A_518 : memref<64xi32, #tpu.memory_space<vmem>>) semaphore(%arg13 : memref<!tpu.dma_semaphore, #tpu.memory_space<semaphore_mem>>)
      %dma_start3A_522 = arith.constant 14 : i32
      %dma_start3A_523 = arith.constant 64 : i32
      %dma_start3A_524 = arith.constant 0 : i32
      %dma_start3A_525 = tpu.memref_slice %arg9[%dma_start3A_523, %dma_start3A_524] : memref<128x128xf32, #tpu.memory_space<vmem>> -> memref<64x128xf32, #tpu.memory_space<vmem>>
      %dma_start3A_526 = arith.constant 64 : i32
      %dma_start3A_527 = tpu.memref_slice %arg7[%and3A_122, %dma_start3A_522, %dma_start3A_526] : memref<2x16x128xi32, #tpu.memory_space<vmem>> -> memref<1x1x64xi32, #tpu.memory_space<vmem>>
      %dma_start3A_528 = tpu.memref_squeeze %dma_start3A_527 : memref<1x1x64xi32, #tpu.memory_space<vmem>> -> memref<64xi32, #tpu.memory_space<vmem>>
      %dma_start3A_529 = arith.constant 0 : i32
      %dma_start3A_530 = arith.constant 0 : i32
      %dma_start3A_531 = tpu.memref_slice %arg2[%dma_start3A_529, %dma_start3A_530] : memref<10000x128xf32, #tpu.memory_space<hbm>> -> memref<10000x128xf32, #tpu.memory_space<hbm>>
      tpu.enqueue_indirect_dma source(%dma_start3A_531 : memref<10000x128xf32, #tpu.memory_space<hbm>>) target(%dma_start3A_525 : memref<64x128xf32, #tpu.memory_space<vmem>>) offsets(%dma_start3A_528 : memref<64xi32, #tpu.memory_space<vmem>>) semaphore(%arg13 : memref<!tpu.dma_semaphore, #tpu.memory_space<semaphore_mem>>)
      %run_scoped3A_532 = arith.constant 13 : i32
      "tpu.region"() ({
        %run_scoped3A_577 = tpu.sem_alloc : memref<!tpu.dma_semaphore, #tpu.memory_space<semaphore_mem>>
        %dma_start3A_578 = arith.constant 0 : i32
        %dma_start3A_579 = tpu.memref_slice %arg8[%and3A_122, %run_scoped3A_532, %dma_start3A_578] : memref<2x16x128xi32, #tpu.memory_space<vmem>> -> memref<1x1x128xi32, #tpu.memory_space<vmem>>
        %dma_start3A_580 = tpu.memref_squeeze %dma_start3A_579 : memref<1x1x128xi32, #tpu.memory_space<vmem>> -> memref<128xi32, #tpu.memory_space<vmem>>
        %dma_start3A_581 = arith.constant 0 : i32
        %dma_start3A_582 = arith.constant 0 : i32
        %dma_start3A_583 = tpu.memref_slice %arg11[%dma_start3A_581, %dma_start3A_582] : memref<10112x128xf32, #tpu.memory_space<vmem_shared>> -> memref<10112x128xf32, #tpu.memory_space<vmem_shared>>
        tpu.enqueue_indirect_dma source(%arg10 : memref<128x128xf32, #tpu.memory_space<vmem>>) target(%dma_start3A_583 : memref<10112x128xf32, #tpu.memory_space<vmem_shared>>) offsets(%dma_start3A_580 : memref<128xi32, #tpu.memory_space<vmem>>) semaphore(%run_scoped3A_577 : memref<!tpu.dma_semaphore, #tpu.memory_space<semaphore_mem>>) {add = true}
        %dma_wait3A_584 = arith.constant 0 : i32
        %dma_wait3A_585 = tpu.memref_slice %arg8[%and3A_122, %run_scoped3A_532, %dma_wait3A_584] : memref<2x16x128xi32, #tpu.memory_space<vmem>> -> memref<1x1x128xi32, #tpu.memory_space<vmem>>
        %dma_wait3A_586 = tpu.memref_squeeze %dma_wait3A_585 : memref<1x1x128xi32, #tpu.memory_space<vmem>> -> memref<128xi32, #tpu.memory_space<vmem>>
        %dma_wait3A_587 = arith.constant 0 : i32
        %dma_wait3A_588 = arith.constant 0 : i32
        %dma_wait3A_589 = tpu.memref_slice %arg11[%dma_wait3A_587, %dma_wait3A_588] : memref<10112x128xf32, #tpu.memory_space<vmem_shared>> -> memref<10112x128xf32, #tpu.memory_space<vmem_shared>>
        tpu.wait_indirect_dma semaphore(%run_scoped3A_577 : memref<!tpu.dma_semaphore, #tpu.memory_space<semaphore_mem>>) src(%arg10 : memref<128x128xf32, #tpu.memory_space<vmem>>) dst(%dma_wait3A_589 : memref<10112x128xf32, #tpu.memory_space<vmem_shared>>)
        tpu.yield
      }) : () -> ()
      %dma_wait3A_533 = arith.constant 0 : i32
      %dma_wait3A_534 = arith.constant 0 : i32
      %dma_wait3A_535 = arith.constant 0 : i32
      %dma_wait3A_536 = tpu.memref_slice %arg7[%dma_wait3A_533, %dma_wait3A_534, %dma_wait3A_535] : memref<2x16x128xi32, #tpu.memory_space<vmem>> -> memref<1x1x128xi32, #tpu.memory_space<vmem>>
      %dma_wait3A_537 = tpu.memref_squeeze %dma_wait3A_536 : memref<1x1x128xi32, #tpu.memory_space<vmem>> -> memref<128xi32, #tpu.memory_space<vmem>>
      %dma_wait3A_538 = arith.constant 0 : i32
      %dma_wait3A_539 = arith.constant 0 : i32
      %dma_wait3A_540 = tpu.memref_slice %arg2[%dma_wait3A_538, %dma_wait3A_539] : memref<10000x128xf32, #tpu.memory_space<hbm>> -> memref<10000x128xf32, #tpu.memory_space<hbm>>
      tpu.wait_indirect_dma semaphore(%arg13 : memref<!tpu.dma_semaphore, #tpu.memory_space<semaphore_mem>>) src(%dma_wait3A_540 : memref<10000x128xf32, #tpu.memory_space<hbm>>) dst(%arg9 : memref<128x128xf32, #tpu.memory_space<vmem>>)
      %dma_start3A_541 = arith.constant 15 : i32
      %dma_start3A_542 = arith.constant 0 : i32
      %dma_start3A_543 = arith.constant 0 : i32
      %dma_start3A_544 = tpu.memref_slice %arg10[%dma_start3A_542, %dma_start3A_543] : memref<128x128xf32, #tpu.memory_space<vmem>> -> memref<64x128xf32, #tpu.memory_space<vmem>>
      %dma_start3A_545 = arith.constant 0 : i32
      %dma_start3A_546 = tpu.memref_slice %arg7[%and3A_122, %dma_start3A_541, %dma_start3A_545] : memref<2x16x128xi32, #tpu.memory_space<vmem>> -> memref<1x1x64xi32, #tpu.memory_space<vmem>>
      %dma_start3A_547 = tpu.memref_squeeze %dma_start3A_546 : memref<1x1x64xi32, #tpu.memory_space<vmem>> -> memref<64xi32, #tpu.memory_space<vmem>>
      %dma_start3A_548 = arith.constant 0 : i32
      %dma_start3A_549 = arith.constant 0 : i32
      %dma_start3A_550 = tpu.memref_slice %arg2[%dma_start3A_548, %dma_start3A_549] : memref<10000x128xf32, #tpu.memory_space<hbm>> -> memref<10000x128xf32, #tpu.memory_space<hbm>>
      tpu.enqueue_indirect_dma source(%dma_start3A_550 : memref<10000x128xf32, #tpu.memory_space<hbm>>) target(%dma_start3A_544 : memref<64x128xf32, #tpu.memory_space<vmem>>) offsets(%dma_start3A_547 : memref<64xi32, #tpu.memory_space<vmem>>) semaphore(%arg14 : memref<!tpu.dma_semaphore, #tpu.memory_space<semaphore_mem>>)
      %dma_start3A_551 = arith.constant 15 : i32
      %dma_start3A_552 = arith.constant 64 : i32
      %dma_start3A_553 = arith.constant 0 : i32
      %dma_start3A_554 = tpu.memref_slice %arg10[%dma_start3A_552, %dma_start3A_553] : memref<128x128xf32, #tpu.memory_space<vmem>> -> memref<64x128xf32, #tpu.memory_space<vmem>>
      %dma_start3A_555 = arith.constant 64 : i32
      %dma_start3A_556 = tpu.memref_slice %arg7[%and3A_122, %dma_start3A_551, %dma_start3A_555] : memref<2x16x128xi32, #tpu.memory_space<vmem>> -> memref<1x1x64xi32, #tpu.memory_space<vmem>>
      %dma_start3A_557 = tpu.memref_squeeze %dma_start3A_556 : memref<1x1x64xi32, #tpu.memory_space<vmem>> -> memref<64xi32, #tpu.memory_space<vmem>>
      %dma_start3A_558 = arith.constant 0 : i32
      %dma_start3A_559 = arith.constant 0 : i32
      %dma_start3A_560 = tpu.memref_slice %arg2[%dma_start3A_558, %dma_start3A_559] : memref<10000x128xf32, #tpu.memory_space<hbm>> -> memref<10000x128xf32, #tpu.memory_space<hbm>>
      tpu.enqueue_indirect_dma source(%dma_start3A_560 : memref<10000x128xf32, #tpu.memory_space<hbm>>) target(%dma_start3A_554 : memref<64x128xf32, #tpu.memory_space<vmem>>) offsets(%dma_start3A_557 : memref<64xi32, #tpu.memory_space<vmem>>) semaphore(%arg14 : memref<!tpu.dma_semaphore, #tpu.memory_space<semaphore_mem>>)
      %run_scoped3A_561 = arith.constant 14 : i32
      "tpu.region"() ({
        %run_scoped3A_577 = tpu.sem_alloc : memref<!tpu.dma_semaphore, #tpu.memory_space<semaphore_mem>>
        %dma_start3A_578 = arith.constant 0 : i32
        %dma_start3A_579 = tpu.memref_slice %arg8[%and3A_122, %run_scoped3A_561, %dma_start3A_578] : memref<2x16x128xi32, #tpu.memory_space<vmem>> -> memref<1x1x128xi32, #tpu.memory_space<vmem>>
        %dma_start3A_580 = tpu.memref_squeeze %dma_start3A_579 : memref<1x1x128xi32, #tpu.memory_space<vmem>> -> memref<128xi32, #tpu.memory_space<vmem>>
        %dma_start3A_581 = arith.constant 0 : i32
        %dma_start3A_582 = arith.constant 0 : i32
        %dma_start3A_583 = tpu.memref_slice %arg11[%dma_start3A_581, %dma_start3A_582] : memref<10112x128xf32, #tpu.memory_space<vmem_shared>> -> memref<10112x128xf32, #tpu.memory_space<vmem_shared>>
        tpu.enqueue_indirect_dma source(%arg9 : memref<128x128xf32, #tpu.memory_space<vmem>>) target(%dma_start3A_583 : memref<10112x128xf32, #tpu.memory_space<vmem_shared>>) offsets(%dma_start3A_580 : memref<128xi32, #tpu.memory_space<vmem>>) semaphore(%run_scoped3A_577 : memref<!tpu.dma_semaphore, #tpu.memory_space<semaphore_mem>>) {add = true}
        %dma_wait3A_584 = arith.constant 0 : i32
        %dma_wait3A_585 = tpu.memref_slice %arg8[%and3A_122, %run_scoped3A_561, %dma_wait3A_584] : memref<2x16x128xi32, #tpu.memory_space<vmem>> -> memref<1x1x128xi32, #tpu.memory_space<vmem>>
        %dma_wait3A_586 = tpu.memref_squeeze %dma_wait3A_585 : memref<1x1x128xi32, #tpu.memory_space<vmem>> -> memref<128xi32, #tpu.memory_space<vmem>>
        %dma_wait3A_587 = arith.constant 0 : i32
        %dma_wait3A_588 = arith.constant 0 : i32
        %dma_wait3A_589 = tpu.memref_slice %arg11[%dma_wait3A_587, %dma_wait3A_588] : memref<10112x128xf32, #tpu.memory_space<vmem_shared>> -> memref<10112x128xf32, #tpu.memory_space<vmem_shared>>
        tpu.wait_indirect_dma semaphore(%run_scoped3A_577 : memref<!tpu.dma_semaphore, #tpu.memory_space<semaphore_mem>>) src(%arg9 : memref<128x128xf32, #tpu.memory_space<vmem>>) dst(%dma_wait3A_589 : memref<10112x128xf32, #tpu.memory_space<vmem_shared>>)
        tpu.yield
      }) : () -> ()
      %dma_wait3A_562 = arith.constant 0 : i32
      %dma_wait3A_563 = arith.constant 0 : i32
      %dma_wait3A_564 = arith.constant 0 : i32
      %dma_wait3A_565 = tpu.memref_slice %arg7[%dma_wait3A_562, %dma_wait3A_563, %dma_wait3A_564] : memref<2x16x128xi32, #tpu.memory_space<vmem>> -> memref<1x1x128xi32, #tpu.memory_space<vmem>>
      %dma_wait3A_566 = tpu.memref_squeeze %dma_wait3A_565 : memref<1x1x128xi32, #tpu.memory_space<vmem>> -> memref<128xi32, #tpu.memory_space<vmem>>
      %dma_wait3A_567 = arith.constant 0 : i32
      %dma_wait3A_568 = arith.constant 0 : i32
      %dma_wait3A_569 = tpu.memref_slice %arg2[%dma_wait3A_567, %dma_wait3A_568] : memref<10000x128xf32, #tpu.memory_space<hbm>> -> memref<10000x128xf32, #tpu.memory_space<hbm>>
      tpu.wait_indirect_dma semaphore(%arg14 : memref<!tpu.dma_semaphore, #tpu.memory_space<semaphore_mem>>) src(%dma_wait3A_569 : memref<10000x128xf32, #tpu.memory_space<hbm>>) dst(%arg10 : memref<128x128xf32, #tpu.memory_space<vmem>>)
      %run_scoped3A_570 = arith.constant 15 : i32
      "tpu.region"() ({
        %run_scoped3A_577 = tpu.sem_alloc : memref<!tpu.dma_semaphore, #tpu.memory_space<semaphore_mem>>
        %dma_start3A_578 = arith.constant 0 : i32
        %dma_start3A_579 = tpu.memref_slice %arg8[%and3A_122, %run_scoped3A_570, %dma_start3A_578] : memref<2x16x128xi32, #tpu.memory_space<vmem>> -> memref<1x1x128xi32, #tpu.memory_space<vmem>>
        %dma_start3A_580 = tpu.memref_squeeze %dma_start3A_579 : memref<1x1x128xi32, #tpu.memory_space<vmem>> -> memref<128xi32, #tpu.memory_space<vmem>>
        %dma_start3A_581 = arith.constant 0 : i32
        %dma_start3A_582 = arith.constant 0 : i32
        %dma_start3A_583 = tpu.memref_slice %arg11[%dma_start3A_581, %dma_start3A_582] : memref<10112x128xf32, #tpu.memory_space<vmem_shared>> -> memref<10112x128xf32, #tpu.memory_space<vmem_shared>>
        tpu.enqueue_indirect_dma source(%arg10 : memref<128x128xf32, #tpu.memory_space<vmem>>) target(%dma_start3A_583 : memref<10112x128xf32, #tpu.memory_space<vmem_shared>>) offsets(%dma_start3A_580 : memref<128xi32, #tpu.memory_space<vmem>>) semaphore(%run_scoped3A_577 : memref<!tpu.dma_semaphore, #tpu.memory_space<semaphore_mem>>) {add = true}
        %dma_wait3A_584 = arith.constant 0 : i32
        %dma_wait3A_585 = tpu.memref_slice %arg8[%and3A_122, %run_scoped3A_570, %dma_wait3A_584] : memref<2x16x128xi32, #tpu.memory_space<vmem>> -> memref<1x1x128xi32, #tpu.memory_space<vmem>>
        %dma_wait3A_586 = tpu.memref_squeeze %dma_wait3A_585 : memref<1x1x128xi32, #tpu.memory_space<vmem>> -> memref<128xi32, #tpu.memory_space<vmem>>
        %dma_wait3A_587 = arith.constant 0 : i32
        %dma_wait3A_588 = arith.constant 0 : i32
        %dma_wait3A_589 = tpu.memref_slice %arg11[%dma_wait3A_587, %dma_wait3A_588] : memref<10112x128xf32, #tpu.memory_space<vmem_shared>> -> memref<10112x128xf32, #tpu.memory_space<vmem_shared>>
        tpu.wait_indirect_dma semaphore(%run_scoped3A_577 : memref<!tpu.dma_semaphore, #tpu.memory_space<semaphore_mem>>) src(%arg10 : memref<128x128xf32, #tpu.memory_space<vmem>>) dst(%dma_wait3A_589 : memref<10112x128xf32, #tpu.memory_space<vmem_shared>>)
        tpu.yield
      }) : () -> ()
      %add3A_571 = arith.constant 1 : i32
      %add3A_572 = arith.addi %scan3A_121, %add3A_571 : i32
      %lt3A = arith.constant 5 : i32
      %lt3A_573 = arith.cmpi slt, %add3A_572, %lt3A : i32
      %convert_element_type3A_574 = arith.extui %lt3A_573 : i1 to i32
      %cond3A_575 = arith.constant 0 : i32
      %cond3A_576 = arith.cmpi ne, %convert_element_type3A_574, %cond3A_575 : i32
      scf.if %cond3A_576 {
        %dma_wait3A_577 = arith.constant 0 : i32
        %dma_wait3A_578 = arith.constant 0 : i32
        %dma_wait3A_579 = arith.constant 0 : i32
        %dma_wait3A_580 = tpu.memref_slice %arg7[%dma_wait3A_577, %dma_wait3A_578, %dma_wait3A_579] : memref<2x16x128xi32, #tpu.memory_space<vmem>> -> memref<1x16x128xi32, #tpu.memory_space<vmem>>
        %dma_wait3A_581 = tpu.memref_squeeze %dma_wait3A_580 : memref<1x16x128xi32, #tpu.memory_space<vmem>> -> memref<16x128xi32, #tpu.memory_space<vmem>>
        %dma_wait3A_582 = arith.constant 0 : i32
        %dma_wait3A_583 = arith.constant 0 : i32
        %dma_wait3A_584 = tpu.memref_slice %arg3[%dma_wait3A_582, %dma_wait3A_583] : memref<2560x128xi32, #tpu.memory_space<hbm>> -> memref<16x128xi32, #tpu.memory_space<hbm>>
        %dma_wait3A_585 = arith.constant 0 : i32
        %dma_wait3A_586 = arith.constant 0 : i32
        %dma_wait3A_587 = tpu.memref_slice %arg7[%dma_wait3A_577, %dma_wait3A_585, %dma_wait3A_586] : memref<2x16x128xi32, #tpu.memory_space<vmem>> -> memref<1x16x128xi32, #tpu.memory_space<vmem>>
        %dma_wait3A_588 = tpu.memref_squeeze %dma_wait3A_587 : memref<1x16x128xi32, #tpu.memory_space<vmem>> -> memref<16x128xi32, #tpu.memory_space<vmem>>
        %dma_wait3A_589 = arith.constant 0 : i32
        %dma_wait3A_590 = arith.constant 0 : i32
        %dma_wait3A_591 = tpu.memref_slice %arg3[%dma_wait3A_589, %dma_wait3A_590] : memref<2560x128xi32, #tpu.memory_space<hbm>> -> memref<16x128xi32, #tpu.memory_space<hbm>>
        tpu.wait_dma2 semaphore(%arg12 : memref<!tpu.dma_semaphore, #tpu.memory_space<semaphore_mem>>) src(%dma_wait3A_591 : memref<16x128xi32, #tpu.memory_space<hbm>>) dst(%dma_wait3A_588 : memref<16x128xi32, #tpu.memory_space<vmem>>)
        %dma_wait3A_592 = arith.constant 0 : i32
        %dma_wait3A_593 = arith.constant 0 : i32
        %dma_wait3A_594 = arith.constant 0 : i32
        %dma_wait3A_595 = tpu.memref_slice %arg8[%dma_wait3A_592, %dma_wait3A_593, %dma_wait3A_594] : memref<2x16x128xi32, #tpu.memory_space<vmem>> -> memref<1x16x128xi32, #tpu.memory_space<vmem>>
        %dma_wait3A_596 = tpu.memref_squeeze %dma_wait3A_595 : memref<1x16x128xi32, #tpu.memory_space<vmem>> -> memref<16x128xi32, #tpu.memory_space<vmem>>
        %dma_wait3A_597 = arith.constant 0 : i32
        %dma_wait3A_598 = arith.constant 0 : i32
        %dma_wait3A_599 = tpu.memref_slice %arg3[%dma_wait3A_597, %dma_wait3A_598] : memref<2560x128xi32, #tpu.memory_space<hbm>> -> memref<16x128xi32, #tpu.memory_space<hbm>>
        %dma_wait3A_600 = arith.constant 0 : i32
        %dma_wait3A_601 = arith.constant 0 : i32
        %dma_wait3A_602 = tpu.memref_slice %arg8[%dma_wait3A_592, %dma_wait3A_600, %dma_wait3A_601] : memref<2x16x128xi32, #tpu.memory_space<vmem>> -> memref<1x16x128xi32, #tpu.memory_space<vmem>>
        %dma_wait3A_603 = tpu.memref_squeeze %dma_wait3A_602 : memref<1x16x128xi32, #tpu.memory_space<vmem>> -> memref<16x128xi32, #tpu.memory_space<vmem>>
        %dma_wait3A_604 = arith.constant 0 : i32
        %dma_wait3A_605 = arith.constant 0 : i32
        %dma_wait3A_606 = tpu.memref_slice %arg3[%dma_wait3A_604, %dma_wait3A_605] : memref<2560x128xi32, #tpu.memory_space<hbm>> -> memref<16x128xi32, #tpu.memory_space<hbm>>
        tpu.wait_dma2 semaphore(%arg12 : memref<!tpu.dma_semaphore, #tpu.memory_space<semaphore_mem>>) src(%dma_wait3A_606 : memref<16x128xi32, #tpu.memory_space<hbm>>) dst(%dma_wait3A_603 : memref<16x128xi32, #tpu.memory_space<vmem>>)
        %add3A_607 = arith.constant 2 : i32
        %add3A_608 = arith.addi %scan3A_121, %add3A_607 : i32
        %lt3A_609 = arith.constant 5 : i32
        %lt3A_610 = arith.cmpi slt, %add3A_608, %lt3A_609 : i32
        %convert_element_type3A_611 = arith.extui %lt3A_610 : i1 to i32
        %cond3A_612 = arith.constant 0 : i32
        %cond3A_613 = arith.cmpi ne, %convert_element_type3A_611, %cond3A_612 : i32
        scf.if %cond3A_613 {
          %dma_start3A_635 = arith.constant 0 : i32
          %dma_start3A_636 = arith.constant 0 : i32
          %dma_start3A_637 = tpu.memref_slice %arg7[%and3A_122, %dma_start3A_635, %dma_start3A_636] : memref<2x16x128xi32, #tpu.memory_space<vmem>> -> memref<1x16x128xi32, #tpu.memory_space<vmem>>
          %dma_start3A_638 = tpu.memref_squeeze %dma_start3A_637 : memref<1x16x128xi32, #tpu.memory_space<vmem>> -> memref<16x128xi32, #tpu.memory_space<vmem>>
          %dma_start3A_639 = arith.constant 0 : i32
          %dma_start3A_640 = tpu.memref_slice %arg3[%add3A_127, %dma_start3A_639] : memref<2560x128xi32, #tpu.memory_space<hbm>> -> memref<16x128xi32, #tpu.memory_space<hbm>>
          %dma_start3A_641 = arith.constant 0 : i32
          %dma_start3A_642 = arith.constant 0 : i32
          %dma_start3A_643 = tpu.memref_slice %arg7[%and3A_122, %dma_start3A_641, %dma_start3A_642] : memref<2x16x128xi32, #tpu.memory_space<vmem>> -> memref<1x16x128xi32, #tpu.memory_space<vmem>>
          %dma_start3A_644 = tpu.memref_squeeze %dma_start3A_643 : memref<1x16x128xi32, #tpu.memory_space<vmem>> -> memref<16x128xi32, #tpu.memory_space<vmem>>
          %dma_start3A_645 = arith.constant 0 : i32
          %dma_start3A_646 = tpu.memref_slice %arg3[%add3A_127, %dma_start3A_645] : memref<2560x128xi32, #tpu.memory_space<hbm>> -> memref<16x128xi32, #tpu.memory_space<hbm>>
          tpu.enqueue_dma source(%dma_start3A_646 : memref<16x128xi32, #tpu.memory_space<hbm>>) target(%dma_start3A_644 : memref<16x128xi32, #tpu.memory_space<vmem>>) target_semaphore(%arg12 : memref<!tpu.dma_semaphore, #tpu.memory_space<semaphore_mem>>)
          %dma_start3A_647 = arith.constant 0 : i32
          %dma_start3A_648 = arith.constant 0 : i32
          %dma_start3A_649 = tpu.memref_slice %arg8[%and3A_122, %dma_start3A_647, %dma_start3A_648] : memref<2x16x128xi32, #tpu.memory_space<vmem>> -> memref<1x16x128xi32, #tpu.memory_space<vmem>>
          %dma_start3A_650 = tpu.memref_squeeze %dma_start3A_649 : memref<1x16x128xi32, #tpu.memory_space<vmem>> -> memref<16x128xi32, #tpu.memory_space<vmem>>
          %dma_start3A_651 = arith.constant 0 : i32
          %dma_start3A_652 = tpu.memref_slice %arg4[%add3A_127, %dma_start3A_651] : memref<2560x128xi32, #tpu.memory_space<hbm>> -> memref<16x128xi32, #tpu.memory_space<hbm>>
          %dma_start3A_653 = arith.constant 0 : i32
          %dma_start3A_654 = arith.constant 0 : i32
          %dma_start3A_655 = tpu.memref_slice %arg8[%and3A_122, %dma_start3A_653, %dma_start3A_654] : memref<2x16x128xi32, #tpu.memory_space<vmem>> -> memref<1x16x128xi32, #tpu.memory_space<vmem>>
          %dma_start3A_656 = tpu.memref_squeeze %dma_start3A_655 : memref<1x16x128xi32, #tpu.memory_space<vmem>> -> memref<16x128xi32, #tpu.memory_space<vmem>>
          %dma_start3A_657 = arith.constant 0 : i32
          %dma_start3A_658 = tpu.memref_slice %arg4[%add3A_127, %dma_start3A_657] : memref<2560x128xi32, #tpu.memory_space<hbm>> -> memref<16x128xi32, #tpu.memory_space<hbm>>
          tpu.enqueue_dma source(%dma_start3A_658 : memref<16x128xi32, #tpu.memory_space<hbm>>) target(%dma_start3A_656 : memref<16x128xi32, #tpu.memory_space<vmem>>) target_semaphore(%arg12 : memref<!tpu.dma_semaphore, #tpu.memory_space<semaphore_mem>>)
        } else {
        }
        %sub3A = arith.constant 1 : i32
        %sub3A_614 = arith.subi %sub3A, %and3A_122 : i32
        %dma_start3A_615 = arith.constant 0 : i32
        %dma_start3A_616 = arith.constant 0 : i32
        %dma_start3A_617 = arith.constant 0 : i32
        %dma_start3A_618 = tpu.memref_slice %arg9[%dma_start3A_616, %dma_start3A_617] : memref<128x128xf32, #tpu.memory_space<vmem>> -> memref<64x128xf32, #tpu.memory_space<vmem>>
        %dma_start3A_619 = arith.constant 0 : i32
        %dma_start3A_620 = tpu.memref_slice %arg7[%sub3A_614, %dma_start3A_615, %dma_start3A_619] : memref<2x16x128xi32, #tpu.memory_space<vmem>> -> memref<1x1x64xi32, #tpu.memory_space<vmem>>
        %dma_start3A_621 = tpu.memref_squeeze %dma_start3A_620 : memref<1x1x64xi32, #tpu.memory_space<vmem>> -> memref<64xi32, #tpu.memory_space<vmem>>
        %dma_start3A_622 = arith.constant 0 : i32
        %dma_start3A_623 = arith.constant 0 : i32
        %dma_start3A_624 = tpu.memref_slice %arg2[%dma_start3A_622, %dma_start3A_623] : memref<10000x128xf32, #tpu.memory_space<hbm>> -> memref<10000x128xf32, #tpu.memory_space<hbm>>
        tpu.enqueue_indirect_dma source(%dma_start3A_624 : memref<10000x128xf32, #tpu.memory_space<hbm>>) target(%dma_start3A_618 : memref<64x128xf32, #tpu.memory_space<vmem>>) offsets(%dma_start3A_621 : memref<64xi32, #tpu.memory_space<vmem>>) semaphore(%arg13 : memref<!tpu.dma_semaphore, #tpu.memory_space<semaphore_mem>>)
        %dma_start3A_625 = arith.constant 0 : i32
        %dma_start3A_626 = arith.constant 64 : i32
        %dma_start3A_627 = arith.constant 0 : i32
        %dma_start3A_628 = tpu.memref_slice %arg9[%dma_start3A_626, %dma_start3A_627] : memref<128x128xf32, #tpu.memory_space<vmem>> -> memref<64x128xf32, #tpu.memory_space<vmem>>
        %dma_start3A_629 = arith.constant 64 : i32
        %dma_start3A_630 = tpu.memref_slice %arg7[%sub3A_614, %dma_start3A_625, %dma_start3A_629] : memref<2x16x128xi32, #tpu.memory_space<vmem>> -> memref<1x1x64xi32, #tpu.memory_space<vmem>>
        %dma_start3A_631 = tpu.memref_squeeze %dma_start3A_630 : memref<1x1x64xi32, #tpu.memory_space<vmem>> -> memref<64xi32, #tpu.memory_space<vmem>>
        %dma_start3A_632 = arith.constant 0 : i32
        %dma_start3A_633 = arith.constant 0 : i32
        %dma_start3A_634 = tpu.memref_slice %arg2[%dma_start3A_632, %dma_start3A_633] : memref<10000x128xf32, #tpu.memory_space<hbm>> -> memref<10000x128xf32, #tpu.memory_space<hbm>>
        tpu.enqueue_indirect_dma source(%dma_start3A_634 : memref<10000x128xf32, #tpu.memory_space<hbm>>) target(%dma_start3A_628 : memref<64x128xf32, #tpu.memory_space<vmem>>) offsets(%dma_start3A_631 : memref<64xi32, #tpu.memory_space<vmem>>) semaphore(%arg13 : memref<!tpu.dma_semaphore, #tpu.memory_space<semaphore_mem>>)
      } else {
      }
    }
    %scan3A_117 = arith.constant 5 : i32
    %barrier3A_118 = arith.constant 0 : index
    tpu.barrier barrier_id(%barrier3A_118)
    %eq3A = arith.constant 0 : i32
    %eq3A_119 = arith.cmpi eq, %arg1, %eq3A : i32
    %convert_element_type3A = arith.extui %eq3A_119 : i1 to i32
    %cond3A = arith.constant 0 : i32
    %cond3A_120 = arith.cmpi ne, %convert_element_type3A, %cond3A : i32
    scf.if %cond3A_120 {
      "tpu.region"() ({
        %run_scoped3A = tpu.sem_alloc : memref<!tpu.dma_semaphore, #tpu.memory_space<semaphore_mem>>
        %dma_start3A_121 = arith.constant 0 : i32
        %dma_start3A_122 = arith.constant 0 : i32
        %dma_start3A_123 = tpu.memref_slice %arg6[%arg0, %dma_start3A_121, %dma_start3A_122] : memref<2x10112x128xf32, #tpu.memory_space<hbm>> -> memref<1x10112x128xf32, #tpu.memory_space<hbm>>
        %dma_start3A_124 = tpu.memref_squeeze %dma_start3A_123 : memref<1x10112x128xf32, #tpu.memory_space<hbm>> -> memref<10112x128xf32, #tpu.memory_space<hbm>>
        tpu.enqueue_dma source(%arg11 : memref<10112x128xf32, #tpu.memory_space<vmem_shared>>) target(%dma_start3A_124 : memref<10112x128xf32, #tpu.memory_space<hbm>>) target_semaphore(%run_scoped3A : memref<!tpu.dma_semaphore, #tpu.memory_space<semaphore_mem>>)
        %dma_wait3A_125 = arith.constant 0 : i32
        %dma_wait3A_126 = arith.constant 0 : i32
        %dma_wait3A_127 = tpu.memref_slice %arg6[%arg0, %dma_wait3A_125, %dma_wait3A_126] : memref<2x10112x128xf32, #tpu.memory_space<hbm>> -> memref<1x10112x128xf32, #tpu.memory_space<hbm>>
        %dma_wait3A_128 = tpu.memref_squeeze %dma_wait3A_127 : memref<1x10112x128xf32, #tpu.memory_space<hbm>> -> memref<10112x128xf32, #tpu.memory_space<hbm>>
        tpu.wait_dma2 semaphore(%run_scoped3A : memref<!tpu.dma_semaphore, #tpu.memory_space<semaphore_mem>>) src(%arg11 : memref<10112x128xf32, #tpu.memory_space<vmem_shared>>) dst(%dma_wait3A_128 : memref<10112x128xf32, #tpu.memory_space<hbm>>)
        tpu.yield
      }) : () -> ()
    } else {
    }
    return
  }
}

module attributes {stable_mosaic.version = 14 : i64} {
  func.func @_prep_body(%arg0: memref<10000x128xf32, #tpu.memory_space<vmem>>, %arg1: memref<128x128xf32, #tpu.memory_space<vmem>>, %arg2: memref<2x10112x128xf32, #tpu.memory_space<vmem>>, %arg3: memref<10000x128xf32, #tpu.memory_space<vmem>>, %arg4: memref<10000x1xf32, #tpu.memory_space<vmem>>) attributes {dimension_semantics = [], scalar_prefetch = 0 : i64, scratch_operands = 0 : i64, tpu.core_type = #tpu.core_type<tc>} {
    %get3A = arith.constant 0 : index
    %get3A_0 = arith.constant 0 : index
    %get3A_1 = arith.constant 0 : index
    %get3A_2 = vector.load %arg2[%get3A, %get3A_0, %get3A_1] : memref<2x10112x128xf32, #tpu.memory_space<vmem>>, vector<1x10000x1xf32>
    %get3A_3 = vector.shape_cast %get3A_2 : vector<1x10000x1xf32> to vector<10000x1xf32>
    %add3A = arith.constant 1.000000e+00 : f32
    %add3A_4 = vector.broadcast %add3A : f32 to vector<10000x1xf32>
    %add3A_5 = arith.addf %add3A_4, %get3A_3 : vector<10000x1xf32>
    %get3A_6 = arith.constant 1 : index
    %get3A_7 = arith.constant 0 : index
    %get3A_8 = arith.constant 0 : index
    %get3A_9 = vector.load %arg2[%get3A_6, %get3A_7, %get3A_8] : memref<2x10112x128xf32, #tpu.memory_space<vmem>>, vector<1x10000x1xf32>
    %get3A_10 = vector.shape_cast %get3A_9 : vector<1x10000x1xf32> to vector<10000x1xf32>
    %add3A_11 = arith.addf %add3A_5, %get3A_10 : vector<10000x1xf32>
    %rsqrt3A = math.rsqrt %add3A_11 : vector<10000x1xf32>
    %get3A_12 = arith.constant 0 : index
    %get3A_13 = arith.constant 0 : index
    %get3A_14 = vector.load %arg0[%get3A_12, %get3A_13] : memref<10000x128xf32, #tpu.memory_space<vmem>>, vector<10000x128xf32>
    %get3A_15 = arith.constant 0 : index
    %get3A_16 = arith.constant 0 : index
    %get3A_17 = vector.load %arg1[%get3A_15, %get3A_16] : memref<128x128xf32, #tpu.memory_space<vmem>>, vector<128x128xf32>
    %dot_general3A = arith.constant dense<0.000000e+00> : vector<10000x128xf32>
    %dot_general3A_18 = tpu.matmul %get3A_14, %get3A_17, %dot_general3A {dimension_numbers = #tpu.dot_dimension_numbers<[1], [0], [0], [1], [0, 0, 1, 1], [], []>, transpose_lhs_hint = false} : vector<10000x128xf32>, vector<128x128xf32>, vector<10000x128xf32> -> vector<10000x128xf32>
    %mul3A = vector.broadcast %rsqrt3A : vector<10000x1xf32> to vector<10000x128xf32>
    %mul3A_19 = arith.mulf %mul3A, %dot_general3A_18 : vector<10000x128xf32>
    %swap3A = arith.constant 0 : index
    %swap3A_20 = arith.constant 0 : index
    %swap3A_21 = vector.load %arg3[%swap3A, %swap3A_20] : memref<10000x128xf32, #tpu.memory_space<vmem>>, vector<10000x128xf32>
    tpu.vector_store %arg3[%swap3A, %swap3A_20], %mul3A_19 {strides = array<i32>} : memref<10000x128xf32, #tpu.memory_space<vmem>>, vector<10000x128xf32>,
    %swap3A_22 = arith.constant 0 : index
    %swap3A_23 = arith.constant 0 : index
    %swap3A_24 = vector.load %arg4[%swap3A_22, %swap3A_23] : memref<10000x1xf32, #tpu.memory_space<vmem>>, vector<10000x1xf32>
    tpu.vector_store %arg4[%swap3A_22, %swap3A_23], %rsqrt3A {strides = array<i32>} : memref<10000x1xf32, #tpu.memory_space<vmem>>, vector<10000x1xf32>,
    return
  }
}

module attributes {stable_mosaic.version = 14 : i64} {
  func.func @_mid_body(%arg0: memref<2x10112x128xf32, #tpu.memory_space<vmem>>, %arg1: memref<10000x128xf32, #tpu.memory_space<vmem>>, %arg2: memref<10000x1xf32, #tpu.memory_space<vmem>>, %arg3: memref<1x128xf32, #tpu.memory_space<vmem>>, %arg4: memref<128x128xf32, #tpu.memory_space<vmem>>, %arg5: memref<10000x128xf32, #tpu.memory_space<vmem>>) attributes {dimension_semantics = [], scalar_prefetch = 0 : i64, scratch_operands = 0 : i64, tpu.core_type = #tpu.core_type<tc>} {
    %get3A = arith.constant 0 : index
    %get3A_0 = arith.constant 0 : index
    %get3A_1 = vector.load %arg2[%get3A, %get3A_0] : memref<10000x1xf32, #tpu.memory_space<vmem>>, vector<10000x1xf32>
    %get3A_2 = arith.constant 0 : index
    %get3A_3 = arith.constant 0 : index
    %get3A_4 = arith.constant 0 : index
    %get3A_5 = vector.load %arg0[%get3A_2, %get3A_3, %get3A_4] : memref<2x10112x128xf32, #tpu.memory_space<vmem>>, vector<1x10000x128xf32>
    %get3A_6 = vector.shape_cast %get3A_5 : vector<1x10000x128xf32> to vector<10000x128xf32>
    %get3A_7 = arith.constant 1 : index
    %get3A_8 = arith.constant 0 : index
    %get3A_9 = arith.constant 0 : index
    %get3A_10 = vector.load %arg0[%get3A_7, %get3A_8, %get3A_9] : memref<2x10112x128xf32, #tpu.memory_space<vmem>>, vector<1x10000x128xf32>
    %get3A_11 = vector.shape_cast %get3A_10 : vector<1x10000x128xf32> to vector<10000x128xf32>
    %add3A = arith.addf %get3A_6, %get3A_11 : vector<10000x128xf32>
    %get3A_12 = arith.constant 0 : index
    %get3A_13 = arith.constant 0 : index
    %get3A_14 = vector.load %arg1[%get3A_12, %get3A_13] : memref<10000x128xf32, #tpu.memory_space<vmem>>, vector<10000x128xf32>
    %add3A_15 = arith.addf %add3A, %get3A_14 : vector<10000x128xf32>
    %mul3A = vector.broadcast %get3A_1 : vector<10000x1xf32> to vector<10000x128xf32>
    %mul3A_16 = arith.mulf %mul3A, %add3A_15 : vector<10000x128xf32>
    %get3A_17 = arith.constant 0 : index
    %get3A_18 = arith.constant 0 : index
    %get3A_19 = vector.load %arg3[%get3A_17, %get3A_18] : memref<1x128xf32, #tpu.memory_space<vmem>>, vector<1x128xf32>
    %add3A_20 = vector.broadcast %get3A_19 : vector<1x128xf32> to vector<10000x128xf32>
    %add3A_21 = arith.addf %mul3A_16, %add3A_20 : vector<10000x128xf32>
    %get3A_22 = arith.constant 0 : index
    %get3A_23 = arith.constant 0 : index
    %get3A_24 = vector.load %arg4[%get3A_22, %get3A_23] : memref<128x128xf32, #tpu.memory_space<vmem>>, vector<128x128xf32>
    %dot_general3A = arith.constant dense<0.000000e+00> : vector<10000x128xf32>
    %dot_general3A_25 = tpu.matmul %add3A_21, %get3A_24, %dot_general3A {dimension_numbers = #tpu.dot_dimension_numbers<[1], [0], [0], [1], [0, 0, 1, 1], [], []>, transpose_lhs_hint = false} : vector<10000x128xf32>, vector<128x128xf32>, vector<10000x128xf32> -> vector<10000x128xf32>
    %mul3A_26 = vector.broadcast %get3A_1 : vector<10000x1xf32> to vector<10000x128xf32>
    %mul3A_27 = arith.mulf %mul3A_26, %dot_general3A_25 : vector<10000x128xf32>
    %swap3A = arith.constant 0 : index
    %swap3A_28 = arith.constant 0 : index
    %swap3A_29 = vector.load %arg5[%swap3A, %swap3A_28] : memref<10000x128xf32, #tpu.memory_space<vmem>>, vector<10000x128xf32>
    tpu.vector_store %arg5[%swap3A, %swap3A_28], %mul3A_27 {strides = array<i32>} : memref<10000x128xf32, #tpu.memory_space<vmem>>, vector<10000x128xf32>,
    return
  }
}

module attributes {stable_mosaic.version = 14 : i64} {
  func.func @_fin_body(%arg0: memref<2x10112x128xf32, #tpu.memory_space<vmem>>, %arg1: memref<10000x128xf32, #tpu.memory_space<vmem>>, %arg2: memref<10000x1xf32, #tpu.memory_space<vmem>>, %arg3: memref<1x128xf32, #tpu.memory_space<vmem>>, %arg4: memref<10000x64xf32, #tpu.memory_space<vmem>>) attributes {dimension_semantics = [], scalar_prefetch = 0 : i64, scratch_operands = 0 : i64, tpu.core_type = #tpu.core_type<tc>} {
    %get3A = arith.constant 0 : index
    %get3A_0 = arith.constant 0 : index
    %get3A_1 = vector.load %arg2[%get3A, %get3A_0] : memref<10000x1xf32, #tpu.memory_space<vmem>>, vector<10000x1xf32>
    %get3A_2 = arith.constant 0 : index
    %get3A_3 = arith.constant 0 : index
    %get3A_4 = arith.constant 0 : index
    %get3A_5 = vector.load %arg0[%get3A_2, %get3A_3, %get3A_4] : memref<2x10112x128xf32, #tpu.memory_space<vmem>>, vector<1x10000x128xf32>
    %get3A_6 = vector.shape_cast %get3A_5 : vector<1x10000x128xf32> to vector<10000x128xf32>
    %get3A_7 = arith.constant 1 : index
    %get3A_8 = arith.constant 0 : index
    %get3A_9 = arith.constant 0 : index
    %get3A_10 = vector.load %arg0[%get3A_7, %get3A_8, %get3A_9] : memref<2x10112x128xf32, #tpu.memory_space<vmem>>, vector<1x10000x128xf32>
    %get3A_11 = vector.shape_cast %get3A_10 : vector<1x10000x128xf32> to vector<10000x128xf32>
    %add3A = arith.addf %get3A_6, %get3A_11 : vector<10000x128xf32>
    %get3A_12 = arith.constant 0 : index
    %get3A_13 = arith.constant 0 : index
    %get3A_14 = vector.load %arg1[%get3A_12, %get3A_13] : memref<10000x128xf32, #tpu.memory_space<vmem>>, vector<10000x128xf32>
    %add3A_15 = arith.addf %add3A, %get3A_14 : vector<10000x128xf32>
    %mul3A = vector.broadcast %get3A_1 : vector<10000x1xf32> to vector<10000x128xf32>
    %mul3A_16 = arith.mulf %mul3A, %add3A_15 : vector<10000x128xf32>
    %get3A_17 = arith.constant 0 : index
    %get3A_18 = arith.constant 0 : index
    %get3A_19 = vector.load %arg3[%get3A_17, %get3A_18] : memref<1x128xf32, #tpu.memory_space<vmem>>, vector<1x128xf32>
    %add3A_20 = vector.broadcast %get3A_19 : vector<1x128xf32> to vector<10000x128xf32>
    %add3A_21 = arith.addf %mul3A_16, %add3A_20 : vector<10000x128xf32>
    %slice3A = vector.extract_strided_slice %add3A_21 {offsets = [0, 0], sizes = [10000, 64], strides = [1, 1]} : vector<10000x128xf32> to vector<10000x64xf32>
    %swap3A = arith.constant 0 : index
    %swap3A_22 = arith.constant 0 : index
    %swap3A_23 = vector.load %arg4[%swap3A, %swap3A_22] : memref<10000x64xf32, #tpu.memory_space<vmem>>, vector<10000x64xf32>
    tpu.vector_store %arg4[%swap3A, %swap3A_22], %slice3A {strides = array<i32>} : memref<10000x64xf32, #tpu.memory_space<vmem>>, vector<10000x64xf32>,
    return
  }
}

</mosaic_0001>

<sc_bundles>
// kernel: kernel.10.cloned.1.call-start
scs
__scs_entry_jumppad:
0x0: {  	(pc) =	sbr.rel $0x88, $3  }
0x1: {  	(tag) =	ssettag $0x0;
	lr =	simm.s32 $0x1  }
0x2: {  	[smem:$0x3F99] =	sst lr;
	_ =	strace $0xD0000000  }
0x3: {  	_ = 	snop  }
0x4: {  	_ = 	snop  }
0x5: {  	_ = 	snop  }
0x6: {  	_ = 	snop  }
0x7: {  	_ = 	snop  }
__scs_overlays_trampoline_lowered:
0x8: {  	[smem:$0x3FA8] =	sst s0  }
0x9: {  	[smem:$0x3FA9] =	sst s1  }
0xa: {  	[smem:$0x3FAA] =	sst s2  }
0xb: {  	[smem:$0x3FAB] =	sst s3  }
0xc: {  	[smem:$0x3FAC] =	sst s4  }
0xd: {  	[smem:$0x3FAD] =	sst s5  }
0xe: {  	[smem:$0x3FAE] =	sst s6  }
0xf: {  	[smem:$0x3FAF] =	sst s7  }
0x10: {  	[smem:$0x3FB0] =	sst s8  }
0x11: {  	[smem:$0x3FB1] =	sst s9;
	s0 =	simm.s32 @!p0 $0x0  }
0x12: {  	s1 =	sld [smem:$0x3F97];
	s0 =	simm.s32 @p0 $0x1  }
0x13: {  	[smem:$0x3FB2] =	sst s0;
	s0 =	simm.s32 @!p1 $0x0  }
0x14: {  	s2 =	sld [smem:$0x3F96];
	s0 =	simm.s32 @p1 $0x1  }
0x15: {  	[smem:$0x3FB3] =	sst s0;
	s0 =	simm.s32 @!p2 $0x0  }
0x16: {  	s3 =	sld [smem:$0x3FDB];
	s0 =	simm.s32 @p2 $0x1  }
0x17: {  	s4 =	simm.s32 $0x1BF5;
	[smem:$0x3FB5] =	sst s0  }
0x18: {  	s0 =	sld [smem:$0x3F98];
	_ =	swait.ge [sflag:s4], $0x0  }
0x19: {  	s7 =	sld [smem:$0x3F99]  }
0x1a: {  	s8 =	sadd.s32 $0xFFFFE003, lr  }
0x1b: {  	s9 =	sadd.s32 $0xFFFFFEF7, lr;
	s5 =	simm.s32 $0xFFFFFFFF;
	p2 =	slt.u32 s8, $0xFFFFF086  }
0x1c: {  	p1 =	slt.u32 s9, $0xF7A;
	s5 =	simm.s32 @!p2 $0x0  }
0x1d: {  	s5 =	simm.s32 @p1 $0x1;
	p0 =	seq.s32 s7, s2  }
0x1e: {  	s7 =	smul.u32 @!p0 $0xF7A, s2;
	p2 =	seq.s32 @!p0 s5, $0x0  }
0x1f: {  	s9 =	smul.u32 $0xF7A, s1;
	s8 =	simm.s32 @!p0 $0x1BF5;
	p2 =	por !p2, p0  }
0x20: {  	[sflag:s8] =	ssyncset.s32 @!p0 $0xFFFFF086;
	s6 =	sadd.s32 @!p0 s3, s7;
	s7 =	simm.s32 @!p0 $0x108  }
0x21: {  	s3 =	sadd.s32 s3, s9;
	s6 =	sadd.s32 @!p0 $0x88, s6;
	s7 =	simm.s32 @p2 $0x1082  }
0x22: {  	[simem:s7], [sflag:s8] =	dma.local @!p0 [hbm:s6], $0xF7A  }
0x23: {  	s9 =	sor.u32 $0xD0000000, s2;
	s6 =	simm.s32 $0x108;
	_ =	swait.ge @!p0 [sflag:s8], $0x0  }
0x24: {  	s3 =	sadd.s32 $0x88, s3;
	s6 =	simm.s32 @!p1 $0x1082;
	[sflag:s4] =	ssyncset.s32 $0xFFFFF086  }
0x25: {  	[simem:s6], [sflag:s4] =	dma.local [hbm:s3], $0xF7A  }
0x26: {  	[smem:$0x3F99] =	sst s1;
	(tag) =	ssettag s2;
	_ =	strace s9  }
0x27: {  	s1 =	sld [smem:$0x3FA9]  }
0x28: {  	s2 =	sld [smem:$0x3FAA]  }
0x29: {  	s4 =	sld [smem:$0x3FAC]  }
0x2a: {  	p0 =	seq.s32 s5, $0x0;
	s5 =	sld [smem:$0x3FAD]  }
0x2b: {  	s6 =	sld [smem:$0x3FAE]  }
0x2c: {  	s7 =	sld [smem:$0x3FAF]  }
0x2d: {  	s3 =	simm.s32 $0x108;
	s8 =	sld [smem:$0x3FB0]  }
0x2e: {  	s3 =	simm.s32 @!p0 $0x1082;
	s9 =	sld [smem:$0x3FB1]  }
0x2f: {  	lr =	sadd.s32 s0, s3;
	s0 =	sld [smem:$0x3FA8]  }
0x30: {  	s3 =	sld [smem:$0x3FAB]  }
0x31: {  	[smem:$0x3FB4] =	sst s10  }
0x32: {  	s10 =	sld [smem:$0x3FB2];
	_ =	sdelay $0x3  }
0x33: {  	p0 =	seq.s32 s10, $0x1;
	s10 =	sld [smem:$0x3FB4];
	_ =	sdelay $0x3  }
0x34: {  	[smem:$0x3FB4] =	sst s10  }
0x35: {  	s10 =	sld [smem:$0x3FB3];
	_ =	sdelay $0x3  }
0x36: {  	p1 =	seq.s32 s10, $0x1;
	s10 =	sld [smem:$0x3FB4];
	_ =	sdelay $0x3  }
0x37: {  	[smem:$0x3FB4] =	sst s10  }
0x38: {  	s10 =	sld [smem:$0x3FB5]  }
0x39: {  	_ = 	snop;
	(pc) =	sbr.ind lr, $3  }
0x3a: {  	_ = 	snop  }
0x3b: {  	_ = 	snop  }
0x3c: {  	p2 =	seq.s32 s10, $0x1;
	s10 =	sld [smem:$0x3FB4]  }
0x3d: {  	_ =	shalt  }
0x3e: {  	_ =	shalt  }
0x3f: {  	_ =	shalt  }
0x40: {  	_ =	shalt  }
0x41: {  	_ =	shalt  }
0x42: {  	_ =	shalt  }
0x43: {  	_ =	shalt  }
0x44: {  	_ =	shalt  }
0x45: {  	_ =	shalt  }
0x46: {  	_ =	shalt  }
0x47: {  	_ =	shalt  }
0x48: {  	_ =	shalt  }
0x49: {  	_ =	shalt  }
0x4a: {  	_ =	shalt  }
0x4b: {  	_ =	shalt  }
0x4c: {  	_ =	shalt  }
0x4d: {  	_ =	shalt  }
0x4e: {  	_ =	shalt  }
0x4f: {  	_ =	shalt  }
0x50: {  	_ =	shalt  }
0x51: {  	_ =	shalt  }
0x52: {  	_ =	shalt  }
0x53: {  	_ =	shalt  }
0x54: {  	_ =	shalt  }
0x55: {  	_ =	shalt  }
0x56: {  	_ =	shalt  }
0x57: {  	_ =	shalt  }
0x58: {  	_ =	shalt  }
0x59: {  	_ =	shalt  }
0x5a: {  	_ =	shalt  }
0x5b: {  	_ =	shalt  }
0x5c: {  	_ =	shalt  }
0x5d: {  	_ =	shalt  }
0x5e: {  	_ =	shalt  }
0x5f: {  	_ =	shalt  }
0x60: {  	_ =	shalt  }
0x61: {  	_ =	shalt  }
0x62: {  	_ =	shalt  }
0x63: {  	_ =	shalt  }
0x64: {  	_ =	shalt  }
0x65: {  	_ =	shalt  }
0x66: {  	_ =	shalt  }
0x67: {  	_ =	shalt  }
0x68: {  	_ =	shalt  }
0x69: {  	_ =	shalt  }
0x6a: {  	_ =	shalt  }
0x6b: {  	_ =	shalt  }
0x6c: {  	_ =	shalt  }
0x6d: {  	_ =	shalt  }
0x6e: {  	_ =	shalt  }
0x6f: {  	_ =	shalt  }
0x70: {  	_ =	shalt  }
0x71: {  	_ =	shalt  }
0x72: {  	_ =	shalt  }
0x73: {  	_ =	shalt  }
0x74: {  	_ =	shalt  }
0x75: {  	_ =	shalt  }
0x76: {  	_ =	shalt  }
0x77: {  	_ =	shalt  }
0x78: {  	_ =	shalt  }
0x79: {  	_ =	shalt  }
0x7a: {  	_ =	shalt  }
0x7b: {  	_ =	shalt  }
0x7c: {  	_ =	shalt  }
0x7d: {  	_ =	shalt  }
0x7e: {  	_ =	shalt  }
0x7f: {  	_ =	shalt  }
0x80: {  	_ =	shalt  }
0x81: {  	_ =	shalt  }
0x82: {  	_ =	shalt  }
0x83: {  	_ =	shalt  }
0x84: {  	_ =	shalt  }
0x85: {  	_ =	shalt  }
0x86: {  	_ =	shalt  }
0x87: {  	_ =	shalt  }
.Lfunc_end0:
.L_simem_size_0:
called_computation_lowered:
.L_overlay_start_0:
0x88: {  	s2 =	sld [smem:$0x3FD9]  }
0x89: {  	s3 =	sld [smem:$0x3FFE];
	_ =	sdelay $0x1  }
0x8a: {  	s1 =	srdreg.scid  }
0x8b: {  	s0 =	sand.u32 $0x1, s1  }
0x8c: {  	s17 =	sshll.u32 s0, $0xA;
	s2 =	sadd.s32 s3, s2  }
0x8d: {  	s2 =	sadd.s32 s2, s17  }
0x8e: {  	[smem:$0x3FC0] =	sst s2  }
0x8f: {  	_ = 	snop  }
0x90: {  	s2 =	sld [smem:$0x3FD0];
	(tm) =	ssettm $0x1  }
0x91: {  	s18 =	sld [smem:$0x3FFB];
	_ =	sdelay $0x3  }
0x92: {  	_ =	strace s18  }
0x93: {  	s3 =	sld [smem:$0x3FFC];
	_ =	sdelay $0x3  }
0x94: {  	_ =	strace s3  }
0x95: {  	s3 =	sld [smem:$0x3FFD];
	_ =	sdelay $0x3  }
0x96: {  	_ =	strace s3  }
0x97: {  	_ =	strace $0x8FFFFFFF  }
0x98: {  	s19 =	sld [smem:$0x3FDB];
	_ =	sdelay $0x1  }
0x99: {  	s4 =	simm.s32 $_scs_section_size  }
0x9a: {  	s5 =	simm.s32 $_size__tile_overlayer_lowered;
	s6 =	simm.s32 $_tile_overlayer_lowered  }
0x9b: {  	s22 =	simm.s32 $0x1BFF;
	s21 =	sshll.u32 s6, $0x1;
	s3 =	sadd.s32 s4, s19  }
0x9c: {  	s7 =	simm.s32 $0x0;
	s20 =	sshll.u32 s5, $0x1;
	s5 =	sadd.s32 s21, s3  }
0x9d: {  	[timem:s7], [sflag:s22] =	dma.local [hbm:s5], s20  }
0x9e: {  	_ =	swait.ge [sflag:s22], s20  }
0x9f: {  	s4 =	ssub.s32 $0x0, s20;
	[sflag:s22] =	ssyncset.done $0x0  }
0xa0: {  	[sflag:s22] =	ssyncadd.s32 s4;
	_ =	sdelay $0x1  }
0xa1: {  	s23 =	simm.s32 $0x1B8B  }
0xa2: {  	_ =	swait.ge [sflag:s23], $0x1  }
0xa3: {  	[sflag:s23] =	ssyncset.done $0x0  }
0xa4: {  	s25 =	simm.s32 $0x1B8E;
	s24 =	sld [smem:$0x3FFE];
	[sflag:s23] =	ssyncadd.s32 $0xFFFFFFFF  }
0xa5: {  	s26 =	simm.s32 $execute0_lowered;
	[smem:$0x3FD2] =	sst s25  }
0xa6: {  	s5 =	sshll.u32 s26, $0x1;
	_ =	strace $0x80000046;
	[dreg:$0x1] =	wrdreg $0xFFFFFFFF  }
0xa7: {  	s28 =	simm.s32 $_size_execute0_lowered;
	s3 =	sadd.s32 s3, s5;
	[dreg:$0x0] =	wrdreg $0x0  }
0xa8: {  	s5 =	sshll.u32 s28, $0x1;
	[dreg:$0x2] =	wrdreg s3  }
0xa9: {  	[dreg:$0x3] =	wrdreg s5  }
0xaa: {  	[dreg:$0x4] =	wrdreg $0xC0  }
0xab: {  	_ =	task [dreg:s7], $0x5FFFF  }
0xac: {  	[dreg:$0x1] =	wrdreg $0xFFFFFFFF  }
0xad: {  	[dreg:$0x0] =	wrdreg $0x60  }
0xae: {  	[dreg:$0x2] =	wrdreg s2  }
0xaf: {  	[dreg:$0x3] =	wrdreg s24  }
0xb0: {  	[dreg:$0x4] =	wrdreg $0x68000  }
0xb1: {  	[dreg:$0x5] =	wrdreg $0x9  }
0xb2: {  	_ =	task.clear_ibuf [dreg:s7], $0x6FFFF;
	_ =	strace $0x90000046  }
0xb3: {  	s29 =	simm.s32 $0x9;
	_ =	strace $0x80000048  }
0xb4: {  	_ =	swait.ge [sflag:s29], $0x1  }
0xb5: {  	[sflag:s29] =	ssyncadd.s32 $0xFFFFFFFF  }
0xb6: {  	_ =	strace $0x90000048  }
0xb7: {  	_ =	sfence  }
0xb8: {  	s30 =	sld [smem:$0x0];
	_ =	sdelay $0x2  }
0xb9: {  	s31 =	sshll.u32 s1, $0xD;
	s1 =	sshrl.u32 s1, $0x2  }
0xba: {  	s3 =	sand.u32 $0x4000, s31;
	s1 =	sadd.s32 s1, s30  }
0xbb: {  	s0 =	sor.u32 s3, s0;
	s1 =	sshll.u32 s1, $0x11  }
0xbc: {  	s0 =	sor.u32 s1, s0  }
0xbd: {  	s0 =	sadd.s32 $0x8F2B, s0  }
0xbe: {  	[sflag:s0] =	ssyncadd.remote.s32 $0x1  }
0xbf: {  	_ =	sfence.sel $0xFFFF  }
0xc0: {  	[dreg:$0x0] =	wrdreg $0xFFFFFFFF;
	(pc) =	sbr.abs _section_cstart, $3  }
0xc1: {  	[dreg:$0x1] =	wrdreg $0xFFFFFFFF  }
0xc2: {  	_ =	task.clear_ibuf [dreg:s7], $0x2FFFF;
	_ =	strace $0x9FFFFFFF  }
0xc3: {  	(tm) =	ssettm $0x7FFFFFFF  }
tec
execute0_lowered:
.L_overlay_start_1:
0x0: {  	(tag) =	ssettag $0x1  }
0x1: {  	s6 =	rddreg [dreg:$0x0]  }
0x2: {  	s4 =	rddreg [dreg:$0x1]  }
0x3: {  	s1 =	rddreg [dreg:$0x2]  }
0x4: {  	s0 =	rddreg [dreg:$0x3]  }
0x5: {  	s2 =	simm.s32 $0x0;
	s12 =	stileid.u32;
	s3 =	srdreg.scid  }
0x6: {  	s14 =	simm.s32 $0x0;
	[smem:$0x7FF] =	sst s2;
	s5 =	smul.u32 $0x2780, s12  }
0x7: {  	s7 =	sand.u32 $0x1, s3;
	s3 =	sadd.s32 $0x34A00, s4;
	s9 =	smul.u32 $0x4F000, s12  }
0x8: {  	s11 =	sshll.u32 s12, $0x6;
	p0 =	sne.s32 s12, $0x0;
	_ =	strace $0x80000047  }
0x9: {  	s8 =	smul.u32 $0x27800, s7;
	s10 =	sshll.u32 s7, $0x4;
	s29 =	ssub.s32 $0x2, s7  }
0xa: {  	s13 =	sshrl.u32 @!p0 s1, $0x3;
	s5 =	sadd.s32 s5, s4;
	s30 =	sor.u32 s12, s10  }
0xb: {  	s31 =	sshrl.u32 s29, $0x1;
	s9 =	sshrl.u32 s9, $0x2;
	s12 =	simm.s32 $0x80  }
0xc: {  	s8 =	sadd.s32 s8, s4;
	s7 =	smul.u32 $0x500, s30;
	s10 =	ssub.s32 s29, s31  }
0xd: {  	s9 =	sadd.s32 s9, s1;
	s4 =	sadd.s32 $0xD200, s5;
	s5 =	sor.u32 $0x1C01, s11  }
0xe: {  	s11 =	simm.s32 $0x2800;
	s9 =	sshrl.u32 s9, $0x3;
	s6 =	sadd.s32 s6, s7  }
0xf: {  	s7 =	sadd.s32 $0x35200, s8;
	s8 =	smax.u32 s10, $0x1;
	s10 =	simm.s32 $0x1  }
.LBB2_1:
0x10: {  	[spmem:s9], [sflag:s5] =	dma.local [hbm:s4], $0x2780  }
0x11: {  	_ =	swait.ge [sflag:s10], $0x2780  }
0x12: {  	[sflag:s10] =	ssyncset.done $0x0  }
0x13: {  	[sflag:s10] =	ssyncadd.s32 $0xFFFFD880  }
0x14: {  	[tilespmem:s2], [sflag:$0x1] =	stream.linear.gather [hbm4b:s6+s2], $0x2800, $0x38;
	[tilespmem:$0x1A400] =	vst v63  }
0x15: {  	_ =	swait.ge [sflag:s10], $0x2800  }
0x16: {  	[sflag:s10] =	ssyncset.done $0x0  }
0x17: {  	[sflag:s10] =	ssyncadd.s32 $0xFFFFD800  }
0x18: {  	[tilespmem:s11], [sflag:$0x1] =	stream.linear.gather [hbm4b:s3+s2], $0x4000, $0x38;
	[tilespmem:$0x1A400] =	vst v63  }
0x19: {  	_ =	swait.ge [sflag:s10], $0x4000  }
0x1a: {  	[sflag:s10] =	ssyncset.done $0x0  }
0x1b: {  	[sflag:s10] =	ssyncadd.s32 $0xFFFFC000  }
0x1c: {  	s15 =	simm.s32 $0x0;
	[bflag:$0x0] =	sbarrier.arrive $0xFFFF  }
0x1d: {  	[spmem:s1] =	stream.indirect.scatter.add.f32 [tilespmem:s11], [sflag:$0x1], $0x80, s15, s12, $0xb8;
	[tilespmem:$0x1A400] =	vst v63  }
0x1e: {  	_ =	swait.ge [sflag:s10], $0x4000  }
0x1f: {  	s15 =	simm.s32 $0x200;
	[sflag:s10] =	ssyncset.done $0x0  }
.LBB2_2:
0x20: {  	s16 =	sshra.s32 s15, $0x2;
	[sflag:s10] =	ssyncadd.s32 $0xFFFFC000;
	p1 =	sne.s32 s15, $0x9E00  }
0x21: {  	[spmem:s1] =	stream.indirect.scatter.add.f32 [tilespmem:s11], [sflag:$0x1], $0x80, s16, s12, $0xb8;
	[tilespmem:$0x1A400] =	vst v63  }
.Ltmp0:
0x22: {  	_ = 	snop;
	(pc) =	sbr.rel @p1 .LBB2_2-.Ltmp0, $4  }
0x23: {  	_ = 	snop  }
0x24: {  	s15 =	sadd.s32 $0x200, s15  }
0x25: {  	_ =	swait.ge [sflag:s10], $0x4000  }
0x26: {  	[sflag:s10] =	ssyncset.done $0x0  }
0x27: {  	s14 =	sadd.s32 $0x1, s14  }
0x28: {  	[sflag:s10] =	ssyncadd.s32 $0xFFFFC000;
	p1 =	sne.s32 s14, s8  }
.Ltmp1:
0x29: {  	s15 =	simm.s32 @!p0 $0x1;
	[bflag:$0x0] =	sbarrier.arrive $0xFFFF;
	(pc) =	sbr.rel @p1 .LBB2_1-.Ltmp1, $4  }
0x2a: {  	[hbm:s7], [sflag:s5] =	dma.local @!p0 [spmem:s13], $0x27800  }
0x2b: {  	_ =	swait.ge @!p0 [sflag:s15], $0x27800  }
0x2c: {  	[sflag:s15] =	ssyncset.done @!p0 $0x0  }
0x2d: {  	[sflag:s15] =	ssyncadd.s32 @!p0 $0xFFFD8800  }
0x2e: {  	_ =	sfence.sel $0x180000  }
0x2f: {  	[bflag:$0x0] =	sbarrier.arrive $0xFFFF  }
0x30: {  	_ =	strace $0x90000047  }
0x31: {  	s0 =	sadd.s32 @!p0 $0x100000, s0;
	[bflag:$0x2] =	sbarrier.arrive $0xFFFF  }
0x32: {  	[sflag:s0] =	ssyncadd.tile.s32 @!p0 $0x1;
	_ =	shalt  }
.Lfunc_end2:
_tile_overlayer_lowered:
.L_overlay_start_2:
0x33: {  	(tag) =	ssettag $0x2  }
0x34: {  	s0 =	rddreg [dreg:$0x0];
	s2 =	stileid.u32  }
0x35: {  	s1 =	rddreg [dreg:$0x1];
	p0 =	sne.s32 s2, $0x0  }
0x36: {  	s3 =	rddreg [dreg:$0x2];
	[bflag:$0x3] =	sbarrier.arrive $0xFFFF;
	s2 =	simm.s32 @!p0 $0x1C01  }
0x37: {  	[timem:s3], [sflag:s2] =	dma.local @!p0 [hbm:s0], s1  }
0x38: {  	s0 =	simm.s32 @!p0 $0x1  }
0x39: {  	_ =	swait.ge @!p0 [sflag:s0], s1  }
0x3a: {  	s1 =	ssub.s32 @!p0 $0x0, s1;
	[sflag:s0] =	ssyncset.done @!p0 $0x0  }
0x3b: {  	[sflag:s0] =	ssyncadd.s32 @!p0 s1  }
0x3c: {  	[bflag:$0x3] =	sbarrier.arrive $0xFFFF  }
0x3d: {  	_ =	shalt  }

// kernel: kernel.13.cloned.1.call-start
scs
__scs_entry_jumppad:
0x0: {  	(pc) =	sbr.rel $0x88, $3  }
0x1: {  	(tag) =	ssettag $0x0;
	lr =	simm.s32 $0x1  }
0x2: {  	[smem:$0x3F99] =	sst lr;
	_ =	strace $0xD0000000  }
0x3: {  	_ = 	snop  }
0x4: {  	_ = 	snop  }
0x5: {  	_ = 	snop  }
0x6: {  	_ = 	snop  }
0x7: {  	_ = 	snop  }
__scs_overlays_trampoline_lowered:
0x8: {  	[smem:$0x3FA8] =	sst s0  }
0x9: {  	[smem:$0x3FA9] =	sst s1  }
0xa: {  	[smem:$0x3FAA] =	sst s2  }
0xb: {  	[smem:$0x3FAB] =	sst s3  }
0xc: {  	[smem:$0x3FAC] =	sst s4  }
0xd: {  	[smem:$0x3FAD] =	sst s5  }
0xe: {  	[smem:$0x3FAE] =	sst s6  }
0xf: {  	[smem:$0x3FAF] =	sst s7  }
0x10: {  	[smem:$0x3FB0] =	sst s8  }
0x11: {  	[smem:$0x3FB1] =	sst s9;
	s0 =	simm.s32 @!p0 $0x0  }
0x12: {  	s1 =	sld [smem:$0x3F97];
	s0 =	simm.s32 @p0 $0x1  }
0x13: {  	[smem:$0x3FB2] =	sst s0;
	s0 =	simm.s32 @!p1 $0x0  }
0x14: {  	s2 =	sld [smem:$0x3F96];
	s0 =	simm.s32 @p1 $0x1  }
0x15: {  	[smem:$0x3FB3] =	sst s0;
	s0 =	simm.s32 @!p2 $0x0  }
0x16: {  	s3 =	sld [smem:$0x3FDB];
	s0 =	simm.s32 @p2 $0x1  }
0x17: {  	s4 =	simm.s32 $0x1BF5;
	[smem:$0x3FB5] =	sst s0  }
0x18: {  	s0 =	sld [smem:$0x3F98];
	_ =	swait.ge [sflag:s4], $0x0  }
0x19: {  	s7 =	sld [smem:$0x3F99]  }
0x1a: {  	s8 =	sadd.s32 $0xFFFFE003, lr  }
0x1b: {  	s9 =	sadd.s32 $0xFFFFFEF7, lr;
	s5 =	simm.s32 $0xFFFFFFFF;
	p2 =	slt.u32 s8, $0xFFFFF086  }
0x1c: {  	p1 =	slt.u32 s9, $0xF7A;
	s5 =	simm.s32 @!p2 $0x0  }
0x1d: {  	s5 =	simm.s32 @p1 $0x1;
	p0 =	seq.s32 s7, s2  }
0x1e: {  	s7 =	smul.u32 @!p0 $0xF7A, s2;
	p2 =	seq.s32 @!p0 s5, $0x0  }
0x1f: {  	s9 =	smul.u32 $0xF7A, s1;
	s8 =	simm.s32 @!p0 $0x1BF5;
	p2 =	por !p2, p0  }
0x20: {  	[sflag:s8] =	ssyncset.s32 @!p0 $0xFFFFF086;
	s6 =	sadd.s32 @!p0 s3, s7;
	s7 =	simm.s32 @!p0 $0x108  }
0x21: {  	s3 =	sadd.s32 s3, s9;
	s6 =	sadd.s32 @!p0 $0x88, s6;
	s7 =	simm.s32 @p2 $0x1082  }
0x22: {  	[simem:s7], [sflag:s8] =	dma.local @!p0 [hbm:s6], $0xF7A  }
0x23: {  	s9 =	sor.u32 $0xD0000000, s2;
	s6 =	simm.s32 $0x108;
	_ =	swait.ge @!p0 [sflag:s8], $0x0  }
0x24: {  	s3 =	sadd.s32 $0x88, s3;
	s6 =	simm.s32 @!p1 $0x1082;
	[sflag:s4] =	ssyncset.s32 $0xFFFFF086  }
0x25: {  	[simem:s6], [sflag:s4] =	dma.local [hbm:s3], $0xF7A  }
0x26: {  	[smem:$0x3F99] =	sst s1;
	(tag) =	ssettag s2;
	_ =	strace s9  }
0x27: {  	s1 =	sld [smem:$0x3FA9]  }
0x28: {  	s2 =	sld [smem:$0x3FAA]  }
0x29: {  	s4 =	sld [smem:$0x3FAC]  }
0x2a: {  	p0 =	seq.s32 s5, $0x0;
	s5 =	sld [smem:$0x3FAD]  }
0x2b: {  	s6 =	sld [smem:$0x3FAE]  }
0x2c: {  	s7 =	sld [smem:$0x3FAF]  }
0x2d: {  	s3 =	simm.s32 $0x108;
	s8 =	sld [smem:$0x3FB0]  }
0x2e: {  	s3 =	simm.s32 @!p0 $0x1082;
	s9 =	sld [smem:$0x3FB1]  }
0x2f: {  	lr =	sadd.s32 s0, s3;
	s0 =	sld [smem:$0x3FA8]  }
0x30: {  	s3 =	sld [smem:$0x3FAB]  }
0x31: {  	[smem:$0x3FB4] =	sst s10  }
0x32: {  	s10 =	sld [smem:$0x3FB2];
	_ =	sdelay $0x3  }
0x33: {  	p0 =	seq.s32 s10, $0x1;
	s10 =	sld [smem:$0x3FB4];
	_ =	sdelay $0x3  }
0x34: {  	[smem:$0x3FB4] =	sst s10  }
0x35: {  	s10 =	sld [smem:$0x3FB3];
	_ =	sdelay $0x3  }
0x36: {  	p1 =	seq.s32 s10, $0x1;
	s10 =	sld [smem:$0x3FB4];
	_ =	sdelay $0x3  }
0x37: {  	[smem:$0x3FB4] =	sst s10  }
0x38: {  	s10 =	sld [smem:$0x3FB5]  }
0x39: {  	_ = 	snop;
	(pc) =	sbr.ind lr, $3  }
0x3a: {  	_ = 	snop  }
0x3b: {  	_ = 	snop  }
0x3c: {  	p2 =	seq.s32 s10, $0x1;
	s10 =	sld [smem:$0x3FB4]  }
0x3d: {  	_ =	shalt  }
0x3e: {  	_ =	shalt  }
0x3f: {  	_ =	shalt  }
0x40: {  	_ =	shalt  }
0x41: {  	_ =	shalt  }
0x42: {  	_ =	shalt  }
0x43: {  	_ =	shalt  }
0x44: {  	_ =	shalt  }
0x45: {  	_ =	shalt  }
0x46: {  	_ =	shalt  }
0x47: {  	_ =	shalt  }
0x48: {  	_ =	shalt  }
0x49: {  	_ =	shalt  }
0x4a: {  	_ =	shalt  }
0x4b: {  	_ =	shalt  }
0x4c: {  	_ =	shalt  }
0x4d: {  	_ =	shalt  }
0x4e: {  	_ =	shalt  }
0x4f: {  	_ =	shalt  }
0x50: {  	_ =	shalt  }
0x51: {  	_ =	shalt  }
0x52: {  	_ =	shalt  }
0x53: {  	_ =	shalt  }
0x54: {  	_ =	shalt  }
0x55: {  	_ =	shalt  }
0x56: {  	_ =	shalt  }
0x57: {  	_ =	shalt  }
0x58: {  	_ =	shalt  }
0x59: {  	_ =	shalt  }
0x5a: {  	_ =	shalt  }
0x5b: {  	_ =	shalt  }
0x5c: {  	_ =	shalt  }
0x5d: {  	_ =	shalt  }
0x5e: {  	_ =	shalt  }
0x5f: {  	_ =	shalt  }
0x60: {  	_ =	shalt  }
0x61: {  	_ =	shalt  }
0x62: {  	_ =	shalt  }
0x63: {  	_ =	shalt  }
0x64: {  	_ =	shalt  }
0x65: {  	_ =	shalt  }
0x66: {  	_ =	shalt  }
0x67: {  	_ =	shalt  }
0x68: {  	_ =	shalt  }
0x69: {  	_ =	shalt  }
0x6a: {  	_ =	shalt  }
0x6b: {  	_ =	shalt  }
0x6c: {  	_ =	shalt  }
0x6d: {  	_ =	shalt  }
0x6e: {  	_ =	shalt  }
0x6f: {  	_ =	shalt  }
0x70: {  	_ =	shalt  }
0x71: {  	_ =	shalt  }
0x72: {  	_ =	shalt  }
0x73: {  	_ =	shalt  }
0x74: {  	_ =	shalt  }
0x75: {  	_ =	shalt  }
0x76: {  	_ =	shalt  }
0x77: {  	_ =	shalt  }
0x78: {  	_ =	shalt  }
0x79: {  	_ =	shalt  }
0x7a: {  	_ =	shalt  }
0x7b: {  	_ =	shalt  }
0x7c: {  	_ =	shalt  }
0x7d: {  	_ =	shalt  }
0x7e: {  	_ =	shalt  }
0x7f: {  	_ =	shalt  }
0x80: {  	_ =	shalt  }
0x81: {  	_ =	shalt  }
0x82: {  	_ =	shalt  }
0x83: {  	_ =	shalt  }
0x84: {  	_ =	shalt  }
0x85: {  	_ =	shalt  }
0x86: {  	_ =	shalt  }
0x87: {  	_ =	shalt  }
.Lfunc_end0:
.L_simem_size_0:
called_computation.1_lowered:
.L_overlay_start_0:
0x88: {  	s2 =	sld [smem:$0x3FD9]  }
0x89: {  	s3 =	sld [smem:$0x3FFE];
	_ =	sdelay $0x1  }
0x8a: {  	s1 =	srdreg.scid  }
0x8b: {  	s0 =	sand.u32 $0x1, s1  }
0x8c: {  	s17 =	sshll.u32 s0, $0xA;
	s2 =	sadd.s32 s3, s2  }
0x8d: {  	s2 =	sadd.s32 s2, s17  }
0x8e: {  	[smem:$0x3FC0] =	sst s2  }
0x8f: {  	_ = 	snop  }
0x90: {  	s2 =	sld [smem:$0x3FD0];
	(tm) =	ssettm $0x1  }
0x91: {  	s18 =	sld [smem:$0x3FFB];
	_ =	sdelay $0x3  }
0x92: {  	_ =	strace s18  }
0x93: {  	s3 =	sld [smem:$0x3FFC];
	_ =	sdelay $0x3  }
0x94: {  	_ =	strace s3  }
0x95: {  	s3 =	sld [smem:$0x3FFD];
	_ =	sdelay $0x3  }
0x96: {  	_ =	strace s3  }
0x97: {  	_ =	strace $0x8FFFFFFF  }
0x98: {  	s19 =	sld [smem:$0x3FDB];
	_ =	sdelay $0x1  }
0x99: {  	s4 =	simm.s32 $_scs_section_size  }
0x9a: {  	s5 =	simm.s32 $_size__tile_overlayer_lowered;
	s6 =	simm.s32 $_tile_overlayer_lowered  }
0x9b: {  	s22 =	simm.s32 $0x1BFF;
	s21 =	sshll.u32 s6, $0x1;
	s3 =	sadd.s32 s4, s19  }
0x9c: {  	s7 =	simm.s32 $0x0;
	s20 =	sshll.u32 s5, $0x1;
	s5 =	sadd.s32 s21, s3  }
0x9d: {  	[timem:s7], [sflag:s22] =	dma.local [hbm:s5], s20  }
0x9e: {  	_ =	swait.ge [sflag:s22], s20  }
0x9f: {  	s4 =	ssub.s32 $0x0, s20;
	[sflag:s22] =	ssyncset.done $0x0  }
0xa0: {  	[sflag:s22] =	ssyncadd.s32 s4;
	_ =	sdelay $0x1  }
0xa1: {  	s23 =	simm.s32 $0x1B8B  }
0xa2: {  	_ =	swait.ge [sflag:s23], $0x1  }
0xa3: {  	[sflag:s23] =	ssyncset.done $0x0  }
0xa4: {  	s25 =	simm.s32 $0x1B8E;
	s24 =	sld [smem:$0x3FFE];
	[sflag:s23] =	ssyncadd.s32 $0xFFFFFFFF  }
0xa5: {  	s26 =	simm.s32 $execute0_lowered;
	[smem:$0x3FD2] =	sst s25  }
0xa6: {  	s5 =	sshll.u32 s26, $0x1;
	_ =	strace $0x80000049;
	[dreg:$0x1] =	wrdreg $0xFFFFFFFF  }
0xa7: {  	s28 =	simm.s32 $_size_execute0_lowered;
	s3 =	sadd.s32 s3, s5;
	[dreg:$0x0] =	wrdreg $0x0  }
0xa8: {  	s5 =	sshll.u32 s28, $0x1;
	[dreg:$0x2] =	wrdreg s3  }
0xa9: {  	[dreg:$0x3] =	wrdreg s5  }
0xaa: {  	[dreg:$0x4] =	wrdreg $0xC0  }
0xab: {  	_ =	task [dreg:s7], $0x5FFFF  }
0xac: {  	[dreg:$0x1] =	wrdreg $0xFFFFFFFF  }
0xad: {  	[dreg:$0x0] =	wrdreg $0x60  }
0xae: {  	[dreg:$0x2] =	wrdreg s24  }
0xaf: {  	[dreg:$0x3] =	wrdreg s2  }
0xb0: {  	[dreg:$0x4] =	wrdreg $0xA0000  }
0xb1: {  	[dreg:$0x5] =	wrdreg $0x9  }
0xb2: {  	_ =	task.clear_ibuf [dreg:s7], $0x6FFFF;
	_ =	strace $0x90000049  }
0xb3: {  	s29 =	simm.s32 $0x9;
	_ =	strace $0x8000004B  }
0xb4: {  	_ =	swait.ge [sflag:s29], $0x1  }
0xb5: {  	[sflag:s29] =	ssyncadd.s32 $0xFFFFFFFF  }
0xb6: {  	_ =	strace $0x9000004B  }
0xb7: {  	_ =	sfence  }
0xb8: {  	s30 =	sld [smem:$0x0];
	_ =	sdelay $0x2  }
0xb9: {  	s31 =	sshll.u32 s1, $0xD;
	s1 =	sshrl.u32 s1, $0x2  }
0xba: {  	s3 =	sand.u32 $0x4000, s31;
	s1 =	sadd.s32 s1, s30  }
0xbb: {  	s0 =	sor.u32 s3, s0;
	s1 =	sshll.u32 s1, $0x11  }
0xbc: {  	s0 =	sor.u32 s1, s0  }
0xbd: {  	s0 =	sadd.s32 $0x8F2B, s0  }
0xbe: {  	[sflag:s0] =	ssyncadd.remote.s32 $0x1  }
0xbf: {  	_ =	sfence.sel $0xFFFF  }
0xc0: {  	[dreg:$0x0] =	wrdreg $0xFFFFFFFF;
	(pc) =	sbr.abs _section_cstart, $3  }
0xc1: {  	[dreg:$0x1] =	wrdreg $0xFFFFFFFF  }
0xc2: {  	_ =	task.clear_ibuf [dreg:s7], $0x2FFFF;
	_ =	strace $0x9FFFFFFF  }
0xc3: {  	(tm) =	ssettm $0x7FFFFFFF  }
tec
execute0_lowered:
.L_overlay_start_1:
0x0: {  	(tag) =	ssettag $0x1  }
0x1: {  	s0 =	rddreg [dreg:$0x0]  }
0x2: {  	s12 =	rddreg [dreg:$0x1]  }
0x3: {  	s1 =	rddreg [dreg:$0x2];
	s2 =	simm.s32 $0x0  }
0x4: {  	s16 =	stileid.u32;
	s4 =	srdreg.scid;
	s17 =	simm.s32 $0x1  }
0x5: {  	s20 =	simm.s32 $0x40;
	s28 =	simm.s32 $0x3;
	s29 =	simm.s32 $0x0  }
0x6: {  	[smem:$0x7FF] =	sst s2;
	s3 =	sadd.s32 $0x34A00, s0;
	s5 =	smul.u32 $0x2780, s16  }
0x7: {  	s4 =	sand.u32 $0x1, s4;
	s13 =	sadd.s32 $0x3200, s0;
	s8 =	smul.u32 $0x4F000, s16  }
0x8: {  	s24 =	sshll.u32 s16, $0x6;
	s25 =	smul.u32 $0x2800, s16;
	p0 =	sne.s32 s16, $0x0  }
0x9: {  	_ =	strace $0x8000004A;
	s6 =	smul.u32 $0x27800, s4;
	s7 =	sshll.u32 s4, $0x4  }
0xa: {  	s21 =	ssub.s32 $0x2, s4;
	s22 =	smul.u32 $0x28000, s4;
	s7 =	sor.u32 s16, s7  }
0xb: {  	s5 =	sadd.s32 s5, s0;
	s10 =	sshrl.u32 s21, $0x1;
	s9 =	smul.u32 $0x500, s7  }
0xc: {  	s8 =	sshrl.u32 s8, $0x2;
	s0 =	sadd.s32 s6, s0;
	s7 =	smul.u32 $0x2800, s7  }
0xd: {  	s11 =	ssub.s32 s21, s10;
	s14 =	sadd.s32 s8, s1;
	s23 =	sadd.s32 $0xD200, s5  }
0xe: {  	s5 =	sor.u32 $0x1C04, s24;
	s10 =	sadd.s32 s25, s22;
	s21 =	simm.s32 $0x2000  }
0xf: {  	s22 =	simm.s32 $0x4000;
	s24 =	simm.s32 $0x6000;
	s25 =	simm.s32 $0x8000  }
0x10: {  	[dreg:$0x4] =	wrdreg s23;
	s31 =	sadd.s32 $0x1000, s10;
	s10 =	sadd.s32 $0x5BC00, s0  }
0x11: {  	s11 =	smax.u32 s11, $0x1;
	s14 =	sshrl.u32 s14, $0x3;
	s23 =	simm.s32 $0x2  }
0x12: {  	s26 =	sadd.s32 s13, s9;
	s15 =	sshrl.u32 s7, $0x3;
	s7 =	sadd.s32 s12, s9  }
0x13: {  	[dreg:$0x5] =	wrdreg s26;
	s30 =	sadd.s32 $0x100, s15;
	s15 =	sshrl.u32 s31, $0x3  }
0x14: {  	s26 =	simm.s32 $0x80;
	s8 =	sadd.s32 s13, s30;
	s9 =	sadd.s32 s12, s30  }
0x15: {  	s0 =	sadd.s32 s15, s12;
	s13 =	sadd.s32 s15, s13;
	s15 =	simm.s32 $0x4  }
.LBB2_1:
0x16: {  	s4 =	rddreg [dreg:$0x4]  }
0x17: {  	[spmem:s14], [sflag:s5] =	dma.local [hbm:s4], $0x2780  }
0x18: {  	_ =	swait.ge [sflag:s15], $0x2780  }
0x19: {  	[sflag:s15] =	ssyncset.done $0x0  }
0x1a: {  	[sflag:s15] =	ssyncadd.s32 $0xFFFFD880  }
0x1b: {  	[bflag:$0x0] =	sbarrier.arrive $0xFFFF  }
0x1c: {  	s12 =	rddreg [dreg:$0x5]  }
0x1d: {  	[tilespmem:s2], [sflag:$0x1] =	stream.linear.gather [hbm4b:s12+s2], $0x800, $0x38;
	[tilespmem:$0x1DC00] =	vst v63  }
0x1e: {  	s16 =	simm.s32 $0x1000  }
0x1f: {  	[tilespmem:s16], [sflag:$0x1] =	stream.linear.gather [hbm4b:s7+s2], $0x800, $0x38;
	[tilespmem:$0x1DC00] =	vst v63  }
0x20: {  	_ =	swait.ge [sflag:s17], $0x800  }
0x21: {  	[sflag:s17] =	ssyncset.done $0x0  }
0x22: {  	[sflag:s17] =	ssyncadd.s32 $0xFFFFF800  }
0x23: {  	_ =	swait.ge [sflag:s17], $0x800  }
0x24: {  	[sflag:s17] =	ssyncset.done $0x0  }
0x25: {  	s18 =	simm.s32 $0x800;
	[sflag:s17] =	ssyncadd.s32 $0xFFFFF800  }
0x26: {  	[tilespmem:s18], [sflag:$0x1] =	stream.linear.gather [hbm4b:s8+s2], $0x800, $0x38;
	[tilespmem:$0x1DC00] =	vst v63  }
0x27: {  	s19 =	simm.s32 $0x1800  }
0x28: {  	[tilespmem:s19], [sflag:$0x1] =	stream.linear.gather [hbm4b:s9+s2], $0x800, $0x38;
	[tilespmem:$0x1DC00] =	vst v63  }
0x29: {  	s30 =	simm.s32 $0x0  }
0x2a: {  	[tilespmem:s21], [sflag:$0x2] =	stream.indirect.gather [hbm4b:s3+s20], $0x80, s2, s20, $0xb8;
	[tilespmem:$0x1DC00] =	vst v63  }
0x2b: {  	s31 =	smov.u32 s13;
	s12 =	smov.u32 s0;
	s16 =	simm.s32 $0x0  }
0x2c: {  	[tilespmem:s22], [sflag:$0x2] =	stream.indirect.gather [hbm4b:s3+s20], $0x80, s20, s20, $0xb8;
	[tilespmem:$0x1DC00] =	vst v63  }
.LBB2_2:
0x2d: {  	_ =	swait.ge [sflag:s23], $0x4000  }
0x2e: {  	s18 =	sand.u32 $0x800, s30;
	[sflag:s23] =	ssyncset.done $0x0  }
0x2f: {  	s19 =	sor.u32 $0x80, s18;
	[sflag:s23] =	ssyncadd.s32 $0xFFFFC000  }
0x30: {  	[tilespmem:s24], [sflag:$0x3] =	stream.indirect.gather [hbm4b:s3+s20], $0x80, s19, s20, $0xb8;
	[tilespmem:$0x1DC00] =	vst v63  }
0x31: {  	s4 =	sor.u32 $0xC0, s18  }
0x32: {  	[tilespmem:s25], [sflag:$0x3] =	stream.indirect.gather [hbm4b:s3+s20], $0x80, s4, s20, $0xb8;
	[tilespmem:$0x1DC00] =	vst v63  }
0x33: {  	s19 =	sor.u32 $0x1000, s18  }
0x34: {  	[spmem:s1] =	stream.indirect.scatter.add.f32 [tilespmem:s21], [sflag:$0x4], $0x80, s19, s26, $0xb8;
	[tilespmem:$0x1DC00] =	vst v63  }
0x35: {  	_ =	swait.ge [sflag:s15], $0x4000  }
0x36: {  	[sflag:s15] =	ssyncset.done $0x0  }
0x37: {  	[sflag:s15] =	ssyncadd.s32 $0xFFFFC000  }
0x38: {  	_ =	swait.ge [sflag:s28], $0x4000  }
0x39: {  	[sflag:s28] =	ssyncset.done $0x0  }
0x3a: {  	s4 =	sor.u32 $0x100, s18;
	[sflag:s28] =	ssyncadd.s32 $0xFFFFC000  }
0x3b: {  	[tilespmem:s21], [sflag:$0x2] =	stream.indirect.gather [hbm4b:s3+s20], $0x80, s4, s20, $0xb8;
	[tilespmem:$0x1DC00] =	vst v63  }
0x3c: {  	s6 =	sor.u32 $0x140, s18  }
0x3d: {  	[tilespmem:s22], [sflag:$0x2] =	stream.indirect.gather [hbm4b:s3+s20], $0x80, s6, s20, $0xb8;
	[tilespmem:$0x1DC00] =	vst v63  }
0x3e: {  	s6 =	sor.u32 $0x1080, s18  }
0x3f: {  	[spmem:s1] =	stream.indirect.scatter.add.f32 [tilespmem:s24], [sflag:$0x4], $0x80, s6, s26, $0xb8;
	[tilespmem:$0x1DC00] =	vst v63  }
0x40: {  	_ =	swait.ge [sflag:s15], $0x4000  }
0x41: {  	[sflag:s15] =	ssyncset.done $0x0  }
0x42: {  	[sflag:s15] =	ssyncadd.s32 $0xFFFFC000  }
0x43: {  	_ =	swait.ge [sflag:s23], $0x4000  }
0x44: {  	[sflag:s23] =	ssyncset.done $0x0  }
0x45: {  	s6 =	sor.u32 $0x180, s18;
	[sflag:s23] =	ssyncadd.s32 $0xFFFFC000  }
0x46: {  	[tilespmem:s24], [sflag:$0x3] =	stream.indirect.gather [hbm4b:s3+s20], $0x80, s6, s20, $0xb8;
	[tilespmem:$0x1DC00] =	vst v63  }
0x47: {  	s6 =	sor.u32 $0x1C0, s18  }
0x48: {  	[tilespmem:s25], [sflag:$0x3] =	stream.indirect.gather [hbm4b:s3+s20], $0x80, s6, s20, $0xb8;
	[tilespmem:$0x1DC00] =	vst v63  }
0x49: {  	s6 =	sor.u32 $0x1100, s18  }
0x4a: {  	[spmem:s1] =	stream.indirect.scatter.add.f32 [tilespmem:s21], [sflag:$0x4], $0x80, s6, s26, $0xb8;
	[tilespmem:$0x1DC00] =	vst v63  }
0x4b: {  	_ =	swait.ge [sflag:s15], $0x4000  }
0x4c: {  	[sflag:s15] =	ssyncset.done $0x0  }
0x4d: {  	[sflag:s15] =	ssyncadd.s32 $0xFFFFC000  }
0x4e: {  	_ =	swait.ge [sflag:s28], $0x4000  }
0x4f: {  	[sflag:s28] =	ssyncset.done $0x0  }
0x50: {  	s6 =	sor.u32 $0x200, s18;
	[sflag:s28] =	ssyncadd.s32 $0xFFFFC000  }
0x51: {  	[tilespmem:s21], [sflag:$0x2] =	stream.indirect.gather [hbm4b:s3+s20], $0x80, s6, s20, $0xb8;
	[tilespmem:$0x1DC00] =	vst v63  }
0x52: {  	s6 =	sor.u32 $0x240, s18  }
0x53: {  	[tilespmem:s22], [sflag:$0x2] =	stream.indirect.gather [hbm4b:s3+s20], $0x80, s6, s20, $0xb8;
	[tilespmem:$0x1DC00] =	vst v63  }
0x54: {  	s6 =	sor.u32 $0x1180, s18  }
0x55: {  	[spmem:s1] =	stream.indirect.scatter.add.f32 [tilespmem:s24], [sflag:$0x4], $0x80, s6, s26, $0xb8;
	[tilespmem:$0x1DC00] =	vst v63  }
0x56: {  	_ =	swait.ge [sflag:s15], $0x4000  }
0x57: {  	[sflag:s15] =	ssyncset.done $0x0  }
0x58: {  	[sflag:s15] =	ssyncadd.s32 $0xFFFFC000  }
0x59: {  	_ =	swait.ge [sflag:s23], $0x4000  }
0x5a: {  	[sflag:s23] =	ssyncset.done $0x0  }
0x5b: {  	s6 =	sor.u32 $0x280, s18;
	[sflag:s23] =	ssyncadd.s32 $0xFFFFC000  }
0x5c: {  	[tilespmem:s24], [sflag:$0x3] =	stream.indirect.gather [hbm4b:s3+s20], $0x80, s6, s20, $0xb8;
	[tilespmem:$0x1DC00] =	vst v63  }
0x5d: {  	s6 =	sor.u32 $0x2C0, s18  }
0x5e: {  	[tilespmem:s25], [sflag:$0x3] =	stream.indirect.gather [hbm4b:s3+s20], $0x80, s6, s20, $0xb8;
	[tilespmem:$0x1DC00] =	vst v63  }
0x5f: {  	s6 =	sor.u32 $0x1200, s18  }
0x60: {  	[spmem:s1] =	stream.indirect.scatter.add.f32 [tilespmem:s21], [sflag:$0x4], $0x80, s6, s26, $0xb8;
	[tilespmem:$0x1DC00] =	vst v63  }
0x61: {  	_ =	swait.ge [sflag:s15], $0x4000  }
0x62: {  	[sflag:s15] =	ssyncset.done $0x0  }
0x63: {  	[sflag:s15] =	ssyncadd.s32 $0xFFFFC000  }
0x64: {  	_ =	swait.ge [sflag:s28], $0x4000  }
0x65: {  	[sflag:s28] =	ssyncset.done $0x0  }
0x66: {  	s6 =	sor.u32 $0x300, s18;
	[sflag:s28] =	ssyncadd.s32 $0xFFFFC000  }
0x67: {  	[tilespmem:s21], [sflag:$0x2] =	stream.indirect.gather [hbm4b:s3+s20], $0x80, s6, s20, $0xb8;
	[tilespmem:$0x1DC00] =	vst v63  }
0x68: {  	s6 =	sor.u32 $0x340, s18  }
0x69: {  	[tilespmem:s22], [sflag:$0x2] =	stream.indirect.gather [hbm4b:s3+s20], $0x80, s6, s20, $0xb8;
	[tilespmem:$0x1DC00] =	vst v63  }
0x6a: {  	s6 =	sor.u32 $0x1280, s18  }
0x6b: {  	[spmem:s1] =	stream.indirect.scatter.add.f32 [tilespmem:s24], [sflag:$0x4], $0x80, s6, s26, $0xb8;
	[tilespmem:$0x1DC00] =	vst v63  }
0x6c: {  	_ =	swait.ge [sflag:s15], $0x4000  }
0x6d: {  	[sflag:s15] =	ssyncset.done $0x0  }
0x6e: {  	[sflag:s15] =	ssyncadd.s32 $0xFFFFC000  }
0x6f: {  	_ =	swait.ge [sflag:s23], $0x4000  }
0x70: {  	[sflag:s23] =	ssyncset.done $0x0  }
0x71: {  	s6 =	sor.u32 $0x380, s18;
	[sflag:s23] =	ssyncadd.s32 $0xFFFFC000  }
0x72: {  	[tilespmem:s24], [sflag:$0x3] =	stream.indirect.gather [hbm4b:s3+s20], $0x80, s6, s20, $0xb8;
	[tilespmem:$0x1DC00] =	vst v63  }
0x73: {  	s6 =	sor.u32 $0x3C0, s18  }
0x74: {  	[tilespmem:s25], [sflag:$0x3] =	stream.indirect.gather [hbm4b:s3+s20], $0x80, s6, s20, $0xb8;
	[tilespmem:$0x1DC00] =	vst v63  }
0x75: {  	s6 =	sor.u32 $0x1300, s18  }
0x76: {  	[spmem:s1] =	stream.indirect.scatter.add.f32 [tilespmem:s21], [sflag:$0x4], $0x80, s6, s26, $0xb8;
	[tilespmem:$0x1DC00] =	vst v63  }
0x77: {  	_ =	swait.ge [sflag:s15], $0x4000  }
0x78: {  	[sflag:s15] =	ssyncset.done $0x0  }
0x79: {  	[sflag:s15] =	ssyncadd.s32 $0xFFFFC000  }
0x7a: {  	_ =	swait.ge [sflag:s28], $0x4000  }
0x7b: {  	[sflag:s28] =	ssyncset.done $0x0  }
0x7c: {  	s6 =	sor.u32 $0x400, s18;
	[sflag:s28] =	ssyncadd.s32 $0xFFFFC000  }
0x7d: {  	[tilespmem:s21], [sflag:$0x2] =	stream.indirect.gather [hbm4b:s3+s20], $0x80, s6, s20, $0xb8;
	[tilespmem:$0x1DC00] =	vst v63  }
0x7e: {  	s6 =	sor.u32 $0x440, s18  }
0x7f: {  	[tilespmem:s22], [sflag:$0x2] =	stream.indirect.gather [hbm4b:s3+s20], $0x80, s6, s20, $0xb8;
	[tilespmem:$0x1DC00] =	vst v63  }
0x80: {  	s6 =	sor.u32 $0x1380, s18  }
0x81: {  	[spmem:s1] =	stream.indirect.scatter.add.f32 [tilespmem:s24], [sflag:$0x4], $0x80, s6, s26, $0xb8;
	[tilespmem:$0x1DC00] =	vst v63  }
0x82: {  	_ =	swait.ge [sflag:s15], $0x4000  }
0x83: {  	[sflag:s15] =	ssyncset.done $0x0  }
0x84: {  	[sflag:s15] =	ssyncadd.s32 $0xFFFFC000  }
0x85: {  	_ =	swait.ge [sflag:s23], $0x4000  }
0x86: {  	[sflag:s23] =	ssyncset.done $0x0  }
0x87: {  	s6 =	sor.u32 $0x480, s18;
	[sflag:s23] =	ssyncadd.s32 $0xFFFFC000  }
0x88: {  	[tilespmem:s24], [sflag:$0x3] =	stream.indirect.gather [hbm4b:s3+s20], $0x80, s6, s20, $0xb8;
	[tilespmem:$0x1DC00] =	vst v63  }
0x89: {  	s6 =	sor.u32 $0x4C0, s18  }
0x8a: {  	[tilespmem:s25], [sflag:$0x3] =	stream.indirect.gather [hbm4b:s3+s20], $0x80, s6, s20, $0xb8;
	[tilespmem:$0x1DC00] =	vst v63  }
0x8b: {  	s6 =	sor.u32 $0x1400, s18  }
0x8c: {  	[spmem:s1] =	stream.indirect.scatter.add.f32 [tilespmem:s21], [sflag:$0x4], $0x80, s6, s26, $0xb8;
	[tilespmem:$0x1DC00] =	vst v63  }
0x8d: {  	_ =	swait.ge [sflag:s15], $0x4000  }
0x8e: {  	[sflag:s15] =	ssyncset.done $0x0  }
0x8f: {  	[sflag:s15] =	ssyncadd.s32 $0xFFFFC000  }
0x90: {  	_ =	swait.ge [sflag:s28], $0x4000  }
0x91: {  	[sflag:s28] =	ssyncset.done $0x0  }
0x92: {  	s6 =	sor.u32 $0x500, s18;
	[sflag:s28] =	ssyncadd.s32 $0xFFFFC000  }
0x93: {  	[tilespmem:s21], [sflag:$0x2] =	stream.indirect.gather [hbm4b:s3+s20], $0x80, s6, s20, $0xb8;
	[tilespmem:$0x1DC00] =	vst v63  }
0x94: {  	s6 =	sor.u32 $0x540, s18  }
0x95: {  	[tilespmem:s22], [sflag:$0x2] =	stream.indirect.gather [hbm4b:s3+s20], $0x80, s6, s20, $0xb8;
	[tilespmem:$0x1DC00] =	vst v63  }
0x96: {  	s6 =	sor.u32 $0x1480, s18  }
0x97: {  	[spmem:s1] =	stream.indirect.scatter.add.f32 [tilespmem:s24], [sflag:$0x4], $0x80, s6, s26, $0xb8;
	[tilespmem:$0x1DC00] =	vst v63  }
0x98: {  	_ =	swait.ge [sflag:s15], $0x4000  }
0x99: {  	[sflag:s15] =	ssyncset.done $0x0  }
0x9a: {  	[sflag:s15] =	ssyncadd.s32 $0xFFFFC000  }
0x9b: {  	_ =	swait.ge [sflag:s23], $0x4000  }
0x9c: {  	[sflag:s23] =	ssyncset.done $0x0  }
0x9d: {  	s6 =	sor.u32 $0x580, s18;
	[sflag:s23] =	ssyncadd.s32 $0xFFFFC000  }
0x9e: {  	[tilespmem:s24], [sflag:$0x3] =	stream.indirect.gather [hbm4b:s3+s20], $0x80, s6, s20, $0xb8;
	[tilespmem:$0x1DC00] =	vst v63  }
0x9f: {  	s6 =	sor.u32 $0x5C0, s18  }
0xa0: {  	[tilespmem:s25], [sflag:$0x3] =	stream.indirect.gather [hbm4b:s3+s20], $0x80, s6, s20, $0xb8;
	[tilespmem:$0x1DC00] =	vst v63  }
0xa1: {  	s6 =	sor.u32 $0x1500, s18  }
0xa2: {  	[spmem:s1] =	stream.indirect.scatter.add.f32 [tilespmem:s21], [sflag:$0x4], $0x80, s6, s26, $0xb8;
	[tilespmem:$0x1DC00] =	vst v63  }
0xa3: {  	_ =	swait.ge [sflag:s15], $0x4000  }
0xa4: {  	[sflag:s15] =	ssyncset.done $0x0  }
0xa5: {  	[sflag:s15] =	ssyncadd.s32 $0xFFFFC000  }
0xa6: {  	_ =	swait.ge [sflag:s28], $0x4000  }
0xa7: {  	[sflag:s28] =	ssyncset.done $0x0  }
0xa8: {  	s6 =	sor.u32 $0x600, s18;
	[sflag:s28] =	ssyncadd.s32 $0xFFFFC000  }
0xa9: {  	[tilespmem:s21], [sflag:$0x2] =	stream.indirect.gather [hbm4b:s3+s20], $0x80, s6, s20, $0xb8;
	[tilespmem:$0x1DC00] =	vst v63  }
0xaa: {  	s6 =	sor.u32 $0x640, s18  }
0xab: {  	[tilespmem:s22], [sflag:$0x2] =	stream.indirect.gather [hbm4b:s3+s20], $0x80, s6, s20, $0xb8;
	[tilespmem:$0x1DC00] =	vst v63  }
0xac: {  	s6 =	sor.u32 $0x1580, s18  }
0xad: {  	[spmem:s1] =	stream.indirect.scatter.add.f32 [tilespmem:s24], [sflag:$0x4], $0x80, s6, s26, $0xb8;
	[tilespmem:$0x1DC00] =	vst v63  }
0xae: {  	_ =	swait.ge [sflag:s15], $0x4000  }
0xaf: {  	[sflag:s15] =	ssyncset.done $0x0  }
0xb0: {  	[sflag:s15] =	ssyncadd.s32 $0xFFFFC000  }
0xb1: {  	_ =	swait.ge [sflag:s23], $0x4000  }
0xb2: {  	[sflag:s23] =	ssyncset.done $0x0  }
0xb3: {  	s6 =	sor.u32 $0x680, s18;
	[sflag:s23] =	ssyncadd.s32 $0xFFFFC000  }
0xb4: {  	[tilespmem:s24], [sflag:$0x3] =	stream.indirect.gather [hbm4b:s3+s20], $0x80, s6, s20, $0xb8;
	[tilespmem:$0x1DC00] =	vst v63  }
0xb5: {  	s6 =	sor.u32 $0x6C0, s18  }
0xb6: {  	[tilespmem:s25], [sflag:$0x3] =	stream.indirect.gather [hbm4b:s3+s20], $0x80, s6, s20, $0xb8;
	[tilespmem:$0x1DC00] =	vst v63  }
0xb7: {  	s6 =	sor.u32 $0x1600, s18  }
0xb8: {  	[spmem:s1] =	stream.indirect.scatter.add.f32 [tilespmem:s21], [sflag:$0x4], $0x80, s6, s26, $0xb8;
	[tilespmem:$0x1DC00] =	vst v63  }
0xb9: {  	_ =	swait.ge [sflag:s15], $0x4000  }
0xba: {  	[sflag:s15] =	ssyncset.done $0x0  }
0xbb: {  	[sflag:s15] =	ssyncadd.s32 $0xFFFFC000  }
0xbc: {  	_ =	swait.ge [sflag:s28], $0x4000  }
0xbd: {  	[sflag:s28] =	ssyncset.done $0x0  }
0xbe: {  	s6 =	sor.u32 $0x700, s18;
	[sflag:s28] =	ssyncadd.s32 $0xFFFFC000  }
0xbf: {  	[tilespmem:s21], [sflag:$0x2] =	stream.indirect.gather [hbm4b:s3+s20], $0x80, s6, s20, $0xb8;
	[tilespmem:$0x1DC00] =	vst v63  }
0xc0: {  	s6 =	sor.u32 $0x740, s18  }
0xc1: {  	[tilespmem:s22], [sflag:$0x2] =	stream.indirect.gather [hbm4b:s3+s20], $0x80, s6, s20, $0xb8;
	[tilespmem:$0x1DC00] =	vst v63  }
0xc2: {  	s6 =	sor.u32 $0x1680, s18  }
0xc3: {  	[spmem:s1] =	stream.indirect.scatter.add.f32 [tilespmem:s24], [sflag:$0x4], $0x80, s6, s26, $0xb8;
	[tilespmem:$0x1DC00] =	vst v63  }
0xc4: {  	_ =	swait.ge [sflag:s15], $0x4000  }
0xc5: {  	[sflag:s15] =	ssyncset.done $0x0  }
0xc6: {  	[sflag:s15] =	ssyncadd.s32 $0xFFFFC000  }
0xc7: {  	_ =	swait.ge [sflag:s23], $0x4000  }
0xc8: {  	[sflag:s23] =	ssyncset.done $0x0  }
0xc9: {  	s6 =	sor.u32 $0x780, s18;
	[sflag:s23] =	ssyncadd.s32 $0xFFFFC000  }
0xca: {  	[tilespmem:s24], [sflag:$0x3] =	stream.indirect.gather [hbm4b:s3+s20], $0x80, s6, s20, $0xb8;
	[tilespmem:$0x1DC00] =	vst v63  }
0xcb: {  	s6 =	sor.u32 $0x7C0, s18  }
0xcc: {  	[tilespmem:s25], [sflag:$0x3] =	stream.indirect.gather [hbm4b:s3+s20], $0x80, s6, s20, $0xb8;
	[tilespmem:$0x1DC00] =	vst v63  }
0xcd: {  	s6 =	sor.u32 $0x1700, s18  }
0xce: {  	[spmem:s1] =	stream.indirect.scatter.add.f32 [tilespmem:s21], [sflag:$0x4], $0x80, s6, s26, $0xb8;
	[tilespmem:$0x1DC00] =	vst v63  }
0xcf: {  	_ =	swait.ge [sflag:s15], $0x4000  }
0xd0: {  	[sflag:s15] =	ssyncset.done $0x0  }
0xd1: {  	[sflag:s15] =	ssyncadd.s32 $0xFFFFC000  }
0xd2: {  	_ =	swait.ge [sflag:s28], $0x4000  }
0xd3: {  	[sflag:s28] =	ssyncset.done $0x0  }
0xd4: {  	s6 =	sor.u32 $0x1780, s18;
	[sflag:s28] =	ssyncadd.s32 $0xFFFFC000  }
0xd5: {  	[spmem:s1] =	stream.indirect.scatter.add.f32 [tilespmem:s24], [sflag:$0x4], $0x80, s6, s26, $0xb8;
	[tilespmem:$0x1DC00] =	vst v63  }
0xd6: {  	_ =	swait.ge [sflag:s15], $0x4000  }
0xd7: {  	p1 =	seq.s32 s16, $0x4;
	[sflag:s15] =	ssyncset.done $0x0  }
0xd8: {  	s4 =	simm.s32 @!p1 $0x1;
	[sflag:s15] =	ssyncadd.s32 $0xFFFFC000  }
0xd9: {  	_ =	swait.ge @!p1 [sflag:s4], $0x800  }
0xda: {  	[sflag:s4] =	ssyncset.done @!p1 $0x0  }
0xdb: {  	[sflag:s4] =	ssyncadd.s32 @!p1 $0xFFFFF800  }
0xdc: {  	p2 =	sgt.u32 @!p1 s16, $0x2;
	_ =	swait.ge @!p1 [sflag:s4], $0x800  }
0xdd: {  	p2 =	por p2, p1;
	[sflag:s4] =	ssyncset.done @!p1 $0x0  }
0xde: {  	[sflag:s4] =	ssyncadd.s32 @!p1 $0xFFFFF800;
	s4 =	simm.s32 @!p2 $0x0  }
0xdf: {  	[tilespmem:s18], [sflag:$0x1] =	stream.linear.gather @!p2 [hbm4b:s31+s4], $0x800, $0x38;
	[tilespmem:$0x1DC00] =	vst v63  }
0xe0: {  	s16 =	sadd.s32 $0x1, s16  }
0xe1: {  	[tilespmem:s19], [sflag:$0x1] =	stream.linear.gather @!p2 [hbm4b:s12+s4], $0x800, $0x38;
	[tilespmem:$0x1DC00] =	vst v63  }
0xe2: {  	p2 =	sne.s32 @!p1 s16, $0x5  }
0xe3: {  	p2 =	por p1, !p2  }
.Ltmp0:
0xe4: {  	s30 =	sadd.s32 @!p1 $0x800, s30;
	s6 =	simm.s32 @!p1 $0x2000;
	(pc) =	sbr.rel @!p2 .LBB2_2-.Ltmp0, $4  }
0xe5: {  	s31 =	sadd.s32 @!p1 $0x100, s31;
	s4 =	sxor.u32 @!p1 $0x800, s18;
	s19 =	simm.s32 @!p1 $0x40  }
0xe6: {  	[tilespmem:s6], [sflag:$0x2] =	stream.indirect.gather @!p1 [hbm4b:s3+s19], $0x80, s4, s19, $0xb8;
	[tilespmem:$0x1DC00] =	vst v63  }
0xe7: {  	s12 =	sadd.s32 @!p1 $0x100, s12;
	s4 =	ssub.s32 @!p1 $0x840, s18;
	s6 =	simm.s32 @!p1 $0x4000  }
0xe8: {  	[tilespmem:s6], [sflag:$0x2] =	stream.indirect.gather @!p1 [hbm4b:s3+s19], $0x80, s4, s19, $0xb8;
	[tilespmem:$0x1DC00] =	vst v63  }
0xe9: {  	[bflag:$0x0] =	sbarrier.arrive $0xFFFF;
	s4 =	sshrl.u32 @!p0 s1, $0x3;
	s29 =	sadd.s32 $0x1, s29  }
0xea: {  	[hbm:s10], [sflag:s5] =	dma.local @!p0 [spmem:s4], $0x27800  }
0xeb: {  	p1 =	sne.s32 s29, s11  }
.Ltmp1:
0xec: {  	_ = 	snop;
	(pc) =	sbr.rel @p1 .LBB2_1-.Ltmp1, $4  }
0xed: {  	s4 =	simm.s32 @!p0 $0x4  }
0xee: {  	_ =	swait.ge @!p0 [sflag:s4], $0x27800  }
0xef: {  	[sflag:s4] =	ssyncset.done @!p0 $0x0  }
0xf0: {  	[sflag:s4] =	ssyncadd.s32 @!p0 $0xFFFD8800  }
0xf1: {  	_ =	sfence.sel $0x180000  }
0xf2: {  	[bflag:$0x0] =	sbarrier.arrive $0xFFFF  }
0xf3: {  	_ =	strace $0x9000004A  }
0xf4: {  	[bflag:$0x2] =	sbarrier.arrive $0xFFFF  }
0xf5: {  	s0 =	rddreg [dreg:$0x3]  }
0xf6: {  	s0 =	sadd.s32 @!p0 $0x100000, s0  }
0xf7: {  	[sflag:s0] =	ssyncadd.tile.s32 @!p0 $0x1;
	_ =	shalt  }
.Lfunc_end2:
_tile_overlayer_lowered:
.L_overlay_start_2:
0xf8: {  	(tag) =	ssettag $0x2  }
0xf9: {  	s0 =	rddreg [dreg:$0x0];
	s2 =	stileid.u32  }
0xfa: {  	s1 =	rddreg [dreg:$0x1];
	p0 =	sne.s32 s2, $0x0  }
0xfb: {  	s3 =	rddreg [dreg:$0x2];
	[bflag:$0x3] =	sbarrier.arrive $0xFFFF;
	s2 =	simm.s32 @!p0 $0x1C04  }
0xfc: {  	[timem:s3], [sflag:s2] =	dma.local @!p0 [hbm:s0], s1  }
0xfd: {  	s0 =	simm.s32 @!p0 $0x4  }
0xfe: {  	_ =	swait.ge @!p0 [sflag:s0], s1  }
0xff: {  	s1 =	ssub.s32 @!p0 $0x0, s1;
	[sflag:s0] =	ssyncset.done @!p0 $0x0  }
0x100: {  	[sflag:s0] =	ssyncadd.s32 @!p0 s1  }
0x101: {  	[bflag:$0x3] =	sbarrier.arrive $0xFFFF  }
0x102: {  	_ =	shalt  }

// kernel: kernel.16.cloned.1.call-start
scs
__scs_entry_jumppad:
0x0: {  	(pc) =	sbr.rel $0x88, $3  }
0x1: {  	(tag) =	ssettag $0x0;
	lr =	simm.s32 $0x1  }
0x2: {  	[smem:$0x3F99] =	sst lr;
	_ =	strace $0xD0000000  }
0x3: {  	_ = 	snop  }
0x4: {  	_ = 	snop  }
0x5: {  	_ = 	snop  }
0x6: {  	_ = 	snop  }
0x7: {  	_ = 	snop  }
__scs_overlays_trampoline_lowered:
0x8: {  	[smem:$0x3FA8] =	sst s0  }
0x9: {  	[smem:$0x3FA9] =	sst s1  }
0xa: {  	[smem:$0x3FAA] =	sst s2  }
0xb: {  	[smem:$0x3FAB] =	sst s3  }
0xc: {  	[smem:$0x3FAC] =	sst s4  }
0xd: {  	[smem:$0x3FAD] =	sst s5  }
0xe: {  	[smem:$0x3FAE] =	sst s6  }
0xf: {  	[smem:$0x3FAF] =	sst s7  }
0x10: {  	[smem:$0x3FB0] =	sst s8  }
0x11: {  	[smem:$0x3FB1] =	sst s9;
	s0 =	simm.s32 @!p0 $0x0  }
0x12: {  	s1 =	sld [smem:$0x3F97];
	s0 =	simm.s32 @p0 $0x1  }
0x13: {  	[smem:$0x3FB2] =	sst s0;
	s0 =	simm.s32 @!p1 $0x0  }
0x14: {  	s2 =	sld [smem:$0x3F96];
	s0 =	simm.s32 @p1 $0x1  }
0x15: {  	[smem:$0x3FB3] =	sst s0;
	s0 =	simm.s32 @!p2 $0x0  }
0x16: {  	s3 =	sld [smem:$0x3FDB];
	s0 =	simm.s32 @p2 $0x1  }
0x17: {  	s4 =	simm.s32 $0x1BF5;
	[smem:$0x3FB5] =	sst s0  }
0x18: {  	s0 =	sld [smem:$0x3F98];
	_ =	swait.ge [sflag:s4], $0x0  }
0x19: {  	s7 =	sld [smem:$0x3F99]  }
0x1a: {  	s8 =	sadd.s32 $0xFFFFE003, lr  }
0x1b: {  	s9 =	sadd.s32 $0xFFFFFEF7, lr;
	s5 =	simm.s32 $0xFFFFFFFF;
	p2 =	slt.u32 s8, $0xFFFFF086  }
0x1c: {  	p1 =	slt.u32 s9, $0xF7A;
	s5 =	simm.s32 @!p2 $0x0  }
0x1d: {  	s5 =	simm.s32 @p1 $0x1;
	p0 =	seq.s32 s7, s2  }
0x1e: {  	s7 =	smul.u32 @!p0 $0xF7A, s2;
	p2 =	seq.s32 @!p0 s5, $0x0  }
0x1f: {  	s9 =	smul.u32 $0xF7A, s1;
	s8 =	simm.s32 @!p0 $0x1BF5;
	p2 =	por !p2, p0  }
0x20: {  	[sflag:s8] =	ssyncset.s32 @!p0 $0xFFFFF086;
	s6 =	sadd.s32 @!p0 s3, s7;
	s7 =	simm.s32 @!p0 $0x108  }
0x21: {  	s3 =	sadd.s32 s3, s9;
	s6 =	sadd.s32 @!p0 $0x88, s6;
	s7 =	simm.s32 @p2 $0x1082  }
0x22: {  	[simem:s7], [sflag:s8] =	dma.local @!p0 [hbm:s6], $0xF7A  }
0x23: {  	s9 =	sor.u32 $0xD0000000, s2;
	s6 =	simm.s32 $0x108;
	_ =	swait.ge @!p0 [sflag:s8], $0x0  }
0x24: {  	s3 =	sadd.s32 $0x88, s3;
	s6 =	simm.s32 @!p1 $0x1082;
	[sflag:s4] =	ssyncset.s32 $0xFFFFF086  }
0x25: {  	[simem:s6], [sflag:s4] =	dma.local [hbm:s3], $0xF7A  }
0x26: {  	[smem:$0x3F99] =	sst s1;
	(tag) =	ssettag s2;
	_ =	strace s9  }
0x27: {  	s1 =	sld [smem:$0x3FA9]  }
0x28: {  	s2 =	sld [smem:$0x3FAA]  }
0x29: {  	s4 =	sld [smem:$0x3FAC]  }
0x2a: {  	p0 =	seq.s32 s5, $0x0;
	s5 =	sld [smem:$0x3FAD]  }
0x2b: {  	s6 =	sld [smem:$0x3FAE]  }
0x2c: {  	s7 =	sld [smem:$0x3FAF]  }
0x2d: {  	s3 =	simm.s32 $0x108;
	s8 =	sld [smem:$0x3FB0]  }
0x2e: {  	s3 =	simm.s32 @!p0 $0x1082;
	s9 =	sld [smem:$0x3FB1]  }
0x2f: {  	lr =	sadd.s32 s0, s3;
	s0 =	sld [smem:$0x3FA8]  }
0x30: {  	s3 =	sld [smem:$0x3FAB]  }
0x31: {  	[smem:$0x3FB4] =	sst s10  }
0x32: {  	s10 =	sld [smem:$0x3FB2];
	_ =	sdelay $0x3  }
0x33: {  	p0 =	seq.s32 s10, $0x1;
	s10 =	sld [smem:$0x3FB4];
	_ =	sdelay $0x3  }
0x34: {  	[smem:$0x3FB4] =	sst s10  }
0x35: {  	s10 =	sld [smem:$0x3FB3];
	_ =	sdelay $0x3  }
0x36: {  	p1 =	seq.s32 s10, $0x1;
	s10 =	sld [smem:$0x3FB4];
	_ =	sdelay $0x3  }
0x37: {  	[smem:$0x3FB4] =	sst s10  }
0x38: {  	s10 =	sld [smem:$0x3FB5]  }
0x39: {  	_ = 	snop;
	(pc) =	sbr.ind lr, $3  }
0x3a: {  	_ = 	snop  }
0x3b: {  	_ = 	snop  }
0x3c: {  	p2 =	seq.s32 s10, $0x1;
	s10 =	sld [smem:$0x3FB4]  }
0x3d: {  	_ =	shalt  }
0x3e: {  	_ =	shalt  }
0x3f: {  	_ =	shalt  }
0x40: {  	_ =	shalt  }
0x41: {  	_ =	shalt  }
0x42: {  	_ =	shalt  }
0x43: {  	_ =	shalt  }
0x44: {  	_ =	shalt  }
0x45: {  	_ =	shalt  }
0x46: {  	_ =	shalt  }
0x47: {  	_ =	shalt  }
0x48: {  	_ =	shalt  }
0x49: {  	_ =	shalt  }
0x4a: {  	_ =	shalt  }
0x4b: {  	_ =	shalt  }
0x4c: {  	_ =	shalt  }
0x4d: {  	_ =	shalt  }
0x4e: {  	_ =	shalt  }
0x4f: {  	_ =	shalt  }
0x50: {  	_ =	shalt  }
0x51: {  	_ =	shalt  }
0x52: {  	_ =	shalt  }
0x53: {  	_ =	shalt  }
0x54: {  	_ =	shalt  }
0x55: {  	_ =	shalt  }
0x56: {  	_ =	shalt  }
0x57: {  	_ =	shalt  }
0x58: {  	_ =	shalt  }
0x59: {  	_ =	shalt  }
0x5a: {  	_ =	shalt  }
0x5b: {  	_ =	shalt  }
0x5c: {  	_ =	shalt  }
0x5d: {  	_ =	shalt  }
0x5e: {  	_ =	shalt  }
0x5f: {  	_ =	shalt  }
0x60: {  	_ =	shalt  }
0x61: {  	_ =	shalt  }
0x62: {  	_ =	shalt  }
0x63: {  	_ =	shalt  }
0x64: {  	_ =	shalt  }
0x65: {  	_ =	shalt  }
0x66: {  	_ =	shalt  }
0x67: {  	_ =	shalt  }
0x68: {  	_ =	shalt  }
0x69: {  	_ =	shalt  }
0x6a: {  	_ =	shalt  }
0x6b: {  	_ =	shalt  }
0x6c: {  	_ =	shalt  }
0x6d: {  	_ =	shalt  }
0x6e: {  	_ =	shalt  }
0x6f: {  	_ =	shalt  }
0x70: {  	_ =	shalt  }
0x71: {  	_ =	shalt  }
0x72: {  	_ =	shalt  }
0x73: {  	_ =	shalt  }
0x74: {  	_ =	shalt  }
0x75: {  	_ =	shalt  }
0x76: {  	_ =	shalt  }
0x77: {  	_ =	shalt  }
0x78: {  	_ =	shalt  }
0x79: {  	_ =	shalt  }
0x7a: {  	_ =	shalt  }
0x7b: {  	_ =	shalt  }
0x7c: {  	_ =	shalt  }
0x7d: {  	_ =	shalt  }
0x7e: {  	_ =	shalt  }
0x7f: {  	_ =	shalt  }
0x80: {  	_ =	shalt  }
0x81: {  	_ =	shalt  }
0x82: {  	_ =	shalt  }
0x83: {  	_ =	shalt  }
0x84: {  	_ =	shalt  }
0x85: {  	_ =	shalt  }
0x86: {  	_ =	shalt  }
0x87: {  	_ =	shalt  }
.Lfunc_end0:
.L_simem_size_0:
called_computation.2_lowered:
.L_overlay_start_0:
0x88: {  	s2 =	sld [smem:$0x3FD9]  }
0x89: {  	s3 =	sld [smem:$0x3FFE];
	_ =	sdelay $0x1  }
0x8a: {  	s1 =	srdreg.scid  }
0x8b: {  	s0 =	sand.u32 $0x1, s1  }
0x8c: {  	s17 =	sshll.u32 s0, $0xA;
	s2 =	sadd.s32 s3, s2  }
0x8d: {  	s2 =	sadd.s32 s2, s17  }
0x8e: {  	[smem:$0x3FC0] =	sst s2  }
0x8f: {  	_ = 	snop  }
0x90: {  	s2 =	sld [smem:$0x3FD0];
	(tm) =	ssettm $0x1  }
0x91: {  	s18 =	sld [smem:$0x3FFB];
	_ =	sdelay $0x3  }
0x92: {  	_ =	strace s18  }
0x93: {  	s3 =	sld [smem:$0x3FFC];
	_ =	sdelay $0x3  }
0x94: {  	_ =	strace s3  }
0x95: {  	s3 =	sld [smem:$0x3FFD];
	_ =	sdelay $0x3  }
0x96: {  	_ =	strace s3  }
0x97: {  	_ =	strace $0x8FFFFFFF  }
0x98: {  	s19 =	sld [smem:$0x3FDB];
	_ =	sdelay $0x1  }
0x99: {  	s4 =	simm.s32 $_scs_section_size  }
0x9a: {  	s5 =	simm.s32 $_size__tile_overlayer_lowered;
	s6 =	simm.s32 $_tile_overlayer_lowered  }
0x9b: {  	s22 =	simm.s32 $0x1BFF;
	s21 =	sshll.u32 s6, $0x1;
	s3 =	sadd.s32 s4, s19  }
0x9c: {  	s7 =	simm.s32 $0x0;
	s20 =	sshll.u32 s5, $0x1;
	s5 =	sadd.s32 s21, s3  }
0x9d: {  	[timem:s7], [sflag:s22] =	dma.local [hbm:s5], s20  }
0x9e: {  	_ =	swait.ge [sflag:s22], s20  }
0x9f: {  	s4 =	ssub.s32 $0x0, s20;
	[sflag:s22] =	ssyncset.done $0x0  }
0xa0: {  	[sflag:s22] =	ssyncadd.s32 s4;
	_ =	sdelay $0x1  }
0xa1: {  	s23 =	simm.s32 $0x1B8B  }
0xa2: {  	_ =	swait.ge [sflag:s23], $0x1  }
0xa3: {  	[sflag:s23] =	ssyncset.done $0x0  }
0xa4: {  	s25 =	simm.s32 $0x1B8E;
	s24 =	sld [smem:$0x3FFE];
	[sflag:s23] =	ssyncadd.s32 $0xFFFFFFFF  }
0xa5: {  	s26 =	simm.s32 $execute0_lowered;
	[smem:$0x3FD2] =	sst s25  }
0xa6: {  	s5 =	sshll.u32 s26, $0x1;
	_ =	strace $0x8000004C;
	[dreg:$0x1] =	wrdreg $0xFFFFFFFF  }
0xa7: {  	s28 =	simm.s32 $_size_execute0_lowered;
	s3 =	sadd.s32 s3, s5;
	[dreg:$0x0] =	wrdreg $0x0  }
0xa8: {  	s5 =	sshll.u32 s28, $0x1;
	[dreg:$0x2] =	wrdreg s3  }
0xa9: {  	[dreg:$0x3] =	wrdreg s5  }
0xaa: {  	[dreg:$0x4] =	wrdreg $0xC0  }
0xab: {  	_ =	task [dreg:s7], $0x5FFFF  }
0xac: {  	[dreg:$0x1] =	wrdreg $0xFFFFFFFF  }
0xad: {  	[dreg:$0x0] =	wrdreg $0x60  }
0xae: {  	[dreg:$0x2] =	wrdreg s24  }
0xaf: {  	[dreg:$0x3] =	wrdreg s2  }
0xb0: {  	[dreg:$0x4] =	wrdreg $0xA0000  }
0xb1: {  	[dreg:$0x5] =	wrdreg $0x9  }
0xb2: {  	_ =	task.clear_ibuf [dreg:s7], $0x6FFFF;
	_ =	strace $0x9000004C  }
0xb3: {  	s29 =	simm.s32 $0x9;
	_ =	strace $0x8000004E  }
0xb4: {  	_ =	swait.ge [sflag:s29], $0x1  }
0xb5: {  	[sflag:s29] =	ssyncadd.s32 $0xFFFFFFFF  }
0xb6: {  	_ =	strace $0x9000004E  }
0xb7: {  	_ =	sfence  }
0xb8: {  	s30 =	sld [smem:$0x0];
	_ =	sdelay $0x2  }
0xb9: {  	s31 =	sshll.u32 s1, $0xD;
	s1 =	sshrl.u32 s1, $0x2  }
0xba: {  	s3 =	sand.u32 $0x4000, s31;
	s1 =	sadd.s32 s1, s30  }
0xbb: {  	s0 =	sor.u32 s3, s0;
	s1 =	sshll.u32 s1, $0x11  }
0xbc: {  	s0 =	sor.u32 s1, s0  }
0xbd: {  	s0 =	sadd.s32 $0x8F2B, s0  }
0xbe: {  	[sflag:s0] =	ssyncadd.remote.s32 $0x1  }
0xbf: {  	_ =	sfence.sel $0xFFFF  }
0xc0: {  	[dreg:$0x0] =	wrdreg $0xFFFFFFFF;
	(pc) =	sbr.abs _section_cstart, $3  }
0xc1: {  	[dreg:$0x1] =	wrdreg $0xFFFFFFFF  }
0xc2: {  	_ =	task.clear_ibuf [dreg:s7], $0x2FFFF;
	_ =	strace $0x9FFFFFFF  }
0xc3: {  	(tm) =	ssettm $0x7FFFFFFF  }
tec
execute0_lowered:
.L_overlay_start_1:
0x0: {  	(tag) =	ssettag $0x1  }
0x1: {  	s0 =	rddreg [dreg:$0x0]  }
0x2: {  	s12 =	rddreg [dreg:$0x1]  }
0x3: {  	s1 =	rddreg [dreg:$0x2];
	s2 =	simm.s32 $0x0  }
0x4: {  	s16 =	stileid.u32;
	s4 =	srdreg.scid;
	s17 =	simm.s32 $0x1  }
0x5: {  	s20 =	simm.s32 $0x40;
	s28 =	simm.s32 $0x3;
	s29 =	simm.s32 $0x0  }
0x6: {  	[smem:$0x7FF] =	sst s2;
	s3 =	sadd.s32 $0x34A00, s0;
	s5 =	smul.u32 $0x2780, s16  }
0x7: {  	s4 =	sand.u32 $0x1, s4;
	s13 =	sadd.s32 $0x3200, s0;
	s8 =	smul.u32 $0x4F000, s16  }
0x8: {  	s24 =	sshll.u32 s16, $0x6;
	s25 =	smul.u32 $0x2800, s16;
	p0 =	sne.s32 s16, $0x0  }
0x9: {  	_ =	strace $0x8000004D;
	s6 =	smul.u32 $0x27800, s4;
	s7 =	sshll.u32 s4, $0x4  }
0xa: {  	s21 =	ssub.s32 $0x2, s4;
	s22 =	smul.u32 $0x28000, s4;
	s7 =	sor.u32 s16, s7  }
0xb: {  	s5 =	sadd.s32 s5, s0;
	s10 =	sshrl.u32 s21, $0x1;
	s9 =	smul.u32 $0x500, s7  }
0xc: {  	s8 =	sshrl.u32 s8, $0x2;
	s0 =	sadd.s32 s6, s0;
	s7 =	smul.u32 $0x2800, s7  }
0xd: {  	s11 =	ssub.s32 s21, s10;
	s14 =	sadd.s32 s8, s1;
	s23 =	sadd.s32 $0xD200, s5  }
0xe: {  	s5 =	sor.u32 $0x1C04, s24;
	s10 =	sadd.s32 s25, s22;
	s21 =	simm.s32 $0x2000  }
0xf: {  	s22 =	simm.s32 $0x4000;
	s24 =	simm.s32 $0x6000;
	s25 =	simm.s32 $0x8000  }
0x10: {  	[dreg:$0x4] =	wrdreg s23;
	s31 =	sadd.s32 $0x1000, s10;
	s10 =	sadd.s32 $0x5BC00, s0  }
0x11: {  	s11 =	smax.u32 s11, $0x1;
	s14 =	sshrl.u32 s14, $0x3;
	s23 =	simm.s32 $0x2  }
0x12: {  	s26 =	sadd.s32 s13, s9;
	s15 =	sshrl.u32 s7, $0x3;
	s7 =	sadd.s32 s12, s9  }
0x13: {  	[dreg:$0x5] =	wrdreg s26;
	s30 =	sadd.s32 $0x100, s15;
	s15 =	sshrl.u32 s31, $0x3  }
0x14: {  	s26 =	simm.s32 $0x80;
	s8 =	sadd.s32 s13, s30;
	s9 =	sadd.s32 s12, s30  }
0x15: {  	s0 =	sadd.s32 s15, s12;
	s13 =	sadd.s32 s15, s13;
	s15 =	simm.s32 $0x4  }
.LBB2_1:
0x16: {  	s4 =	rddreg [dreg:$0x4]  }
0x17: {  	[spmem:s14], [sflag:s5] =	dma.local [hbm:s4], $0x2780  }
0x18: {  	_ =	swait.ge [sflag:s15], $0x2780  }
0x19: {  	[sflag:s15] =	ssyncset.done $0x0  }
0x1a: {  	[sflag:s15] =	ssyncadd.s32 $0xFFFFD880  }
0x1b: {  	[bflag:$0x0] =	sbarrier.arrive $0xFFFF  }
0x1c: {  	s12 =	rddreg [dreg:$0x5]  }
0x1d: {  	[tilespmem:s2], [sflag:$0x1] =	stream.linear.gather [hbm4b:s12+s2], $0x800, $0x38;
	[tilespmem:$0x1DC00] =	vst v63  }
0x1e: {  	s16 =	simm.s32 $0x1000  }
0x1f: {  	[tilespmem:s16], [sflag:$0x1] =	stream.linear.gather [hbm4b:s7+s2], $0x800, $0x38;
	[tilespmem:$0x1DC00] =	vst v63  }
0x20: {  	_ =	swait.ge [sflag:s17], $0x800  }
0x21: {  	[sflag:s17] =	ssyncset.done $0x0  }
0x22: {  	[sflag:s17] =	ssyncadd.s32 $0xFFFFF800  }
0x23: {  	_ =	swait.ge [sflag:s17], $0x800  }
0x24: {  	[sflag:s17] =	ssyncset.done $0x0  }
0x25: {  	s18 =	simm.s32 $0x800;
	[sflag:s17] =	ssyncadd.s32 $0xFFFFF800  }
0x26: {  	[tilespmem:s18], [sflag:$0x1] =	stream.linear.gather [hbm4b:s8+s2], $0x800, $0x38;
	[tilespmem:$0x1DC00] =	vst v63  }
0x27: {  	s19 =	simm.s32 $0x1800  }
0x28: {  	[tilespmem:s19], [sflag:$0x1] =	stream.linear.gather [hbm4b:s9+s2], $0x800, $0x38;
	[tilespmem:$0x1DC00] =	vst v63  }
0x29: {  	s30 =	simm.s32 $0x0  }
0x2a: {  	[tilespmem:s21], [sflag:$0x2] =	stream.indirect.gather [hbm4b:s3+s20], $0x80, s2, s20, $0xb8;
	[tilespmem:$0x1DC00] =	vst v63  }
0x2b: {  	s31 =	smov.u32 s13;
	s12 =	smov.u32 s0;
	s16 =	simm.s32 $0x0  }
0x2c: {  	[tilespmem:s22], [sflag:$0x2] =	stream.indirect.gather [hbm4b:s3+s20], $0x80, s20, s20, $0xb8;
	[tilespmem:$0x1DC00] =	vst v63  }
.LBB2_2:
0x2d: {  	_ =	swait.ge [sflag:s23], $0x4000  }
0x2e: {  	s18 =	sand.u32 $0x800, s30;
	[sflag:s23] =	ssyncset.done $0x0  }
0x2f: {  	s19 =	sor.u32 $0x80, s18;
	[sflag:s23] =	ssyncadd.s32 $0xFFFFC000  }
0x30: {  	[tilespmem:s24], [sflag:$0x3] =	stream.indirect.gather [hbm4b:s3+s20], $0x80, s19, s20, $0xb8;
	[tilespmem:$0x1DC00] =	vst v63  }
0x31: {  	s4 =	sor.u32 $0xC0, s18  }
0x32: {  	[tilespmem:s25], [sflag:$0x3] =	stream.indirect.gather [hbm4b:s3+s20], $0x80, s4, s20, $0xb8;
	[tilespmem:$0x1DC00] =	vst v63  }
0x33: {  	s19 =	sor.u32 $0x1000, s18  }
0x34: {  	[spmem:s1] =	stream.indirect.scatter.add.f32 [tilespmem:s21], [sflag:$0x4], $0x80, s19, s26, $0xb8;
	[tilespmem:$0x1DC00] =	vst v63  }
0x35: {  	_ =	swait.ge [sflag:s15], $0x4000  }
0x36: {  	[sflag:s15] =	ssyncset.done $0x0  }
0x37: {  	[sflag:s15] =	ssyncadd.s32 $0xFFFFC000  }
0x38: {  	_ =	swait.ge [sflag:s28], $0x4000  }
0x39: {  	[sflag:s28] =	ssyncset.done $0x0  }
0x3a: {  	s4 =	sor.u32 $0x100, s18;
	[sflag:s28] =	ssyncadd.s32 $0xFFFFC000  }
0x3b: {  	[tilespmem:s21], [sflag:$0x2] =	stream.indirect.gather [hbm4b:s3+s20], $0x80, s4, s20, $0xb8;
	[tilespmem:$0x1DC00] =	vst v63  }
0x3c: {  	s6 =	sor.u32 $0x140, s18  }
0x3d: {  	[tilespmem:s22], [sflag:$0x2] =	stream.indirect.gather [hbm4b:s3+s20], $0x80, s6, s20, $0xb8;
	[tilespmem:$0x1DC00] =	vst v63  }
0x3e: {  	s6 =	sor.u32 $0x1080, s18  }
0x3f: {  	[spmem:s1] =	stream.indirect.scatter.add.f32 [tilespmem:s24], [sflag:$0x4], $0x80, s6, s26, $0xb8;
	[tilespmem:$0x1DC00] =	vst v63  }
0x40: {  	_ =	swait.ge [sflag:s15], $0x4000  }
0x41: {  	[sflag:s15] =	ssyncset.done $0x0  }
0x42: {  	[sflag:s15] =	ssyncadd.s32 $0xFFFFC000  }
0x43: {  	_ =	swait.ge [sflag:s23], $0x4000  }
0x44: {  	[sflag:s23] =	ssyncset.done $0x0  }
0x45: {  	s6 =	sor.u32 $0x180, s18;
	[sflag:s23] =	ssyncadd.s32 $0xFFFFC000  }
0x46: {  	[tilespmem:s24], [sflag:$0x3] =	stream.indirect.gather [hbm4b:s3+s20], $0x80, s6, s20, $0xb8;
	[tilespmem:$0x1DC00] =	vst v63  }
0x47: {  	s6 =	sor.u32 $0x1C0, s18  }
0x48: {  	[tilespmem:s25], [sflag:$0x3] =	stream.indirect.gather [hbm4b:s3+s20], $0x80, s6, s20, $0xb8;
	[tilespmem:$0x1DC00] =	vst v63  }
0x49: {  	s6 =	sor.u32 $0x1100, s18  }
0x4a: {  	[spmem:s1] =	stream.indirect.scatter.add.f32 [tilespmem:s21], [sflag:$0x4], $0x80, s6, s26, $0xb8;
	[tilespmem:$0x1DC00] =	vst v63  }
0x4b: {  	_ =	swait.ge [sflag:s15], $0x4000  }
0x4c: {  	[sflag:s15] =	ssyncset.done $0x0  }
0x4d: {  	[sflag:s15] =	ssyncadd.s32 $0xFFFFC000  }
0x4e: {  	_ =	swait.ge [sflag:s28], $0x4000  }
0x4f: {  	[sflag:s28] =	ssyncset.done $0x0  }
0x50: {  	s6 =	sor.u32 $0x200, s18;
	[sflag:s28] =	ssyncadd.s32 $0xFFFFC000  }
0x51: {  	[tilespmem:s21], [sflag:$0x2] =	stream.indirect.gather [hbm4b:s3+s20], $0x80, s6, s20, $0xb8;
	[tilespmem:$0x1DC00] =	vst v63  }
0x52: {  	s6 =	sor.u32 $0x240, s18  }
0x53: {  	[tilespmem:s22], [sflag:$0x2] =	stream.indirect.gather [hbm4b:s3+s20], $0x80, s6, s20, $0xb8;
	[tilespmem:$0x1DC00] =	vst v63  }
0x54: {  	s6 =	sor.u32 $0x1180, s18  }
0x55: {  	[spmem:s1] =	stream.indirect.scatter.add.f32 [tilespmem:s24], [sflag:$0x4], $0x80, s6, s26, $0xb8;
	[tilespmem:$0x1DC00] =	vst v63  }
0x56: {  	_ =	swait.ge [sflag:s15], $0x4000  }
0x57: {  	[sflag:s15] =	ssyncset.done $0x0  }
0x58: {  	[sflag:s15] =	ssyncadd.s32 $0xFFFFC000  }
0x59: {  	_ =	swait.ge [sflag:s23], $0x4000  }
0x5a: {  	[sflag:s23] =	ssyncset.done $0x0  }
0x5b: {  	s6 =	sor.u32 $0x280, s18;
	[sflag:s23] =	ssyncadd.s32 $0xFFFFC000  }
0x5c: {  	[tilespmem:s24], [sflag:$0x3] =	stream.indirect.gather [hbm4b:s3+s20], $0x80, s6, s20, $0xb8;
	[tilespmem:$0x1DC00] =	vst v63  }
0x5d: {  	s6 =	sor.u32 $0x2C0, s18  }
0x5e: {  	[tilespmem:s25], [sflag:$0x3] =	stream.indirect.gather [hbm4b:s3+s20], $0x80, s6, s20, $0xb8;
	[tilespmem:$0x1DC00] =	vst v63  }
0x5f: {  	s6 =	sor.u32 $0x1200, s18  }
0x60: {  	[spmem:s1] =	stream.indirect.scatter.add.f32 [tilespmem:s21], [sflag:$0x4], $0x80, s6, s26, $0xb8;
	[tilespmem:$0x1DC00] =	vst v63  }
0x61: {  	_ =	swait.ge [sflag:s15], $0x4000  }
0x62: {  	[sflag:s15] =	ssyncset.done $0x0  }
0x63: {  	[sflag:s15] =	ssyncadd.s32 $0xFFFFC000  }
0x64: {  	_ =	swait.ge [sflag:s28], $0x4000  }
0x65: {  	[sflag:s28] =	ssyncset.done $0x0  }
0x66: {  	s6 =	sor.u32 $0x300, s18;
	[sflag:s28] =	ssyncadd.s32 $0xFFFFC000  }
0x67: {  	[tilespmem:s21], [sflag:$0x2] =	stream.indirect.gather [hbm4b:s3+s20], $0x80, s6, s20, $0xb8;
	[tilespmem:$0x1DC00] =	vst v63  }
0x68: {  	s6 =	sor.u32 $0x340, s18  }
0x69: {  	[tilespmem:s22], [sflag:$0x2] =	stream.indirect.gather [hbm4b:s3+s20], $0x80, s6, s20, $0xb8;
	[tilespmem:$0x1DC00] =	vst v63  }
0x6a: {  	s6 =	sor.u32 $0x1280, s18  }
0x6b: {  	[spmem:s1] =	stream.indirect.scatter.add.f32 [tilespmem:s24], [sflag:$0x4], $0x80, s6, s26, $0xb8;
	[tilespmem:$0x1DC00] =	vst v63  }
0x6c: {  	_ =	swait.ge [sflag:s15], $0x4000  }
0x6d: {  	[sflag:s15] =	ssyncset.done $0x0  }
0x6e: {  	[sflag:s15] =	ssyncadd.s32 $0xFFFFC000  }
0x6f: {  	_ =	swait.ge [sflag:s23], $0x4000  }
0x70: {  	[sflag:s23] =	ssyncset.done $0x0  }
0x71: {  	s6 =	sor.u32 $0x380, s18;
	[sflag:s23] =	ssyncadd.s32 $0xFFFFC000  }
0x72: {  	[tilespmem:s24], [sflag:$0x3] =	stream.indirect.gather [hbm4b:s3+s20], $0x80, s6, s20, $0xb8;
	[tilespmem:$0x1DC00] =	vst v63  }
0x73: {  	s6 =	sor.u32 $0x3C0, s18  }
0x74: {  	[tilespmem:s25], [sflag:$0x3] =	stream.indirect.gather [hbm4b:s3+s20], $0x80, s6, s20, $0xb8;
	[tilespmem:$0x1DC00] =	vst v63  }
0x75: {  	s6 =	sor.u32 $0x1300, s18  }
0x76: {  	[spmem:s1] =	stream.indirect.scatter.add.f32 [tilespmem:s21], [sflag:$0x4], $0x80, s6, s26, $0xb8;
	[tilespmem:$0x1DC00] =	vst v63  }
0x77: {  	_ =	swait.ge [sflag:s15], $0x4000  }
0x78: {  	[sflag:s15] =	ssyncset.done $0x0  }
0x79: {  	[sflag:s15] =	ssyncadd.s32 $0xFFFFC000  }
0x7a: {  	_ =	swait.ge [sflag:s28], $0x4000  }
0x7b: {  	[sflag:s28] =	ssyncset.done $0x0  }
0x7c: {  	s6 =	sor.u32 $0x400, s18;
	[sflag:s28] =	ssyncadd.s32 $0xFFFFC000  }
0x7d: {  	[tilespmem:s21], [sflag:$0x2] =	stream.indirect.gather [hbm4b:s3+s20], $0x80, s6, s20, $0xb8;
	[tilespmem:$0x1DC00] =	vst v63  }
0x7e: {  	s6 =	sor.u32 $0x440, s18  }
0x7f: {  	[tilespmem:s22], [sflag:$0x2] =	stream.indirect.gather [hbm4b:s3+s20], $0x80, s6, s20, $0xb8;
	[tilespmem:$0x1DC00] =	vst v63  }
0x80: {  	s6 =	sor.u32 $0x1380, s18  }
0x81: {  	[spmem:s1] =	stream.indirect.scatter.add.f32 [tilespmem:s24], [sflag:$0x4], $0x80, s6, s26, $0xb8;
	[tilespmem:$0x1DC00] =	vst v63  }
0x82: {  	_ =	swait.ge [sflag:s15], $0x4000  }
0x83: {  	[sflag:s15] =	ssyncset.done $0x0  }
0x84: {  	[sflag:s15] =	ssyncadd.s32 $0xFFFFC000  }
0x85: {  	_ =	swait.ge [sflag:s23], $0x4000  }
0x86: {  	[sflag:s23] =	ssyncset.done $0x0  }
0x87: {  	s6 =	sor.u32 $0x480, s18;
	[sflag:s23] =	ssyncadd.s32 $0xFFFFC000  }
0x88: {  	[tilespmem:s24], [sflag:$0x3] =	stream.indirect.gather [hbm4b:s3+s20], $0x80, s6, s20, $0xb8;
	[tilespmem:$0x1DC00] =	vst v63  }
0x89: {  	s6 =	sor.u32 $0x4C0, s18  }
0x8a: {  	[tilespmem:s25], [sflag:$0x3] =	stream.indirect.gather [hbm4b:s3+s20], $0x80, s6, s20, $0xb8;
	[tilespmem:$0x1DC00] =	vst v63  }
0x8b: {  	s6 =	sor.u32 $0x1400, s18  }
0x8c: {  	[spmem:s1] =	stream.indirect.scatter.add.f32 [tilespmem:s21], [sflag:$0x4], $0x80, s6, s26, $0xb8;
	[tilespmem:$0x1DC00] =	vst v63  }
0x8d: {  	_ =	swait.ge [sflag:s15], $0x4000  }
0x8e: {  	[sflag:s15] =	ssyncset.done $0x0  }
0x8f: {  	[sflag:s15] =	ssyncadd.s32 $0xFFFFC000  }
0x90: {  	_ =	swait.ge [sflag:s28], $0x4000  }
0x91: {  	[sflag:s28] =	ssyncset.done $0x0  }
0x92: {  	s6 =	sor.u32 $0x500, s18;
	[sflag:s28] =	ssyncadd.s32 $0xFFFFC000  }
0x93: {  	[tilespmem:s21], [sflag:$0x2] =	stream.indirect.gather [hbm4b:s3+s20], $0x80, s6, s20, $0xb8;
	[tilespmem:$0x1DC00] =	vst v63  }
0x94: {  	s6 =	sor.u32 $0x540, s18  }
0x95: {  	[tilespmem:s22], [sflag:$0x2] =	stream.indirect.gather [hbm4b:s3+s20], $0x80, s6, s20, $0xb8;
	[tilespmem:$0x1DC00] =	vst v63  }
0x96: {  	s6 =	sor.u32 $0x1480, s18  }
0x97: {  	[spmem:s1] =	stream.indirect.scatter.add.f32 [tilespmem:s24], [sflag:$0x4], $0x80, s6, s26, $0xb8;
	[tilespmem:$0x1DC00] =	vst v63  }
0x98: {  	_ =	swait.ge [sflag:s15], $0x4000  }
0x99: {  	[sflag:s15] =	ssyncset.done $0x0  }
0x9a: {  	[sflag:s15] =	ssyncadd.s32 $0xFFFFC000  }
0x9b: {  	_ =	swait.ge [sflag:s23], $0x4000  }
0x9c: {  	[sflag:s23] =	ssyncset.done $0x0  }
0x9d: {  	s6 =	sor.u32 $0x580, s18;
	[sflag:s23] =	ssyncadd.s32 $0xFFFFC000  }
0x9e: {  	[tilespmem:s24], [sflag:$0x3] =	stream.indirect.gather [hbm4b:s3+s20], $0x80, s6, s20, $0xb8;
	[tilespmem:$0x1DC00] =	vst v63  }
0x9f: {  	s6 =	sor.u32 $0x5C0, s18  }
0xa0: {  	[tilespmem:s25], [sflag:$0x3] =	stream.indirect.gather [hbm4b:s3+s20], $0x80, s6, s20, $0xb8;
	[tilespmem:$0x1DC00] =	vst v63  }
0xa1: {  	s6 =	sor.u32 $0x1500, s18  }
0xa2: {  	[spmem:s1] =	stream.indirect.scatter.add.f32 [tilespmem:s21], [sflag:$0x4], $0x80, s6, s26, $0xb8;
	[tilespmem:$0x1DC00] =	vst v63  }
0xa3: {  	_ =	swait.ge [sflag:s15], $0x4000  }
0xa4: {  	[sflag:s15] =	ssyncset.done $0x0  }
0xa5: {  	[sflag:s15] =	ssyncadd.s32 $0xFFFFC000  }
0xa6: {  	_ =	swait.ge [sflag:s28], $0x4000  }
0xa7: {  	[sflag:s28] =	ssyncset.done $0x0  }
0xa8: {  	s6 =	sor.u32 $0x600, s18;
	[sflag:s28] =	ssyncadd.s32 $0xFFFFC000  }
0xa9: {  	[tilespmem:s21], [sflag:$0x2] =	stream.indirect.gather [hbm4b:s3+s20], $0x80, s6, s20, $0xb8;
	[tilespmem:$0x1DC00] =	vst v63  }
0xaa: {  	s6 =	sor.u32 $0x640, s18  }
0xab: {  	[tilespmem:s22], [sflag:$0x2] =	stream.indirect.gather [hbm4b:s3+s20], $0x80, s6, s20, $0xb8;
	[tilespmem:$0x1DC00] =	vst v63  }
0xac: {  	s6 =	sor.u32 $0x1580, s18  }
0xad: {  	[spmem:s1] =	stream.indirect.scatter.add.f32 [tilespmem:s24], [sflag:$0x4], $0x80, s6, s26, $0xb8;
	[tilespmem:$0x1DC00] =	vst v63  }
0xae: {  	_ =	swait.ge [sflag:s15], $0x4000  }
0xaf: {  	[sflag:s15] =	ssyncset.done $0x0  }
0xb0: {  	[sflag:s15] =	ssyncadd.s32 $0xFFFFC000  }
0xb1: {  	_ =	swait.ge [sflag:s23], $0x4000  }
0xb2: {  	[sflag:s23] =	ssyncset.done $0x0  }
0xb3: {  	s6 =	sor.u32 $0x680, s18;
	[sflag:s23] =	ssyncadd.s32 $0xFFFFC000  }
0xb4: {  	[tilespmem:s24], [sflag:$0x3] =	stream.indirect.gather [hbm4b:s3+s20], $0x80, s6, s20, $0xb8;
	[tilespmem:$0x1DC00] =	vst v63  }
0xb5: {  	s6 =	sor.u32 $0x6C0, s18  }
0xb6: {  	[tilespmem:s25], [sflag:$0x3] =	stream.indirect.gather [hbm4b:s3+s20], $0x80, s6, s20, $0xb8;
	[tilespmem:$0x1DC00] =	vst v63  }
0xb7: {  	s6 =	sor.u32 $0x1600, s18  }
0xb8: {  	[spmem:s1] =	stream.indirect.scatter.add.f32 [tilespmem:s21], [sflag:$0x4], $0x80, s6, s26, $0xb8;
	[tilespmem:$0x1DC00] =	vst v63  }
0xb9: {  	_ =	swait.ge [sflag:s15], $0x4000  }
0xba: {  	[sflag:s15] =	ssyncset.done $0x0  }
0xbb: {  	[sflag:s15] =	ssyncadd.s32 $0xFFFFC000  }
0xbc: {  	_ =	swait.ge [sflag:s28], $0x4000  }
0xbd: {  	[sflag:s28] =	ssyncset.done $0x0  }
0xbe: {  	s6 =	sor.u32 $0x700, s18;
	[sflag:s28] =	ssyncadd.s32 $0xFFFFC000  }
0xbf: {  	[tilespmem:s21], [sflag:$0x2] =	stream.indirect.gather [hbm4b:s3+s20], $0x80, s6, s20, $0xb8;
	[tilespmem:$0x1DC00] =	vst v63  }
0xc0: {  	s6 =	sor.u32 $0x740, s18  }
0xc1: {  	[tilespmem:s22], [sflag:$0x2] =	stream.indirect.gather [hbm4b:s3+s20], $0x80, s6, s20, $0xb8;
	[tilespmem:$0x1DC00] =	vst v63  }
0xc2: {  	s6 =	sor.u32 $0x1680, s18  }
0xc3: {  	[spmem:s1] =	stream.indirect.scatter.add.f32 [tilespmem:s24], [sflag:$0x4], $0x80, s6, s26, $0xb8;
	[tilespmem:$0x1DC00] =	vst v63  }
0xc4: {  	_ =	swait.ge [sflag:s15], $0x4000  }
0xc5: {  	[sflag:s15] =	ssyncset.done $0x0  }
0xc6: {  	[sflag:s15] =	ssyncadd.s32 $0xFFFFC000  }
0xc7: {  	_ =	swait.ge [sflag:s23], $0x4000  }
0xc8: {  	[sflag:s23] =	ssyncset.done $0x0  }
0xc9: {  	s6 =	sor.u32 $0x780, s18;
	[sflag:s23] =	ssyncadd.s32 $0xFFFFC000  }
0xca: {  	[tilespmem:s24], [sflag:$0x3] =	stream.indirect.gather [hbm4b:s3+s20], $0x80, s6, s20, $0xb8;
	[tilespmem:$0x1DC00] =	vst v63  }
0xcb: {  	s6 =	sor.u32 $0x7C0, s18  }
0xcc: {  	[tilespmem:s25], [sflag:$0x3] =	stream.indirect.gather [hbm4b:s3+s20], $0x80, s6, s20, $0xb8;
	[tilespmem:$0x1DC00] =	vst v63  }
0xcd: {  	s6 =	sor.u32 $0x1700, s18  }
0xce: {  	[spmem:s1] =	stream.indirect.scatter.add.f32 [tilespmem:s21], [sflag:$0x4], $0x80, s6, s26, $0xb8;
	[tilespmem:$0x1DC00] =	vst v63  }
0xcf: {  	_ =	swait.ge [sflag:s15], $0x4000  }
0xd0: {  	[sflag:s15] =	ssyncset.done $0x0  }
0xd1: {  	[sflag:s15] =	ssyncadd.s32 $0xFFFFC000  }
0xd2: {  	_ =	swait.ge [sflag:s28], $0x4000  }
0xd3: {  	[sflag:s28] =	ssyncset.done $0x0  }
0xd4: {  	s6 =	sor.u32 $0x1780, s18;
	[sflag:s28] =	ssyncadd.s32 $0xFFFFC000  }
0xd5: {  	[spmem:s1] =	stream.indirect.scatter.add.f32 [tilespmem:s24], [sflag:$0x4], $0x80, s6, s26, $0xb8;
	[tilespmem:$0x1DC00] =	vst v63  }
0xd6: {  	_ =	swait.ge [sflag:s15], $0x4000  }
0xd7: {  	p1 =	seq.s32 s16, $0x4;
	[sflag:s15] =	ssyncset.done $0x0  }
0xd8: {  	s4 =	simm.s32 @!p1 $0x1;
	[sflag:s15] =	ssyncadd.s32 $0xFFFFC000  }
0xd9: {  	_ =	swait.ge @!p1 [sflag:s4], $0x800  }
0xda: {  	[sflag:s4] =	ssyncset.done @!p1 $0x0  }
0xdb: {  	[sflag:s4] =	ssyncadd.s32 @!p1 $0xFFFFF800  }
0xdc: {  	p2 =	sgt.u32 @!p1 s16, $0x2;
	_ =	swait.ge @!p1 [sflag:s4], $0x800  }
0xdd: {  	p2 =	por p2, p1;
	[sflag:s4] =	ssyncset.done @!p1 $0x0  }
0xde: {  	[sflag:s4] =	ssyncadd.s32 @!p1 $0xFFFFF800;
	s4 =	simm.s32 @!p2 $0x0  }
0xdf: {  	[tilespmem:s18], [sflag:$0x1] =	stream.linear.gather @!p2 [hbm4b:s31+s4], $0x800, $0x38;
	[tilespmem:$0x1DC00] =	vst v63  }
0xe0: {  	s16 =	sadd.s32 $0x1, s16  }
0xe1: {  	[tilespmem:s19], [sflag:$0x1] =	stream.linear.gather @!p2 [hbm4b:s12+s4], $0x800, $0x38;
	[tilespmem:$0x1DC00] =	vst v63  }
0xe2: {  	p2 =	sne.s32 @!p1 s16, $0x5  }
0xe3: {  	p2 =	por p1, !p2  }
.Ltmp0:
0xe4: {  	s30 =	sadd.s32 @!p1 $0x800, s30;
	s6 =	simm.s32 @!p1 $0x2000;
	(pc) =	sbr.rel @!p2 .LBB2_2-.Ltmp0, $4  }
0xe5: {  	s31 =	sadd.s32 @!p1 $0x100, s31;
	s4 =	sxor.u32 @!p1 $0x800, s18;
	s19 =	simm.s32 @!p1 $0x40  }
0xe6: {  	[tilespmem:s6], [sflag:$0x2] =	stream.indirect.gather @!p1 [hbm4b:s3+s19], $0x80, s4, s19, $0xb8;
	[tilespmem:$0x1DC00] =	vst v63  }
0xe7: {  	s12 =	sadd.s32 @!p1 $0x100, s12;
	s4 =	ssub.s32 @!p1 $0x840, s18;
	s6 =	simm.s32 @!p1 $0x4000  }
0xe8: {  	[tilespmem:s6], [sflag:$0x2] =	stream.indirect.gather @!p1 [hbm4b:s3+s19], $0x80, s4, s19, $0xb8;
	[tilespmem:$0x1DC00] =	vst v63  }
0xe9: {  	[bflag:$0x0] =	sbarrier.arrive $0xFFFF;
	s4 =	sshrl.u32 @!p0 s1, $0x3;
	s29 =	sadd.s32 $0x1, s29  }
0xea: {  	[hbm:s10], [sflag:s5] =	dma.local @!p0 [spmem:s4], $0x27800  }
0xeb: {  	p1 =	sne.s32 s29, s11  }
.Ltmp1:
0xec: {  	_ = 	snop;
	(pc) =	sbr.rel @p1 .LBB2_1-.Ltmp1, $4  }
0xed: {  	s4 =	simm.s32 @!p0 $0x4  }
0xee: {  	_ =	swait.ge @!p0 [sflag:s4], $0x27800  }
0xef: {  	[sflag:s4] =	ssyncset.done @!p0 $0x0  }
0xf0: {  	[sflag:s4] =	ssyncadd.s32 @!p0 $0xFFFD8800  }
0xf1: {  	_ =	sfence.sel $0x180000  }
0xf2: {  	[bflag:$0x0] =	sbarrier.arrive $0xFFFF  }
0xf3: {  	_ =	strace $0x9000004D  }
0xf4: {  	[bflag:$0x2] =	sbarrier.arrive $0xFFFF  }
0xf5: {  	s0 =	rddreg [dreg:$0x3]  }
0xf6: {  	s0 =	sadd.s32 @!p0 $0x100000, s0  }
0xf7: {  	[sflag:s0] =	ssyncadd.tile.s32 @!p0 $0x1;
	_ =	shalt  }
.Lfunc_end2:
_tile_overlayer_lowered:
.L_overlay_start_2:
0xf8: {  	(tag) =	ssettag $0x2  }
0xf9: {  	s0 =	rddreg [dreg:$0x0];
	s2 =	stileid.u32  }
0xfa: {  	s1 =	rddreg [dreg:$0x1];
	p0 =	sne.s32 s2, $0x0  }
0xfb: {  	s3 =	rddreg [dreg:$0x2];
	[bflag:$0x3] =	sbarrier.arrive $0xFFFF;
	s2 =	simm.s32 @!p0 $0x1C04  }
0xfc: {  	[timem:s3], [sflag:s2] =	dma.local @!p0 [hbm:s0], s1  }
0xfd: {  	s0 =	simm.s32 @!p0 $0x4  }
0xfe: {  	_ =	swait.ge @!p0 [sflag:s0], s1  }
0xff: {  	s1 =	ssub.s32 @!p0 $0x0, s1;
	[sflag:s0] =	ssyncset.done @!p0 $0x0  }
0x100: {  	[sflag:s0] =	ssyncadd.s32 @!p0 s1  }
0x101: {  	[bflag:$0x3] =	sbarrier.arrive $0xFFFF  }
0x102: {  	_ =	shalt  }

// kernel: kernel.19.cloned.1.call-start
scs
__scs_entry_jumppad:
0x0: {  	(pc) =	sbr.rel $0x88, $3  }
0x1: {  	(tag) =	ssettag $0x0;
	lr =	simm.s32 $0x1  }
0x2: {  	[smem:$0x3F99] =	sst lr;
	_ =	strace $0xD0000000  }
0x3: {  	_ = 	snop  }
0x4: {  	_ = 	snop  }
0x5: {  	_ = 	snop  }
0x6: {  	_ = 	snop  }
0x7: {  	_ = 	snop  }
__scs_overlays_trampoline_lowered:
0x8: {  	[smem:$0x3FA8] =	sst s0  }
0x9: {  	[smem:$0x3FA9] =	sst s1  }
0xa: {  	[smem:$0x3FAA] =	sst s2  }
0xb: {  	[smem:$0x3FAB] =	sst s3  }
0xc: {  	[smem:$0x3FAC] =	sst s4  }
0xd: {  	[smem:$0x3FAD] =	sst s5  }
0xe: {  	[smem:$0x3FAE] =	sst s6  }
0xf: {  	[smem:$0x3FAF] =	sst s7  }
0x10: {  	[smem:$0x3FB0] =	sst s8  }
0x11: {  	[smem:$0x3FB1] =	sst s9;
	s0 =	simm.s32 @!p0 $0x0  }
0x12: {  	s1 =	sld [smem:$0x3F97];
	s0 =	simm.s32 @p0 $0x1  }
0x13: {  	[smem:$0x3FB2] =	sst s0;
	s0 =	simm.s32 @!p1 $0x0  }
0x14: {  	s2 =	sld [smem:$0x3F96];
	s0 =	simm.s32 @p1 $0x1  }
0x15: {  	[smem:$0x3FB3] =	sst s0;
	s0 =	simm.s32 @!p2 $0x0  }
0x16: {  	s3 =	sld [smem:$0x3FDB];
	s0 =	simm.s32 @p2 $0x1  }
0x17: {  	s4 =	simm.s32 $0x1BF5;
	[smem:$0x3FB5] =	sst s0  }
0x18: {  	s0 =	sld [smem:$0x3F98];
	_ =	swait.ge [sflag:s4], $0x0  }
0x19: {  	s7 =	sld [smem:$0x3F99]  }
0x1a: {  	s8 =	sadd.s32 $0xFFFFE003, lr  }
0x1b: {  	s9 =	sadd.s32 $0xFFFFFEF7, lr;
	s5 =	simm.s32 $0xFFFFFFFF;
	p2 =	slt.u32 s8, $0xFFFFF086  }
0x1c: {  	p1 =	slt.u32 s9, $0xF7A;
	s5 =	simm.s32 @!p2 $0x0  }
0x1d: {  	s5 =	simm.s32 @p1 $0x1;
	p0 =	seq.s32 s7, s2  }
0x1e: {  	s7 =	smul.u32 @!p0 $0xF7A, s2;
	p2 =	seq.s32 @!p0 s5, $0x0  }
0x1f: {  	s9 =	smul.u32 $0xF7A, s1;
	s8 =	simm.s32 @!p0 $0x1BF5;
	p2 =	por !p2, p0  }
0x20: {  	[sflag:s8] =	ssyncset.s32 @!p0 $0xFFFFF086;
	s6 =	sadd.s32 @!p0 s3, s7;
	s7 =	simm.s32 @!p0 $0x108  }
0x21: {  	s3 =	sadd.s32 s3, s9;
	s6 =	sadd.s32 @!p0 $0x88, s6;
	s7 =	simm.s32 @p2 $0x1082  }
0x22: {  	[simem:s7], [sflag:s8] =	dma.local @!p0 [hbm:s6], $0xF7A  }
0x23: {  	s9 =	sor.u32 $0xD0000000, s2;
	s6 =	simm.s32 $0x108;
	_ =	swait.ge @!p0 [sflag:s8], $0x0  }
0x24: {  	s3 =	sadd.s32 $0x88, s3;
	s6 =	simm.s32 @!p1 $0x1082;
	[sflag:s4] =	ssyncset.s32 $0xFFFFF086  }
0x25: {  	[simem:s6], [sflag:s4] =	dma.local [hbm:s3], $0xF7A  }
0x26: {  	[smem:$0x3F99] =	sst s1;
	(tag) =	ssettag s2;
	_ =	strace s9  }
0x27: {  	s1 =	sld [smem:$0x3FA9]  }
0x28: {  	s2 =	sld [smem:$0x3FAA]  }
0x29: {  	s4 =	sld [smem:$0x3FAC]  }
0x2a: {  	p0 =	seq.s32 s5, $0x0;
	s5 =	sld [smem:$0x3FAD]  }
0x2b: {  	s6 =	sld [smem:$0x3FAE]  }
0x2c: {  	s7 =	sld [smem:$0x3FAF]  }
0x2d: {  	s3 =	simm.s32 $0x108;
	s8 =	sld [smem:$0x3FB0]  }
0x2e: {  	s3 =	simm.s32 @!p0 $0x1082;
	s9 =	sld [smem:$0x3FB1]  }
0x2f: {  	lr =	sadd.s32 s0, s3;
	s0 =	sld [smem:$0x3FA8]  }
0x30: {  	s3 =	sld [smem:$0x3FAB]  }
0x31: {  	[smem:$0x3FB4] =	sst s10  }
0x32: {  	s10 =	sld [smem:$0x3FB2];
	_ =	sdelay $0x3  }
0x33: {  	p0 =	seq.s32 s10, $0x1;
	s10 =	sld [smem:$0x3FB4];
	_ =	sdelay $0x3  }
0x34: {  	[smem:$0x3FB4] =	sst s10  }
0x35: {  	s10 =	sld [smem:$0x3FB3];
	_ =	sdelay $0x3  }
0x36: {  	p1 =	seq.s32 s10, $0x1;
	s10 =	sld [smem:$0x3FB4];
	_ =	sdelay $0x3  }
0x37: {  	[smem:$0x3FB4] =	sst s10  }
0x38: {  	s10 =	sld [smem:$0x3FB5]  }
0x39: {  	_ = 	snop;
	(pc) =	sbr.ind lr, $3  }
0x3a: {  	_ = 	snop  }
0x3b: {  	_ = 	snop  }
0x3c: {  	p2 =	seq.s32 s10, $0x1;
	s10 =	sld [smem:$0x3FB4]  }
0x3d: {  	_ =	shalt  }
0x3e: {  	_ =	shalt  }
0x3f: {  	_ =	shalt  }
0x40: {  	_ =	shalt  }
0x41: {  	_ =	shalt  }
0x42: {  	_ =	shalt  }
0x43: {  	_ =	shalt  }
0x44: {  	_ =	shalt  }
0x45: {  	_ =	shalt  }
0x46: {  	_ =	shalt  }
0x47: {  	_ =	shalt  }
0x48: {  	_ =	shalt  }
0x49: {  	_ =	shalt  }
0x4a: {  	_ =	shalt  }
0x4b: {  	_ =	shalt  }
0x4c: {  	_ =	shalt  }
0x4d: {  	_ =	shalt  }
0x4e: {  	_ =	shalt  }
0x4f: {  	_ =	shalt  }
0x50: {  	_ =	shalt  }
0x51: {  	_ =	shalt  }
0x52: {  	_ =	shalt  }
0x53: {  	_ =	shalt  }
0x54: {  	_ =	shalt  }
0x55: {  	_ =	shalt  }
0x56: {  	_ =	shalt  }
0x57: {  	_ =	shalt  }
0x58: {  	_ =	shalt  }
0x59: {  	_ =	shalt  }
0x5a: {  	_ =	shalt  }
0x5b: {  	_ =	shalt  }
0x5c: {  	_ =	shalt  }
0x5d: {  	_ =	shalt  }
0x5e: {  	_ =	shalt  }
0x5f: {  	_ =	shalt  }
0x60: {  	_ =	shalt  }
0x61: {  	_ =	shalt  }
0x62: {  	_ =	shalt  }
0x63: {  	_ =	shalt  }
0x64: {  	_ =	shalt  }
0x65: {  	_ =	shalt  }
0x66: {  	_ =	shalt  }
0x67: {  	_ =	shalt  }
0x68: {  	_ =	shalt  }
0x69: {  	_ =	shalt  }
0x6a: {  	_ =	shalt  }
0x6b: {  	_ =	shalt  }
0x6c: {  	_ =	shalt  }
0x6d: {  	_ =	shalt  }
0x6e: {  	_ =	shalt  }
0x6f: {  	_ =	shalt  }
0x70: {  	_ =	shalt  }
0x71: {  	_ =	shalt  }
0x72: {  	_ =	shalt  }
0x73: {  	_ =	shalt  }
0x74: {  	_ =	shalt  }
0x75: {  	_ =	shalt  }
0x76: {  	_ =	shalt  }
0x77: {  	_ =	shalt  }
0x78: {  	_ =	shalt  }
0x79: {  	_ =	shalt  }
0x7a: {  	_ =	shalt  }
0x7b: {  	_ =	shalt  }
0x7c: {  	_ =	shalt  }
0x7d: {  	_ =	shalt  }
0x7e: {  	_ =	shalt  }
0x7f: {  	_ =	shalt  }
0x80: {  	_ =	shalt  }
0x81: {  	_ =	shalt  }
0x82: {  	_ =	shalt  }
0x83: {  	_ =	shalt  }
0x84: {  	_ =	shalt  }
0x85: {  	_ =	shalt  }
0x86: {  	_ =	shalt  }
0x87: {  	_ =	shalt  }
.Lfunc_end0:
.L_simem_size_0:
called_computation.3_lowered:
.L_overlay_start_0:
0x88: {  	s2 =	sld [smem:$0x3FD9]  }
0x89: {  	s3 =	sld [smem:$0x3FFE];
	_ =	sdelay $0x1  }
0x8a: {  	s1 =	srdreg.scid  }
0x8b: {  	s0 =	sand.u32 $0x1, s1  }
0x8c: {  	s17 =	sshll.u32 s0, $0xA;
	s2 =	sadd.s32 s3, s2  }
0x8d: {  	s2 =	sadd.s32 s2, s17  }
0x8e: {  	[smem:$0x3FC0] =	sst s2  }
0x8f: {  	_ = 	snop  }
0x90: {  	s2 =	sld [smem:$0x3FD0];
	(tm) =	ssettm $0x1  }
0x91: {  	s18 =	sld [smem:$0x3FFB];
	_ =	sdelay $0x3  }
0x92: {  	_ =	strace s18  }
0x93: {  	s3 =	sld [smem:$0x3FFC];
	_ =	sdelay $0x3  }
0x94: {  	_ =	strace s3  }
0x95: {  	s3 =	sld [smem:$0x3FFD];
	_ =	sdelay $0x3  }
0x96: {  	_ =	strace s3  }
0x97: {  	_ =	strace $0x8FFFFFFF  }
0x98: {  	s19 =	sld [smem:$0x3FDB];
	_ =	sdelay $0x1  }
0x99: {  	s4 =	simm.s32 $_scs_section_size  }
0x9a: {  	s5 =	simm.s32 $_size__tile_overlayer_lowered;
	s6 =	simm.s32 $_tile_overlayer_lowered  }
0x9b: {  	s22 =	simm.s32 $0x1BFF;
	s21 =	sshll.u32 s6, $0x1;
	s3 =	sadd.s32 s4, s19  }
0x9c: {  	s7 =	simm.s32 $0x0;
	s20 =	sshll.u32 s5, $0x1;
	s5 =	sadd.s32 s21, s3  }
0x9d: {  	[timem:s7], [sflag:s22] =	dma.local [hbm:s5], s20  }
0x9e: {  	_ =	swait.ge [sflag:s22], s20  }
0x9f: {  	s4 =	ssub.s32 $0x0, s20;
	[sflag:s22] =	ssyncset.done $0x0  }
0xa0: {  	[sflag:s22] =	ssyncadd.s32 s4;
	_ =	sdelay $0x1  }
0xa1: {  	s23 =	simm.s32 $0x1B8B  }
0xa2: {  	_ =	swait.ge [sflag:s23], $0x1  }
0xa3: {  	[sflag:s23] =	ssyncset.done $0x0  }
0xa4: {  	s25 =	simm.s32 $0x1B8E;
	s24 =	sld [smem:$0x3FFE];
	[sflag:s23] =	ssyncadd.s32 $0xFFFFFFFF  }
0xa5: {  	s26 =	simm.s32 $execute0_lowered;
	[smem:$0x3FD2] =	sst s25  }
0xa6: {  	s5 =	sshll.u32 s26, $0x1;
	_ =	strace $0x8000004F;
	[dreg:$0x1] =	wrdreg $0xFFFFFFFF  }
0xa7: {  	s28 =	simm.s32 $_size_execute0_lowered;
	s3 =	sadd.s32 s3, s5;
	[dreg:$0x0] =	wrdreg $0x0  }
0xa8: {  	s5 =	sshll.u32 s28, $0x1;
	[dreg:$0x2] =	wrdreg s3  }
0xa9: {  	[dreg:$0x3] =	wrdreg s5  }
0xaa: {  	[dreg:$0x4] =	wrdreg $0xC0  }
0xab: {  	_ =	task [dreg:s7], $0x5FFFF  }
0xac: {  	[dreg:$0x1] =	wrdreg $0xFFFFFFFF  }
0xad: {  	[dreg:$0x0] =	wrdreg $0x60  }
0xae: {  	[dreg:$0x2] =	wrdreg s24  }
0xaf: {  	[dreg:$0x3] =	wrdreg s2  }
0xb0: {  	[dreg:$0x4] =	wrdreg $0xA0000  }
0xb1: {  	[dreg:$0x5] =	wrdreg $0x9  }
0xb2: {  	_ =	task.clear_ibuf [dreg:s7], $0x6FFFF;
	_ =	strace $0x9000004F  }
0xb3: {  	s29 =	simm.s32 $0x9;
	_ =	strace $0x80000051  }
0xb4: {  	_ =	swait.ge [sflag:s29], $0x1  }
0xb5: {  	[sflag:s29] =	ssyncadd.s32 $0xFFFFFFFF  }
0xb6: {  	_ =	strace $0x90000051  }
0xb7: {  	_ =	sfence  }
0xb8: {  	s30 =	sld [smem:$0x0];
	_ =	sdelay $0x2  }
0xb9: {  	s31 =	sshll.u32 s1, $0xD;
	s1 =	sshrl.u32 s1, $0x2  }
0xba: {  	s3 =	sand.u32 $0x4000, s31;
	s1 =	sadd.s32 s1, s30  }
0xbb: {  	s0 =	sor.u32 s3, s0;
	s1 =	sshll.u32 s1, $0x11  }
0xbc: {  	s0 =	sor.u32 s1, s0  }
0xbd: {  	s0 =	sadd.s32 $0x8F2B, s0  }
0xbe: {  	[sflag:s0] =	ssyncadd.remote.s32 $0x1  }
0xbf: {  	_ =	sfence.sel $0xFFFF  }
0xc0: {  	[dreg:$0x0] =	wrdreg $0xFFFFFFFF;
	(pc) =	sbr.abs _section_cstart, $3  }
0xc1: {  	[dreg:$0x1] =	wrdreg $0xFFFFFFFF  }
0xc2: {  	_ =	task.clear_ibuf [dreg:s7], $0x2FFFF;
	_ =	strace $0x9FFFFFFF  }
0xc3: {  	(tm) =	ssettm $0x7FFFFFFF  }
tec
execute0_lowered:
.L_overlay_start_1:
0x0: {  	(tag) =	ssettag $0x1  }
0x1: {  	s0 =	rddreg [dreg:$0x0]  }
0x2: {  	s12 =	rddreg [dreg:$0x1]  }
0x3: {  	s1 =	rddreg [dreg:$0x2];
	s2 =	simm.s32 $0x0  }
0x4: {  	s16 =	stileid.u32;
	s4 =	srdreg.scid;
	s17 =	simm.s32 $0x1  }
0x5: {  	s20 =	simm.s32 $0x40;
	s28 =	simm.s32 $0x3;
	s29 =	simm.s32 $0x0  }
0x6: {  	[smem:$0x7FF] =	sst s2;
	s3 =	sadd.s32 $0x34A00, s0;
	s5 =	smul.u32 $0x2780, s16  }
0x7: {  	s4 =	sand.u32 $0x1, s4;
	s13 =	sadd.s32 $0x3200, s0;
	s8 =	smul.u32 $0x4F000, s16  }
0x8: {  	s24 =	sshll.u32 s16, $0x6;
	s25 =	smul.u32 $0x2800, s16;
	p0 =	sne.s32 s16, $0x0  }
0x9: {  	_ =	strace $0x80000050;
	s6 =	smul.u32 $0x27800, s4;
	s7 =	sshll.u32 s4, $0x4  }
0xa: {  	s21 =	ssub.s32 $0x2, s4;
	s22 =	smul.u32 $0x28000, s4;
	s7 =	sor.u32 s16, s7  }
0xb: {  	s5 =	sadd.s32 s5, s0;
	s10 =	sshrl.u32 s21, $0x1;
	s9 =	smul.u32 $0x500, s7  }
0xc: {  	s8 =	sshrl.u32 s8, $0x2;
	s0 =	sadd.s32 s6, s0;
	s7 =	smul.u32 $0x2800, s7  }
0xd: {  	s11 =	ssub.s32 s21, s10;
	s14 =	sadd.s32 s8, s1;
	s23 =	sadd.s32 $0xD200, s5  }
0xe: {  	s5 =	sor.u32 $0x1C04, s24;
	s10 =	sadd.s32 s25, s22;
	s21 =	simm.s32 $0x2000  }
0xf: {  	s22 =	simm.s32 $0x4000;
	s24 =	simm.s32 $0x6000;
	s25 =	simm.s32 $0x8000  }
0x10: {  	[dreg:$0x4] =	wrdreg s23;
	s31 =	sadd.s32 $0x1000, s10;
	s10 =	sadd.s32 $0x5BC00, s0  }
0x11: {  	s11 =	smax.u32 s11, $0x1;
	s14 =	sshrl.u32 s14, $0x3;
	s23 =	simm.s32 $0x2  }
0x12: {  	s26 =	sadd.s32 s13, s9;
	s15 =	sshrl.u32 s7, $0x3;
	s7 =	sadd.s32 s12, s9  }
0x13: {  	[dreg:$0x5] =	wrdreg s26;
	s30 =	sadd.s32 $0x100, s15;
	s15 =	sshrl.u32 s31, $0x3  }
0x14: {  	s26 =	simm.s32 $0x80;
	s8 =	sadd.s32 s13, s30;
	s9 =	sadd.s32 s12, s30  }
0x15: {  	s0 =	sadd.s32 s15, s12;
	s13 =	sadd.s32 s15, s13;
	s15 =	simm.s32 $0x4  }
.LBB2_1:
0x16: {  	s4 =	rddreg [dreg:$0x4]  }
0x17: {  	[spmem:s14], [sflag:s5] =	dma.local [hbm:s4], $0x2780  }
0x18: {  	_ =	swait.ge [sflag:s15], $0x2780  }
0x19: {  	[sflag:s15] =	ssyncset.done $0x0  }
0x1a: {  	[sflag:s15] =	ssyncadd.s32 $0xFFFFD880  }
0x1b: {  	[bflag:$0x0] =	sbarrier.arrive $0xFFFF  }
0x1c: {  	s12 =	rddreg [dreg:$0x5]  }
0x1d: {  	[tilespmem:s2], [sflag:$0x1] =	stream.linear.gather [hbm4b:s12+s2], $0x800, $0x38;
	[tilespmem:$0x1DC00] =	vst v63  }
0x1e: {  	s16 =	simm.s32 $0x1000  }
0x1f: {  	[tilespmem:s16], [sflag:$0x1] =	stream.linear.gather [hbm4b:s7+s2], $0x800, $0x38;
	[tilespmem:$0x1DC00] =	vst v63  }
0x20: {  	_ =	swait.ge [sflag:s17], $0x800  }
0x21: {  	[sflag:s17] =	ssyncset.done $0x0  }
0x22: {  	[sflag:s17] =	ssyncadd.s32 $0xFFFFF800  }
0x23: {  	_ =	swait.ge [sflag:s17], $0x800  }
0x24: {  	[sflag:s17] =	ssyncset.done $0x0  }
0x25: {  	s18 =	simm.s32 $0x800;
	[sflag:s17] =	ssyncadd.s32 $0xFFFFF800  }
0x26: {  	[tilespmem:s18], [sflag:$0x1] =	stream.linear.gather [hbm4b:s8+s2], $0x800, $0x38;
	[tilespmem:$0x1DC00] =	vst v63  }
0x27: {  	s19 =	simm.s32 $0x1800  }
0x28: {  	[tilespmem:s19], [sflag:$0x1] =	stream.linear.gather [hbm4b:s9+s2], $0x800, $0x38;
	[tilespmem:$0x1DC00] =	vst v63  }
0x29: {  	s30 =	simm.s32 $0x0  }
0x2a: {  	[tilespmem:s21], [sflag:$0x2] =	stream.indirect.gather [hbm4b:s3+s20], $0x80, s2, s20, $0xb8;
	[tilespmem:$0x1DC00] =	vst v63  }
0x2b: {  	s31 =	smov.u32 s13;
	s12 =	smov.u32 s0;
	s16 =	simm.s32 $0x0  }
0x2c: {  	[tilespmem:s22], [sflag:$0x2] =	stream.indirect.gather [hbm4b:s3+s20], $0x80, s20, s20, $0xb8;
	[tilespmem:$0x1DC00] =	vst v63  }
.LBB2_2:
0x2d: {  	_ =	swait.ge [sflag:s23], $0x4000  }
0x2e: {  	s18 =	sand.u32 $0x800, s30;
	[sflag:s23] =	ssyncset.done $0x0  }
0x2f: {  	s19 =	sor.u32 $0x80, s18;
	[sflag:s23] =	ssyncadd.s32 $0xFFFFC000  }
0x30: {  	[tilespmem:s24], [sflag:$0x3] =	stream.indirect.gather [hbm4b:s3+s20], $0x80, s19, s20, $0xb8;
	[tilespmem:$0x1DC00] =	vst v63  }
0x31: {  	s4 =	sor.u32 $0xC0, s18  }
0x32: {  	[tilespmem:s25], [sflag:$0x3] =	stream.indirect.gather [hbm4b:s3+s20], $0x80, s4, s20, $0xb8;
	[tilespmem:$0x1DC00] =	vst v63  }
0x33: {  	s19 =	sor.u32 $0x1000, s18  }
0x34: {  	[spmem:s1] =	stream.indirect.scatter.add.f32 [tilespmem:s21], [sflag:$0x4], $0x80, s19, s26, $0xb8;
	[tilespmem:$0x1DC00] =	vst v63  }
0x35: {  	_ =	swait.ge [sflag:s15], $0x4000  }
0x36: {  	[sflag:s15] =	ssyncset.done $0x0  }
0x37: {  	[sflag:s15] =	ssyncadd.s32 $0xFFFFC000  }
0x38: {  	_ =	swait.ge [sflag:s28], $0x4000  }
0x39: {  	[sflag:s28] =	ssyncset.done $0x0  }
0x3a: {  	s4 =	sor.u32 $0x100, s18;
	[sflag:s28] =	ssyncadd.s32 $0xFFFFC000  }
0x3b: {  	[tilespmem:s21], [sflag:$0x2] =	stream.indirect.gather [hbm4b:s3+s20], $0x80, s4, s20, $0xb8;
	[tilespmem:$0x1DC00] =	vst v63  }
0x3c: {  	s6 =	sor.u32 $0x140, s18  }
0x3d: {  	[tilespmem:s22], [sflag:$0x2] =	stream.indirect.gather [hbm4b:s3+s20], $0x80, s6, s20, $0xb8;
	[tilespmem:$0x1DC00] =	vst v63  }
0x3e: {  	s6 =	sor.u32 $0x1080, s18  }
0x3f: {  	[spmem:s1] =	stream.indirect.scatter.add.f32 [tilespmem:s24], [sflag:$0x4], $0x80, s6, s26, $0xb8;
	[tilespmem:$0x1DC00] =	vst v63  }
0x40: {  	_ =	swait.ge [sflag:s15], $0x4000  }
0x41: {  	[sflag:s15] =	ssyncset.done $0x0  }
0x42: {  	[sflag:s15] =	ssyncadd.s32 $0xFFFFC000  }
0x43: {  	_ =	swait.ge [sflag:s23], $0x4000  }
0x44: {  	[sflag:s23] =	ssyncset.done $0x0  }
0x45: {  	s6 =	sor.u32 $0x180, s18;
	[sflag:s23] =	ssyncadd.s32 $0xFFFFC000  }
0x46: {  	[tilespmem:s24], [sflag:$0x3] =	stream.indirect.gather [hbm4b:s3+s20], $0x80, s6, s20, $0xb8;
	[tilespmem:$0x1DC00] =	vst v63  }
0x47: {  	s6 =	sor.u32 $0x1C0, s18  }
0x48: {  	[tilespmem:s25], [sflag:$0x3] =	stream.indirect.gather [hbm4b:s3+s20], $0x80, s6, s20, $0xb8;
	[tilespmem:$0x1DC00] =	vst v63  }
0x49: {  	s6 =	sor.u32 $0x1100, s18  }
0x4a: {  	[spmem:s1] =	stream.indirect.scatter.add.f32 [tilespmem:s21], [sflag:$0x4], $0x80, s6, s26, $0xb8;
	[tilespmem:$0x1DC00] =	vst v63  }
0x4b: {  	_ =	swait.ge [sflag:s15], $0x4000  }
0x4c: {  	[sflag:s15] =	ssyncset.done $0x0  }
0x4d: {  	[sflag:s15] =	ssyncadd.s32 $0xFFFFC000  }
0x4e: {  	_ =	swait.ge [sflag:s28], $0x4000  }
0x4f: {  	[sflag:s28] =	ssyncset.done $0x0  }
0x50: {  	s6 =	sor.u32 $0x200, s18;
	[sflag:s28] =	ssyncadd.s32 $0xFFFFC000  }
0x51: {  	[tilespmem:s21], [sflag:$0x2] =	stream.indirect.gather [hbm4b:s3+s20], $0x80, s6, s20, $0xb8;
	[tilespmem:$0x1DC00] =	vst v63  }
0x52: {  	s6 =	sor.u32 $0x240, s18  }
0x53: {  	[tilespmem:s22], [sflag:$0x2] =	stream.indirect.gather [hbm4b:s3+s20], $0x80, s6, s20, $0xb8;
	[tilespmem:$0x1DC00] =	vst v63  }
0x54: {  	s6 =	sor.u32 $0x1180, s18  }
0x55: {  	[spmem:s1] =	stream.indirect.scatter.add.f32 [tilespmem:s24], [sflag:$0x4], $0x80, s6, s26, $0xb8;
	[tilespmem:$0x1DC00] =	vst v63  }
0x56: {  	_ =	swait.ge [sflag:s15], $0x4000  }
0x57: {  	[sflag:s15] =	ssyncset.done $0x0  }
0x58: {  	[sflag:s15] =	ssyncadd.s32 $0xFFFFC000  }
0x59: {  	_ =	swait.ge [sflag:s23], $0x4000  }
0x5a: {  	[sflag:s23] =	ssyncset.done $0x0  }
0x5b: {  	s6 =	sor.u32 $0x280, s18;
	[sflag:s23] =	ssyncadd.s32 $0xFFFFC000  }
0x5c: {  	[tilespmem:s24], [sflag:$0x3] =	stream.indirect.gather [hbm4b:s3+s20], $0x80, s6, s20, $0xb8;
	[tilespmem:$0x1DC00] =	vst v63  }
0x5d: {  	s6 =	sor.u32 $0x2C0, s18  }
0x5e: {  	[tilespmem:s25], [sflag:$0x3] =	stream.indirect.gather [hbm4b:s3+s20], $0x80, s6, s20, $0xb8;
	[tilespmem:$0x1DC00] =	vst v63  }
0x5f: {  	s6 =	sor.u32 $0x1200, s18  }
0x60: {  	[spmem:s1] =	stream.indirect.scatter.add.f32 [tilespmem:s21], [sflag:$0x4], $0x80, s6, s26, $0xb8;
	[tilespmem:$0x1DC00] =	vst v63  }
0x61: {  	_ =	swait.ge [sflag:s15], $0x4000  }
0x62: {  	[sflag:s15] =	ssyncset.done $0x0  }
0x63: {  	[sflag:s15] =	ssyncadd.s32 $0xFFFFC000  }
0x64: {  	_ =	swait.ge [sflag:s28], $0x4000  }
0x65: {  	[sflag:s28] =	ssyncset.done $0x0  }
0x66: {  	s6 =	sor.u32 $0x300, s18;
	[sflag:s28] =	ssyncadd.s32 $0xFFFFC000  }
0x67: {  	[tilespmem:s21], [sflag:$0x2] =	stream.indirect.gather [hbm4b:s3+s20], $0x80, s6, s20, $0xb8;
	[tilespmem:$0x1DC00] =	vst v63  }
0x68: {  	s6 =	sor.u32 $0x340, s18  }
0x69: {  	[tilespmem:s22], [sflag:$0x2] =	stream.indirect.gather [hbm4b:s3+s20], $0x80, s6, s20, $0xb8;
	[tilespmem:$0x1DC00] =	vst v63  }
0x6a: {  	s6 =	sor.u32 $0x1280, s18  }
0x6b: {  	[spmem:s1] =	stream.indirect.scatter.add.f32 [tilespmem:s24], [sflag:$0x4], $0x80, s6, s26, $0xb8;
	[tilespmem:$0x1DC00] =	vst v63  }
0x6c: {  	_ =	swait.ge [sflag:s15], $0x4000  }
0x6d: {  	[sflag:s15] =	ssyncset.done $0x0  }
0x6e: {  	[sflag:s15] =	ssyncadd.s32 $0xFFFFC000  }
0x6f: {  	_ =	swait.ge [sflag:s23], $0x4000  }
0x70: {  	[sflag:s23] =	ssyncset.done $0x0  }
0x71: {  	s6 =	sor.u32 $0x380, s18;
	[sflag:s23] =	ssyncadd.s32 $0xFFFFC000  }
0x72: {  	[tilespmem:s24], [sflag:$0x3] =	stream.indirect.gather [hbm4b:s3+s20], $0x80, s6, s20, $0xb8;
	[tilespmem:$0x1DC00] =	vst v63  }
0x73: {  	s6 =	sor.u32 $0x3C0, s18  }
0x74: {  	[tilespmem:s25], [sflag:$0x3] =	stream.indirect.gather [hbm4b:s3+s20], $0x80, s6, s20, $0xb8;
	[tilespmem:$0x1DC00] =	vst v63  }
0x75: {  	s6 =	sor.u32 $0x1300, s18  }
0x76: {  	[spmem:s1] =	stream.indirect.scatter.add.f32 [tilespmem:s21], [sflag:$0x4], $0x80, s6, s26, $0xb8;
	[tilespmem:$0x1DC00] =	vst v63  }
0x77: {  	_ =	swait.ge [sflag:s15], $0x4000  }
0x78: {  	[sflag:s15] =	ssyncset.done $0x0  }
0x79: {  	[sflag:s15] =	ssyncadd.s32 $0xFFFFC000  }
0x7a: {  	_ =	swait.ge [sflag:s28], $0x4000  }
0x7b: {  	[sflag:s28] =	ssyncset.done $0x0  }
0x7c: {  	s6 =	sor.u32 $0x400, s18;
	[sflag:s28] =	ssyncadd.s32 $0xFFFFC000  }
0x7d: {  	[tilespmem:s21], [sflag:$0x2] =	stream.indirect.gather [hbm4b:s3+s20], $0x80, s6, s20, $0xb8;
	[tilespmem:$0x1DC00] =	vst v63  }
0x7e: {  	s6 =	sor.u32 $0x440, s18  }
0x7f: {  	[tilespmem:s22], [sflag:$0x2] =	stream.indirect.gather [hbm4b:s3+s20], $0x80, s6, s20, $0xb8;
	[tilespmem:$0x1DC00] =	vst v63  }
0x80: {  	s6 =	sor.u32 $0x1380, s18  }
0x81: {  	[spmem:s1] =	stream.indirect.scatter.add.f32 [tilespmem:s24], [sflag:$0x4], $0x80, s6, s26, $0xb8;
	[tilespmem:$0x1DC00] =	vst v63  }
0x82: {  	_ =	swait.ge [sflag:s15], $0x4000  }
0x83: {  	[sflag:s15] =	ssyncset.done $0x0  }
0x84: {  	[sflag:s15] =	ssyncadd.s32 $0xFFFFC000  }
0x85: {  	_ =	swait.ge [sflag:s23], $0x4000  }
0x86: {  	[sflag:s23] =	ssyncset.done $0x0  }
0x87: {  	s6 =	sor.u32 $0x480, s18;
	[sflag:s23] =	ssyncadd.s32 $0xFFFFC000  }
0x88: {  	[tilespmem:s24], [sflag:$0x3] =	stream.indirect.gather [hbm4b:s3+s20], $0x80, s6, s20, $0xb8;
	[tilespmem:$0x1DC00] =	vst v63  }
0x89: {  	s6 =	sor.u32 $0x4C0, s18  }
0x8a: {  	[tilespmem:s25], [sflag:$0x3] =	stream.indirect.gather [hbm4b:s3+s20], $0x80, s6, s20, $0xb8;
	[tilespmem:$0x1DC00] =	vst v63  }
0x8b: {  	s6 =	sor.u32 $0x1400, s18  }
0x8c: {  	[spmem:s1] =	stream.indirect.scatter.add.f32 [tilespmem:s21], [sflag:$0x4], $0x80, s6, s26, $0xb8;
	[tilespmem:$0x1DC00] =	vst v63  }
0x8d: {  	_ =	swait.ge [sflag:s15], $0x4000  }
0x8e: {  	[sflag:s15] =	ssyncset.done $0x0  }
0x8f: {  	[sflag:s15] =	ssyncadd.s32 $0xFFFFC000  }
0x90: {  	_ =	swait.ge [sflag:s28], $0x4000  }
0x91: {  	[sflag:s28] =	ssyncset.done $0x0  }
0x92: {  	s6 =	sor.u32 $0x500, s18;
	[sflag:s28] =	ssyncadd.s32 $0xFFFFC000  }
0x93: {  	[tilespmem:s21], [sflag:$0x2] =	stream.indirect.gather [hbm4b:s3+s20], $0x80, s6, s20, $0xb8;
	[tilespmem:$0x1DC00] =	vst v63  }
0x94: {  	s6 =	sor.u32 $0x540, s18  }
0x95: {  	[tilespmem:s22], [sflag:$0x2] =	stream.indirect.gather [hbm4b:s3+s20], $0x80, s6, s20, $0xb8;
	[tilespmem:$0x1DC00] =	vst v63  }
0x96: {  	s6 =	sor.u32 $0x1480, s18  }
0x97: {  	[spmem:s1] =	stream.indirect.scatter.add.f32 [tilespmem:s24], [sflag:$0x4], $0x80, s6, s26, $0xb8;
	[tilespmem:$0x1DC00] =	vst v63  }
0x98: {  	_ =	swait.ge [sflag:s15], $0x4000  }
0x99: {  	[sflag:s15] =	ssyncset.done $0x0  }
0x9a: {  	[sflag:s15] =	ssyncadd.s32 $0xFFFFC000  }
0x9b: {  	_ =	swait.ge [sflag:s23], $0x4000  }
0x9c: {  	[sflag:s23] =	ssyncset.done $0x0  }
0x9d: {  	s6 =	sor.u32 $0x580, s18;
	[sflag:s23] =	ssyncadd.s32 $0xFFFFC000  }
0x9e: {  	[tilespmem:s24], [sflag:$0x3] =	stream.indirect.gather [hbm4b:s3+s20], $0x80, s6, s20, $0xb8;
	[tilespmem:$0x1DC00] =	vst v63  }
0x9f: {  	s6 =	sor.u32 $0x5C0, s18  }
0xa0: {  	[tilespmem:s25], [sflag:$0x3] =	stream.indirect.gather [hbm4b:s3+s20], $0x80, s6, s20, $0xb8;
	[tilespmem:$0x1DC00] =	vst v63  }
0xa1: {  	s6 =	sor.u32 $0x1500, s18  }
0xa2: {  	[spmem:s1] =	stream.indirect.scatter.add.f32 [tilespmem:s21], [sflag:$0x4], $0x80, s6, s26, $0xb8;
	[tilespmem:$0x1DC00] =	vst v63  }
0xa3: {  	_ =	swait.ge [sflag:s15], $0x4000  }
0xa4: {  	[sflag:s15] =	ssyncset.done $0x0  }
0xa5: {  	[sflag:s15] =	ssyncadd.s32 $0xFFFFC000  }
0xa6: {  	_ =	swait.ge [sflag:s28], $0x4000  }
0xa7: {  	[sflag:s28] =	ssyncset.done $0x0  }
0xa8: {  	s6 =	sor.u32 $0x600, s18;
	[sflag:s28] =	ssyncadd.s32 $0xFFFFC000  }
0xa9: {  	[tilespmem:s21], [sflag:$0x2] =	stream.indirect.gather [hbm4b:s3+s20], $0x80, s6, s20, $0xb8;
	[tilespmem:$0x1DC00] =	vst v63  }
0xaa: {  	s6 =	sor.u32 $0x640, s18  }
0xab: {  	[tilespmem:s22], [sflag:$0x2] =	stream.indirect.gather [hbm4b:s3+s20], $0x80, s6, s20, $0xb8;
	[tilespmem:$0x1DC00] =	vst v63  }
0xac: {  	s6 =	sor.u32 $0x1580, s18  }
0xad: {  	[spmem:s1] =	stream.indirect.scatter.add.f32 [tilespmem:s24], [sflag:$0x4], $0x80, s6, s26, $0xb8;
	[tilespmem:$0x1DC00] =	vst v63  }
0xae: {  	_ =	swait.ge [sflag:s15], $0x4000  }
0xaf: {  	[sflag:s15] =	ssyncset.done $0x0  }
0xb0: {  	[sflag:s15] =	ssyncadd.s32 $0xFFFFC000  }
0xb1: {  	_ =	swait.ge [sflag:s23], $0x4000  }
0xb2: {  	[sflag:s23] =	ssyncset.done $0x0  }
0xb3: {  	s6 =	sor.u32 $0x680, s18;
	[sflag:s23] =	ssyncadd.s32 $0xFFFFC000  }
0xb4: {  	[tilespmem:s24], [sflag:$0x3] =	stream.indirect.gather [hbm4b:s3+s20], $0x80, s6, s20, $0xb8;
	[tilespmem:$0x1DC00] =	vst v63  }
0xb5: {  	s6 =	sor.u32 $0x6C0, s18  }
0xb6: {  	[tilespmem:s25], [sflag:$0x3] =	stream.indirect.gather [hbm4b:s3+s20], $0x80, s6, s20, $0xb8;
	[tilespmem:$0x1DC00] =	vst v63  }
0xb7: {  	s6 =	sor.u32 $0x1600, s18  }
0xb8: {  	[spmem:s1] =	stream.indirect.scatter.add.f32 [tilespmem:s21], [sflag:$0x4], $0x80, s6, s26, $0xb8;
	[tilespmem:$0x1DC00] =	vst v63  }
0xb9: {  	_ =	swait.ge [sflag:s15], $0x4000  }
0xba: {  	[sflag:s15] =	ssyncset.done $0x0  }
0xbb: {  	[sflag:s15] =	ssyncadd.s32 $0xFFFFC000  }
0xbc: {  	_ =	swait.ge [sflag:s28], $0x4000  }
0xbd: {  	[sflag:s28] =	ssyncset.done $0x0  }
0xbe: {  	s6 =	sor.u32 $0x700, s18;
	[sflag:s28] =	ssyncadd.s32 $0xFFFFC000  }
0xbf: {  	[tilespmem:s21], [sflag:$0x2] =	stream.indirect.gather [hbm4b:s3+s20], $0x80, s6, s20, $0xb8;
	[tilespmem:$0x1DC00] =	vst v63  }
0xc0: {  	s6 =	sor.u32 $0x740, s18  }
0xc1: {  	[tilespmem:s22], [sflag:$0x2] =	stream.indirect.gather [hbm4b:s3+s20], $0x80, s6, s20, $0xb8;
	[tilespmem:$0x1DC00] =	vst v63  }
0xc2: {  	s6 =	sor.u32 $0x1680, s18  }
0xc3: {  	[spmem:s1] =	stream.indirect.scatter.add.f32 [tilespmem:s24], [sflag:$0x4], $0x80, s6, s26, $0xb8;
	[tilespmem:$0x1DC00] =	vst v63  }
0xc4: {  	_ =	swait.ge [sflag:s15], $0x4000  }
0xc5: {  	[sflag:s15] =	ssyncset.done $0x0  }
0xc6: {  	[sflag:s15] =	ssyncadd.s32 $0xFFFFC000  }
0xc7: {  	_ =	swait.ge [sflag:s23], $0x4000  }
0xc8: {  	[sflag:s23] =	ssyncset.done $0x0  }
0xc9: {  	s6 =	sor.u32 $0x780, s18;
	[sflag:s23] =	ssyncadd.s32 $0xFFFFC000  }
0xca: {  	[tilespmem:s24], [sflag:$0x3] =	stream.indirect.gather [hbm4b:s3+s20], $0x80, s6, s20, $0xb8;
	[tilespmem:$0x1DC00] =	vst v63  }
0xcb: {  	s6 =	sor.u32 $0x7C0, s18  }
0xcc: {  	[tilespmem:s25], [sflag:$0x3] =	stream.indirect.gather [hbm4b:s3+s20], $0x80, s6, s20, $0xb8;
	[tilespmem:$0x1DC00] =	vst v63  }
0xcd: {  	s6 =	sor.u32 $0x1700, s18  }
0xce: {  	[spmem:s1] =	stream.indirect.scatter.add.f32 [tilespmem:s21], [sflag:$0x4], $0x80, s6, s26, $0xb8;
	[tilespmem:$0x1DC00] =	vst v63  }
0xcf: {  	_ =	swait.ge [sflag:s15], $0x4000  }
0xd0: {  	[sflag:s15] =	ssyncset.done $0x0  }
0xd1: {  	[sflag:s15] =	ssyncadd.s32 $0xFFFFC000  }
0xd2: {  	_ =	swait.ge [sflag:s28], $0x4000  }
0xd3: {  	[sflag:s28] =	ssyncset.done $0x0  }
0xd4: {  	s6 =	sor.u32 $0x1780, s18;
	[sflag:s28] =	ssyncadd.s32 $0xFFFFC000  }
0xd5: {  	[spmem:s1] =	stream.indirect.scatter.add.f32 [tilespmem:s24], [sflag:$0x4], $0x80, s6, s26, $0xb8;
	[tilespmem:$0x1DC00] =	vst v63  }
0xd6: {  	_ =	swait.ge [sflag:s15], $0x4000  }
0xd7: {  	p1 =	seq.s32 s16, $0x4;
	[sflag:s15] =	ssyncset.done $0x0  }
0xd8: {  	s4 =	simm.s32 @!p1 $0x1;
	[sflag:s15] =	ssyncadd.s32 $0xFFFFC000  }
0xd9: {  	_ =	swait.ge @!p1 [sflag:s4], $0x800  }
0xda: {  	[sflag:s4] =	ssyncset.done @!p1 $0x0  }
0xdb: {  	[sflag:s4] =	ssyncadd.s32 @!p1 $0xFFFFF800  }
0xdc: {  	p2 =	sgt.u32 @!p1 s16, $0x2;
	_ =	swait.ge @!p1 [sflag:s4], $0x800  }
0xdd: {  	p2 =	por p2, p1;
	[sflag:s4] =	ssyncset.done @!p1 $0x0  }
0xde: {  	[sflag:s4] =	ssyncadd.s32 @!p1 $0xFFFFF800;
	s4 =	simm.s32 @!p2 $0x0  }
0xdf: {  	[tilespmem:s18], [sflag:$0x1] =	stream.linear.gather @!p2 [hbm4b:s31+s4], $0x800, $0x38;
	[tilespmem:$0x1DC00] =	vst v63  }
0xe0: {  	s16 =	sadd.s32 $0x1, s16  }
0xe1: {  	[tilespmem:s19], [sflag:$0x1] =	stream.linear.gather @!p2 [hbm4b:s12+s4], $0x800, $0x38;
	[tilespmem:$0x1DC00] =	vst v63  }
0xe2: {  	p2 =	sne.s32 @!p1 s16, $0x5  }
0xe3: {  	p2 =	por p1, !p2  }
.Ltmp0:
0xe4: {  	s30 =	sadd.s32 @!p1 $0x800, s30;
	s6 =	simm.s32 @!p1 $0x2000;
	(pc) =	sbr.rel @!p2 .LBB2_2-.Ltmp0, $4  }
0xe5: {  	s31 =	sadd.s32 @!p1 $0x100, s31;
	s4 =	sxor.u32 @!p1 $0x800, s18;
	s19 =	simm.s32 @!p1 $0x40  }
0xe6: {  	[tilespmem:s6], [sflag:$0x2] =	stream.indirect.gather @!p1 [hbm4b:s3+s19], $0x80, s4, s19, $0xb8;
	[tilespmem:$0x1DC00] =	vst v63  }
0xe7: {  	s12 =	sadd.s32 @!p1 $0x100, s12;
	s4 =	ssub.s32 @!p1 $0x840, s18;
	s6 =	simm.s32 @!p1 $0x4000  }
0xe8: {  	[tilespmem:s6], [sflag:$0x2] =	stream.indirect.gather @!p1 [hbm4b:s3+s19], $0x80, s4, s19, $0xb8;
	[tilespmem:$0x1DC00] =	vst v63  }
0xe9: {  	[bflag:$0x0] =	sbarrier.arrive $0xFFFF;
	s4 =	sshrl.u32 @!p0 s1, $0x3;
	s29 =	sadd.s32 $0x1, s29  }
0xea: {  	[hbm:s10], [sflag:s5] =	dma.local @!p0 [spmem:s4], $0x27800  }
0xeb: {  	p1 =	sne.s32 s29, s11  }
.Ltmp1:
0xec: {  	_ = 	snop;
	(pc) =	sbr.rel @p1 .LBB2_1-.Ltmp1, $4  }
0xed: {  	s4 =	simm.s32 @!p0 $0x4  }
0xee: {  	_ =	swait.ge @!p0 [sflag:s4], $0x27800  }
0xef: {  	[sflag:s4] =	ssyncset.done @!p0 $0x0  }
0xf0: {  	[sflag:s4] =	ssyncadd.s32 @!p0 $0xFFFD8800  }
0xf1: {  	_ =	sfence.sel $0x180000  }
0xf2: {  	[bflag:$0x0] =	sbarrier.arrive $0xFFFF  }
0xf3: {  	_ =	strace $0x90000050  }
0xf4: {  	[bflag:$0x2] =	sbarrier.arrive $0xFFFF  }
0xf5: {  	s0 =	rddreg [dreg:$0x3]  }
0xf6: {  	s0 =	sadd.s32 @!p0 $0x100000, s0  }
0xf7: {  	[sflag:s0] =	ssyncadd.tile.s32 @!p0 $0x1;
	_ =	shalt  }
.Lfunc_end2:
_tile_overlayer_lowered:
.L_overlay_start_2:
0xf8: {  	(tag) =	ssettag $0x2  }
0xf9: {  	s0 =	rddreg [dreg:$0x0];
	s2 =	stileid.u32  }
0xfa: {  	s1 =	rddreg [dreg:$0x1];
	p0 =	sne.s32 s2, $0x0  }
0xfb: {  	s3 =	rddreg [dreg:$0x2];
	[bflag:$0x3] =	sbarrier.arrive $0xFFFF;
	s2 =	simm.s32 @!p0 $0x1C04  }
0xfc: {  	[timem:s3], [sflag:s2] =	dma.local @!p0 [hbm:s0], s1  }
0xfd: {  	s0 =	simm.s32 @!p0 $0x4  }
0xfe: {  	_ =	swait.ge @!p0 [sflag:s0], s1  }
0xff: {  	s1 =	ssub.s32 @!p0 $0x0, s1;
	[sflag:s0] =	ssyncset.done @!p0 $0x0  }
0x100: {  	[sflag:s0] =	ssyncadd.s32 @!p0 s1  }
0x101: {  	[bflag:$0x3] =	sbarrier.arrive $0xFFFF  }
0x102: {  	_ =	shalt  }

</sc_bundles>
